<compile_context>
chip_gen: v7x
topology: tpu7x:2x2x1
jax: 0.10.2.dev20260603
libtpu: 0.0.44.dev20260713+nightly
codegen_flags: <defaults>
</compile_context>

<pallas_src>
import functools

import jax
import jax.numpy as jnp
import numpy as np
from jax import lax
from jax.experimental import pallas as pl
from jax.experimental.pallas import tpu as pltpu
from jax.experimental.pallas import tpu_sc as plsc

EMBED = 256
HEADS = 8
HD = EMBED // HEADS
HALF = HD // 2
NLEV = 4
NH_SIZES = [3, 5, 7, 9]
NKEY = sum(s * s for s in NH_SIZES)
MAXHW = 96
LSIZES = [96, 48, 24, 12]
RADII = [1, 2, 3, 4]

TILE = 12
TPS = MAXHW // TILE
NT = 2 * TPS * TPS
QCAP = 48
NSLOT = NT * QCAP
WINW = [14, 10, 9, 10]
WINX = [24, 24, 16, 24]
KW = 1024

_PERM = np.concatenate([np.arange(0, EMBED, 2), np.arange(1, EMBED, 2)])
_HI_MASK = np.int32(np.uint32(0xFFFF0000).view(np.int32))


def _pack_bf16(x1, x2):
    b1 = lax.bitcast_convert_type(x1, jnp.int32)
    b2 = lax.bitcast_convert_type(x2, jnp.int32)
    r1 = b1 + 0x7FFF + (lax.shift_right_logical(b1, 16) & 1)
    r2 = b2 + 0x7FFF + (lax.shift_right_logical(b2, 16) & 1)
    return (r1 & _HI_MASK) | lax.shift_right_logical(r2, 16)


def _unpack_hi(p):
    return lax.bitcast_convert_type(p & _HI_MASK, jnp.float32)


def _unpack_lo(p):
    return lax.bitcast_convert_type(p << 16, jnp.float32)


def _q_body(q_ref, pos_ref, w_ref, nw_ref, nb_ref, f3_ref, lv_ref, out_ref):
    q = q_ref[...]
    mu = jnp.mean(q, axis=-1, keepdims=True)
    var = jnp.mean((q - mu) ** 2, axis=-1, keepdims=True)
    qn = (q - mu) * jax.lax.rsqrt(var + 1e-5) * nw_ref[...] + nb_ref[...]
    qp = jnp.dot(qn, w_ref[...], preferred_element_type=jnp.float32)
    ang = (pos_ref[:, 0:1] * f3_ref[0:1, :] + pos_ref[:, 1:2] * f3_ref[1:2, :]
           + lv_ref[...])
    c = jnp.cos(ang)
    s = jnp.sin(ang)
    x1 = qp[:, :128]
    x2 = qp[:, 128:]
    scale = 1.0 / np.sqrt(np.float32(HD))
    out_ref[...] = jnp.concatenate([(x1 * c - x2 * s) * scale,
                                    (x1 * s + x2 * c) * scale], axis=-1)


def _kv_body(s_ref, wk_ref, wv_ref, f3_ref, sb_ref, kv_ref, *, blk):
    i = pl.program_id(0)
    feats = s_ref[...]
    r = i * blk + lax.broadcasted_iota(jnp.int32, (blk, 1), 0)
    l_r = r // (2 * MAXHW * MAXHW)
    rem = r % (MAXHW * MAXHW)
    x_r = rem % MAXHW
    y_r = rem // MAXHW
    lf = l_r.astype(jnp.float32)
    sby = jnp.zeros((blk, 1), jnp.float32)
    sbx = jnp.zeros((blk, 1), jnp.float32)
    for l in range(NLEV):
        m = (l_r == l).astype(jnp.float32)
        sby = sby + m * sb_ref[0:1, l:l + 1]
        sbx = sbx + m * sb_ref[0:1, NLEV + l:NLEV + l + 1]
    py = (y_r.astype(jnp.float32) + 0.5) * sby - 0.5
    px = (x_r.astype(jnp.float32) + 0.5) * sbx - 0.5
    ang = py * f3_ref[0:1, :] + px * f3_ref[1:2, :] + lf * f3_ref[2:3, :]
    c = jnp.cos(ang)
    s = jnp.sin(ang)
    kp = jnp.dot(feats, wk_ref[...], preferred_element_type=jnp.float32)
    x1 = kp[:, :128]
    x2 = kp[:, 128:]
    vp = jnp.dot(feats, wv_ref[...], preferred_element_type=jnp.float32)
    kv_ref[...] = jnp.concatenate(
        [_pack_bf16(x1 * c - x2 * s, x1 * s + x2 * c),
         _pack_bf16(vp[:, :128], vp[:, 128:])], axis=-1)


def _out_body(o_ref, res_ref, w_ref, out_ref):
    out_ref[...] = jnp.dot(o_ref[...], w_ref[...],
                           preferred_element_type=jnp.float32) + res_ref[...]


def _make_sc_rowgather(tab_n, d, nrows, dtype):
    rpw = nrows // 32
    ch = 64
    nch = rpw // ch

    @functools.partial(
        pl.kernel,
        out_type=jax.ShapeDtypeStruct((nrows, d), dtype),
        mesh=plsc.VectorSubcoreMesh(core_axis_name="c", subcore_axis_name="s"),
        scratch_types=[
            pltpu.VMEM((rpw,), jnp.int32),
            pltpu.VMEM((ch, d), dtype),
            pltpu.SemaphoreType.DMA,
        ],
    )
    def gather(tab, idx, out_hbm, idx_v, buf, sem):
        wid = lax.axis_index("s") * 2 + lax.axis_index("c")
        base = wid * rpw
        pltpu.sync_copy(idx.at[pl.ds(base, rpw)], idx_v)
        for cc in range(nch):
            pltpu.async_copy(tab.at[idx_v.at[pl.ds(cc * ch, ch)]], buf,
                             sem).wait()
            pltpu.sync_copy(buf, out_hbm.at[pl.ds(base + cc * ch, ch)])

    return gather


_sc_perm_q = _make_sc_rowgather(2049, EMBED, NSLOT, jnp.float32)
_sc_unperm_o = _make_sc_rowgather(NSLOT, EMBED, 2048, jnp.float32)


def _win_starts(ty, tx):
    out = []
    ideal = [(ty * 12 - 1, tx * 12 - 1),
             (ty * 6 - 2, tx * 6 - 2),
             (ty * 3 - 3, tx * 3 - 3),
             ((ty * 3) // 2 - 4, (tx * 3) // 2 - 4)]
    for l in range(NLEV):
        s = LSIZES[l]
        ys = jnp.clip(ideal[l][0], 0, s - WINW[l])
        xc = jnp.clip(ideal[l][1], 0, max(s - WINW[l], 0))
        xs = (jnp.minimum(xc, MAXHW - WINX[l]) // 8) * 8
        out.append((ys, xs))
    return out


def _attn_compute(q_ref, qp_ref, wins, o_ref, starts):
    q = q_ref[...]
    qy = qp_ref[:, 0:1]
    qx = qp_ref[:, 1:2]

    ks = []
    vs = []
    biases = []
    for l in range(NLEV):
        wy, wx = WINW[l], WINX[l]
        win = wins[l][...].reshape(wy * wx, EMBED)
        kp = win[:, :128]
        vp = win[:, 128:]
        ks.append(jnp.concatenate([_unpack_hi(kp), _unpack_lo(kp)], -1))
        vs.append(jnp.concatenate([_unpack_hi(vp), _unpack_lo(vp)], -1))
        ys, xs = starts[l]
        j = lax.broadcasted_iota(jnp.int32, (QCAP, wy * wx), 1)
        ky = ys + j // wx
        kx = xs + j % wx
        sc = np.float32(LSIZES[l] / MAXHW)
        lpy = jnp.floor(qy * sc).astype(jnp.int32)
        lpx = jnp.floor(qx * sc).astype(jnp.int32)
        ok = ((jnp.abs(ky - lpy) <= RADII[l]) &
              (jnp.abs(kx - lpx) <= RADII[l]) &
              (kx < LSIZES[l]))
        biases.append(jnp.where(ok, 0.0, -1e9).astype(jnp.float32))
    npad = KW - sum(WINW[l] * WINX[l] for l in range(NLEV))
    K = jnp.concatenate(ks + [jnp.zeros((npad, EMBED), jnp.float32)], 0)
    V = jnp.concatenate(vs + [jnp.zeros((npad, EMBED), jnp.float32)], 0)
    bias = jnp.concatenate(
        biases + [jnp.full((QCAP, npad), -1e9, jnp.float32)], 1)
    Kb = K.astype(jnp.bfloat16)
    Vb = V.astype(jnp.bfloat16)

    o = jnp.zeros((QCAP, EMBED), jnp.float32)
    for h in range(HEADS):
        qh = jnp.concatenate([q[:, 16 * h:16 * h + 16],
                              q[:, 128 + 16 * h:128 + 16 * h + 16]], -1)
        kh = jnp.concatenate([Kb[:, 16 * h:16 * h + 16],
                              Kb[:, 128 + 16 * h:128 + 16 * h + 16]], -1)
        logits = lax.dot_general(qh.astype(jnp.bfloat16), kh,
                                 (((1,), (1,)), ((), ())),
                                 preferred_element_type=jnp.float32)
        logits = logits + bias
        mx = jnp.max(logits, axis=-1, keepdims=True)
        e = jnp.exp(logits - mx)
        attn = (e / jnp.sum(e, axis=-1, keepdims=True)).astype(jnp.bfloat16)
        ov = lax.dot_general(attn, Vb, (((1,), (0,)), ((), ())),
                             preferred_element_type=jnp.float32)
        ji = lax.broadcasted_iota(jnp.int32, (1, EMBED), 1)
        hsel = ((ji % 128) // HALF == h).astype(jnp.float32)
        o = o + ov * hsel
    o_ref[...] = o


def _attn_body(kvt_ref, q_ref, qp_ref, o_ref, w0a, w1a, w2a, w3a,
               w0b, w1b, w2b, w3b, sema, semb):
    i = pl.program_id(0)
    winsa = [w0a, w1a, w2a, w3a]
    winsb = [w0b, w1b, w2b, w3b]

    def tile_of(t):
        b = t // (TPS * TPS)
        rem = t % (TPS * TPS)
        return b, rem // TPS, rem % TPS

    def issue(t, wins, sem):
        b, ty, tx = tile_of(t)
        starts = _win_starts(ty, tx)
        for l in range(NLEV):
            ys, xs = starts[l]
            pltpu.make_async_copy(
                kvt_ref.at[l, b, pl.ds(ys, WINW[l]), pl.ds(xs, WINX[l])],
                wins[l], sem).start()

    def wait(wins, sem):
        for l in range(NLEV):
            pltpu.make_async_copy(
                kvt_ref.at[l, 0, pl.ds(0, WINW[l]), pl.ds(0, WINX[l])],
                wins[l], sem).wait()

    @pl.when(i == 0)
    def _():
        issue(0, winsa, sema)

    @pl.when((i + 1 < NT) & ((i + 1) % 2 == 1))
    def _():
        issue(i + 1, winsb, semb)

    @pl.when((i + 1 < NT) & ((i + 1) % 2 == 0))
    def _():
        issue(i + 1, winsa, sema)

    _, ty, tx = tile_of(i)
    starts = _win_starts(ty, tx)

    @pl.when(i % 2 == 0)
    def _():
        wait(winsa, sema)
        _attn_compute(q_ref, qp_ref, winsa, o_ref, starts)

    @pl.when(i % 2 == 1)
    def _():
        wait(winsb, semb)
        _attn_compute(q_ref, qp_ref, winsb, o_ref, starts)


def kernel(query, query_spatial_positions, query_batch_offsets, stacked_feature_maps,
           level_spatial_shapes, norm_w, norm_b, Wq, Wkv, Wout, rope_freqs):
    n = query.shape[0]
    perm = _PERM
    Wq_p = Wq[perm, :]
    Wk, Wv = jnp.split(Wkv, 2, axis=0)
    Wk_p = Wk[perm, :]
    Wv_p = Wv[perm, :]
    Wout_p = Wout[:, perm]
    f3 = rope_freqs.reshape(3, 128)

    shapes_f = level_spatial_shapes.astype(jnp.float32)
    max_shape = level_spatial_shapes.max(0)
    max_shape_f = max_shape.astype(jnp.float32)
    max_level = jnp.argmax(jnp.prod(level_spatial_shapes, -1)).astype(jnp.float32)
    lvterm = max_level * f3[2:3, :]
    sb = (max_shape_f / shapes_f)
    sb_row = jnp.concatenate([sb[:, 0], sb[:, 1]]).reshape(1, 2 * NLEV)

    q_rot = pl.pallas_call(
        _q_body,
        grid=(n // 256,),
        in_specs=[
            pl.BlockSpec((256, EMBED), lambda i: (i, 0)),
            pl.BlockSpec((256, 2), lambda i: (i, 0)),
            pl.BlockSpec((EMBED, EMBED), lambda i: (0, 0)),
            pl.BlockSpec((1, EMBED), lambda i: (0, 0)),
            pl.BlockSpec((1, EMBED), lambda i: (0, 0)),
            pl.BlockSpec((3, 128), lambda i: (0, 0)),
            pl.BlockSpec((1, 128), lambda i: (0, 0)),
        ],
        out_specs=pl.BlockSpec((256, EMBED), lambda i: (i, 0)),
        out_shape=jax.ShapeDtypeStruct((n, EMBED), jnp.float32),
    )(query, query_spatial_positions, Wq_p.T, norm_w.reshape(1, EMBED),
      norm_b.reshape(1, EMBED), f3, lvterm)

    S = stacked_feature_maps.transpose(3, 0, 1, 2, 4).reshape(-1, EMBED)
    T = S.shape[0]
    blk = 1024
    kv_tab = pl.pallas_call(
        functools.partial(_kv_body, blk=blk),
        grid=(T // blk,),
        in_specs=[
            pl.BlockSpec((blk, EMBED), lambda i: (i, 0)),
            pl.BlockSpec((EMBED, EMBED), lambda i: (0, 0)),
            pl.BlockSpec((EMBED, EMBED), lambda i: (0, 0)),
            pl.BlockSpec((3, 128), lambda i: (0, 0)),
            pl.BlockSpec((1, 2 * NLEV), lambda i: (0, 0)),
        ],
        out_specs=pl.BlockSpec((blk, EMBED), lambda i: (i, 0)),
        out_shape=jax.ShapeDtypeStruct((T, EMBED), jnp.int32),
    )(S, Wk_p.T, Wv_p.T, f3, sb_row)
    kvt = kv_tab.reshape(NLEV, 2, MAXHW, MAXHW, EMBED)

    bids = (jnp.arange(n, dtype=jnp.int32) >= query_batch_offsets[1]).astype(jnp.int32)
    qy = query_spatial_positions[:, 0]
    qx = query_spatial_positions[:, 1]
    ty = jnp.clip(jnp.floor(qy / TILE).astype(jnp.int32), 0, TPS - 1)
    tx = jnp.clip(jnp.floor(qx / TILE).astype(jnp.int32), 0, TPS - 1)
    tid = bids * (TPS * TPS) + ty * TPS + tx
    order = jnp.argsort(tid, stable=True).astype(jnp.int32)
    tid_sorted = tid[order]
    rank = jnp.arange(n, dtype=jnp.int32) - jnp.searchsorted(
        tid_sorted, tid_sorted, side='left').astype(jnp.int32)
    slot_sorted = tid_sorted * QCAP + jnp.minimum(rank, QCAP - 1)
    perm_slot = jnp.full((NSLOT,), n, jnp.int32).at[slot_sorted].set(order)
    slot_q = jnp.zeros((n,), jnp.int32).at[order].set(slot_sorted)

    payload = jnp.concatenate([q_rot, jnp.zeros((1, EMBED), jnp.float32)], 0)

    qperm = _sc_perm_q(payload, perm_slot)
    qpos_pad = jnp.concatenate(
        [query_spatial_positions, jnp.zeros((n, 6), jnp.float32)], 1)
    qpos_pad = jnp.concatenate([qpos_pad, jnp.zeros((1, 8), jnp.float32)], 0)
    qpos_perm = qpos_pad[perm_slot]

    o_slots = pl.pallas_call(
        _attn_body,
        grid=(NT,),
        in_specs=[
            pl.BlockSpec(memory_space=pl.ANY),
            pl.BlockSpec((QCAP, EMBED), lambda i: (i, 0)),
            pl.BlockSpec((QCAP, 8), lambda i: (i, 0)),
        ],
        out_specs=pl.BlockSpec((QCAP, EMBED), lambda i: (i, 0)),
        out_shape=jax.ShapeDtypeStruct((NSLOT, EMBED), jnp.float32),
        scratch_shapes=(
            [pltpu.VMEM((WINW[l], WINX[l], EMBED), jnp.int32) for l in range(NLEV)]
            + [pltpu.VMEM((WINW[l], WINX[l], EMBED), jnp.int32) for l in range(NLEV)]
            + [pltpu.SemaphoreType.DMA, pltpu.SemaphoreType.DMA]),
    )(kvt, qperm, qpos_perm)

    o = _sc_unperm_o(o_slots, slot_q)

    x = pl.pallas_call(
        _out_body,
        grid=(n // 256,),
        in_specs=[
            pl.BlockSpec((256, EMBED), lambda i: (i, 0)),
            pl.BlockSpec((256, EMBED), lambda i: (i, 0)),
            pl.BlockSpec((EMBED, EMBED), lambda i: (0, 0)),
        ],
        out_specs=pl.BlockSpec((256, EMBED), lambda i: (i, 0)),
        out_shape=jax.ShapeDtypeStruct((n, EMBED), jnp.float32),
    )(o, query, Wout_p.T)
    return x

# --- scband reference (transcript-rebuilt; emitter-appended) ---
"""Pipeline reference for scband-sparse-neighborhood-attention-block-34711925686576 (READ-ONLY COPY).

The authoritative reference and input builder live on the scoring server;
editing this copy changes nothing except your own understanding.
"""

import jax, jax.numpy as jnp
import numpy as np

EMBED = 256
HEADS = 8
HD = EMBED // HEADS
HALF = HD // 2
NLEV = 4
NH_SIZES = [3, 5, 7, 9]
THETA_SP = 100.0
THETA_LV = 10.0
N_QUERIES = 2048
BATCH = 2
MAXHW = 96


def make_rope_freqs():
    i = np.arange(HALF, dtype=np.float64)
    f_sp = THETA_SP ** (-(i / HALF))
    f_lv = THETA_LV ** (-(i / HALF))
    f = np.stack([f_sp, f_sp, f_lv], 0)
    f = np.broadcast_to(f[:, None, :], (3, HEADS, HALF)).copy()
    return jnp.asarray(f, jnp.float32)


def rope_rotate(x, pos, freqs):
    # pos: [..., 3] (y_fullscale, x_fullscale, level); freqs: [3, HEADS, HALF]
    ang = jnp.einsum('...d,dhf->...hf', pos, freqs)
    cos = jnp.cos(ang)
    sin = jnp.sin(ang)
    xr = x.reshape(x.shape[:-1] + (HEADS, HALF, 2))
    x1 = xr[..., 0]
    x2 = xr[..., 1]
    o1 = x1 * cos - x2 * sin
    o2 = x1 * sin + x2 * cos
    return jnp.stack([o1, o2], -1).reshape(x.shape)


def build_offset_grids():
    grids = []
    lev = []
    for l, s in enumerate(NH_SIZES):
        ax = np.arange(s)
        g = np.stack(np.meshgrid(ax, ax, indexing='ij'), -1).reshape(-1, 2) - (s - 1) // 2
        grids.append(g.astype(np.int32))
        lev.append(np.full(g.shape[0], l, dtype=np.int32))
    return grids, np.concatenate(lev)


def setup_inputs(seed=0):
    key = jax.random.key(seed)
    ks = jax.random.split(key, 8)
    query = jax.random.normal(ks[0], (N_QUERIES, EMBED), jnp.float32)
    qpos = jax.random.uniform(ks[1], (N_QUERIES, 2), jnp.float32) * 95.0
    offsets = jnp.asarray([0, N_QUERIES // 2, N_QUERIES], jnp.int32)
    stacked = jax.random.normal(ks[2], (BATCH, MAXHW, MAXHW, NLEV, EMBED), jnp.float32)
    level_shapes = jnp.asarray([[96, 96], [48, 48], [24, 24], [12, 12]], jnp.int32)
    norm_w = jnp.ones((EMBED,), jnp.float32)
    norm_b = jnp.zeros((EMBED,), jnp.float32)
    Wq = jax.random.normal(ks[3], (EMBED, EMBED), jnp.float32) * 0.02
    Wkv = jax.random.normal(ks[4], (2 * EMBED, EMBED), jnp.float32) * 0.02
    Wout = jax.random.normal(ks[5], (EMBED, EMBED), jnp.float32) * 0.02
    rope_freqs = make_rope_freqs()
    return {"query": query, "query_spatial_positions": qpos, "query_batch_offsets": offsets,
            "stacked_feature_maps": stacked, "level_spatial_shapes": level_shapes,
            "norm_w": norm_w, "norm_b": norm_b, "Wq": Wq, "Wkv": Wkv, "Wout": Wout,
            "rope_freqs": rope_freqs}


def reference(query, query_spatial_positions, query_batch_offsets, stacked_feature_maps,
              level_spatial_shapes, norm_w, norm_b, Wq, Wkv, Wout, rope_freqs):
    n = query.shape[0]
    residual = query
    # pre-norm LayerNorm
    mu = query.mean(-1, keepdims=True)
    var = ((query - mu) ** 2).mean(-1, keepdims=True)
    qn = (query - mu) / jnp.sqrt(var + 1e-5) * norm_w + norm_b
    q = qn @ Wq.T
    # query RoPE: (y, x, max_spatial_level)
    lvl_area = jnp.prod(level_spatial_shapes, -1)
    max_level = jnp.argmax(lvl_area).astype(jnp.float32)
    q_pos3 = jnp.concatenate([query_spatial_positions,
                              jnp.full((n, 1), 0.0, jnp.float32) + max_level], -1)
    q_rot = rope_rotate(q, q_pos3, rope_freqs)
    # multilevel neighborhoods (get_multilevel_neighborhoods)
    grids, lev_np = build_offset_grids()
    lev_ids = jnp.asarray(lev_np)
    max_shape = level_spatial_shapes.max(0)
    scal = level_spatial_shapes.astype(jnp.float32) / max_shape.astype(jnp.float32)
    parts = []
    for l in range(NLEV):
        lp = jnp.floor(query_spatial_positions * scal[l]).astype(jnp.int32)
        parts.append(lp[:, None, :] + jnp.asarray(grids[l])[None])
    nh_idx = jnp.concatenate(parts, 1)  # [N, K, 2]
    K = nh_idx.shape[1]
    # batch id per query from cumulative offsets
    batch_ids = jnp.searchsorted(query_batch_offsets,
                                 jnp.arange(n, dtype=query_batch_offsets.dtype),
                                 side='right') - 1
    # out-of-bounds keys masked (sparse lookup returns no entry)
    lshape_k = level_spatial_shapes[lev_ids]
    valid = jnp.all((nh_idx >= 0) & (nh_idx < lshape_k[None]), -1)  # [N, K]
    yc = jnp.clip(nh_idx[..., 0], 0, stacked_feature_maps.shape[1] - 1)
    xc = jnp.clip(nh_idx[..., 1], 0, stacked_feature_maps.shape[2] - 1)
    feats = stacked_feature_maps[batch_ids[:, None], yc, xc, lev_ids[None, :]]  # [N, K, C]
    # kv projection on gathered subset (batch_sparse_index_subset_attn)
    Wk, Wv = jnp.split(Wkv, 2, axis=0)
    k = feats @ Wk.T
    v = feats @ Wv.T
    # key positions rescaled to full scale (prep_multilevel_positions)
    scale_back = max_shape.astype(jnp.float32) / level_spatial_shapes.astype(jnp.float32)
    key_pos_sp = (nh_idx.astype(jnp.float32) + 0.5) * scale_back[lev_ids][None] - 0.5
    key_lev = jnp.broadcast_to(lev_ids.astype(jnp.float32)[None, :, None], (n, K, 1))
    key_pos3 = jnp.concatenate([key_pos_sp, key_lev], -1)
    k_rot = rope_rotate(k, key_pos3, rope_freqs)
    qh = q_rot.reshape(n, HEADS, HD)
    kh = k_rot.reshape(n, K, HEADS, HD)
    vh = v.reshape(n, K, HEADS, HD)
    logits = jnp.einsum('nhd,nkhd->nhk', qh, kh) / jnp.sqrt(jnp.float32(HD))
    logits = jnp.where(valid[:, None, :], logits, jnp.float32(-1e9))
    attn = jax.nn.softmax(logits, -1)
    o = jnp.einsum('nhk,nkhd->nhd', attn, vh).reshape(n, EMBED)
    x = o @ Wout.T
    return x + residual

if __name__ == "__main__":
    import jax
    _d = setup_inputs()
    print(jax.jit(kernel)(*tuple(_d.values())))

</pallas_src>

<mosaic_0001>
#map = affine_map<(d0, d1) -> (0, 0)>
#map1 = affine_map<(d0, d1) -> (0)>
module attributes {stable_mosaic.version = 14 : i64} {
  func.func @gather(%arg0: i32, %arg1: i32, %arg2: memref<2049x256xf32, #tpu.memory_space<hbm>>, %arg3: memref<6144xi32, #tpu.memory_space<hbm>>, %arg4: memref<6144x256xf32, #tpu.memory_space<hbm>>, %arg5: memref<192xi32, #tpu.memory_space<vmem>>, %arg6: memref<64x256xf32, #tpu.memory_space<vmem>>, %arg7: memref<!tpu.dma_semaphore, #tpu.memory_space<semaphore_mem>>) attributes {dimension_semantics = [#tpu.dimension_semantics<core_parallel>, #tpu.dimension_semantics<subcore_parallel>], iteration_bounds = array<i64: 2, 16>, scalar_prefetch = 0 : i64, scratch_operands = 3 : i64, tpu.core_type = #tpu.core_type<sc_vector_subcore>, window_params = [{transform_indices = #map}, {transform_indices = #map1}, {transform_indices = #map}]} {
    %mul3A = arith.constant 2 : i32
    %mul3A_0 = arith.muli %arg1, %mul3A : i32
    %add3A = arith.addi %mul3A_0, %arg0 : i32
    %mul3A_1 = arith.constant 192 : i32
    %mul3A_2 = arith.muli %add3A, %mul3A_1 : i32
    "tpu.region"() ({
      %run_scoped3A = tpu.sem_alloc : memref<!tpu.dma_semaphore, #tpu.memory_space<semaphore_mem>>
      %dma_start3A_37 = tpu.memref_slice %arg3[%mul3A_2] : memref<6144xi32, #tpu.memory_space<hbm>> -> memref<192xi32, #tpu.memory_space<hbm>>
      %dma_start3A_38 = tpu.memref_slice %arg3[%mul3A_2] : memref<6144xi32, #tpu.memory_space<hbm>> -> memref<192xi32, #tpu.memory_space<hbm>>
      tpu.enqueue_dma source(%dma_start3A_38 : memref<192xi32, #tpu.memory_space<hbm>>) target(%arg5 : memref<192xi32, #tpu.memory_space<vmem>>) target_semaphore(%run_scoped3A : memref<!tpu.dma_semaphore, #tpu.memory_space<semaphore_mem>>)
      %dma_wait3A_39 = tpu.memref_slice %arg3[%mul3A_2] : memref<6144xi32, #tpu.memory_space<hbm>> -> memref<192xi32, #tpu.memory_space<hbm>>
      %dma_wait3A_40 = tpu.memref_slice %arg3[%mul3A_2] : memref<6144xi32, #tpu.memory_space<hbm>> -> memref<192xi32, #tpu.memory_space<hbm>>
      tpu.wait_dma2 semaphore(%run_scoped3A : memref<!tpu.dma_semaphore, #tpu.memory_space<semaphore_mem>>) src(%dma_wait3A_40 : memref<192xi32, #tpu.memory_space<hbm>>) dst(%arg5 : memref<192xi32, #tpu.memory_space<vmem>>)
      tpu.yield
    }) : () -> ()
    %dma_start3A = arith.constant 0 : i32
    %dma_start3A_3 = tpu.memref_slice %arg5[%dma_start3A] : memref<192xi32, #tpu.memory_space<vmem>> -> memref<64xi32, #tpu.memory_space<vmem>>
    %dma_start3A_4 = arith.constant 0 : i32
    %dma_start3A_5 = arith.constant 0 : i32
    %dma_start3A_6 = tpu.memref_slice %arg2[%dma_start3A_4, %dma_start3A_5] : memref<2049x256xf32, #tpu.memory_space<hbm>> -> memref<2049x256xf32, #tpu.memory_space<hbm>>
    tpu.enqueue_indirect_dma source(%dma_start3A_6 : memref<2049x256xf32, #tpu.memory_space<hbm>>) target(%arg6 : memref<64x256xf32, #tpu.memory_space<vmem>>) offsets(%dma_start3A_3 : memref<64xi32, #tpu.memory_space<vmem>>) semaphore(%arg7 : memref<!tpu.dma_semaphore, #tpu.memory_space<semaphore_mem>>)
    %dma_wait3A = arith.constant 0 : i32
    %dma_wait3A_7 = tpu.memref_slice %arg5[%dma_wait3A] : memref<192xi32, #tpu.memory_space<vmem>> -> memref<64xi32, #tpu.memory_space<vmem>>
    %dma_wait3A_8 = arith.constant 0 : i32
    %dma_wait3A_9 = arith.constant 0 : i32
    %dma_wait3A_10 = tpu.memref_slice %arg2[%dma_wait3A_8, %dma_wait3A_9] : memref<2049x256xf32, #tpu.memory_space<hbm>> -> memref<2049x256xf32, #tpu.memory_space<hbm>>
    tpu.wait_indirect_dma semaphore(%arg7 : memref<!tpu.dma_semaphore, #tpu.memory_space<semaphore_mem>>) src(%dma_wait3A_10 : memref<2049x256xf32, #tpu.memory_space<hbm>>) dst(%arg6 : memref<64x256xf32, #tpu.memory_space<vmem>>)
    %add3A_11 = arith.constant 0 : i32
    %add3A_12 = arith.addi %mul3A_2, %add3A_11 : i32
    "tpu.region"() ({
      %run_scoped3A = tpu.sem_alloc : memref<!tpu.dma_semaphore, #tpu.memory_space<semaphore_mem>>
      %dma_start3A_37 = arith.constant 0 : i32
      %dma_start3A_38 = tpu.memref_slice %arg4[%add3A_12, %dma_start3A_37] : memref<6144x256xf32, #tpu.memory_space<hbm>> -> memref<64x256xf32, #tpu.memory_space<hbm>>
      %dma_start3A_39 = arith.constant 0 : i32
      %dma_start3A_40 = tpu.memref_slice %arg4[%add3A_12, %dma_start3A_39] : memref<6144x256xf32, #tpu.memory_space<hbm>> -> memref<64x256xf32, #tpu.memory_space<hbm>>
      tpu.enqueue_dma source(%arg6 : memref<64x256xf32, #tpu.memory_space<vmem>>) target(%dma_start3A_40 : memref<64x256xf32, #tpu.memory_space<hbm>>) target_semaphore(%run_scoped3A : memref<!tpu.dma_semaphore, #tpu.memory_space<semaphore_mem>>)
      %dma_wait3A_41 = arith.constant 0 : i32
      %dma_wait3A_42 = tpu.memref_slice %arg4[%add3A_12, %dma_wait3A_41] : memref<6144x256xf32, #tpu.memory_space<hbm>> -> memref<64x256xf32, #tpu.memory_space<hbm>>
      %dma_wait3A_43 = arith.constant 0 : i32
      %dma_wait3A_44 = tpu.memref_slice %arg4[%add3A_12, %dma_wait3A_43] : memref<6144x256xf32, #tpu.memory_space<hbm>> -> memref<64x256xf32, #tpu.memory_space<hbm>>
      tpu.wait_dma2 semaphore(%run_scoped3A : memref<!tpu.dma_semaphore, #tpu.memory_space<semaphore_mem>>) src(%arg6 : memref<64x256xf32, #tpu.memory_space<vmem>>) dst(%dma_wait3A_44 : memref<64x256xf32, #tpu.memory_space<hbm>>)
      tpu.yield
    }) : () -> ()
    %dma_start3A_13 = arith.constant 64 : i32
    %dma_start3A_14 = tpu.memref_slice %arg5[%dma_start3A_13] : memref<192xi32, #tpu.memory_space<vmem>> -> memref<64xi32, #tpu.memory_space<vmem>>
    %dma_start3A_15 = arith.constant 0 : i32
    %dma_start3A_16 = arith.constant 0 : i32
    %dma_start3A_17 = tpu.memref_slice %arg2[%dma_start3A_15, %dma_start3A_16] : memref<2049x256xf32, #tpu.memory_space<hbm>> -> memref<2049x256xf32, #tpu.memory_space<hbm>>
    tpu.enqueue_indirect_dma source(%dma_start3A_17 : memref<2049x256xf32, #tpu.memory_space<hbm>>) target(%arg6 : memref<64x256xf32, #tpu.memory_space<vmem>>) offsets(%dma_start3A_14 : memref<64xi32, #tpu.memory_space<vmem>>) semaphore(%arg7 : memref<!tpu.dma_semaphore, #tpu.memory_space<semaphore_mem>>)
    %dma_wait3A_18 = arith.constant 64 : i32
    %dma_wait3A_19 = tpu.memref_slice %arg5[%dma_wait3A_18] : memref<192xi32, #tpu.memory_space<vmem>> -> memref<64xi32, #tpu.memory_space<vmem>>
    %dma_wait3A_20 = arith.constant 0 : i32
    %dma_wait3A_21 = arith.constant 0 : i32
    %dma_wait3A_22 = tpu.memref_slice %arg2[%dma_wait3A_20, %dma_wait3A_21] : memref<2049x256xf32, #tpu.memory_space<hbm>> -> memref<2049x256xf32, #tpu.memory_space<hbm>>
    tpu.wait_indirect_dma semaphore(%arg7 : memref<!tpu.dma_semaphore, #tpu.memory_space<semaphore_mem>>) src(%dma_wait3A_22 : memref<2049x256xf32, #tpu.memory_space<hbm>>) dst(%arg6 : memref<64x256xf32, #tpu.memory_space<vmem>>)
    %add3A_23 = arith.constant 64 : i32
    %add3A_24 = arith.addi %mul3A_2, %add3A_23 : i32
    "tpu.region"() ({
      %run_scoped3A = tpu.sem_alloc : memref<!tpu.dma_semaphore, #tpu.memory_space<semaphore_mem>>
      %dma_start3A_37 = arith.constant 0 : i32
      %dma_start3A_38 = tpu.memref_slice %arg4[%add3A_24, %dma_start3A_37] : memref<6144x256xf32, #tpu.memory_space<hbm>> -> memref<64x256xf32, #tpu.memory_space<hbm>>
      %dma_start3A_39 = arith.constant 0 : i32
      %dma_start3A_40 = tpu.memref_slice %arg4[%add3A_24, %dma_start3A_39] : memref<6144x256xf32, #tpu.memory_space<hbm>> -> memref<64x256xf32, #tpu.memory_space<hbm>>
      tpu.enqueue_dma source(%arg6 : memref<64x256xf32, #tpu.memory_space<vmem>>) target(%dma_start3A_40 : memref<64x256xf32, #tpu.memory_space<hbm>>) target_semaphore(%run_scoped3A : memref<!tpu.dma_semaphore, #tpu.memory_space<semaphore_mem>>)
      %dma_wait3A_41 = arith.constant 0 : i32
      %dma_wait3A_42 = tpu.memref_slice %arg4[%add3A_24, %dma_wait3A_41] : memref<6144x256xf32, #tpu.memory_space<hbm>> -> memref<64x256xf32, #tpu.memory_space<hbm>>
      %dma_wait3A_43 = arith.constant 0 : i32
      %dma_wait3A_44 = tpu.memref_slice %arg4[%add3A_24, %dma_wait3A_43] : memref<6144x256xf32, #tpu.memory_space<hbm>> -> memref<64x256xf32, #tpu.memory_space<hbm>>
      tpu.wait_dma2 semaphore(%run_scoped3A : memref<!tpu.dma_semaphore, #tpu.memory_space<semaphore_mem>>) src(%arg6 : memref<64x256xf32, #tpu.memory_space<vmem>>) dst(%dma_wait3A_44 : memref<64x256xf32, #tpu.memory_space<hbm>>)
      tpu.yield
    }) : () -> ()
    %dma_start3A_25 = arith.constant 128 : i32
    %dma_start3A_26 = tpu.memref_slice %arg5[%dma_start3A_25] : memref<192xi32, #tpu.memory_space<vmem>> -> memref<64xi32, #tpu.memory_space<vmem>>
    %dma_start3A_27 = arith.constant 0 : i32
    %dma_start3A_28 = arith.constant 0 : i32
    %dma_start3A_29 = tpu.memref_slice %arg2[%dma_start3A_27, %dma_start3A_28] : memref<2049x256xf32, #tpu.memory_space<hbm>> -> memref<2049x256xf32, #tpu.memory_space<hbm>>
    tpu.enqueue_indirect_dma source(%dma_start3A_29 : memref<2049x256xf32, #tpu.memory_space<hbm>>) target(%arg6 : memref<64x256xf32, #tpu.memory_space<vmem>>) offsets(%dma_start3A_26 : memref<64xi32, #tpu.memory_space<vmem>>) semaphore(%arg7 : memref<!tpu.dma_semaphore, #tpu.memory_space<semaphore_mem>>)
    %dma_wait3A_30 = arith.constant 128 : i32
    %dma_wait3A_31 = tpu.memref_slice %arg5[%dma_wait3A_30] : memref<192xi32, #tpu.memory_space<vmem>> -> memref<64xi32, #tpu.memory_space<vmem>>
    %dma_wait3A_32 = arith.constant 0 : i32
    %dma_wait3A_33 = arith.constant 0 : i32
    %dma_wait3A_34 = tpu.memref_slice %arg2[%dma_wait3A_32, %dma_wait3A_33] : memref<2049x256xf32, #tpu.memory_space<hbm>> -> memref<2049x256xf32, #tpu.memory_space<hbm>>
    tpu.wait_indirect_dma semaphore(%arg7 : memref<!tpu.dma_semaphore, #tpu.memory_space<semaphore_mem>>) src(%dma_wait3A_34 : memref<2049x256xf32, #tpu.memory_space<hbm>>) dst(%arg6 : memref<64x256xf32, #tpu.memory_space<vmem>>)
    %add3A_35 = arith.constant 128 : i32
    %add3A_36 = arith.addi %mul3A_2, %add3A_35 : i32
    "tpu.region"() ({
      %run_scoped3A = tpu.sem_alloc : memref<!tpu.dma_semaphore, #tpu.memory_space<semaphore_mem>>
      %dma_start3A_37 = arith.constant 0 : i32
      %dma_start3A_38 = tpu.memref_slice %arg4[%add3A_36, %dma_start3A_37] : memref<6144x256xf32, #tpu.memory_space<hbm>> -> memref<64x256xf32, #tpu.memory_space<hbm>>
      %dma_start3A_39 = arith.constant 0 : i32
      %dma_start3A_40 = tpu.memref_slice %arg4[%add3A_36, %dma_start3A_39] : memref<6144x256xf32, #tpu.memory_space<hbm>> -> memref<64x256xf32, #tpu.memory_space<hbm>>
      tpu.enqueue_dma source(%arg6 : memref<64x256xf32, #tpu.memory_space<vmem>>) target(%dma_start3A_40 : memref<64x256xf32, #tpu.memory_space<hbm>>) target_semaphore(%run_scoped3A : memref<!tpu.dma_semaphore, #tpu.memory_space<semaphore_mem>>)
      %dma_wait3A_41 = arith.constant 0 : i32
      %dma_wait3A_42 = tpu.memref_slice %arg4[%add3A_36, %dma_wait3A_41] : memref<6144x256xf32, #tpu.memory_space<hbm>> -> memref<64x256xf32, #tpu.memory_space<hbm>>
      %dma_wait3A_43 = arith.constant 0 : i32
      %dma_wait3A_44 = tpu.memref_slice %arg4[%add3A_36, %dma_wait3A_43] : memref<6144x256xf32, #tpu.memory_space<hbm>> -> memref<64x256xf32, #tpu.memory_space<hbm>>
      tpu.wait_dma2 semaphore(%run_scoped3A : memref<!tpu.dma_semaphore, #tpu.memory_space<semaphore_mem>>) src(%arg6 : memref<64x256xf32, #tpu.memory_space<vmem>>) dst(%dma_wait3A_44 : memref<64x256xf32, #tpu.memory_space<hbm>>)
      tpu.yield
    }) : () -> ()
    return
  }
}

#map = affine_map<(d0, d1) -> (0, 0)>
#map1 = affine_map<(d0, d1) -> (0)>
module attributes {stable_mosaic.version = 14 : i64} {
  func.func @gather(%arg0: i32, %arg1: i32, %arg2: memref<6144x256xf32, #tpu.memory_space<hbm>>, %arg3: memref<2048xi32, #tpu.memory_space<hbm>>, %arg4: memref<2048x256xf32, #tpu.memory_space<hbm>>, %arg5: memref<64xi32, #tpu.memory_space<vmem>>, %arg6: memref<64x256xf32, #tpu.memory_space<vmem>>, %arg7: memref<!tpu.dma_semaphore, #tpu.memory_space<semaphore_mem>>) attributes {dimension_semantics = [#tpu.dimension_semantics<core_parallel>, #tpu.dimension_semantics<subcore_parallel>], iteration_bounds = array<i64: 2, 16>, scalar_prefetch = 0 : i64, scratch_operands = 3 : i64, tpu.core_type = #tpu.core_type<sc_vector_subcore>, window_params = [{transform_indices = #map}, {transform_indices = #map1}, {transform_indices = #map}]} {
    %mul3A = arith.constant 2 : i32
    %mul3A_0 = arith.muli %arg1, %mul3A : i32
    %add3A = arith.addi %mul3A_0, %arg0 : i32
    %mul3A_1 = arith.constant 64 : i32
    %mul3A_2 = arith.muli %add3A, %mul3A_1 : i32
    "tpu.region"() ({
      %run_scoped3A = tpu.sem_alloc : memref<!tpu.dma_semaphore, #tpu.memory_space<semaphore_mem>>
      %dma_start3A_13 = tpu.memref_slice %arg3[%mul3A_2] : memref<2048xi32, #tpu.memory_space<hbm>> -> memref<64xi32, #tpu.memory_space<hbm>>
      %dma_start3A_14 = tpu.memref_slice %arg3[%mul3A_2] : memref<2048xi32, #tpu.memory_space<hbm>> -> memref<64xi32, #tpu.memory_space<hbm>>
      tpu.enqueue_dma source(%dma_start3A_14 : memref<64xi32, #tpu.memory_space<hbm>>) target(%arg5 : memref<64xi32, #tpu.memory_space<vmem>>) target_semaphore(%run_scoped3A : memref<!tpu.dma_semaphore, #tpu.memory_space<semaphore_mem>>)
      %dma_wait3A_15 = tpu.memref_slice %arg3[%mul3A_2] : memref<2048xi32, #tpu.memory_space<hbm>> -> memref<64xi32, #tpu.memory_space<hbm>>
      %dma_wait3A_16 = tpu.memref_slice %arg3[%mul3A_2] : memref<2048xi32, #tpu.memory_space<hbm>> -> memref<64xi32, #tpu.memory_space<hbm>>
      tpu.wait_dma2 semaphore(%run_scoped3A : memref<!tpu.dma_semaphore, #tpu.memory_space<semaphore_mem>>) src(%dma_wait3A_16 : memref<64xi32, #tpu.memory_space<hbm>>) dst(%arg5 : memref<64xi32, #tpu.memory_space<vmem>>)
      tpu.yield
    }) : () -> ()
    %dma_start3A = arith.constant 0 : i32
    %dma_start3A_3 = tpu.memref_slice %arg5[%dma_start3A] : memref<64xi32, #tpu.memory_space<vmem>> -> memref<64xi32, #tpu.memory_space<vmem>>
    %dma_start3A_4 = arith.constant 0 : i32
    %dma_start3A_5 = arith.constant 0 : i32
    %dma_start3A_6 = tpu.memref_slice %arg2[%dma_start3A_4, %dma_start3A_5] : memref<6144x256xf32, #tpu.memory_space<hbm>> -> memref<6144x256xf32, #tpu.memory_space<hbm>>
    tpu.enqueue_indirect_dma source(%dma_start3A_6 : memref<6144x256xf32, #tpu.memory_space<hbm>>) target(%arg6 : memref<64x256xf32, #tpu.memory_space<vmem>>) offsets(%dma_start3A_3 : memref<64xi32, #tpu.memory_space<vmem>>) semaphore(%arg7 : memref<!tpu.dma_semaphore, #tpu.memory_space<semaphore_mem>>)
    %dma_wait3A = arith.constant 0 : i32
    %dma_wait3A_7 = tpu.memref_slice %arg5[%dma_wait3A] : memref<64xi32, #tpu.memory_space<vmem>> -> memref<64xi32, #tpu.memory_space<vmem>>
    %dma_wait3A_8 = arith.constant 0 : i32
    %dma_wait3A_9 = arith.constant 0 : i32
    %dma_wait3A_10 = tpu.memref_slice %arg2[%dma_wait3A_8, %dma_wait3A_9] : memref<6144x256xf32, #tpu.memory_space<hbm>> -> memref<6144x256xf32, #tpu.memory_space<hbm>>
    tpu.wait_indirect_dma semaphore(%arg7 : memref<!tpu.dma_semaphore, #tpu.memory_space<semaphore_mem>>) src(%dma_wait3A_10 : memref<6144x256xf32, #tpu.memory_space<hbm>>) dst(%arg6 : memref<64x256xf32, #tpu.memory_space<vmem>>)
    %add3A_11 = arith.constant 0 : i32
    %add3A_12 = arith.addi %mul3A_2, %add3A_11 : i32
    "tpu.region"() ({
      %run_scoped3A = tpu.sem_alloc : memref<!tpu.dma_semaphore, #tpu.memory_space<semaphore_mem>>
      %dma_start3A_13 = arith.constant 0 : i32
      %dma_start3A_14 = tpu.memref_slice %arg4[%add3A_12, %dma_start3A_13] : memref<2048x256xf32, #tpu.memory_space<hbm>> -> memref<64x256xf32, #tpu.memory_space<hbm>>
      %dma_start3A_15 = arith.constant 0 : i32
      %dma_start3A_16 = tpu.memref_slice %arg4[%add3A_12, %dma_start3A_15] : memref<2048x256xf32, #tpu.memory_space<hbm>> -> memref<64x256xf32, #tpu.memory_space<hbm>>
      tpu.enqueue_dma source(%arg6 : memref<64x256xf32, #tpu.memory_space<vmem>>) target(%dma_start3A_16 : memref<64x256xf32, #tpu.memory_space<hbm>>) target_semaphore(%run_scoped3A : memref<!tpu.dma_semaphore, #tpu.memory_space<semaphore_mem>>)
      %dma_wait3A_17 = arith.constant 0 : i32
      %dma_wait3A_18 = tpu.memref_slice %arg4[%add3A_12, %dma_wait3A_17] : memref<2048x256xf32, #tpu.memory_space<hbm>> -> memref<64x256xf32, #tpu.memory_space<hbm>>
      %dma_wait3A_19 = arith.constant 0 : i32
      %dma_wait3A_20 = tpu.memref_slice %arg4[%add3A_12, %dma_wait3A_19] : memref<2048x256xf32, #tpu.memory_space<hbm>> -> memref<64x256xf32, #tpu.memory_space<hbm>>
      tpu.wait_dma2 semaphore(%run_scoped3A : memref<!tpu.dma_semaphore, #tpu.memory_space<semaphore_mem>>) src(%arg6 : memref<64x256xf32, #tpu.memory_space<vmem>>) dst(%dma_wait3A_20 : memref<64x256xf32, #tpu.memory_space<hbm>>)
      tpu.yield
    }) : () -> ()
    return
  }
}

module attributes {stable_mosaic.version = 14 : i64} {
  func.func @_q_body(%arg0: i32, %arg1: memref<256x256xf32, #tpu.memory_space<vmem>>, %arg2: memref<256x2xf32, #tpu.memory_space<vmem>>, %arg3: memref<256x256xf32, #tpu.memory_space<vmem>>, %arg4: memref<1x256xf32, #tpu.memory_space<vmem>>, %arg5: memref<1x256xf32, #tpu.memory_space<vmem>>, %arg6: memref<3x128xf32, #tpu.memory_space<vmem>>, %arg7: memref<1x128xf32, #tpu.memory_space<vmem>>, %arg8: memref<256x256xf32, #tpu.memory_space<vmem>>) attributes {dimension_semantics = [#tpu.dimension_semantics<arbitrary>], iteration_bounds = array<i64: 8>, scalar_prefetch = 0 : i64, scratch_operands = 0 : i64, tpu.core_type = #tpu.core_type<tc>, window_params = [{transform_indices = @transform_0, window_bounds = array<i64: 256, 256>}, {transform_indices = @transform_1, window_bounds = array<i64: 256, 2>}, {pipeline_mode = #tpu.pipeline_mode<synchronous>, transform_indices = @transform_2, window_bounds = array<i64: 256, 256>}, {pipeline_mode = #tpu.pipeline_mode<synchronous>, transform_indices = @transform_3, window_bounds = array<i64: 1, 256>}, {pipeline_mode = #tpu.pipeline_mode<synchronous>, transform_indices = @transform_4, window_bounds = array<i64: 1, 256>}, {pipeline_mode = #tpu.pipeline_mode<synchronous>, transform_indices = @transform_5, window_bounds = array<i64: 3, 128>}, {pipeline_mode = #tpu.pipeline_mode<synchronous>, transform_indices = @transform_6, window_bounds = array<i64: 1, 128>}, {transform_indices = @transform_7, window_bounds = array<i64: 256, 256>}]} {
    %get3A = arith.constant 0 : index
    %get3A_0 = arith.constant 0 : index
    %get3A_1 = vector.load %arg1[%get3A, %get3A_0] : memref<256x256xf32, #tpu.memory_space<vmem>>, vector<256x256xf32>
    %reduce_sum3A = arith.constant dense<0.000000e+00> : vector<256xf32>
    %reduce_sum3A_2 = vector.multi_reduction <add>, %get3A_1, %reduce_sum3A [1] : vector<256x256xf32> to vector<256xf32>
    %broadcast_in_dim3A = vector.shape_cast %reduce_sum3A_2 : vector<256xf32> to vector<256x1xf32>
    %div3A = arith.constant 2.560000e+02 : f32
    %div3A_3 = vector.broadcast %div3A : f32 to vector<256x1xf32>
    %div3A_4 = arith.divf %broadcast_in_dim3A, %div3A_3 : vector<256x1xf32>
    %sub3A = vector.broadcast %div3A_4 : vector<256x1xf32> to vector<256x256xf32>
    %sub3A_5 = arith.subf %get3A_1, %sub3A : vector<256x256xf32>
    %integer_pow3A = arith.mulf %sub3A_5, %sub3A_5 : vector<256x256xf32>
    %reduce_sum3A_6 = arith.constant dense<0.000000e+00> : vector<256xf32>
    %reduce_sum3A_7 = vector.multi_reduction <add>, %integer_pow3A, %reduce_sum3A_6 [1] : vector<256x256xf32> to vector<256xf32>
    %broadcast_in_dim3A_8 = vector.shape_cast %reduce_sum3A_7 : vector<256xf32> to vector<256x1xf32>
    %div3A_9 = arith.constant 2.560000e+02 : f32
    %div3A_10 = vector.broadcast %div3A_9 : f32 to vector<256x1xf32>
    %div3A_11 = arith.divf %broadcast_in_dim3A_8, %div3A_10 : vector<256x1xf32>
    %sub3A_12 = vector.broadcast %div3A_4 : vector<256x1xf32> to vector<256x256xf32>
    %sub3A_13 = arith.subf %get3A_1, %sub3A_12 : vector<256x256xf32>
    %add3A = arith.constant 9.99999974E-6 : f32
    %add3A_14 = vector.broadcast %add3A : f32 to vector<256x1xf32>
    %add3A_15 = arith.addf %div3A_11, %add3A_14 : vector<256x1xf32>
    %rsqrt3A = math.rsqrt %add3A_15 : vector<256x1xf32>
    %mul3A = vector.broadcast %rsqrt3A : vector<256x1xf32> to vector<256x256xf32>
    %mul3A_16 = arith.mulf %sub3A_13, %mul3A : vector<256x256xf32>
    %get3A_17 = arith.constant 0 : index
    %get3A_18 = arith.constant 0 : index
    %get3A_19 = vector.load %arg4[%get3A_17, %get3A_18] : memref<1x256xf32, #tpu.memory_space<vmem>>, vector<1x256xf32>
    %mul3A_20 = vector.broadcast %get3A_19 : vector<1x256xf32> to vector<256x256xf32>
    %mul3A_21 = arith.mulf %mul3A_16, %mul3A_20 : vector<256x256xf32>
    %get3A_22 = arith.constant 0 : index
    %get3A_23 = arith.constant 0 : index
    %get3A_24 = vector.load %arg5[%get3A_22, %get3A_23] : memref<1x256xf32, #tpu.memory_space<vmem>>, vector<1x256xf32>
    %add3A_25 = vector.broadcast %get3A_24 : vector<1x256xf32> to vector<256x256xf32>
    %add3A_26 = arith.addf %mul3A_21, %add3A_25 : vector<256x256xf32>
    %get3A_27 = arith.constant 0 : index
    %get3A_28 = arith.constant 0 : index
    %get3A_29 = vector.load %arg3[%get3A_27, %get3A_28] : memref<256x256xf32, #tpu.memory_space<vmem>>, vector<256x256xf32>
    %dot_general3A = arith.constant dense<0.000000e+00> : vector<256x256xf32>
    %dot_general3A_30 = tpu.matmul %add3A_26, %get3A_29, %dot_general3A {dimension_numbers = #tpu.dot_dimension_numbers<[1], [0], [0], [1], [0, 0, 1, 1], [], []>, transpose_lhs_hint = false} : vector<256x256xf32>, vector<256x256xf32>, vector<256x256xf32> -> vector<256x256xf32>
    %get3A_31 = arith.constant 0 : index
    %get3A_32 = arith.constant 0 : index
    %get3A_33 = vector.load %arg2[%get3A_31, %get3A_32] : memref<256x2xf32, #tpu.memory_space<vmem>>, vector<256x1xf32>
    %get3A_34 = arith.constant 0 : index
    %get3A_35 = arith.constant 0 : index
    %get3A_36 = vector.load %arg6[%get3A_34, %get3A_35] : memref<3x128xf32, #tpu.memory_space<vmem>>, vector<1x128xf32>
    %mul3A_37 = vector.broadcast %get3A_33 : vector<256x1xf32> to vector<256x128xf32>
    %mul3A_38 = vector.broadcast %get3A_36 : vector<1x128xf32> to vector<256x128xf32>
    %mul3A_39 = arith.mulf %mul3A_37, %mul3A_38 : vector<256x128xf32>
    %get3A_40 = arith.constant 0 : index
    %get3A_41 = arith.constant 1 : index
    %get3A_42 = vector.load %arg2[%get3A_40, %get3A_41] : memref<256x2xf32, #tpu.memory_space<vmem>>, vector<256x1xf32>
    %get3A_43 = arith.constant 1 : index
    %get3A_44 = arith.constant 0 : index
    %get3A_45 = vector.load %arg6[%get3A_43, %get3A_44] : memref<3x128xf32, #tpu.memory_space<vmem>>, vector<1x128xf32>
    %mul3A_46 = vector.broadcast %get3A_42 : vector<256x1xf32> to vector<256x128xf32>
    %mul3A_47 = vector.broadcast %get3A_45 : vector<1x128xf32> to vector<256x128xf32>
    %mul3A_48 = arith.mulf %mul3A_46, %mul3A_47 : vector<256x128xf32>
    %add3A_49 = arith.addf %mul3A_39, %mul3A_48 : vector<256x128xf32>
    %get3A_50 = arith.constant 0 : index
    %get3A_51 = arith.constant 0 : index
    %get3A_52 = vector.load %arg7[%get3A_50, %get3A_51] : memref<1x128xf32, #tpu.memory_space<vmem>>, vector<1x128xf32>
    %add3A_53 = vector.broadcast %get3A_52 : vector<1x128xf32> to vector<256x128xf32>
    %add3A_54 = arith.addf %add3A_49, %add3A_53 : vector<256x128xf32>
    %cos3A = math.cos %add3A_54 : vector<256x128xf32>
    %sin3A = math.sin %add3A_54 : vector<256x128xf32>
    %slice3A = vector.extract_strided_slice %dot_general3A_30 {offsets = [0, 0], sizes = [256, 128], strides = [1, 1]} : vector<256x256xf32> to vector<256x128xf32>
    %slice3A_55 = vector.extract_strided_slice %dot_general3A_30 {offsets = [0, 128], sizes = [256, 128], strides = [1, 1]} : vector<256x256xf32> to vector<256x128xf32>
    %mul3A_56 = arith.mulf %slice3A, %cos3A : vector<256x128xf32>
    %mul3A_57 = arith.mulf %slice3A_55, %sin3A : vector<256x128xf32>
    %sub3A_58 = arith.subf %mul3A_56, %mul3A_57 : vector<256x128xf32>
    %mul3A_59 = arith.constant 0.176776692 : f32
    %mul3A_60 = vector.broadcast %mul3A_59 : f32 to vector<256x128xf32>
    %mul3A_61 = arith.mulf %sub3A_58, %mul3A_60 : vector<256x128xf32>
    %mul3A_62 = arith.mulf %slice3A, %sin3A : vector<256x128xf32>
    %mul3A_63 = arith.mulf %slice3A_55, %cos3A : vector<256x128xf32>
    %add3A_64 = arith.addf %mul3A_62, %mul3A_63 : vector<256x128xf32>
    %mul3A_65 = arith.constant 0.176776692 : f32
    %mul3A_66 = vector.broadcast %mul3A_65 : f32 to vector<256x128xf32>
    %mul3A_67 = arith.mulf %add3A_64, %mul3A_66 : vector<256x128xf32>
    %concatenate3A = tpu.concatenate %mul3A_61, %mul3A_67 in 1 : vector<256x128xf32>, vector<256x128xf32> -> vector<256x256xf32>
    %swap3A = arith.constant 0 : index
    %swap3A_68 = arith.constant 0 : index
    %swap3A_69 = vector.load %arg8[%swap3A, %swap3A_68] : memref<256x256xf32, #tpu.memory_space<vmem>>, vector<256x256xf32>
    tpu.vector_store %arg8[%swap3A, %swap3A_68], %concatenate3A {strides = array<i32>} : memref<256x256xf32, #tpu.memory_space<vmem>>, vector<256x256xf32>,
    return
  }
  func.func @transform_0(%arg0: i32) -> (i32, i32) {
    %c0_i32 = arith.constant 0 : i32
    %c0_i32_0 = arith.constant 0 : i32
    return %arg0, %c0_i32 : i32, i32
  }
  func.func @transform_1(%arg0: i32) -> (i32, i32) {
    %c0_i32 = arith.constant 0 : i32
    %c0_i32_0 = arith.constant 0 : i32
    return %arg0, %c0_i32 : i32, i32
  }
  func.func @transform_2(%arg0: i32) -> (i32, i32) {
    %c0_i32 = arith.constant 0 : i32
    %c0_i32_0 = arith.constant 0 : i32
    %c0_i32_1 = arith.constant 0 : i32
    return %c0_i32, %c0_i32_0 : i32, i32
  }
  func.func @transform_3(%arg0: i32) -> (i32, i32) {
    %c0_i32 = arith.constant 0 : i32
    %c0_i32_0 = arith.constant 0 : i32
    %c0_i32_1 = arith.constant 0 : i32
    return %c0_i32, %c0_i32_0 : i32, i32
  }
  func.func @transform_4(%arg0: i32) -> (i32, i32) {
    %c0_i32 = arith.constant 0 : i32
    %c0_i32_0 = arith.constant 0 : i32
    %c0_i32_1 = arith.constant 0 : i32
    return %c0_i32, %c0_i32_0 : i32, i32
  }
  func.func @transform_5(%arg0: i32) -> (i32, i32) {
    %c0_i32 = arith.constant 0 : i32
    %c0_i32_0 = arith.constant 0 : i32
    %c0_i32_1 = arith.constant 0 : i32
    return %c0_i32, %c0_i32_0 : i32, i32
  }
  func.func @transform_6(%arg0: i32) -> (i32, i32) {
    %c0_i32 = arith.constant 0 : i32
    %c0_i32_0 = arith.constant 0 : i32
    %c0_i32_1 = arith.constant 0 : i32
    return %c0_i32, %c0_i32_0 : i32, i32
  }
  func.func @transform_7(%arg0: i32) -> (i32, i32) {
    %c0_i32 = arith.constant 0 : i32
    %c0_i32_0 = arith.constant 0 : i32
    return %arg0, %c0_i32 : i32, i32
  }
}

module attributes {stable_mosaic.version = 14 : i64} {
  func.func @_kv_body(%arg0: i32, %arg1: memref<1024x256xf32, #tpu.memory_space<vmem>>, %arg2: memref<256x256xf32, #tpu.memory_space<vmem>>, %arg3: memref<256x256xf32, #tpu.memory_space<vmem>>, %arg4: memref<3x128xf32, #tpu.memory_space<vmem>>, %arg5: memref<1x8xf32, #tpu.memory_space<vmem>>, %arg6: memref<1024x256xi32, #tpu.memory_space<vmem>>) attributes {dimension_semantics = [#tpu.dimension_semantics<arbitrary>], iteration_bounds = array<i64: 72>, scalar_prefetch = 0 : i64, scratch_operands = 0 : i64, tpu.core_type = #tpu.core_type<tc>, window_params = [{transform_indices = @transform_0, window_bounds = array<i64: 1024, 256>}, {pipeline_mode = #tpu.pipeline_mode<synchronous>, transform_indices = @transform_1, window_bounds = array<i64: 256, 256>}, {pipeline_mode = #tpu.pipeline_mode<synchronous>, transform_indices = @transform_2, window_bounds = array<i64: 256, 256>}, {pipeline_mode = #tpu.pipeline_mode<synchronous>, transform_indices = @transform_3, window_bounds = array<i64: 3, 128>}, {pipeline_mode = #tpu.pipeline_mode<synchronous>, transform_indices = @transform_4, window_bounds = array<i64: 1, 8>}, {transform_indices = @transform_5, window_bounds = array<i64: 1024, 256>}]} {
    %get3A = arith.constant 0 : index
    %get3A_0 = arith.constant 0 : index
    %get3A_1 = vector.load %arg1[%get3A, %get3A_0] : memref<1024x256xf32, #tpu.memory_space<vmem>>, vector<1024x256xf32>
    %mul3A = arith.constant 1024 : i32
    %mul3A_2 = arith.muli %arg0, %mul3A : i32
    %iota3A = tpu.iota {dimensions = array<i32: 0>} : vector<1024x1xi32>
    %add3A = vector.broadcast %mul3A_2 : i32 to vector<1024x1xi32>
    %add3A_3 = arith.addi %add3A, %iota3A : vector<1024x1xi32>
    %jit3A = arith.constant 18432 : i32
    %div3A = vector.broadcast %jit3A : i32 to vector<1024x1xi32>
    %div3A_4 = arith.divsi %add3A_3, %div3A : vector<1024x1xi32>
    %sign3A = arith.constant 0 : i32
    %sign3A_5 = vector.broadcast %sign3A : i32 to vector<1024x1xi32>
    %sign3A_6 = arith.cmpi sgt, %add3A_3, %sign3A_5 : vector<1024x1xi32>
    %sign3A_7 = arith.extui %sign3A_6 : vector<1024x1xi1> to vector<1024x1xi32>
    %sign3A_8 = arith.constant 0 : i32
    %sign3A_9 = vector.broadcast %sign3A_8 : i32 to vector<1024x1xi32>
    %sign3A_10 = arith.cmpi slt, %add3A_3, %sign3A_9 : vector<1024x1xi32>
    %sign3A_11 = arith.extui %sign3A_10 : vector<1024x1xi1> to vector<1024x1xi32>
    %sign3A_12 = arith.subi %sign3A_7, %sign3A_11 : vector<1024x1xi32>
    %sign3A_13 = arith.constant 0 : i32
    %sign3A_14 = arith.cmpi sgt, %jit3A, %sign3A_13 : i32
    %sign3A_15 = arith.extui %sign3A_14 : i1 to i32
    %sign3A_16 = arith.constant 0 : i32
    %sign3A_17 = arith.cmpi slt, %jit3A, %sign3A_16 : i32
    %sign3A_18 = arith.extui %sign3A_17 : i1 to i32
    %sign3A_19 = arith.subi %sign3A_15, %sign3A_18 : i32
    %ne3A = vector.broadcast %sign3A_19 : i32 to vector<1024x1xi32>
    %ne3A_20 = arith.cmpi ne, %sign3A_12, %ne3A : vector<1024x1xi32>
    %rem3A = vector.broadcast %jit3A : i32 to vector<1024x1xi32>
    %rem3A_21 = arith.remsi %add3A_3, %rem3A : vector<1024x1xi32>
    %ne3A_22 = arith.constant 0 : i32
    %ne3A_23 = vector.broadcast %ne3A_22 : i32 to vector<1024x1xi32>
    %ne3A_24 = arith.cmpi ne, %rem3A_21, %ne3A_23 : vector<1024x1xi32>
    %and3A = arith.andi %ne3A_20, %ne3A_24 : vector<1024x1xi1>
    %sub3A = arith.constant 1 : i32
    %sub3A_25 = vector.broadcast %sub3A : i32 to vector<1024x1xi32>
    %sub3A_26 = arith.subi %div3A_4, %sub3A_25 : vector<1024x1xi32>
    %select_n3A = arith.select %and3A, %sub3A_26, %div3A_4 : vector<1024x1xi1>, vector<1024x1xi32>
    %jit3A_27 = arith.constant 9216 : i32
    %eq3A = arith.constant 0 : i32
    %eq3A_28 = arith.cmpi eq, %jit3A_27, %eq3A : i32
    %jit3A_29 = arith.constant 1 : i32
    %select_n3A_30 = arith.select %eq3A_28, %jit3A_29, %jit3A_27 : i32
    %rem3A_31 = vector.broadcast %select_n3A_30 : i32 to vector<1024x1xi32>
    %rem3A_32 = arith.remsi %add3A_3, %rem3A_31 : vector<1024x1xi32>
    %ne3A_33 = arith.constant 0 : i32
    %ne3A_34 = vector.broadcast %ne3A_33 : i32 to vector<1024x1xi32>
    %ne3A_35 = arith.cmpi ne, %rem3A_32, %ne3A_34 : vector<1024x1xi32>
    %lt3A = arith.constant 0 : i32
    %lt3A_36 = vector.broadcast %lt3A : i32 to vector<1024x1xi32>
    %lt3A_37 = arith.cmpi slt, %rem3A_32, %lt3A_36 : vector<1024x1xi32>
    %lt3A_38 = arith.constant 0 : i32
    %lt3A_39 = arith.cmpi slt, %select_n3A_30, %lt3A_38 : i32
    %ne3A_40 = vector.broadcast %lt3A_39 : i1 to vector<1024x1xi1>
    %ne3A_41 = vector.broadcast %ne3A_40 : vector<1024x1xi1> to vector<1024x1xi1>
    %ne3A_42 = arith.xori %lt3A_37, %ne3A_41 : vector<1024x1xi1>
    %and3A_43 = arith.andi %ne3A_42, %ne3A_35 : vector<1024x1xi1>
    %add3A_44 = vector.broadcast %select_n3A_30 : i32 to vector<1024x1xi32>
    %add3A_45 = arith.addi %rem3A_32, %add3A_44 : vector<1024x1xi32>
    %select_n3A_46 = arith.select %and3A_43, %add3A_45, %rem3A_32 : vector<1024x1xi1>, vector<1024x1xi32>
    %jit3A_47 = arith.constant 96 : i32
    %eq3A_48 = arith.constant 0 : i32
    %eq3A_49 = arith.cmpi eq, %jit3A_47, %eq3A_48 : i32
    %jit3A_50 = arith.constant 1 : i32
    %select_n3A_51 = arith.select %eq3A_49, %jit3A_50, %jit3A_47 : i32
    %rem3A_52 = vector.broadcast %select_n3A_51 : i32 to vector<1024x1xi32>
    %rem3A_53 = arith.remsi %select_n3A_46, %rem3A_52 : vector<1024x1xi32>
    %ne3A_54 = arith.constant 0 : i32
    %ne3A_55 = vector.broadcast %ne3A_54 : i32 to vector<1024x1xi32>
    %ne3A_56 = arith.cmpi ne, %rem3A_53, %ne3A_55 : vector<1024x1xi32>
    %lt3A_57 = arith.constant 0 : i32
    %lt3A_58 = vector.broadcast %lt3A_57 : i32 to vector<1024x1xi32>
    %lt3A_59 = arith.cmpi slt, %rem3A_53, %lt3A_58 : vector<1024x1xi32>
    %lt3A_60 = arith.constant 0 : i32
    %lt3A_61 = arith.cmpi slt, %select_n3A_51, %lt3A_60 : i32
    %ne3A_62 = vector.broadcast %lt3A_61 : i1 to vector<1024x1xi1>
    %ne3A_63 = vector.broadcast %ne3A_62 : vector<1024x1xi1> to vector<1024x1xi1>
    %ne3A_64 = arith.xori %lt3A_59, %ne3A_63 : vector<1024x1xi1>
    %and3A_65 = arith.andi %ne3A_64, %ne3A_56 : vector<1024x1xi1>
    %add3A_66 = vector.broadcast %select_n3A_51 : i32 to vector<1024x1xi32>
    %add3A_67 = arith.addi %rem3A_53, %add3A_66 : vector<1024x1xi32>
    %select_n3A_68 = arith.select %and3A_65, %add3A_67, %rem3A_53 : vector<1024x1xi1>, vector<1024x1xi32>
    %jit3A_69 = arith.constant 96 : i32
    %div3A_70 = vector.broadcast %jit3A_69 : i32 to vector<1024x1xi32>
    %div3A_71 = arith.divsi %select_n3A_46, %div3A_70 : vector<1024x1xi32>
    %sign3A_72 = arith.constant 0 : i32
    %sign3A_73 = vector.broadcast %sign3A_72 : i32 to vector<1024x1xi32>
    %sign3A_74 = arith.cmpi sgt, %select_n3A_46, %sign3A_73 : vector<1024x1xi32>
    %sign3A_75 = arith.extui %sign3A_74 : vector<1024x1xi1> to vector<1024x1xi32>
    %sign3A_76 = arith.constant 0 : i32
    %sign3A_77 = vector.broadcast %sign3A_76 : i32 to vector<1024x1xi32>
    %sign3A_78 = arith.cmpi slt, %select_n3A_46, %sign3A_77 : vector<1024x1xi32>
    %sign3A_79 = arith.extui %sign3A_78 : vector<1024x1xi1> to vector<1024x1xi32>
    %sign3A_80 = arith.subi %sign3A_75, %sign3A_79 : vector<1024x1xi32>
    %sign3A_81 = arith.constant 0 : i32
    %sign3A_82 = arith.cmpi sgt, %jit3A_69, %sign3A_81 : i32
    %sign3A_83 = arith.extui %sign3A_82 : i1 to i32
    %sign3A_84 = arith.constant 0 : i32
    %sign3A_85 = arith.cmpi slt, %jit3A_69, %sign3A_84 : i32
    %sign3A_86 = arith.extui %sign3A_85 : i1 to i32
    %sign3A_87 = arith.subi %sign3A_83, %sign3A_86 : i32
    %ne3A_88 = vector.broadcast %sign3A_87 : i32 to vector<1024x1xi32>
    %ne3A_89 = arith.cmpi ne, %sign3A_80, %ne3A_88 : vector<1024x1xi32>
    %rem3A_90 = vector.broadcast %jit3A_69 : i32 to vector<1024x1xi32>
    %rem3A_91 = arith.remsi %select_n3A_46, %rem3A_90 : vector<1024x1xi32>
    %ne3A_92 = arith.constant 0 : i32
    %ne3A_93 = vector.broadcast %ne3A_92 : i32 to vector<1024x1xi32>
    %ne3A_94 = arith.cmpi ne, %rem3A_91, %ne3A_93 : vector<1024x1xi32>
    %and3A_95 = arith.andi %ne3A_89, %ne3A_94 : vector<1024x1xi1>
    %sub3A_96 = arith.constant 1 : i32
    %sub3A_97 = vector.broadcast %sub3A_96 : i32 to vector<1024x1xi32>
    %sub3A_98 = arith.subi %div3A_71, %sub3A_97 : vector<1024x1xi32>
    %select_n3A_99 = arith.select %and3A_95, %sub3A_98, %div3A_71 : vector<1024x1xi1>, vector<1024x1xi32>
    %convert_element_type3A = arith.sitofp %select_n3A : vector<1024x1xi32> to vector<1024x1xf32>
    %broadcast_in_dim3A = arith.constant 0.000000e+00 : f32
    %broadcast_in_dim3A_100 = vector.broadcast %broadcast_in_dim3A : f32 to vector<1024x1xf32>
    %broadcast_in_dim3A_101 = arith.constant 0.000000e+00 : f32
    %broadcast_in_dim3A_102 = vector.broadcast %broadcast_in_dim3A_101 : f32 to vector<1024x1xf32>
    %eq3A_103 = arith.constant 0 : i32
    %eq3A_104 = vector.broadcast %eq3A_103 : i32 to vector<1024x1xi32>
    %eq3A_105 = arith.cmpi eq, %select_n3A, %eq3A_104 : vector<1024x1xi32>
    %convert_element_type3A_106 = arith.extui %eq3A_105 : vector<1024x1xi1> to vector<1024x1xi32>
    %convert_element_type3A_107 = arith.sitofp %convert_element_type3A_106 : vector<1024x1xi32> to vector<1024x1xf32>
    %get3A_108 = arith.constant 0 : index
    %get3A_109 = arith.constant 0 : index
    %get3A_110 = vector.load %arg5[%get3A_108, %get3A_109] : memref<1x8xf32, #tpu.memory_space<vmem>>, vector<1x1xf32>
    %mul3A_111 = vector.broadcast %get3A_110 : vector<1x1xf32> to vector<1024x1xf32>
    %mul3A_112 = arith.mulf %convert_element_type3A_107, %mul3A_111 : vector<1024x1xf32>
    %add3A_113 = arith.addf %broadcast_in_dim3A_100, %mul3A_112 : vector<1024x1xf32>
    %get3A_114 = arith.constant 0 : index
    %get3A_115 = arith.constant 4 : index
    %get3A_116 = vector.load %arg5[%get3A_114, %get3A_115] : memref<1x8xf32, #tpu.memory_space<vmem>>, vector<1x1xf32>
    %mul3A_117 = vector.broadcast %get3A_116 : vector<1x1xf32> to vector<1024x1xf32>
    %mul3A_118 = arith.mulf %convert_element_type3A_107, %mul3A_117 : vector<1024x1xf32>
    %add3A_119 = arith.addf %broadcast_in_dim3A_102, %mul3A_118 : vector<1024x1xf32>
    %eq3A_120 = arith.constant 1 : i32
    %eq3A_121 = vector.broadcast %eq3A_120 : i32 to vector<1024x1xi32>
    %eq3A_122 = arith.cmpi eq, %select_n3A, %eq3A_121 : vector<1024x1xi32>
    %convert_element_type3A_123 = arith.extui %eq3A_122 : vector<1024x1xi1> to vector<1024x1xi32>
    %convert_element_type3A_124 = arith.sitofp %convert_element_type3A_123 : vector<1024x1xi32> to vector<1024x1xf32>
    %get3A_125 = arith.constant 0 : index
    %get3A_126 = arith.constant 1 : index
    %get3A_127 = vector.load %arg5[%get3A_125, %get3A_126] : memref<1x8xf32, #tpu.memory_space<vmem>>, vector<1x1xf32>
    %mul3A_128 = vector.broadcast %get3A_127 : vector<1x1xf32> to vector<1024x1xf32>
    %mul3A_129 = arith.mulf %convert_element_type3A_124, %mul3A_128 : vector<1024x1xf32>
    %add3A_130 = arith.addf %add3A_113, %mul3A_129 : vector<1024x1xf32>
    %get3A_131 = arith.constant 0 : index
    %get3A_132 = arith.constant 5 : index
    %get3A_133 = vector.load %arg5[%get3A_131, %get3A_132] : memref<1x8xf32, #tpu.memory_space<vmem>>, vector<1x1xf32>
    %mul3A_134 = vector.broadcast %get3A_133 : vector<1x1xf32> to vector<1024x1xf32>
    %mul3A_135 = arith.mulf %convert_element_type3A_124, %mul3A_134 : vector<1024x1xf32>
    %add3A_136 = arith.addf %add3A_119, %mul3A_135 : vector<1024x1xf32>
    %eq3A_137 = arith.constant 2 : i32
    %eq3A_138 = vector.broadcast %eq3A_137 : i32 to vector<1024x1xi32>
    %eq3A_139 = arith.cmpi eq, %select_n3A, %eq3A_138 : vector<1024x1xi32>
    %convert_element_type3A_140 = arith.extui %eq3A_139 : vector<1024x1xi1> to vector<1024x1xi32>
    %convert_element_type3A_141 = arith.sitofp %convert_element_type3A_140 : vector<1024x1xi32> to vector<1024x1xf32>
    %get3A_142 = arith.constant 0 : index
    %get3A_143 = arith.constant 2 : index
    %get3A_144 = vector.load %arg5[%get3A_142, %get3A_143] : memref<1x8xf32, #tpu.memory_space<vmem>>, vector<1x1xf32>
    %mul3A_145 = vector.broadcast %get3A_144 : vector<1x1xf32> to vector<1024x1xf32>
    %mul3A_146 = arith.mulf %convert_element_type3A_141, %mul3A_145 : vector<1024x1xf32>
    %add3A_147 = arith.addf %add3A_130, %mul3A_146 : vector<1024x1xf32>
    %get3A_148 = arith.constant 0 : index
    %get3A_149 = arith.constant 6 : index
    %get3A_150 = vector.load %arg5[%get3A_148, %get3A_149] : memref<1x8xf32, #tpu.memory_space<vmem>>, vector<1x1xf32>
    %mul3A_151 = vector.broadcast %get3A_150 : vector<1x1xf32> to vector<1024x1xf32>
    %mul3A_152 = arith.mulf %convert_element_type3A_141, %mul3A_151 : vector<1024x1xf32>
    %add3A_153 = arith.addf %add3A_136, %mul3A_152 : vector<1024x1xf32>
    %eq3A_154 = arith.constant 3 : i32
    %eq3A_155 = vector.broadcast %eq3A_154 : i32 to vector<1024x1xi32>
    %eq3A_156 = arith.cmpi eq, %select_n3A, %eq3A_155 : vector<1024x1xi32>
    %convert_element_type3A_157 = arith.extui %eq3A_156 : vector<1024x1xi1> to vector<1024x1xi32>
    %convert_element_type3A_158 = arith.sitofp %convert_element_type3A_157 : vector<1024x1xi32> to vector<1024x1xf32>
    %get3A_159 = arith.constant 0 : index
    %get3A_160 = arith.constant 3 : index
    %get3A_161 = vector.load %arg5[%get3A_159, %get3A_160] : memref<1x8xf32, #tpu.memory_space<vmem>>, vector<1x1xf32>
    %mul3A_162 = vector.broadcast %get3A_161 : vector<1x1xf32> to vector<1024x1xf32>
    %mul3A_163 = arith.mulf %convert_element_type3A_158, %mul3A_162 : vector<1024x1xf32>
    %add3A_164 = arith.addf %add3A_147, %mul3A_163 : vector<1024x1xf32>
    %get3A_165 = arith.constant 0 : index
    %get3A_166 = arith.constant 7 : index
    %get3A_167 = vector.load %arg5[%get3A_165, %get3A_166] : memref<1x8xf32, #tpu.memory_space<vmem>>, vector<1x1xf32>
    %mul3A_168 = vector.broadcast %get3A_167 : vector<1x1xf32> to vector<1024x1xf32>
    %mul3A_169 = arith.mulf %convert_element_type3A_158, %mul3A_168 : vector<1024x1xf32>
    %add3A_170 = arith.addf %add3A_153, %mul3A_169 : vector<1024x1xf32>
    %convert_element_type3A_171 = arith.sitofp %select_n3A_99 : vector<1024x1xi32> to vector<1024x1xf32>
    %add3A_172 = arith.constant 5.000000e-01 : f32
    %add3A_173 = vector.broadcast %add3A_172 : f32 to vector<1024x1xf32>
    %add3A_174 = arith.addf %convert_element_type3A_171, %add3A_173 : vector<1024x1xf32>
    %mul3A_175 = arith.mulf %add3A_174, %add3A_164 : vector<1024x1xf32>
    %sub3A_176 = arith.constant 5.000000e-01 : f32
    %sub3A_177 = vector.broadcast %sub3A_176 : f32 to vector<1024x1xf32>
    %sub3A_178 = arith.subf %mul3A_175, %sub3A_177 : vector<1024x1xf32>
    %convert_element_type3A_179 = arith.sitofp %select_n3A_68 : vector<1024x1xi32> to vector<1024x1xf32>
    %add3A_180 = arith.constant 5.000000e-01 : f32
    %add3A_181 = vector.broadcast %add3A_180 : f32 to vector<1024x1xf32>
    %add3A_182 = arith.addf %convert_element_type3A_179, %add3A_181 : vector<1024x1xf32>
    %mul3A_183 = arith.mulf %add3A_182, %add3A_170 : vector<1024x1xf32>
    %sub3A_184 = arith.constant 5.000000e-01 : f32
    %sub3A_185 = vector.broadcast %sub3A_184 : f32 to vector<1024x1xf32>
    %sub3A_186 = arith.subf %mul3A_183, %sub3A_185 : vector<1024x1xf32>
    %get3A_187 = arith.constant 0 : index
    %get3A_188 = arith.constant 0 : index
    %get3A_189 = vector.load %arg4[%get3A_187, %get3A_188] : memref<3x128xf32, #tpu.memory_space<vmem>>, vector<1x128xf32>
    %mul3A_190 = vector.broadcast %sub3A_178 : vector<1024x1xf32> to vector<1024x128xf32>
    %mul3A_191 = vector.broadcast %get3A_189 : vector<1x128xf32> to vector<1024x128xf32>
    %mul3A_192 = arith.mulf %mul3A_190, %mul3A_191 : vector<1024x128xf32>
    %get3A_193 = arith.constant 1 : index
    %get3A_194 = arith.constant 0 : index
    %get3A_195 = vector.load %arg4[%get3A_193, %get3A_194] : memref<3x128xf32, #tpu.memory_space<vmem>>, vector<1x128xf32>
    %mul3A_196 = vector.broadcast %sub3A_186 : vector<1024x1xf32> to vector<1024x128xf32>
    %mul3A_197 = vector.broadcast %get3A_195 : vector<1x128xf32> to vector<1024x128xf32>
    %mul3A_198 = arith.mulf %mul3A_196, %mul3A_197 : vector<1024x128xf32>
    %add3A_199 = arith.addf %mul3A_192, %mul3A_198 : vector<1024x128xf32>
    %get3A_200 = arith.constant 2 : index
    %get3A_201 = arith.constant 0 : index
    %get3A_202 = vector.load %arg4[%get3A_200, %get3A_201] : memref<3x128xf32, #tpu.memory_space<vmem>>, vector<1x128xf32>
    %mul3A_203 = vector.broadcast %convert_element_type3A : vector<1024x1xf32> to vector<1024x128xf32>
    %mul3A_204 = vector.broadcast %get3A_202 : vector<1x128xf32> to vector<1024x128xf32>
    %mul3A_205 = arith.mulf %mul3A_203, %mul3A_204 : vector<1024x128xf32>
    %add3A_206 = arith.addf %add3A_199, %mul3A_205 : vector<1024x128xf32>
    %cos3A = math.cos %add3A_206 : vector<1024x128xf32>
    %sin3A = math.sin %add3A_206 : vector<1024x128xf32>
    %get3A_207 = arith.constant 0 : index
    %get3A_208 = arith.constant 0 : index
    %get3A_209 = vector.load %arg2[%get3A_207, %get3A_208] : memref<256x256xf32, #tpu.memory_space<vmem>>, vector<256x256xf32>
    %dot_general3A = arith.constant dense<0.000000e+00> : vector<1024x256xf32>
    %dot_general3A_210 = tpu.matmul %get3A_1, %get3A_209, %dot_general3A {dimension_numbers = #tpu.dot_dimension_numbers<[1], [0], [0], [1], [0, 0, 1, 1], [], []>, transpose_lhs_hint = false} : vector<1024x256xf32>, vector<256x256xf32>, vector<1024x256xf32> -> vector<1024x256xf32>
    %slice3A = vector.extract_strided_slice %dot_general3A_210 {offsets = [0, 0], sizes = [1024, 128], strides = [1, 1]} : vector<1024x256xf32> to vector<1024x128xf32>
    %slice3A_211 = vector.extract_strided_slice %dot_general3A_210 {offsets = [0, 128], sizes = [1024, 128], strides = [1, 1]} : vector<1024x256xf32> to vector<1024x128xf32>
    %get3A_212 = arith.constant 0 : index
    %get3A_213 = arith.constant 0 : index
    %get3A_214 = vector.load %arg3[%get3A_212, %get3A_213] : memref<256x256xf32, #tpu.memory_space<vmem>>, vector<256x256xf32>
    %dot_general3A_215 = arith.constant dense<0.000000e+00> : vector<1024x256xf32>
    %dot_general3A_216 = tpu.matmul %get3A_1, %get3A_214, %dot_general3A_215 {dimension_numbers = #tpu.dot_dimension_numbers<[1], [0], [0], [1], [0, 0, 1, 1], [], []>, transpose_lhs_hint = false} : vector<1024x256xf32>, vector<256x256xf32>, vector<1024x256xf32> -> vector<1024x256xf32>
    %mul3A_217 = arith.mulf %slice3A, %cos3A : vector<1024x128xf32>
    %mul3A_218 = arith.mulf %slice3A_211, %sin3A : vector<1024x128xf32>
    %sub3A_219 = arith.subf %mul3A_217, %mul3A_218 : vector<1024x128xf32>
    %mul3A_220 = arith.mulf %slice3A, %sin3A : vector<1024x128xf32>
    %mul3A_221 = arith.mulf %slice3A_211, %cos3A : vector<1024x128xf32>
    %add3A_222 = arith.addf %mul3A_220, %mul3A_221 : vector<1024x128xf32>
    %bitcast_convert_type3A = tpu.bitcast %sub3A_219 : vector<1024x128xf32> -> vector<1024x128xi32>
    %bitcast_convert_type3A_223 = tpu.bitcast %add3A_222 : vector<1024x128xf32> -> vector<1024x128xi32>
    %add3A_224 = arith.constant 32767 : i32
    %add3A_225 = vector.broadcast %add3A_224 : i32 to vector<1024x128xi32>
    %add3A_226 = arith.addi %bitcast_convert_type3A, %add3A_225 : vector<1024x128xi32>
    %shift_right_logical3A = arith.constant 16 : i32
    %shift_right_logical3A_227 = vector.broadcast %shift_right_logical3A : i32 to vector<1024x128xi32>
    %shift_right_logical3A_228 = arith.shrui %bitcast_convert_type3A, %shift_right_logical3A_227 : vector<1024x128xi32>
    %and3A_229 = arith.constant 1 : i32
    %and3A_230 = vector.broadcast %and3A_229 : i32 to vector<1024x128xi32>
    %and3A_231 = arith.andi %shift_right_logical3A_228, %and3A_230 : vector<1024x128xi32>
    %add3A_232 = arith.addi %add3A_226, %and3A_231 : vector<1024x128xi32>
    %add3A_233 = arith.constant 32767 : i32
    %add3A_234 = vector.broadcast %add3A_233 : i32 to vector<1024x128xi32>
    %add3A_235 = arith.addi %bitcast_convert_type3A_223, %add3A_234 : vector<1024x128xi32>
    %shift_right_logical3A_236 = arith.constant 16 : i32
    %shift_right_logical3A_237 = vector.broadcast %shift_right_logical3A_236 : i32 to vector<1024x128xi32>
    %shift_right_logical3A_238 = arith.shrui %bitcast_convert_type3A_223, %shift_right_logical3A_237 : vector<1024x128xi32>
    %and3A_239 = arith.constant 1 : i32
    %and3A_240 = vector.broadcast %and3A_239 : i32 to vector<1024x128xi32>
    %and3A_241 = arith.andi %shift_right_logical3A_238, %and3A_240 : vector<1024x128xi32>
    %add3A_242 = arith.addi %add3A_235, %and3A_241 : vector<1024x128xi32>
    %and3A_243 = arith.constant -65536 : i32
    %and3A_244 = vector.broadcast %and3A_243 : i32 to vector<1024x128xi32>
    %and3A_245 = arith.andi %add3A_232, %and3A_244 : vector<1024x128xi32>
    %shift_right_logical3A_246 = arith.constant 16 : i32
    %shift_right_logical3A_247 = vector.broadcast %shift_right_logical3A_246 : i32 to vector<1024x128xi32>
    %shift_right_logical3A_248 = arith.shrui %add3A_242, %shift_right_logical3A_247 : vector<1024x128xi32>
    %or3A = arith.ori %and3A_245, %shift_right_logical3A_248 : vector<1024x128xi32>
    %slice3A_249 = vector.extract_strided_slice %dot_general3A_216 {offsets = [0, 0], sizes = [1024, 128], strides = [1, 1]} : vector<1024x256xf32> to vector<1024x128xf32>
    %slice3A_250 = vector.extract_strided_slice %dot_general3A_216 {offsets = [0, 128], sizes = [1024, 128], strides = [1, 1]} : vector<1024x256xf32> to vector<1024x128xf32>
    %bitcast_convert_type3A_251 = tpu.bitcast %slice3A_249 : vector<1024x128xf32> -> vector<1024x128xi32>
    %bitcast_convert_type3A_252 = tpu.bitcast %slice3A_250 : vector<1024x128xf32> -> vector<1024x128xi32>
    %add3A_253 = arith.constant 32767 : i32
    %add3A_254 = vector.broadcast %add3A_253 : i32 to vector<1024x128xi32>
    %add3A_255 = arith.addi %bitcast_convert_type3A_251, %add3A_254 : vector<1024x128xi32>
    %shift_right_logical3A_256 = arith.constant 16 : i32
    %shift_right_logical3A_257 = vector.broadcast %shift_right_logical3A_256 : i32 to vector<1024x128xi32>
    %shift_right_logical3A_258 = arith.shrui %bitcast_convert_type3A_251, %shift_right_logical3A_257 : vector<1024x128xi32>
    %and3A_259 = arith.constant 1 : i32
    %and3A_260 = vector.broadcast %and3A_259 : i32 to vector<1024x128xi32>
    %and3A_261 = arith.andi %shift_right_logical3A_258, %and3A_260 : vector<1024x128xi32>
    %add3A_262 = arith.addi %add3A_255, %and3A_261 : vector<1024x128xi32>
    %add3A_263 = arith.constant 32767 : i32
    %add3A_264 = vector.broadcast %add3A_263 : i32 to vector<1024x128xi32>
    %add3A_265 = arith.addi %bitcast_convert_type3A_252, %add3A_264 : vector<1024x128xi32>
    %shift_right_logical3A_266 = arith.constant 16 : i32
    %shift_right_logical3A_267 = vector.broadcast %shift_right_logical3A_266 : i32 to vector<1024x128xi32>
    %shift_right_logical3A_268 = arith.shrui %bitcast_convert_type3A_252, %shift_right_logical3A_267 : vector<1024x128xi32>
    %and3A_269 = arith.constant 1 : i32
    %and3A_270 = vector.broadcast %and3A_269 : i32 to vector<1024x128xi32>
    %and3A_271 = arith.andi %shift_right_logical3A_268, %and3A_270 : vector<1024x128xi32>
    %add3A_272 = arith.addi %add3A_265, %and3A_271 : vector<1024x128xi32>
    %and3A_273 = arith.constant -65536 : i32
    %and3A_274 = vector.broadcast %and3A_273 : i32 to vector<1024x128xi32>
    %and3A_275 = arith.andi %add3A_262, %and3A_274 : vector<1024x128xi32>
    %shift_right_logical3A_276 = arith.constant 16 : i32
    %shift_right_logical3A_277 = vector.broadcast %shift_right_logical3A_276 : i32 to vector<1024x128xi32>
    %shift_right_logical3A_278 = arith.shrui %add3A_272, %shift_right_logical3A_277 : vector<1024x128xi32>
    %or3A_279 = arith.ori %and3A_275, %shift_right_logical3A_278 : vector<1024x128xi32>
    %concatenate3A = tpu.concatenate %or3A, %or3A_279 in 1 : vector<1024x128xi32>, vector<1024x128xi32> -> vector<1024x256xi32>
    %swap3A = arith.constant 0 : index
    %swap3A_280 = arith.constant 0 : index
    %swap3A_281 = vector.load %arg6[%swap3A, %swap3A_280] : memref<1024x256xi32, #tpu.memory_space<vmem>>, vector<1024x256xi32>
    tpu.vector_store %arg6[%swap3A, %swap3A_280], %concatenate3A {strides = array<i32>} : memref<1024x256xi32, #tpu.memory_space<vmem>>, vector<1024x256xi32>,
    return
  }
  func.func @transform_0(%arg0: i32) -> (i32, i32) {
    %c0_i32 = arith.constant 0 : i32
    %c0_i32_0 = arith.constant 0 : i32
    return %arg0, %c0_i32 : i32, i32
  }
  func.func @transform_1(%arg0: i32) -> (i32, i32) {
    %c0_i32 = arith.constant 0 : i32
    %c0_i32_0 = arith.constant 0 : i32
    %c0_i32_1 = arith.constant 0 : i32
    return %c0_i32, %c0_i32_0 : i32, i32
  }
  func.func @transform_2(%arg0: i32) -> (i32, i32) {
    %c0_i32 = arith.constant 0 : i32
    %c0_i32_0 = arith.constant 0 : i32
    %c0_i32_1 = arith.constant 0 : i32
    return %c0_i32, %c0_i32_0 : i32, i32
  }
  func.func @transform_3(%arg0: i32) -> (i32, i32) {
    %c0_i32 = arith.constant 0 : i32
    %c0_i32_0 = arith.constant 0 : i32
    %c0_i32_1 = arith.constant 0 : i32
    return %c0_i32, %c0_i32_0 : i32, i32
  }
  func.func @transform_4(%arg0: i32) -> (i32, i32) {
    %c0_i32 = arith.constant 0 : i32
    %c0_i32_0 = arith.constant 0 : i32
    %c0_i32_1 = arith.constant 0 : i32
    return %c0_i32, %c0_i32_0 : i32, i32
  }
  func.func @transform_5(%arg0: i32) -> (i32, i32) {
    %c0_i32 = arith.constant 0 : i32
    %c0_i32_0 = arith.constant 0 : i32
    return %arg0, %c0_i32 : i32, i32
  }
}

module attributes {stable_mosaic.version = 14 : i64} {
  func.func @_attn_body(%arg0: i32, %arg1: memref<4x2x96x96x256xi32, #tpu.memory_space<any>>, %arg2: memref<48x256xf32, #tpu.memory_space<vmem>>, %arg3: memref<48x8xf32, #tpu.memory_space<vmem>>, %arg4: memref<48x256xf32, #tpu.memory_space<vmem>>, %arg5: memref<14x24x256xi32, #tpu.memory_space<vmem>>, %arg6: memref<10x24x256xi32, #tpu.memory_space<vmem>>, %arg7: memref<9x16x256xi32, #tpu.memory_space<vmem>>, %arg8: memref<10x24x256xi32, #tpu.memory_space<vmem>>, %arg9: memref<14x24x256xi32, #tpu.memory_space<vmem>>, %arg10: memref<10x24x256xi32, #tpu.memory_space<vmem>>, %arg11: memref<9x16x256xi32, #tpu.memory_space<vmem>>, %arg12: memref<10x24x256xi32, #tpu.memory_space<vmem>>, %arg13: memref<!tpu.dma_semaphore, #tpu.memory_space<semaphore_mem>>, %arg14: memref<!tpu.dma_semaphore, #tpu.memory_space<semaphore_mem>>) attributes {dimension_semantics = [#tpu.dimension_semantics<arbitrary>], iteration_bounds = array<i64: 128>, scalar_prefetch = 0 : i64, scratch_operands = 10 : i64, tpu.core_type = #tpu.core_type<tc>, window_params = [{}, {transform_indices = @transform_1, window_bounds = array<i64: 48, 256>}, {transform_indices = @transform_2, window_bounds = array<i64: 48, 8>}, {transform_indices = @transform_3, window_bounds = array<i64: 48, 256>}]} {
    %eq3A = arith.constant 0 : i32
    %eq3A_0 = arith.cmpi eq, %arg0, %eq3A : i32
    %convert_element_type3A = arith.extui %eq3A_0 : i1 to i32
    %cond3A = arith.constant 0 : i32
    %cond3A_1 = arith.cmpi ne, %convert_element_type3A, %cond3A : i32
    scf.if %cond3A_1 {
      %jit3A_367 = arith.constant -1 : i32
      %jit3A_368 = arith.constant 0 : i32
      %jit3A_369 = arith.constant 82 : i32
      %max3A_370 = arith.maxsi %jit3A_368, %jit3A_367 : i32
      %min3A_371 = arith.minsi %jit3A_369, %max3A_370 : i32
      %jit3A_372 = arith.constant -1 : i32
      %jit3A_373 = arith.constant 0 : i32
      %jit3A_374 = arith.constant 82 : i32
      %max3A_375 = arith.maxsi %jit3A_373, %jit3A_372 : i32
      %min3A_376 = arith.minsi %jit3A_374, %max3A_375 : i32
      %min3A_377 = arith.constant 72 : i32
      %min3A_378 = arith.minsi %min3A_376, %min3A_377 : i32
      %jit3A_379 = arith.constant 8 : i32
      %div3A_380 = arith.divsi %min3A_378, %jit3A_379 : i32
      %sign3A_381 = arith.constant 0 : i32
      %sign3A_382 = arith.cmpi sgt, %min3A_378, %sign3A_381 : i32
      %sign3A_383 = arith.extui %sign3A_382 : i1 to i32
      %sign3A_384 = arith.constant 0 : i32
      %sign3A_385 = arith.cmpi slt, %min3A_378, %sign3A_384 : i32
      %sign3A_386 = arith.extui %sign3A_385 : i1 to i32
      %sign3A_387 = arith.subi %sign3A_383, %sign3A_386 : i32
      %sign3A_388 = arith.constant 0 : i32
      %sign3A_389 = arith.cmpi sgt, %jit3A_379, %sign3A_388 : i32
      %sign3A_390 = arith.extui %sign3A_389 : i1 to i32
      %sign3A_391 = arith.constant 0 : i32
      %sign3A_392 = arith.cmpi slt, %jit3A_379, %sign3A_391 : i32
      %sign3A_393 = arith.extui %sign3A_392 : i1 to i32
      %sign3A_394 = arith.subi %sign3A_390, %sign3A_393 : i32
      %ne3A_395 = arith.cmpi ne, %sign3A_387, %sign3A_394 : i32
      %rem3A_396 = arith.remsi %min3A_378, %jit3A_379 : i32
      %ne3A_397 = arith.constant 0 : i32
      %ne3A_398 = arith.cmpi ne, %rem3A_396, %ne3A_397 : i32
      %and3A_399 = arith.andi %ne3A_395, %ne3A_398 : i1
      %sub3A_400 = arith.constant 1 : i32
      %sub3A_401 = arith.subi %div3A_380, %sub3A_400 : i32
      %select_n3A_402 = arith.select %and3A_399, %sub3A_401, %div3A_380 : i32
      %mul3A_403 = arith.constant 8 : i32
      %mul3A_404 = arith.muli %select_n3A_402, %mul3A_403 : i32
      %jit3A_405 = arith.constant -2 : i32
      %jit3A_406 = arith.constant 0 : i32
      %jit3A_407 = arith.constant 38 : i32
      %max3A_408 = arith.maxsi %jit3A_406, %jit3A_405 : i32
      %min3A_409 = arith.minsi %jit3A_407, %max3A_408 : i32
      %jit3A_410 = arith.constant -2 : i32
      %jit3A_411 = arith.constant 0 : i32
      %jit3A_412 = arith.constant 38 : i32
      %max3A_413 = arith.maxsi %jit3A_411, %jit3A_410 : i32
      %min3A_414 = arith.minsi %jit3A_412, %max3A_413 : i32
      %min3A_415 = arith.constant 72 : i32
      %min3A_416 = arith.minsi %min3A_414, %min3A_415 : i32
      %jit3A_417 = arith.constant 8 : i32
      %div3A_418 = arith.divsi %min3A_416, %jit3A_417 : i32
      %sign3A_419 = arith.constant 0 : i32
      %sign3A_420 = arith.cmpi sgt, %min3A_416, %sign3A_419 : i32
      %sign3A_421 = arith.extui %sign3A_420 : i1 to i32
      %sign3A_422 = arith.constant 0 : i32
      %sign3A_423 = arith.cmpi slt, %min3A_416, %sign3A_422 : i32
      %sign3A_424 = arith.extui %sign3A_423 : i1 to i32
      %sign3A_425 = arith.subi %sign3A_421, %sign3A_424 : i32
      %sign3A_426 = arith.constant 0 : i32
      %sign3A_427 = arith.cmpi sgt, %jit3A_417, %sign3A_426 : i32
      %sign3A_428 = arith.extui %sign3A_427 : i1 to i32
      %sign3A_429 = arith.constant 0 : i32
      %sign3A_430 = arith.cmpi slt, %jit3A_417, %sign3A_429 : i32
      %sign3A_431 = arith.extui %sign3A_430 : i1 to i32
      %sign3A_432 = arith.subi %sign3A_428, %sign3A_431 : i32
      %ne3A_433 = arith.cmpi ne, %sign3A_425, %sign3A_432 : i32
      %rem3A_434 = arith.remsi %min3A_416, %jit3A_417 : i32
      %ne3A_435 = arith.constant 0 : i32
      %ne3A_436 = arith.cmpi ne, %rem3A_434, %ne3A_435 : i32
      %and3A_437 = arith.andi %ne3A_433, %ne3A_436 : i1
      %sub3A_438 = arith.constant 1 : i32
      %sub3A_439 = arith.subi %div3A_418, %sub3A_438 : i32
      %select_n3A_440 = arith.select %and3A_437, %sub3A_439, %div3A_418 : i32
      %mul3A_441 = arith.constant 8 : i32
      %mul3A_442 = arith.muli %select_n3A_440, %mul3A_441 : i32
      %jit3A_443 = arith.constant -3 : i32
      %jit3A_444 = arith.constant 0 : i32
      %jit3A_445 = arith.constant 15 : i32
      %max3A_446 = arith.maxsi %jit3A_444, %jit3A_443 : i32
      %min3A_447 = arith.minsi %jit3A_445, %max3A_446 : i32
      %jit3A_448 = arith.constant -3 : i32
      %jit3A_449 = arith.constant 0 : i32
      %jit3A_450 = arith.constant 15 : i32
      %max3A_451 = arith.maxsi %jit3A_449, %jit3A_448 : i32
      %min3A_452 = arith.minsi %jit3A_450, %max3A_451 : i32
      %min3A_453 = arith.constant 80 : i32
      %min3A_454 = arith.minsi %min3A_452, %min3A_453 : i32
      %jit3A_455 = arith.constant 8 : i32
      %div3A_456 = arith.divsi %min3A_454, %jit3A_455 : i32
      %sign3A_457 = arith.constant 0 : i32
      %sign3A_458 = arith.cmpi sgt, %min3A_454, %sign3A_457 : i32
      %sign3A_459 = arith.extui %sign3A_458 : i1 to i32
      %sign3A_460 = arith.constant 0 : i32
      %sign3A_461 = arith.cmpi slt, %min3A_454, %sign3A_460 : i32
      %sign3A_462 = arith.extui %sign3A_461 : i1 to i32
      %sign3A_463 = arith.subi %sign3A_459, %sign3A_462 : i32
      %sign3A_464 = arith.constant 0 : i32
      %sign3A_465 = arith.cmpi sgt, %jit3A_455, %sign3A_464 : i32
      %sign3A_466 = arith.extui %sign3A_465 : i1 to i32
      %sign3A_467 = arith.constant 0 : i32
      %sign3A_468 = arith.cmpi slt, %jit3A_455, %sign3A_467 : i32
      %sign3A_469 = arith.extui %sign3A_468 : i1 to i32
      %sign3A_470 = arith.subi %sign3A_466, %sign3A_469 : i32
      %ne3A_471 = arith.cmpi ne, %sign3A_463, %sign3A_470 : i32
      %rem3A_472 = arith.remsi %min3A_454, %jit3A_455 : i32
      %ne3A_473 = arith.constant 0 : i32
      %ne3A_474 = arith.cmpi ne, %rem3A_472, %ne3A_473 : i32
      %and3A_475 = arith.andi %ne3A_471, %ne3A_474 : i1
      %sub3A_476 = arith.constant 1 : i32
      %sub3A_477 = arith.subi %div3A_456, %sub3A_476 : i32
      %select_n3A_478 = arith.select %and3A_475, %sub3A_477, %div3A_456 : i32
      %mul3A_479 = arith.constant 8 : i32
      %mul3A_480 = arith.muli %select_n3A_478, %mul3A_479 : i32
      %jit3A_481 = arith.constant -4 : i32
      %jit3A_482 = arith.constant 0 : i32
      %jit3A_483 = arith.constant 2 : i32
      %max3A_484 = arith.maxsi %jit3A_482, %jit3A_481 : i32
      %min3A_485 = arith.minsi %jit3A_483, %max3A_484 : i32
      %jit3A_486 = arith.constant -4 : i32
      %jit3A_487 = arith.constant 0 : i32
      %jit3A_488 = arith.constant 2 : i32
      %max3A_489 = arith.maxsi %jit3A_487, %jit3A_486 : i32
      %min3A_490 = arith.minsi %jit3A_488, %max3A_489 : i32
      %min3A_491 = arith.constant 72 : i32
      %min3A_492 = arith.minsi %min3A_490, %min3A_491 : i32
      %jit3A_493 = arith.constant 8 : i32
      %div3A_494 = arith.divsi %min3A_492, %jit3A_493 : i32
      %sign3A_495 = arith.constant 0 : i32
      %sign3A_496 = arith.cmpi sgt, %min3A_492, %sign3A_495 : i32
      %sign3A_497 = arith.extui %sign3A_496 : i1 to i32
      %sign3A_498 = arith.constant 0 : i32
      %sign3A_499 = arith.cmpi slt, %min3A_492, %sign3A_498 : i32
      %sign3A_500 = arith.extui %sign3A_499 : i1 to i32
      %sign3A_501 = arith.subi %sign3A_497, %sign3A_500 : i32
      %sign3A_502 = arith.constant 0 : i32
      %sign3A_503 = arith.cmpi sgt, %jit3A_493, %sign3A_502 : i32
      %sign3A_504 = arith.extui %sign3A_503 : i1 to i32
      %sign3A_505 = arith.constant 0 : i32
      %sign3A_506 = arith.cmpi slt, %jit3A_493, %sign3A_505 : i32
      %sign3A_507 = arith.extui %sign3A_506 : i1 to i32
      %sign3A_508 = arith.subi %sign3A_504, %sign3A_507 : i32
      %ne3A_509 = arith.cmpi ne, %sign3A_501, %sign3A_508 : i32
      %rem3A_510 = arith.remsi %min3A_492, %jit3A_493 : i32
      %ne3A_511 = arith.constant 0 : i32
      %ne3A_512 = arith.cmpi ne, %rem3A_510, %ne3A_511 : i32
      %and3A_513 = arith.andi %ne3A_509, %ne3A_512 : i1
      %sub3A_514 = arith.constant 1 : i32
      %sub3A_515 = arith.subi %div3A_494, %sub3A_514 : i32
      %select_n3A_516 = arith.select %and3A_513, %sub3A_515, %div3A_494 : i32
      %mul3A_517 = arith.constant 8 : i32
      %mul3A_518 = arith.muli %select_n3A_516, %mul3A_517 : i32
      %dma_start3A = arith.constant 0 : i32
      %dma_start3A_519 = arith.constant 0 : i32
      %dma_start3A_520 = arith.constant 0 : i32
      %dma_start3A_521 = tpu.memref_slice %arg1[%dma_start3A, %dma_start3A_519, %min3A_371, %mul3A_404, %dma_start3A_520] : memref<4x2x96x96x256xi32, #tpu.memory_space<any>> -> memref<1x1x14x24x256xi32, #tpu.memory_space<any>>
      %dma_start3A_522 = tpu.memref_squeeze %dma_start3A_521 : memref<1x1x14x24x256xi32, #tpu.memory_space<any>> -> memref<14x24x256xi32, #tpu.memory_space<any>>
      tpu.enqueue_dma source(%dma_start3A_522 : memref<14x24x256xi32, #tpu.memory_space<any>>) target(%arg5 : memref<14x24x256xi32, #tpu.memory_space<vmem>>) target_semaphore(%arg13 : memref<!tpu.dma_semaphore, #tpu.memory_space<semaphore_mem>>)
      %dma_start3A_523 = arith.constant 1 : i32
      %dma_start3A_524 = arith.constant 0 : i32
      %dma_start3A_525 = arith.constant 0 : i32
      %dma_start3A_526 = tpu.memref_slice %arg1[%dma_start3A_523, %dma_start3A_524, %min3A_409, %mul3A_442, %dma_start3A_525] : memref<4x2x96x96x256xi32, #tpu.memory_space<any>> -> memref<1x1x10x24x256xi32, #tpu.memory_space<any>>
      %dma_start3A_527 = tpu.memref_squeeze %dma_start3A_526 : memref<1x1x10x24x256xi32, #tpu.memory_space<any>> -> memref<10x24x256xi32, #tpu.memory_space<any>>
      tpu.enqueue_dma source(%dma_start3A_527 : memref<10x24x256xi32, #tpu.memory_space<any>>) target(%arg6 : memref<10x24x256xi32, #tpu.memory_space<vmem>>) target_semaphore(%arg13 : memref<!tpu.dma_semaphore, #tpu.memory_space<semaphore_mem>>)
      %dma_start3A_528 = arith.constant 2 : i32
      %dma_start3A_529 = arith.constant 0 : i32
      %dma_start3A_530 = arith.constant 0 : i32
      %dma_start3A_531 = tpu.memref_slice %arg1[%dma_start3A_528, %dma_start3A_529, %min3A_447, %mul3A_480, %dma_start3A_530] : memref<4x2x96x96x256xi32, #tpu.memory_space<any>> -> memref<1x1x9x16x256xi32, #tpu.memory_space<any>>
      %dma_start3A_532 = tpu.memref_squeeze %dma_start3A_531 : memref<1x1x9x16x256xi32, #tpu.memory_space<any>> -> memref<9x16x256xi32, #tpu.memory_space<any>>
      tpu.enqueue_dma source(%dma_start3A_532 : memref<9x16x256xi32, #tpu.memory_space<any>>) target(%arg7 : memref<9x16x256xi32, #tpu.memory_space<vmem>>) target_semaphore(%arg13 : memref<!tpu.dma_semaphore, #tpu.memory_space<semaphore_mem>>)
      %dma_start3A_533 = arith.constant 3 : i32
      %dma_start3A_534 = arith.constant 0 : i32
      %dma_start3A_535 = arith.constant 0 : i32
      %dma_start3A_536 = tpu.memref_slice %arg1[%dma_start3A_533, %dma_start3A_534, %min3A_485, %mul3A_518, %dma_start3A_535] : memref<4x2x96x96x256xi32, #tpu.memory_space<any>> -> memref<1x1x10x24x256xi32, #tpu.memory_space<any>>
      %dma_start3A_537 = tpu.memref_squeeze %dma_start3A_536 : memref<1x1x10x24x256xi32, #tpu.memory_space<any>> -> memref<10x24x256xi32, #tpu.memory_space<any>>
      tpu.enqueue_dma source(%dma_start3A_537 : memref<10x24x256xi32, #tpu.memory_space<any>>) target(%arg8 : memref<10x24x256xi32, #tpu.memory_space<vmem>>) target_semaphore(%arg13 : memref<!tpu.dma_semaphore, #tpu.memory_space<semaphore_mem>>)
    } else {
    }
    %add3A = arith.constant 1 : i32
    %add3A_2 = arith.addi %arg0, %add3A : i32
    %lt3A = arith.constant 128 : i32
    %lt3A_3 = arith.cmpi slt, %add3A_2, %lt3A : i32
    %add3A_4 = arith.constant 1 : i32
    %add3A_5 = arith.addi %arg0, %add3A_4 : i32
    %jit3A = arith.constant 2 : i32
    %eq3A_6 = arith.constant 0 : i32
    %eq3A_7 = arith.cmpi eq, %jit3A, %eq3A_6 : i32
    %jit3A_8 = arith.constant 1 : i32
    %select_n3A = arith.select %eq3A_7, %jit3A_8, %jit3A : i32
    %rem3A = arith.remsi %add3A_5, %select_n3A : i32
    %ne3A = arith.constant 0 : i32
    %ne3A_9 = arith.cmpi ne, %rem3A, %ne3A : i32
    %lt3A_10 = arith.constant 0 : i32
    %lt3A_11 = arith.cmpi slt, %rem3A, %lt3A_10 : i32
    %lt3A_12 = arith.constant 0 : i32
    %lt3A_13 = arith.cmpi slt, %select_n3A, %lt3A_12 : i32
    %ne3A_14 = arith.xori %lt3A_11, %lt3A_13 : i1
    %and3A = arith.andi %ne3A_14, %ne3A_9 : i1
    %add3A_15 = arith.addi %rem3A, %select_n3A : i32
    %select_n3A_16 = arith.select %and3A, %add3A_15, %rem3A : i32
    %eq3A_17 = arith.constant 1 : i32
    %eq3A_18 = arith.cmpi eq, %select_n3A_16, %eq3A_17 : i32
    %and3A_19 = arith.andi %lt3A_3, %eq3A_18 : i1
    %convert_element_type3A_20 = arith.extui %and3A_19 : i1 to i32
    %cond3A_21 = arith.constant 0 : i32
    %cond3A_22 = arith.cmpi ne, %convert_element_type3A_20, %cond3A_21 : i32
    scf.if %cond3A_22 {
      %add3A_367 = arith.constant 1 : i32
      %add3A_368 = arith.addi %arg0, %add3A_367 : i32
      %jit3A_369 = arith.constant 64 : i32
      %div3A_370 = arith.divsi %add3A_368, %jit3A_369 : i32
      %sign3A_371 = arith.constant 0 : i32
      %sign3A_372 = arith.cmpi sgt, %add3A_368, %sign3A_371 : i32
      %sign3A_373 = arith.extui %sign3A_372 : i1 to i32
      %sign3A_374 = arith.constant 0 : i32
      %sign3A_375 = arith.cmpi slt, %add3A_368, %sign3A_374 : i32
      %sign3A_376 = arith.extui %sign3A_375 : i1 to i32
      %sign3A_377 = arith.subi %sign3A_373, %sign3A_376 : i32
      %sign3A_378 = arith.constant 0 : i32
      %sign3A_379 = arith.cmpi sgt, %jit3A_369, %sign3A_378 : i32
      %sign3A_380 = arith.extui %sign3A_379 : i1 to i32
      %sign3A_381 = arith.constant 0 : i32
      %sign3A_382 = arith.cmpi slt, %jit3A_369, %sign3A_381 : i32
      %sign3A_383 = arith.extui %sign3A_382 : i1 to i32
      %sign3A_384 = arith.subi %sign3A_380, %sign3A_383 : i32
      %ne3A_385 = arith.cmpi ne, %sign3A_377, %sign3A_384 : i32
      %rem3A_386 = arith.remsi %add3A_368, %jit3A_369 : i32
      %ne3A_387 = arith.constant 0 : i32
      %ne3A_388 = arith.cmpi ne, %rem3A_386, %ne3A_387 : i32
      %and3A_389 = arith.andi %ne3A_385, %ne3A_388 : i1
      %sub3A_390 = arith.constant 1 : i32
      %sub3A_391 = arith.subi %div3A_370, %sub3A_390 : i32
      %select_n3A_392 = arith.select %and3A_389, %sub3A_391, %div3A_370 : i32
      %jit3A_393 = arith.constant 64 : i32
      %eq3A_394 = arith.constant 0 : i32
      %eq3A_395 = arith.cmpi eq, %jit3A_393, %eq3A_394 : i32
      %jit3A_396 = arith.constant 1 : i32
      %select_n3A_397 = arith.select %eq3A_395, %jit3A_396, %jit3A_393 : i32
      %rem3A_398 = arith.remsi %add3A_368, %select_n3A_397 : i32
      %ne3A_399 = arith.constant 0 : i32
      %ne3A_400 = arith.cmpi ne, %rem3A_398, %ne3A_399 : i32
      %lt3A_401 = arith.constant 0 : i32
      %lt3A_402 = arith.cmpi slt, %rem3A_398, %lt3A_401 : i32
      %lt3A_403 = arith.constant 0 : i32
      %lt3A_404 = arith.cmpi slt, %select_n3A_397, %lt3A_403 : i32
      %ne3A_405 = arith.xori %lt3A_402, %lt3A_404 : i1
      %and3A_406 = arith.andi %ne3A_405, %ne3A_400 : i1
      %add3A_407 = arith.addi %rem3A_398, %select_n3A_397 : i32
      %select_n3A_408 = arith.select %and3A_406, %add3A_407, %rem3A_398 : i32
      %jit3A_409 = arith.constant 8 : i32
      %div3A_410 = arith.divsi %select_n3A_408, %jit3A_409 : i32
      %sign3A_411 = arith.constant 0 : i32
      %sign3A_412 = arith.cmpi sgt, %select_n3A_408, %sign3A_411 : i32
      %sign3A_413 = arith.extui %sign3A_412 : i1 to i32
      %sign3A_414 = arith.constant 0 : i32
      %sign3A_415 = arith.cmpi slt, %select_n3A_408, %sign3A_414 : i32
      %sign3A_416 = arith.extui %sign3A_415 : i1 to i32
      %sign3A_417 = arith.subi %sign3A_413, %sign3A_416 : i32
      %sign3A_418 = arith.constant 0 : i32
      %sign3A_419 = arith.cmpi sgt, %jit3A_409, %sign3A_418 : i32
      %sign3A_420 = arith.extui %sign3A_419 : i1 to i32
      %sign3A_421 = arith.constant 0 : i32
      %sign3A_422 = arith.cmpi slt, %jit3A_409, %sign3A_421 : i32
      %sign3A_423 = arith.extui %sign3A_422 : i1 to i32
      %sign3A_424 = arith.subi %sign3A_420, %sign3A_423 : i32
      %ne3A_425 = arith.cmpi ne, %sign3A_417, %sign3A_424 : i32
      %rem3A_426 = arith.remsi %select_n3A_408, %jit3A_409 : i32
      %ne3A_427 = arith.constant 0 : i32
      %ne3A_428 = arith.cmpi ne, %rem3A_426, %ne3A_427 : i32
      %and3A_429 = arith.andi %ne3A_425, %ne3A_428 : i1
      %sub3A_430 = arith.constant 1 : i32
      %sub3A_431 = arith.subi %div3A_410, %sub3A_430 : i32
      %select_n3A_432 = arith.select %and3A_429, %sub3A_431, %div3A_410 : i32
      %jit3A_433 = arith.constant 8 : i32
      %eq3A_434 = arith.constant 0 : i32
      %eq3A_435 = arith.cmpi eq, %jit3A_433, %eq3A_434 : i32
      %jit3A_436 = arith.constant 1 : i32
      %select_n3A_437 = arith.select %eq3A_435, %jit3A_436, %jit3A_433 : i32
      %rem3A_438 = arith.remsi %select_n3A_408, %select_n3A_437 : i32
      %ne3A_439 = arith.constant 0 : i32
      %ne3A_440 = arith.cmpi ne, %rem3A_438, %ne3A_439 : i32
      %lt3A_441 = arith.constant 0 : i32
      %lt3A_442 = arith.cmpi slt, %rem3A_438, %lt3A_441 : i32
      %lt3A_443 = arith.constant 0 : i32
      %lt3A_444 = arith.cmpi slt, %select_n3A_437, %lt3A_443 : i32
      %ne3A_445 = arith.xori %lt3A_442, %lt3A_444 : i1
      %and3A_446 = arith.andi %ne3A_445, %ne3A_440 : i1
      %add3A_447 = arith.addi %rem3A_438, %select_n3A_437 : i32
      %select_n3A_448 = arith.select %and3A_446, %add3A_447, %rem3A_438 : i32
      %mul3A_449 = arith.constant 12 : i32
      %mul3A_450 = arith.muli %select_n3A_432, %mul3A_449 : i32
      %sub3A_451 = arith.constant 1 : i32
      %sub3A_452 = arith.subi %mul3A_450, %sub3A_451 : i32
      %mul3A_453 = arith.constant 12 : i32
      %mul3A_454 = arith.muli %select_n3A_448, %mul3A_453 : i32
      %sub3A_455 = arith.constant 1 : i32
      %sub3A_456 = arith.subi %mul3A_454, %sub3A_455 : i32
      %mul3A_457 = arith.constant 6 : i32
      %mul3A_458 = arith.muli %select_n3A_432, %mul3A_457 : i32
      %sub3A_459 = arith.constant 2 : i32
      %sub3A_460 = arith.subi %mul3A_458, %sub3A_459 : i32
      %mul3A_461 = arith.constant 6 : i32
      %mul3A_462 = arith.muli %select_n3A_448, %mul3A_461 : i32
      %sub3A_463 = arith.constant 2 : i32
      %sub3A_464 = arith.subi %mul3A_462, %sub3A_463 : i32
      %mul3A_465 = arith.constant 3 : i32
      %mul3A_466 = arith.muli %select_n3A_432, %mul3A_465 : i32
      %sub3A_467 = arith.constant 3 : i32
      %sub3A_468 = arith.subi %mul3A_466, %sub3A_467 : i32
      %mul3A_469 = arith.constant 3 : i32
      %mul3A_470 = arith.muli %select_n3A_448, %mul3A_469 : i32
      %sub3A_471 = arith.constant 3 : i32
      %sub3A_472 = arith.subi %mul3A_470, %sub3A_471 : i32
      %mul3A_473 = arith.constant 3 : i32
      %mul3A_474 = arith.muli %select_n3A_432, %mul3A_473 : i32
      %jit3A_475 = arith.constant 2 : i32
      %div3A_476 = arith.divsi %mul3A_474, %jit3A_475 : i32
      %sign3A_477 = arith.constant 0 : i32
      %sign3A_478 = arith.cmpi sgt, %mul3A_474, %sign3A_477 : i32
      %sign3A_479 = arith.extui %sign3A_478 : i1 to i32
      %sign3A_480 = arith.constant 0 : i32
      %sign3A_481 = arith.cmpi slt, %mul3A_474, %sign3A_480 : i32
      %sign3A_482 = arith.extui %sign3A_481 : i1 to i32
      %sign3A_483 = arith.subi %sign3A_479, %sign3A_482 : i32
      %sign3A_484 = arith.constant 0 : i32
      %sign3A_485 = arith.cmpi sgt, %jit3A_475, %sign3A_484 : i32
      %sign3A_486 = arith.extui %sign3A_485 : i1 to i32
      %sign3A_487 = arith.constant 0 : i32
      %sign3A_488 = arith.cmpi slt, %jit3A_475, %sign3A_487 : i32
      %sign3A_489 = arith.extui %sign3A_488 : i1 to i32
      %sign3A_490 = arith.subi %sign3A_486, %sign3A_489 : i32
      %ne3A_491 = arith.cmpi ne, %sign3A_483, %sign3A_490 : i32
      %rem3A_492 = arith.remsi %mul3A_474, %jit3A_475 : i32
      %ne3A_493 = arith.constant 0 : i32
      %ne3A_494 = arith.cmpi ne, %rem3A_492, %ne3A_493 : i32
      %and3A_495 = arith.andi %ne3A_491, %ne3A_494 : i1
      %sub3A_496 = arith.constant 1 : i32
      %sub3A_497 = arith.subi %div3A_476, %sub3A_496 : i32
      %select_n3A_498 = arith.select %and3A_495, %sub3A_497, %div3A_476 : i32
      %sub3A_499 = arith.constant 4 : i32
      %sub3A_500 = arith.subi %select_n3A_498, %sub3A_499 : i32
      %mul3A_501 = arith.constant 3 : i32
      %mul3A_502 = arith.muli %select_n3A_448, %mul3A_501 : i32
      %jit3A_503 = arith.constant 2 : i32
      %div3A_504 = arith.divsi %mul3A_502, %jit3A_503 : i32
      %sign3A_505 = arith.constant 0 : i32
      %sign3A_506 = arith.cmpi sgt, %mul3A_502, %sign3A_505 : i32
      %sign3A_507 = arith.extui %sign3A_506 : i1 to i32
      %sign3A_508 = arith.constant 0 : i32
      %sign3A_509 = arith.cmpi slt, %mul3A_502, %sign3A_508 : i32
      %sign3A_510 = arith.extui %sign3A_509 : i1 to i32
      %sign3A_511 = arith.subi %sign3A_507, %sign3A_510 : i32
      %sign3A_512 = arith.constant 0 : i32
      %sign3A_513 = arith.cmpi sgt, %jit3A_503, %sign3A_512 : i32
      %sign3A_514 = arith.extui %sign3A_513 : i1 to i32
      %sign3A_515 = arith.constant 0 : i32
      %sign3A_516 = arith.cmpi slt, %jit3A_503, %sign3A_515 : i32
      %sign3A_517 = arith.extui %sign3A_516 : i1 to i32
      %sign3A_518 = arith.subi %sign3A_514, %sign3A_517 : i32
      %ne3A_519 = arith.cmpi ne, %sign3A_511, %sign3A_518 : i32
      %rem3A_520 = arith.remsi %mul3A_502, %jit3A_503 : i32
      %ne3A_521 = arith.constant 0 : i32
      %ne3A_522 = arith.cmpi ne, %rem3A_520, %ne3A_521 : i32
      %and3A_523 = arith.andi %ne3A_519, %ne3A_522 : i1
      %sub3A_524 = arith.constant 1 : i32
      %sub3A_525 = arith.subi %div3A_504, %sub3A_524 : i32
      %select_n3A_526 = arith.select %and3A_523, %sub3A_525, %div3A_504 : i32
      %sub3A_527 = arith.constant 4 : i32
      %sub3A_528 = arith.subi %select_n3A_526, %sub3A_527 : i32
      %jit3A_529 = arith.constant 0 : i32
      %jit3A_530 = arith.constant 82 : i32
      %max3A_531 = arith.maxsi %jit3A_529, %sub3A_452 : i32
      %min3A_532 = arith.minsi %jit3A_530, %max3A_531 : i32
      %jit3A_533 = arith.constant 0 : i32
      %jit3A_534 = arith.constant 82 : i32
      %max3A_535 = arith.maxsi %jit3A_533, %sub3A_456 : i32
      %min3A_536 = arith.minsi %jit3A_534, %max3A_535 : i32
      %min3A_537 = arith.constant 72 : i32
      %min3A_538 = arith.minsi %min3A_536, %min3A_537 : i32
      %jit3A_539 = arith.constant 8 : i32
      %div3A_540 = arith.divsi %min3A_538, %jit3A_539 : i32
      %sign3A_541 = arith.constant 0 : i32
      %sign3A_542 = arith.cmpi sgt, %min3A_538, %sign3A_541 : i32
      %sign3A_543 = arith.extui %sign3A_542 : i1 to i32
      %sign3A_544 = arith.constant 0 : i32
      %sign3A_545 = arith.cmpi slt, %min3A_538, %sign3A_544 : i32
      %sign3A_546 = arith.extui %sign3A_545 : i1 to i32
      %sign3A_547 = arith.subi %sign3A_543, %sign3A_546 : i32
      %sign3A_548 = arith.constant 0 : i32
      %sign3A_549 = arith.cmpi sgt, %jit3A_539, %sign3A_548 : i32
      %sign3A_550 = arith.extui %sign3A_549 : i1 to i32
      %sign3A_551 = arith.constant 0 : i32
      %sign3A_552 = arith.cmpi slt, %jit3A_539, %sign3A_551 : i32
      %sign3A_553 = arith.extui %sign3A_552 : i1 to i32
      %sign3A_554 = arith.subi %sign3A_550, %sign3A_553 : i32
      %ne3A_555 = arith.cmpi ne, %sign3A_547, %sign3A_554 : i32
      %rem3A_556 = arith.remsi %min3A_538, %jit3A_539 : i32
      %ne3A_557 = arith.constant 0 : i32
      %ne3A_558 = arith.cmpi ne, %rem3A_556, %ne3A_557 : i32
      %and3A_559 = arith.andi %ne3A_555, %ne3A_558 : i1
      %sub3A_560 = arith.constant 1 : i32
      %sub3A_561 = arith.subi %div3A_540, %sub3A_560 : i32
      %select_n3A_562 = arith.select %and3A_559, %sub3A_561, %div3A_540 : i32
      %mul3A_563 = arith.constant 8 : i32
      %mul3A_564 = arith.muli %select_n3A_562, %mul3A_563 : i32
      %jit3A_565 = arith.constant 0 : i32
      %jit3A_566 = arith.constant 38 : i32
      %max3A_567 = arith.maxsi %jit3A_565, %sub3A_460 : i32
      %min3A_568 = arith.minsi %jit3A_566, %max3A_567 : i32
      %jit3A_569 = arith.constant 0 : i32
      %jit3A_570 = arith.constant 38 : i32
      %max3A_571 = arith.maxsi %jit3A_569, %sub3A_464 : i32
      %min3A_572 = arith.minsi %jit3A_570, %max3A_571 : i32
      %min3A_573 = arith.constant 72 : i32
      %min3A_574 = arith.minsi %min3A_572, %min3A_573 : i32
      %jit3A_575 = arith.constant 8 : i32
      %div3A_576 = arith.divsi %min3A_574, %jit3A_575 : i32
      %sign3A_577 = arith.constant 0 : i32
      %sign3A_578 = arith.cmpi sgt, %min3A_574, %sign3A_577 : i32
      %sign3A_579 = arith.extui %sign3A_578 : i1 to i32
      %sign3A_580 = arith.constant 0 : i32
      %sign3A_581 = arith.cmpi slt, %min3A_574, %sign3A_580 : i32
      %sign3A_582 = arith.extui %sign3A_581 : i1 to i32
      %sign3A_583 = arith.subi %sign3A_579, %sign3A_582 : i32
      %sign3A_584 = arith.constant 0 : i32
      %sign3A_585 = arith.cmpi sgt, %jit3A_575, %sign3A_584 : i32
      %sign3A_586 = arith.extui %sign3A_585 : i1 to i32
      %sign3A_587 = arith.constant 0 : i32
      %sign3A_588 = arith.cmpi slt, %jit3A_575, %sign3A_587 : i32
      %sign3A_589 = arith.extui %sign3A_588 : i1 to i32
      %sign3A_590 = arith.subi %sign3A_586, %sign3A_589 : i32
      %ne3A_591 = arith.cmpi ne, %sign3A_583, %sign3A_590 : i32
      %rem3A_592 = arith.remsi %min3A_574, %jit3A_575 : i32
      %ne3A_593 = arith.constant 0 : i32
      %ne3A_594 = arith.cmpi ne, %rem3A_592, %ne3A_593 : i32
      %and3A_595 = arith.andi %ne3A_591, %ne3A_594 : i1
      %sub3A_596 = arith.constant 1 : i32
      %sub3A_597 = arith.subi %div3A_576, %sub3A_596 : i32
      %select_n3A_598 = arith.select %and3A_595, %sub3A_597, %div3A_576 : i32
      %mul3A_599 = arith.constant 8 : i32
      %mul3A_600 = arith.muli %select_n3A_598, %mul3A_599 : i32
      %jit3A_601 = arith.constant 0 : i32
      %jit3A_602 = arith.constant 15 : i32
      %max3A_603 = arith.maxsi %jit3A_601, %sub3A_468 : i32
      %min3A_604 = arith.minsi %jit3A_602, %max3A_603 : i32
      %jit3A_605 = arith.constant 0 : i32
      %jit3A_606 = arith.constant 15 : i32
      %max3A_607 = arith.maxsi %jit3A_605, %sub3A_472 : i32
      %min3A_608 = arith.minsi %jit3A_606, %max3A_607 : i32
      %min3A_609 = arith.constant 80 : i32
      %min3A_610 = arith.minsi %min3A_608, %min3A_609 : i32
      %jit3A_611 = arith.constant 8 : i32
      %div3A_612 = arith.divsi %min3A_610, %jit3A_611 : i32
      %sign3A_613 = arith.constant 0 : i32
      %sign3A_614 = arith.cmpi sgt, %min3A_610, %sign3A_613 : i32
      %sign3A_615 = arith.extui %sign3A_614 : i1 to i32
      %sign3A_616 = arith.constant 0 : i32
      %sign3A_617 = arith.cmpi slt, %min3A_610, %sign3A_616 : i32
      %sign3A_618 = arith.extui %sign3A_617 : i1 to i32
      %sign3A_619 = arith.subi %sign3A_615, %sign3A_618 : i32
      %sign3A_620 = arith.constant 0 : i32
      %sign3A_621 = arith.cmpi sgt, %jit3A_611, %sign3A_620 : i32
      %sign3A_622 = arith.extui %sign3A_621 : i1 to i32
      %sign3A_623 = arith.constant 0 : i32
      %sign3A_624 = arith.cmpi slt, %jit3A_611, %sign3A_623 : i32
      %sign3A_625 = arith.extui %sign3A_624 : i1 to i32
      %sign3A_626 = arith.subi %sign3A_622, %sign3A_625 : i32
      %ne3A_627 = arith.cmpi ne, %sign3A_619, %sign3A_626 : i32
      %rem3A_628 = arith.remsi %min3A_610, %jit3A_611 : i32
      %ne3A_629 = arith.constant 0 : i32
      %ne3A_630 = arith.cmpi ne, %rem3A_628, %ne3A_629 : i32
      %and3A_631 = arith.andi %ne3A_627, %ne3A_630 : i1
      %sub3A_632 = arith.constant 1 : i32
      %sub3A_633 = arith.subi %div3A_612, %sub3A_632 : i32
      %select_n3A_634 = arith.select %and3A_631, %sub3A_633, %div3A_612 : i32
      %mul3A_635 = arith.constant 8 : i32
      %mul3A_636 = arith.muli %select_n3A_634, %mul3A_635 : i32
      %jit3A_637 = arith.constant 0 : i32
      %jit3A_638 = arith.constant 2 : i32
      %max3A_639 = arith.maxsi %jit3A_637, %sub3A_500 : i32
      %min3A_640 = arith.minsi %jit3A_638, %max3A_639 : i32
      %jit3A_641 = arith.constant 0 : i32
      %jit3A_642 = arith.constant 2 : i32
      %max3A_643 = arith.maxsi %jit3A_641, %sub3A_528 : i32
      %min3A_644 = arith.minsi %jit3A_642, %max3A_643 : i32
      %min3A_645 = arith.constant 72 : i32
      %min3A_646 = arith.minsi %min3A_644, %min3A_645 : i32
      %jit3A_647 = arith.constant 8 : i32
      %div3A_648 = arith.divsi %min3A_646, %jit3A_647 : i32
      %sign3A_649 = arith.constant 0 : i32
      %sign3A_650 = arith.cmpi sgt, %min3A_646, %sign3A_649 : i32
      %sign3A_651 = arith.extui %sign3A_650 : i1 to i32
      %sign3A_652 = arith.constant 0 : i32
      %sign3A_653 = arith.cmpi slt, %min3A_646, %sign3A_652 : i32
      %sign3A_654 = arith.extui %sign3A_653 : i1 to i32
      %sign3A_655 = arith.subi %sign3A_651, %sign3A_654 : i32
      %sign3A_656 = arith.constant 0 : i32
      %sign3A_657 = arith.cmpi sgt, %jit3A_647, %sign3A_656 : i32
      %sign3A_658 = arith.extui %sign3A_657 : i1 to i32
      %sign3A_659 = arith.constant 0 : i32
      %sign3A_660 = arith.cmpi slt, %jit3A_647, %sign3A_659 : i32
      %sign3A_661 = arith.extui %sign3A_660 : i1 to i32
      %sign3A_662 = arith.subi %sign3A_658, %sign3A_661 : i32
      %ne3A_663 = arith.cmpi ne, %sign3A_655, %sign3A_662 : i32
      %rem3A_664 = arith.remsi %min3A_646, %jit3A_647 : i32
      %ne3A_665 = arith.constant 0 : i32
      %ne3A_666 = arith.cmpi ne, %rem3A_664, %ne3A_665 : i32
      %and3A_667 = arith.andi %ne3A_663, %ne3A_666 : i1
      %sub3A_668 = arith.constant 1 : i32
      %sub3A_669 = arith.subi %div3A_648, %sub3A_668 : i32
      %select_n3A_670 = arith.select %and3A_667, %sub3A_669, %div3A_648 : i32
      %mul3A_671 = arith.constant 8 : i32
      %mul3A_672 = arith.muli %select_n3A_670, %mul3A_671 : i32
      %dma_start3A = arith.constant 0 : i32
      %dma_start3A_673 = arith.constant 0 : i32
      %dma_start3A_674 = tpu.memref_slice %arg1[%dma_start3A, %select_n3A_392, %min3A_532, %mul3A_564, %dma_start3A_673] : memref<4x2x96x96x256xi32, #tpu.memory_space<any>> -> memref<1x1x14x24x256xi32, #tpu.memory_space<any>>
      %dma_start3A_675 = tpu.memref_squeeze %dma_start3A_674 : memref<1x1x14x24x256xi32, #tpu.memory_space<any>> -> memref<14x24x256xi32, #tpu.memory_space<any>>
      tpu.enqueue_dma source(%dma_start3A_675 : memref<14x24x256xi32, #tpu.memory_space<any>>) target(%arg9 : memref<14x24x256xi32, #tpu.memory_space<vmem>>) target_semaphore(%arg14 : memref<!tpu.dma_semaphore, #tpu.memory_space<semaphore_mem>>)
      %dma_start3A_676 = arith.constant 1 : i32
      %dma_start3A_677 = arith.constant 0 : i32
      %dma_start3A_678 = tpu.memref_slice %arg1[%dma_start3A_676, %select_n3A_392, %min3A_568, %mul3A_600, %dma_start3A_677] : memref<4x2x96x96x256xi32, #tpu.memory_space<any>> -> memref<1x1x10x24x256xi32, #tpu.memory_space<any>>
      %dma_start3A_679 = tpu.memref_squeeze %dma_start3A_678 : memref<1x1x10x24x256xi32, #tpu.memory_space<any>> -> memref<10x24x256xi32, #tpu.memory_space<any>>
      tpu.enqueue_dma source(%dma_start3A_679 : memref<10x24x256xi32, #tpu.memory_space<any>>) target(%arg10 : memref<10x24x256xi32, #tpu.memory_space<vmem>>) target_semaphore(%arg14 : memref<!tpu.dma_semaphore, #tpu.memory_space<semaphore_mem>>)
      %dma_start3A_680 = arith.constant 2 : i32
      %dma_start3A_681 = arith.constant 0 : i32
      %dma_start3A_682 = tpu.memref_slice %arg1[%dma_start3A_680, %select_n3A_392, %min3A_604, %mul3A_636, %dma_start3A_681] : memref<4x2x96x96x256xi32, #tpu.memory_space<any>> -> memref<1x1x9x16x256xi32, #tpu.memory_space<any>>
      %dma_start3A_683 = tpu.memref_squeeze %dma_start3A_682 : memref<1x1x9x16x256xi32, #tpu.memory_space<any>> -> memref<9x16x256xi32, #tpu.memory_space<any>>
      tpu.enqueue_dma source(%dma_start3A_683 : memref<9x16x256xi32, #tpu.memory_space<any>>) target(%arg11 : memref<9x16x256xi32, #tpu.memory_space<vmem>>) target_semaphore(%arg14 : memref<!tpu.dma_semaphore, #tpu.memory_space<semaphore_mem>>)
      %dma_start3A_684 = arith.constant 3 : i32
      %dma_start3A_685 = arith.constant 0 : i32
      %dma_start3A_686 = tpu.memref_slice %arg1[%dma_start3A_684, %select_n3A_392, %min3A_640, %mul3A_672, %dma_start3A_685] : memref<4x2x96x96x256xi32, #tpu.memory_space<any>> -> memref<1x1x10x24x256xi32, #tpu.memory_space<any>>
      %dma_start3A_687 = tpu.memref_squeeze %dma_start3A_686 : memref<1x1x10x24x256xi32, #tpu.memory_space<any>> -> memref<10x24x256xi32, #tpu.memory_space<any>>
      tpu.enqueue_dma source(%dma_start3A_687 : memref<10x24x256xi32, #tpu.memory_space<any>>) target(%arg12 : memref<10x24x256xi32, #tpu.memory_space<vmem>>) target_semaphore(%arg14 : memref<!tpu.dma_semaphore, #tpu.memory_space<semaphore_mem>>)
    } else {
    }
    %add3A_23 = arith.constant 1 : i32
    %add3A_24 = arith.addi %arg0, %add3A_23 : i32
    %lt3A_25 = arith.constant 128 : i32
    %lt3A_26 = arith.cmpi slt, %add3A_24, %lt3A_25 : i32
    %add3A_27 = arith.constant 1 : i32
    %add3A_28 = arith.addi %arg0, %add3A_27 : i32
    %jit3A_29 = arith.constant 2 : i32
    %eq3A_30 = arith.constant 0 : i32
    %eq3A_31 = arith.cmpi eq, %jit3A_29, %eq3A_30 : i32
    %jit3A_32 = arith.constant 1 : i32
    %select_n3A_33 = arith.select %eq3A_31, %jit3A_32, %jit3A_29 : i32
    %rem3A_34 = arith.remsi %add3A_28, %select_n3A_33 : i32
    %ne3A_35 = arith.constant 0 : i32
    %ne3A_36 = arith.cmpi ne, %rem3A_34, %ne3A_35 : i32
    %lt3A_37 = arith.constant 0 : i32
    %lt3A_38 = arith.cmpi slt, %rem3A_34, %lt3A_37 : i32
    %lt3A_39 = arith.constant 0 : i32
    %lt3A_40 = arith.cmpi slt, %select_n3A_33, %lt3A_39 : i32
    %ne3A_41 = arith.xori %lt3A_38, %lt3A_40 : i1
    %and3A_42 = arith.andi %ne3A_41, %ne3A_36 : i1
    %add3A_43 = arith.addi %rem3A_34, %select_n3A_33 : i32
    %select_n3A_44 = arith.select %and3A_42, %add3A_43, %rem3A_34 : i32
    %eq3A_45 = arith.constant 0 : i32
    %eq3A_46 = arith.cmpi eq, %select_n3A_44, %eq3A_45 : i32
    %and3A_47 = arith.andi %lt3A_26, %eq3A_46 : i1
    %convert_element_type3A_48 = arith.extui %and3A_47 : i1 to i32
    %cond3A_49 = arith.constant 0 : i32
    %cond3A_50 = arith.cmpi ne, %convert_element_type3A_48, %cond3A_49 : i32
    scf.if %cond3A_50 {
      %add3A_367 = arith.constant 1 : i32
      %add3A_368 = arith.addi %arg0, %add3A_367 : i32
      %jit3A_369 = arith.constant 64 : i32
      %div3A_370 = arith.divsi %add3A_368, %jit3A_369 : i32
      %sign3A_371 = arith.constant 0 : i32
      %sign3A_372 = arith.cmpi sgt, %add3A_368, %sign3A_371 : i32
      %sign3A_373 = arith.extui %sign3A_372 : i1 to i32
      %sign3A_374 = arith.constant 0 : i32
      %sign3A_375 = arith.cmpi slt, %add3A_368, %sign3A_374 : i32
      %sign3A_376 = arith.extui %sign3A_375 : i1 to i32
      %sign3A_377 = arith.subi %sign3A_373, %sign3A_376 : i32
      %sign3A_378 = arith.constant 0 : i32
      %sign3A_379 = arith.cmpi sgt, %jit3A_369, %sign3A_378 : i32
      %sign3A_380 = arith.extui %sign3A_379 : i1 to i32
      %sign3A_381 = arith.constant 0 : i32
      %sign3A_382 = arith.cmpi slt, %jit3A_369, %sign3A_381 : i32
      %sign3A_383 = arith.extui %sign3A_382 : i1 to i32
      %sign3A_384 = arith.subi %sign3A_380, %sign3A_383 : i32
      %ne3A_385 = arith.cmpi ne, %sign3A_377, %sign3A_384 : i32
      %rem3A_386 = arith.remsi %add3A_368, %jit3A_369 : i32
      %ne3A_387 = arith.constant 0 : i32
      %ne3A_388 = arith.cmpi ne, %rem3A_386, %ne3A_387 : i32
      %and3A_389 = arith.andi %ne3A_385, %ne3A_388 : i1
      %sub3A_390 = arith.constant 1 : i32
      %sub3A_391 = arith.subi %div3A_370, %sub3A_390 : i32
      %select_n3A_392 = arith.select %and3A_389, %sub3A_391, %div3A_370 : i32
      %jit3A_393 = arith.constant 64 : i32
      %eq3A_394 = arith.constant 0 : i32
      %eq3A_395 = arith.cmpi eq, %jit3A_393, %eq3A_394 : i32
      %jit3A_396 = arith.constant 1 : i32
      %select_n3A_397 = arith.select %eq3A_395, %jit3A_396, %jit3A_393 : i32
      %rem3A_398 = arith.remsi %add3A_368, %select_n3A_397 : i32
      %ne3A_399 = arith.constant 0 : i32
      %ne3A_400 = arith.cmpi ne, %rem3A_398, %ne3A_399 : i32
      %lt3A_401 = arith.constant 0 : i32
      %lt3A_402 = arith.cmpi slt, %rem3A_398, %lt3A_401 : i32
      %lt3A_403 = arith.constant 0 : i32
      %lt3A_404 = arith.cmpi slt, %select_n3A_397, %lt3A_403 : i32
      %ne3A_405 = arith.xori %lt3A_402, %lt3A_404 : i1
      %and3A_406 = arith.andi %ne3A_405, %ne3A_400 : i1
      %add3A_407 = arith.addi %rem3A_398, %select_n3A_397 : i32
      %select_n3A_408 = arith.select %and3A_406, %add3A_407, %rem3A_398 : i32
      %jit3A_409 = arith.constant 8 : i32
      %div3A_410 = arith.divsi %select_n3A_408, %jit3A_409 : i32
      %sign3A_411 = arith.constant 0 : i32
      %sign3A_412 = arith.cmpi sgt, %select_n3A_408, %sign3A_411 : i32
      %sign3A_413 = arith.extui %sign3A_412 : i1 to i32
      %sign3A_414 = arith.constant 0 : i32
      %sign3A_415 = arith.cmpi slt, %select_n3A_408, %sign3A_414 : i32
      %sign3A_416 = arith.extui %sign3A_415 : i1 to i32
      %sign3A_417 = arith.subi %sign3A_413, %sign3A_416 : i32
      %sign3A_418 = arith.constant 0 : i32
      %sign3A_419 = arith.cmpi sgt, %jit3A_409, %sign3A_418 : i32
      %sign3A_420 = arith.extui %sign3A_419 : i1 to i32
      %sign3A_421 = arith.constant 0 : i32
      %sign3A_422 = arith.cmpi slt, %jit3A_409, %sign3A_421 : i32
      %sign3A_423 = arith.extui %sign3A_422 : i1 to i32
      %sign3A_424 = arith.subi %sign3A_420, %sign3A_423 : i32
      %ne3A_425 = arith.cmpi ne, %sign3A_417, %sign3A_424 : i32
      %rem3A_426 = arith.remsi %select_n3A_408, %jit3A_409 : i32
      %ne3A_427 = arith.constant 0 : i32
      %ne3A_428 = arith.cmpi ne, %rem3A_426, %ne3A_427 : i32
      %and3A_429 = arith.andi %ne3A_425, %ne3A_428 : i1
      %sub3A_430 = arith.constant 1 : i32
      %sub3A_431 = arith.subi %div3A_410, %sub3A_430 : i32
      %select_n3A_432 = arith.select %and3A_429, %sub3A_431, %div3A_410 : i32
      %jit3A_433 = arith.constant 8 : i32
      %eq3A_434 = arith.constant 0 : i32
      %eq3A_435 = arith.cmpi eq, %jit3A_433, %eq3A_434 : i32
      %jit3A_436 = arith.constant 1 : i32
      %select_n3A_437 = arith.select %eq3A_435, %jit3A_436, %jit3A_433 : i32
      %rem3A_438 = arith.remsi %select_n3A_408, %select_n3A_437 : i32
      %ne3A_439 = arith.constant 0 : i32
      %ne3A_440 = arith.cmpi ne, %rem3A_438, %ne3A_439 : i32
      %lt3A_441 = arith.constant 0 : i32
      %lt3A_442 = arith.cmpi slt, %rem3A_438, %lt3A_441 : i32
      %lt3A_443 = arith.constant 0 : i32
      %lt3A_444 = arith.cmpi slt, %select_n3A_437, %lt3A_443 : i32
      %ne3A_445 = arith.xori %lt3A_442, %lt3A_444 : i1
      %and3A_446 = arith.andi %ne3A_445, %ne3A_440 : i1
      %add3A_447 = arith.addi %rem3A_438, %select_n3A_437 : i32
      %select_n3A_448 = arith.select %and3A_446, %add3A_447, %rem3A_438 : i32
      %mul3A_449 = arith.constant 12 : i32
      %mul3A_450 = arith.muli %select_n3A_432, %mul3A_449 : i32
      %sub3A_451 = arith.constant 1 : i32
      %sub3A_452 = arith.subi %mul3A_450, %sub3A_451 : i32
      %mul3A_453 = arith.constant 12 : i32
      %mul3A_454 = arith.muli %select_n3A_448, %mul3A_453 : i32
      %sub3A_455 = arith.constant 1 : i32
      %sub3A_456 = arith.subi %mul3A_454, %sub3A_455 : i32
      %mul3A_457 = arith.constant 6 : i32
      %mul3A_458 = arith.muli %select_n3A_432, %mul3A_457 : i32
      %sub3A_459 = arith.constant 2 : i32
      %sub3A_460 = arith.subi %mul3A_458, %sub3A_459 : i32
      %mul3A_461 = arith.constant 6 : i32
      %mul3A_462 = arith.muli %select_n3A_448, %mul3A_461 : i32
      %sub3A_463 = arith.constant 2 : i32
      %sub3A_464 = arith.subi %mul3A_462, %sub3A_463 : i32
      %mul3A_465 = arith.constant 3 : i32
      %mul3A_466 = arith.muli %select_n3A_432, %mul3A_465 : i32
      %sub3A_467 = arith.constant 3 : i32
      %sub3A_468 = arith.subi %mul3A_466, %sub3A_467 : i32
      %mul3A_469 = arith.constant 3 : i32
      %mul3A_470 = arith.muli %select_n3A_448, %mul3A_469 : i32
      %sub3A_471 = arith.constant 3 : i32
      %sub3A_472 = arith.subi %mul3A_470, %sub3A_471 : i32
      %mul3A_473 = arith.constant 3 : i32
      %mul3A_474 = arith.muli %select_n3A_432, %mul3A_473 : i32
      %jit3A_475 = arith.constant 2 : i32
      %div3A_476 = arith.divsi %mul3A_474, %jit3A_475 : i32
      %sign3A_477 = arith.constant 0 : i32
      %sign3A_478 = arith.cmpi sgt, %mul3A_474, %sign3A_477 : i32
      %sign3A_479 = arith.extui %sign3A_478 : i1 to i32
      %sign3A_480 = arith.constant 0 : i32
      %sign3A_481 = arith.cmpi slt, %mul3A_474, %sign3A_480 : i32
      %sign3A_482 = arith.extui %sign3A_481 : i1 to i32
      %sign3A_483 = arith.subi %sign3A_479, %sign3A_482 : i32
      %sign3A_484 = arith.constant 0 : i32
      %sign3A_485 = arith.cmpi sgt, %jit3A_475, %sign3A_484 : i32
      %sign3A_486 = arith.extui %sign3A_485 : i1 to i32
      %sign3A_487 = arith.constant 0 : i32
      %sign3A_488 = arith.cmpi slt, %jit3A_475, %sign3A_487 : i32
      %sign3A_489 = arith.extui %sign3A_488 : i1 to i32
      %sign3A_490 = arith.subi %sign3A_486, %sign3A_489 : i32
      %ne3A_491 = arith.cmpi ne, %sign3A_483, %sign3A_490 : i32
      %rem3A_492 = arith.remsi %mul3A_474, %jit3A_475 : i32
      %ne3A_493 = arith.constant 0 : i32
      %ne3A_494 = arith.cmpi ne, %rem3A_492, %ne3A_493 : i32
      %and3A_495 = arith.andi %ne3A_491, %ne3A_494 : i1
      %sub3A_496 = arith.constant 1 : i32
      %sub3A_497 = arith.subi %div3A_476, %sub3A_496 : i32
      %select_n3A_498 = arith.select %and3A_495, %sub3A_497, %div3A_476 : i32
      %sub3A_499 = arith.constant 4 : i32
      %sub3A_500 = arith.subi %select_n3A_498, %sub3A_499 : i32
      %mul3A_501 = arith.constant 3 : i32
      %mul3A_502 = arith.muli %select_n3A_448, %mul3A_501 : i32
      %jit3A_503 = arith.constant 2 : i32
      %div3A_504 = arith.divsi %mul3A_502, %jit3A_503 : i32
      %sign3A_505 = arith.constant 0 : i32
      %sign3A_506 = arith.cmpi sgt, %mul3A_502, %sign3A_505 : i32
      %sign3A_507 = arith.extui %sign3A_506 : i1 to i32
      %sign3A_508 = arith.constant 0 : i32
      %sign3A_509 = arith.cmpi slt, %mul3A_502, %sign3A_508 : i32
      %sign3A_510 = arith.extui %sign3A_509 : i1 to i32
      %sign3A_511 = arith.subi %sign3A_507, %sign3A_510 : i32
      %sign3A_512 = arith.constant 0 : i32
      %sign3A_513 = arith.cmpi sgt, %jit3A_503, %sign3A_512 : i32
      %sign3A_514 = arith.extui %sign3A_513 : i1 to i32
      %sign3A_515 = arith.constant 0 : i32
      %sign3A_516 = arith.cmpi slt, %jit3A_503, %sign3A_515 : i32
      %sign3A_517 = arith.extui %sign3A_516 : i1 to i32
      %sign3A_518 = arith.subi %sign3A_514, %sign3A_517 : i32
      %ne3A_519 = arith.cmpi ne, %sign3A_511, %sign3A_518 : i32
      %rem3A_520 = arith.remsi %mul3A_502, %jit3A_503 : i32
      %ne3A_521 = arith.constant 0 : i32
      %ne3A_522 = arith.cmpi ne, %rem3A_520, %ne3A_521 : i32
      %and3A_523 = arith.andi %ne3A_519, %ne3A_522 : i1
      %sub3A_524 = arith.constant 1 : i32
      %sub3A_525 = arith.subi %div3A_504, %sub3A_524 : i32
      %select_n3A_526 = arith.select %and3A_523, %sub3A_525, %div3A_504 : i32
      %sub3A_527 = arith.constant 4 : i32
      %sub3A_528 = arith.subi %select_n3A_526, %sub3A_527 : i32
      %jit3A_529 = arith.constant 0 : i32
      %jit3A_530 = arith.constant 82 : i32
      %max3A_531 = arith.maxsi %jit3A_529, %sub3A_452 : i32
      %min3A_532 = arith.minsi %jit3A_530, %max3A_531 : i32
      %jit3A_533 = arith.constant 0 : i32
      %jit3A_534 = arith.constant 82 : i32
      %max3A_535 = arith.maxsi %jit3A_533, %sub3A_456 : i32
      %min3A_536 = arith.minsi %jit3A_534, %max3A_535 : i32
      %min3A_537 = arith.constant 72 : i32
      %min3A_538 = arith.minsi %min3A_536, %min3A_537 : i32
      %jit3A_539 = arith.constant 8 : i32
      %div3A_540 = arith.divsi %min3A_538, %jit3A_539 : i32
      %sign3A_541 = arith.constant 0 : i32
      %sign3A_542 = arith.cmpi sgt, %min3A_538, %sign3A_541 : i32
      %sign3A_543 = arith.extui %sign3A_542 : i1 to i32
      %sign3A_544 = arith.constant 0 : i32
      %sign3A_545 = arith.cmpi slt, %min3A_538, %sign3A_544 : i32
      %sign3A_546 = arith.extui %sign3A_545 : i1 to i32
      %sign3A_547 = arith.subi %sign3A_543, %sign3A_546 : i32
      %sign3A_548 = arith.constant 0 : i32
      %sign3A_549 = arith.cmpi sgt, %jit3A_539, %sign3A_548 : i32
      %sign3A_550 = arith.extui %sign3A_549 : i1 to i32
      %sign3A_551 = arith.constant 0 : i32
      %sign3A_552 = arith.cmpi slt, %jit3A_539, %sign3A_551 : i32
      %sign3A_553 = arith.extui %sign3A_552 : i1 to i32
      %sign3A_554 = arith.subi %sign3A_550, %sign3A_553 : i32
      %ne3A_555 = arith.cmpi ne, %sign3A_547, %sign3A_554 : i32
      %rem3A_556 = arith.remsi %min3A_538, %jit3A_539 : i32
      %ne3A_557 = arith.constant 0 : i32
      %ne3A_558 = arith.cmpi ne, %rem3A_556, %ne3A_557 : i32
      %and3A_559 = arith.andi %ne3A_555, %ne3A_558 : i1
      %sub3A_560 = arith.constant 1 : i32
      %sub3A_561 = arith.subi %div3A_540, %sub3A_560 : i32
      %select_n3A_562 = arith.select %and3A_559, %sub3A_561, %div3A_540 : i32
      %mul3A_563 = arith.constant 8 : i32
      %mul3A_564 = arith.muli %select_n3A_562, %mul3A_563 : i32
      %jit3A_565 = arith.constant 0 : i32
      %jit3A_566 = arith.constant 38 : i32
      %max3A_567 = arith.maxsi %jit3A_565, %sub3A_460 : i32
      %min3A_568 = arith.minsi %jit3A_566, %max3A_567 : i32
      %jit3A_569 = arith.constant 0 : i32
      %jit3A_570 = arith.constant 38 : i32
      %max3A_571 = arith.maxsi %jit3A_569, %sub3A_464 : i32
      %min3A_572 = arith.minsi %jit3A_570, %max3A_571 : i32
      %min3A_573 = arith.constant 72 : i32
      %min3A_574 = arith.minsi %min3A_572, %min3A_573 : i32
      %jit3A_575 = arith.constant 8 : i32
      %div3A_576 = arith.divsi %min3A_574, %jit3A_575 : i32
      %sign3A_577 = arith.constant 0 : i32
      %sign3A_578 = arith.cmpi sgt, %min3A_574, %sign3A_577 : i32
      %sign3A_579 = arith.extui %sign3A_578 : i1 to i32
      %sign3A_580 = arith.constant 0 : i32
      %sign3A_581 = arith.cmpi slt, %min3A_574, %sign3A_580 : i32
      %sign3A_582 = arith.extui %sign3A_581 : i1 to i32
      %sign3A_583 = arith.subi %sign3A_579, %sign3A_582 : i32
      %sign3A_584 = arith.constant 0 : i32
      %sign3A_585 = arith.cmpi sgt, %jit3A_575, %sign3A_584 : i32
      %sign3A_586 = arith.extui %sign3A_585 : i1 to i32
      %sign3A_587 = arith.constant 0 : i32
      %sign3A_588 = arith.cmpi slt, %jit3A_575, %sign3A_587 : i32
      %sign3A_589 = arith.extui %sign3A_588 : i1 to i32
      %sign3A_590 = arith.subi %sign3A_586, %sign3A_589 : i32
      %ne3A_591 = arith.cmpi ne, %sign3A_583, %sign3A_590 : i32
      %rem3A_592 = arith.remsi %min3A_574, %jit3A_575 : i32
      %ne3A_593 = arith.constant 0 : i32
      %ne3A_594 = arith.cmpi ne, %rem3A_592, %ne3A_593 : i32
      %and3A_595 = arith.andi %ne3A_591, %ne3A_594 : i1
      %sub3A_596 = arith.constant 1 : i32
      %sub3A_597 = arith.subi %div3A_576, %sub3A_596 : i32
      %select_n3A_598 = arith.select %and3A_595, %sub3A_597, %div3A_576 : i32
      %mul3A_599 = arith.constant 8 : i32
      %mul3A_600 = arith.muli %select_n3A_598, %mul3A_599 : i32
      %jit3A_601 = arith.constant 0 : i32
      %jit3A_602 = arith.constant 15 : i32
      %max3A_603 = arith.maxsi %jit3A_601, %sub3A_468 : i32
      %min3A_604 = arith.minsi %jit3A_602, %max3A_603 : i32
      %jit3A_605 = arith.constant 0 : i32
      %jit3A_606 = arith.constant 15 : i32
      %max3A_607 = arith.maxsi %jit3A_605, %sub3A_472 : i32
      %min3A_608 = arith.minsi %jit3A_606, %max3A_607 : i32
      %min3A_609 = arith.constant 80 : i32
      %min3A_610 = arith.minsi %min3A_608, %min3A_609 : i32
      %jit3A_611 = arith.constant 8 : i32
      %div3A_612 = arith.divsi %min3A_610, %jit3A_611 : i32
      %sign3A_613 = arith.constant 0 : i32
      %sign3A_614 = arith.cmpi sgt, %min3A_610, %sign3A_613 : i32
      %sign3A_615 = arith.extui %sign3A_614 : i1 to i32
      %sign3A_616 = arith.constant 0 : i32
      %sign3A_617 = arith.cmpi slt, %min3A_610, %sign3A_616 : i32
      %sign3A_618 = arith.extui %sign3A_617 : i1 to i32
      %sign3A_619 = arith.subi %sign3A_615, %sign3A_618 : i32
      %sign3A_620 = arith.constant 0 : i32
      %sign3A_621 = arith.cmpi sgt, %jit3A_611, %sign3A_620 : i32
      %sign3A_622 = arith.extui %sign3A_621 : i1 to i32
      %sign3A_623 = arith.constant 0 : i32
      %sign3A_624 = arith.cmpi slt, %jit3A_611, %sign3A_623 : i32
      %sign3A_625 = arith.extui %sign3A_624 : i1 to i32
      %sign3A_626 = arith.subi %sign3A_622, %sign3A_625 : i32
      %ne3A_627 = arith.cmpi ne, %sign3A_619, %sign3A_626 : i32
      %rem3A_628 = arith.remsi %min3A_610, %jit3A_611 : i32
      %ne3A_629 = arith.constant 0 : i32
      %ne3A_630 = arith.cmpi ne, %rem3A_628, %ne3A_629 : i32
      %and3A_631 = arith.andi %ne3A_627, %ne3A_630 : i1
      %sub3A_632 = arith.constant 1 : i32
      %sub3A_633 = arith.subi %div3A_612, %sub3A_632 : i32
      %select_n3A_634 = arith.select %and3A_631, %sub3A_633, %div3A_612 : i32
      %mul3A_635 = arith.constant 8 : i32
      %mul3A_636 = arith.muli %select_n3A_634, %mul3A_635 : i32
      %jit3A_637 = arith.constant 0 : i32
      %jit3A_638 = arith.constant 2 : i32
      %max3A_639 = arith.maxsi %jit3A_637, %sub3A_500 : i32
      %min3A_640 = arith.minsi %jit3A_638, %max3A_639 : i32
      %jit3A_641 = arith.constant 0 : i32
      %jit3A_642 = arith.constant 2 : i32
      %max3A_643 = arith.maxsi %jit3A_641, %sub3A_528 : i32
      %min3A_644 = arith.minsi %jit3A_642, %max3A_643 : i32
      %min3A_645 = arith.constant 72 : i32
      %min3A_646 = arith.minsi %min3A_644, %min3A_645 : i32
      %jit3A_647 = arith.constant 8 : i32
      %div3A_648 = arith.divsi %min3A_646, %jit3A_647 : i32
      %sign3A_649 = arith.constant 0 : i32
      %sign3A_650 = arith.cmpi sgt, %min3A_646, %sign3A_649 : i32
      %sign3A_651 = arith.extui %sign3A_650 : i1 to i32
      %sign3A_652 = arith.constant 0 : i32
      %sign3A_653 = arith.cmpi slt, %min3A_646, %sign3A_652 : i32
      %sign3A_654 = arith.extui %sign3A_653 : i1 to i32
      %sign3A_655 = arith.subi %sign3A_651, %sign3A_654 : i32
      %sign3A_656 = arith.constant 0 : i32
      %sign3A_657 = arith.cmpi sgt, %jit3A_647, %sign3A_656 : i32
      %sign3A_658 = arith.extui %sign3A_657 : i1 to i32
      %sign3A_659 = arith.constant 0 : i32
      %sign3A_660 = arith.cmpi slt, %jit3A_647, %sign3A_659 : i32
      %sign3A_661 = arith.extui %sign3A_660 : i1 to i32
      %sign3A_662 = arith.subi %sign3A_658, %sign3A_661 : i32
      %ne3A_663 = arith.cmpi ne, %sign3A_655, %sign3A_662 : i32
      %rem3A_664 = arith.remsi %min3A_646, %jit3A_647 : i32
      %ne3A_665 = arith.constant 0 : i32
      %ne3A_666 = arith.cmpi ne, %rem3A_664, %ne3A_665 : i32
      %and3A_667 = arith.andi %ne3A_663, %ne3A_666 : i1
      %sub3A_668 = arith.constant 1 : i32
      %sub3A_669 = arith.subi %div3A_648, %sub3A_668 : i32
      %select_n3A_670 = arith.select %and3A_667, %sub3A_669, %div3A_648 : i32
      %mul3A_671 = arith.constant 8 : i32
      %mul3A_672 = arith.muli %select_n3A_670, %mul3A_671 : i32
      %dma_start3A = arith.constant 0 : i32
      %dma_start3A_673 = arith.constant 0 : i32
      %dma_start3A_674 = tpu.memref_slice %arg1[%dma_start3A, %select_n3A_392, %min3A_532, %mul3A_564, %dma_start3A_673] : memref<4x2x96x96x256xi32, #tpu.memory_space<any>> -> memref<1x1x14x24x256xi32, #tpu.memory_space<any>>
      %dma_start3A_675 = tpu.memref_squeeze %dma_start3A_674 : memref<1x1x14x24x256xi32, #tpu.memory_space<any>> -> memref<14x24x256xi32, #tpu.memory_space<any>>
      tpu.enqueue_dma source(%dma_start3A_675 : memref<14x24x256xi32, #tpu.memory_space<any>>) target(%arg5 : memref<14x24x256xi32, #tpu.memory_space<vmem>>) target_semaphore(%arg13 : memref<!tpu.dma_semaphore, #tpu.memory_space<semaphore_mem>>)
      %dma_start3A_676 = arith.constant 1 : i32
      %dma_start3A_677 = arith.constant 0 : i32
      %dma_start3A_678 = tpu.memref_slice %arg1[%dma_start3A_676, %select_n3A_392, %min3A_568, %mul3A_600, %dma_start3A_677] : memref<4x2x96x96x256xi32, #tpu.memory_space<any>> -> memref<1x1x10x24x256xi32, #tpu.memory_space<any>>
      %dma_start3A_679 = tpu.memref_squeeze %dma_start3A_678 : memref<1x1x10x24x256xi32, #tpu.memory_space<any>> -> memref<10x24x256xi32, #tpu.memory_space<any>>
      tpu.enqueue_dma source(%dma_start3A_679 : memref<10x24x256xi32, #tpu.memory_space<any>>) target(%arg6 : memref<10x24x256xi32, #tpu.memory_space<vmem>>) target_semaphore(%arg13 : memref<!tpu.dma_semaphore, #tpu.memory_space<semaphore_mem>>)
      %dma_start3A_680 = arith.constant 2 : i32
      %dma_start3A_681 = arith.constant 0 : i32
      %dma_start3A_682 = tpu.memref_slice %arg1[%dma_start3A_680, %select_n3A_392, %min3A_604, %mul3A_636, %dma_start3A_681] : memref<4x2x96x96x256xi32, #tpu.memory_space<any>> -> memref<1x1x9x16x256xi32, #tpu.memory_space<any>>
      %dma_start3A_683 = tpu.memref_squeeze %dma_start3A_682 : memref<1x1x9x16x256xi32, #tpu.memory_space<any>> -> memref<9x16x256xi32, #tpu.memory_space<any>>
      tpu.enqueue_dma source(%dma_start3A_683 : memref<9x16x256xi32, #tpu.memory_space<any>>) target(%arg7 : memref<9x16x256xi32, #tpu.memory_space<vmem>>) target_semaphore(%arg13 : memref<!tpu.dma_semaphore, #tpu.memory_space<semaphore_mem>>)
      %dma_start3A_684 = arith.constant 3 : i32
      %dma_start3A_685 = arith.constant 0 : i32
      %dma_start3A_686 = tpu.memref_slice %arg1[%dma_start3A_684, %select_n3A_392, %min3A_640, %mul3A_672, %dma_start3A_685] : memref<4x2x96x96x256xi32, #tpu.memory_space<any>> -> memref<1x1x10x24x256xi32, #tpu.memory_space<any>>
      %dma_start3A_687 = tpu.memref_squeeze %dma_start3A_686 : memref<1x1x10x24x256xi32, #tpu.memory_space<any>> -> memref<10x24x256xi32, #tpu.memory_space<any>>
      tpu.enqueue_dma source(%dma_start3A_687 : memref<10x24x256xi32, #tpu.memory_space<any>>) target(%arg8 : memref<10x24x256xi32, #tpu.memory_space<vmem>>) target_semaphore(%arg13 : memref<!tpu.dma_semaphore, #tpu.memory_space<semaphore_mem>>)
    } else {
    }
    %jit3A_51 = arith.constant 64 : i32
    %eq3A_52 = arith.constant 0 : i32
    %eq3A_53 = arith.cmpi eq, %jit3A_51, %eq3A_52 : i32
    %jit3A_54 = arith.constant 1 : i32
    %select_n3A_55 = arith.select %eq3A_53, %jit3A_54, %jit3A_51 : i32
    %rem3A_56 = arith.remsi %arg0, %select_n3A_55 : i32
    %ne3A_57 = arith.constant 0 : i32
    %ne3A_58 = arith.cmpi ne, %rem3A_56, %ne3A_57 : i32
    %lt3A_59 = arith.constant 0 : i32
    %lt3A_60 = arith.cmpi slt, %rem3A_56, %lt3A_59 : i32
    %lt3A_61 = arith.constant 0 : i32
    %lt3A_62 = arith.cmpi slt, %select_n3A_55, %lt3A_61 : i32
    %ne3A_63 = arith.xori %lt3A_60, %lt3A_62 : i1
    %and3A_64 = arith.andi %ne3A_63, %ne3A_58 : i1
    %add3A_65 = arith.addi %rem3A_56, %select_n3A_55 : i32
    %select_n3A_66 = arith.select %and3A_64, %add3A_65, %rem3A_56 : i32
    %jit3A_67 = arith.constant 8 : i32
    %div3A = arith.divsi %select_n3A_66, %jit3A_67 : i32
    %sign3A = arith.constant 0 : i32
    %sign3A_68 = arith.cmpi sgt, %select_n3A_66, %sign3A : i32
    %sign3A_69 = arith.extui %sign3A_68 : i1 to i32
    %sign3A_70 = arith.constant 0 : i32
    %sign3A_71 = arith.cmpi slt, %select_n3A_66, %sign3A_70 : i32
    %sign3A_72 = arith.extui %sign3A_71 : i1 to i32
    %sign3A_73 = arith.subi %sign3A_69, %sign3A_72 : i32
    %sign3A_74 = arith.constant 0 : i32
    %sign3A_75 = arith.cmpi sgt, %jit3A_67, %sign3A_74 : i32
    %sign3A_76 = arith.extui %sign3A_75 : i1 to i32
    %sign3A_77 = arith.constant 0 : i32
    %sign3A_78 = arith.cmpi slt, %jit3A_67, %sign3A_77 : i32
    %sign3A_79 = arith.extui %sign3A_78 : i1 to i32
    %sign3A_80 = arith.subi %sign3A_76, %sign3A_79 : i32
    %ne3A_81 = arith.cmpi ne, %sign3A_73, %sign3A_80 : i32
    %rem3A_82 = arith.remsi %select_n3A_66, %jit3A_67 : i32
    %ne3A_83 = arith.constant 0 : i32
    %ne3A_84 = arith.cmpi ne, %rem3A_82, %ne3A_83 : i32
    %and3A_85 = arith.andi %ne3A_81, %ne3A_84 : i1
    %sub3A = arith.constant 1 : i32
    %sub3A_86 = arith.subi %div3A, %sub3A : i32
    %select_n3A_87 = arith.select %and3A_85, %sub3A_86, %div3A : i32
    %jit3A_88 = arith.constant 8 : i32
    %eq3A_89 = arith.constant 0 : i32
    %eq3A_90 = arith.cmpi eq, %jit3A_88, %eq3A_89 : i32
    %jit3A_91 = arith.constant 1 : i32
    %select_n3A_92 = arith.select %eq3A_90, %jit3A_91, %jit3A_88 : i32
    %rem3A_93 = arith.remsi %select_n3A_66, %select_n3A_92 : i32
    %ne3A_94 = arith.constant 0 : i32
    %ne3A_95 = arith.cmpi ne, %rem3A_93, %ne3A_94 : i32
    %lt3A_96 = arith.constant 0 : i32
    %lt3A_97 = arith.cmpi slt, %rem3A_93, %lt3A_96 : i32
    %lt3A_98 = arith.constant 0 : i32
    %lt3A_99 = arith.cmpi slt, %select_n3A_92, %lt3A_98 : i32
    %ne3A_100 = arith.xori %lt3A_97, %lt3A_99 : i1
    %and3A_101 = arith.andi %ne3A_100, %ne3A_95 : i1
    %add3A_102 = arith.addi %rem3A_93, %select_n3A_92 : i32
    %select_n3A_103 = arith.select %and3A_101, %add3A_102, %rem3A_93 : i32
    %mul3A = arith.constant 12 : i32
    %mul3A_104 = arith.muli %select_n3A_87, %mul3A : i32
    %sub3A_105 = arith.constant 1 : i32
    %sub3A_106 = arith.subi %mul3A_104, %sub3A_105 : i32
    %mul3A_107 = arith.constant 12 : i32
    %mul3A_108 = arith.muli %select_n3A_103, %mul3A_107 : i32
    %sub3A_109 = arith.constant 1 : i32
    %sub3A_110 = arith.subi %mul3A_108, %sub3A_109 : i32
    %mul3A_111 = arith.constant 6 : i32
    %mul3A_112 = arith.muli %select_n3A_87, %mul3A_111 : i32
    %sub3A_113 = arith.constant 2 : i32
    %sub3A_114 = arith.subi %mul3A_112, %sub3A_113 : i32
    %mul3A_115 = arith.constant 6 : i32
    %mul3A_116 = arith.muli %select_n3A_103, %mul3A_115 : i32
    %sub3A_117 = arith.constant 2 : i32
    %sub3A_118 = arith.subi %mul3A_116, %sub3A_117 : i32
    %mul3A_119 = arith.constant 3 : i32
    %mul3A_120 = arith.muli %select_n3A_87, %mul3A_119 : i32
    %sub3A_121 = arith.constant 3 : i32
    %sub3A_122 = arith.subi %mul3A_120, %sub3A_121 : i32
    %mul3A_123 = arith.constant 3 : i32
    %mul3A_124 = arith.muli %select_n3A_103, %mul3A_123 : i32
    %sub3A_125 = arith.constant 3 : i32
    %sub3A_126 = arith.subi %mul3A_124, %sub3A_125 : i32
    %mul3A_127 = arith.constant 3 : i32
    %mul3A_128 = arith.muli %select_n3A_87, %mul3A_127 : i32
    %jit3A_129 = arith.constant 2 : i32
    %div3A_130 = arith.divsi %mul3A_128, %jit3A_129 : i32
    %sign3A_131 = arith.constant 0 : i32
    %sign3A_132 = arith.cmpi sgt, %mul3A_128, %sign3A_131 : i32
    %sign3A_133 = arith.extui %sign3A_132 : i1 to i32
    %sign3A_134 = arith.constant 0 : i32
    %sign3A_135 = arith.cmpi slt, %mul3A_128, %sign3A_134 : i32
    %sign3A_136 = arith.extui %sign3A_135 : i1 to i32
    %sign3A_137 = arith.subi %sign3A_133, %sign3A_136 : i32
    %sign3A_138 = arith.constant 0 : i32
    %sign3A_139 = arith.cmpi sgt, %jit3A_129, %sign3A_138 : i32
    %sign3A_140 = arith.extui %sign3A_139 : i1 to i32
    %sign3A_141 = arith.constant 0 : i32
    %sign3A_142 = arith.cmpi slt, %jit3A_129, %sign3A_141 : i32
    %sign3A_143 = arith.extui %sign3A_142 : i1 to i32
    %sign3A_144 = arith.subi %sign3A_140, %sign3A_143 : i32
    %ne3A_145 = arith.cmpi ne, %sign3A_137, %sign3A_144 : i32
    %rem3A_146 = arith.remsi %mul3A_128, %jit3A_129 : i32
    %ne3A_147 = arith.constant 0 : i32
    %ne3A_148 = arith.cmpi ne, %rem3A_146, %ne3A_147 : i32
    %and3A_149 = arith.andi %ne3A_145, %ne3A_148 : i1
    %sub3A_150 = arith.constant 1 : i32
    %sub3A_151 = arith.subi %div3A_130, %sub3A_150 : i32
    %select_n3A_152 = arith.select %and3A_149, %sub3A_151, %div3A_130 : i32
    %sub3A_153 = arith.constant 4 : i32
    %sub3A_154 = arith.subi %select_n3A_152, %sub3A_153 : i32
    %mul3A_155 = arith.constant 3 : i32
    %mul3A_156 = arith.muli %select_n3A_103, %mul3A_155 : i32
    %jit3A_157 = arith.constant 2 : i32
    %div3A_158 = arith.divsi %mul3A_156, %jit3A_157 : i32
    %sign3A_159 = arith.constant 0 : i32
    %sign3A_160 = arith.cmpi sgt, %mul3A_156, %sign3A_159 : i32
    %sign3A_161 = arith.extui %sign3A_160 : i1 to i32
    %sign3A_162 = arith.constant 0 : i32
    %sign3A_163 = arith.cmpi slt, %mul3A_156, %sign3A_162 : i32
    %sign3A_164 = arith.extui %sign3A_163 : i1 to i32
    %sign3A_165 = arith.subi %sign3A_161, %sign3A_164 : i32
    %sign3A_166 = arith.constant 0 : i32
    %sign3A_167 = arith.cmpi sgt, %jit3A_157, %sign3A_166 : i32
    %sign3A_168 = arith.extui %sign3A_167 : i1 to i32
    %sign3A_169 = arith.constant 0 : i32
    %sign3A_170 = arith.cmpi slt, %jit3A_157, %sign3A_169 : i32
    %sign3A_171 = arith.extui %sign3A_170 : i1 to i32
    %sign3A_172 = arith.subi %sign3A_168, %sign3A_171 : i32
    %ne3A_173 = arith.cmpi ne, %sign3A_165, %sign3A_172 : i32
    %rem3A_174 = arith.remsi %mul3A_156, %jit3A_157 : i32
    %ne3A_175 = arith.constant 0 : i32
    %ne3A_176 = arith.cmpi ne, %rem3A_174, %ne3A_175 : i32
    %and3A_177 = arith.andi %ne3A_173, %ne3A_176 : i1
    %sub3A_178 = arith.constant 1 : i32
    %sub3A_179 = arith.subi %div3A_158, %sub3A_178 : i32
    %select_n3A_180 = arith.select %and3A_177, %sub3A_179, %div3A_158 : i32
    %sub3A_181 = arith.constant 4 : i32
    %sub3A_182 = arith.subi %select_n3A_180, %sub3A_181 : i32
    %jit3A_183 = arith.constant 0 : i32
    %jit3A_184 = arith.constant 82 : i32
    %max3A = arith.maxsi %jit3A_183, %sub3A_106 : i32
    %min3A = arith.minsi %jit3A_184, %max3A : i32
    %jit3A_185 = arith.constant 0 : i32
    %jit3A_186 = arith.constant 82 : i32
    %max3A_187 = arith.maxsi %jit3A_185, %sub3A_110 : i32
    %min3A_188 = arith.minsi %jit3A_186, %max3A_187 : i32
    %min3A_189 = arith.constant 72 : i32
    %min3A_190 = arith.minsi %min3A_188, %min3A_189 : i32
    %jit3A_191 = arith.constant 8 : i32
    %div3A_192 = arith.divsi %min3A_190, %jit3A_191 : i32
    %sign3A_193 = arith.constant 0 : i32
    %sign3A_194 = arith.cmpi sgt, %min3A_190, %sign3A_193 : i32
    %sign3A_195 = arith.extui %sign3A_194 : i1 to i32
    %sign3A_196 = arith.constant 0 : i32
    %sign3A_197 = arith.cmpi slt, %min3A_190, %sign3A_196 : i32
    %sign3A_198 = arith.extui %sign3A_197 : i1 to i32
    %sign3A_199 = arith.subi %sign3A_195, %sign3A_198 : i32
    %sign3A_200 = arith.constant 0 : i32
    %sign3A_201 = arith.cmpi sgt, %jit3A_191, %sign3A_200 : i32
    %sign3A_202 = arith.extui %sign3A_201 : i1 to i32
    %sign3A_203 = arith.constant 0 : i32
    %sign3A_204 = arith.cmpi slt, %jit3A_191, %sign3A_203 : i32
    %sign3A_205 = arith.extui %sign3A_204 : i1 to i32
    %sign3A_206 = arith.subi %sign3A_202, %sign3A_205 : i32
    %ne3A_207 = arith.cmpi ne, %sign3A_199, %sign3A_206 : i32
    %rem3A_208 = arith.remsi %min3A_190, %jit3A_191 : i32
    %ne3A_209 = arith.constant 0 : i32
    %ne3A_210 = arith.cmpi ne, %rem3A_208, %ne3A_209 : i32
    %and3A_211 = arith.andi %ne3A_207, %ne3A_210 : i1
    %sub3A_212 = arith.constant 1 : i32
    %sub3A_213 = arith.subi %div3A_192, %sub3A_212 : i32
    %select_n3A_214 = arith.select %and3A_211, %sub3A_213, %div3A_192 : i32
    %mul3A_215 = arith.constant 8 : i32
    %mul3A_216 = arith.muli %select_n3A_214, %mul3A_215 : i32
    %jit3A_217 = arith.constant 0 : i32
    %jit3A_218 = arith.constant 38 : i32
    %max3A_219 = arith.maxsi %jit3A_217, %sub3A_114 : i32
    %min3A_220 = arith.minsi %jit3A_218, %max3A_219 : i32
    %jit3A_221 = arith.constant 0 : i32
    %jit3A_222 = arith.constant 38 : i32
    %max3A_223 = arith.maxsi %jit3A_221, %sub3A_118 : i32
    %min3A_224 = arith.minsi %jit3A_222, %max3A_223 : i32
    %min3A_225 = arith.constant 72 : i32
    %min3A_226 = arith.minsi %min3A_224, %min3A_225 : i32
    %jit3A_227 = arith.constant 8 : i32
    %div3A_228 = arith.divsi %min3A_226, %jit3A_227 : i32
    %sign3A_229 = arith.constant 0 : i32
    %sign3A_230 = arith.cmpi sgt, %min3A_226, %sign3A_229 : i32
    %sign3A_231 = arith.extui %sign3A_230 : i1 to i32
    %sign3A_232 = arith.constant 0 : i32
    %sign3A_233 = arith.cmpi slt, %min3A_226, %sign3A_232 : i32
    %sign3A_234 = arith.extui %sign3A_233 : i1 to i32
    %sign3A_235 = arith.subi %sign3A_231, %sign3A_234 : i32
    %sign3A_236 = arith.constant 0 : i32
    %sign3A_237 = arith.cmpi sgt, %jit3A_227, %sign3A_236 : i32
    %sign3A_238 = arith.extui %sign3A_237 : i1 to i32
    %sign3A_239 = arith.constant 0 : i32
    %sign3A_240 = arith.cmpi slt, %jit3A_227, %sign3A_239 : i32
    %sign3A_241 = arith.extui %sign3A_240 : i1 to i32
    %sign3A_242 = arith.subi %sign3A_238, %sign3A_241 : i32
    %ne3A_243 = arith.cmpi ne, %sign3A_235, %sign3A_242 : i32
    %rem3A_244 = arith.remsi %min3A_226, %jit3A_227 : i32
    %ne3A_245 = arith.constant 0 : i32
    %ne3A_246 = arith.cmpi ne, %rem3A_244, %ne3A_245 : i32
    %and3A_247 = arith.andi %ne3A_243, %ne3A_246 : i1
    %sub3A_248 = arith.constant 1 : i32
    %sub3A_249 = arith.subi %div3A_228, %sub3A_248 : i32
    %select_n3A_250 = arith.select %and3A_247, %sub3A_249, %div3A_228 : i32
    %mul3A_251 = arith.constant 8 : i32
    %mul3A_252 = arith.muli %select_n3A_250, %mul3A_251 : i32
    %jit3A_253 = arith.constant 0 : i32
    %jit3A_254 = arith.constant 15 : i32
    %max3A_255 = arith.maxsi %jit3A_253, %sub3A_122 : i32
    %min3A_256 = arith.minsi %jit3A_254, %max3A_255 : i32
    %jit3A_257 = arith.constant 0 : i32
    %jit3A_258 = arith.constant 15 : i32
    %max3A_259 = arith.maxsi %jit3A_257, %sub3A_126 : i32
    %min3A_260 = arith.minsi %jit3A_258, %max3A_259 : i32
    %min3A_261 = arith.constant 80 : i32
    %min3A_262 = arith.minsi %min3A_260, %min3A_261 : i32
    %jit3A_263 = arith.constant 8 : i32
    %div3A_264 = arith.divsi %min3A_262, %jit3A_263 : i32
    %sign3A_265 = arith.constant 0 : i32
    %sign3A_266 = arith.cmpi sgt, %min3A_262, %sign3A_265 : i32
    %sign3A_267 = arith.extui %sign3A_266 : i1 to i32
    %sign3A_268 = arith.constant 0 : i32
    %sign3A_269 = arith.cmpi slt, %min3A_262, %sign3A_268 : i32
    %sign3A_270 = arith.extui %sign3A_269 : i1 to i32
    %sign3A_271 = arith.subi %sign3A_267, %sign3A_270 : i32
    %sign3A_272 = arith.constant 0 : i32
    %sign3A_273 = arith.cmpi sgt, %jit3A_263, %sign3A_272 : i32
    %sign3A_274 = arith.extui %sign3A_273 : i1 to i32
    %sign3A_275 = arith.constant 0 : i32
    %sign3A_276 = arith.cmpi slt, %jit3A_263, %sign3A_275 : i32
    %sign3A_277 = arith.extui %sign3A_276 : i1 to i32
    %sign3A_278 = arith.subi %sign3A_274, %sign3A_277 : i32
    %ne3A_279 = arith.cmpi ne, %sign3A_271, %sign3A_278 : i32
    %rem3A_280 = arith.remsi %min3A_262, %jit3A_263 : i32
    %ne3A_281 = arith.constant 0 : i32
    %ne3A_282 = arith.cmpi ne, %rem3A_280, %ne3A_281 : i32
    %and3A_283 = arith.andi %ne3A_279, %ne3A_282 : i1
    %sub3A_284 = arith.constant 1 : i32
    %sub3A_285 = arith.subi %div3A_264, %sub3A_284 : i32
    %select_n3A_286 = arith.select %and3A_283, %sub3A_285, %div3A_264 : i32
    %mul3A_287 = arith.constant 8 : i32
    %mul3A_288 = arith.muli %select_n3A_286, %mul3A_287 : i32
    %jit3A_289 = arith.constant 0 : i32
    %jit3A_290 = arith.constant 2 : i32
    %max3A_291 = arith.maxsi %jit3A_289, %sub3A_154 : i32
    %min3A_292 = arith.minsi %jit3A_290, %max3A_291 : i32
    %jit3A_293 = arith.constant 0 : i32
    %jit3A_294 = arith.constant 2 : i32
    %max3A_295 = arith.maxsi %jit3A_293, %sub3A_182 : i32
    %min3A_296 = arith.minsi %jit3A_294, %max3A_295 : i32
    %min3A_297 = arith.constant 72 : i32
    %min3A_298 = arith.minsi %min3A_296, %min3A_297 : i32
    %jit3A_299 = arith.constant 8 : i32
    %div3A_300 = arith.divsi %min3A_298, %jit3A_299 : i32
    %sign3A_301 = arith.constant 0 : i32
    %sign3A_302 = arith.cmpi sgt, %min3A_298, %sign3A_301 : i32
    %sign3A_303 = arith.extui %sign3A_302 : i1 to i32
    %sign3A_304 = arith.constant 0 : i32
    %sign3A_305 = arith.cmpi slt, %min3A_298, %sign3A_304 : i32
    %sign3A_306 = arith.extui %sign3A_305 : i1 to i32
    %sign3A_307 = arith.subi %sign3A_303, %sign3A_306 : i32
    %sign3A_308 = arith.constant 0 : i32
    %sign3A_309 = arith.cmpi sgt, %jit3A_299, %sign3A_308 : i32
    %sign3A_310 = arith.extui %sign3A_309 : i1 to i32
    %sign3A_311 = arith.constant 0 : i32
    %sign3A_312 = arith.cmpi slt, %jit3A_299, %sign3A_311 : i32
    %sign3A_313 = arith.extui %sign3A_312 : i1 to i32
    %sign3A_314 = arith.subi %sign3A_310, %sign3A_313 : i32
    %ne3A_315 = arith.cmpi ne, %sign3A_307, %sign3A_314 : i32
    %rem3A_316 = arith.remsi %min3A_298, %jit3A_299 : i32
    %ne3A_317 = arith.constant 0 : i32
    %ne3A_318 = arith.cmpi ne, %rem3A_316, %ne3A_317 : i32
    %and3A_319 = arith.andi %ne3A_315, %ne3A_318 : i1
    %sub3A_320 = arith.constant 1 : i32
    %sub3A_321 = arith.subi %div3A_300, %sub3A_320 : i32
    %select_n3A_322 = arith.select %and3A_319, %sub3A_321, %div3A_300 : i32
    %mul3A_323 = arith.constant 8 : i32
    %mul3A_324 = arith.muli %select_n3A_322, %mul3A_323 : i32
    %jit3A_325 = arith.constant 2 : i32
    %eq3A_326 = arith.constant 0 : i32
    %eq3A_327 = arith.cmpi eq, %jit3A_325, %eq3A_326 : i32
    %jit3A_328 = arith.constant 1 : i32
    %select_n3A_329 = arith.select %eq3A_327, %jit3A_328, %jit3A_325 : i32
    %rem3A_330 = arith.remsi %arg0, %select_n3A_329 : i32
    %ne3A_331 = arith.constant 0 : i32
    %ne3A_332 = arith.cmpi ne, %rem3A_330, %ne3A_331 : i32
    %lt3A_333 = arith.constant 0 : i32
    %lt3A_334 = arith.cmpi slt, %rem3A_330, %lt3A_333 : i32
    %lt3A_335 = arith.constant 0 : i32
    %lt3A_336 = arith.cmpi slt, %select_n3A_329, %lt3A_335 : i32
    %ne3A_337 = arith.xori %lt3A_334, %lt3A_336 : i1
    %and3A_338 = arith.andi %ne3A_337, %ne3A_332 : i1
    %add3A_339 = arith.addi %rem3A_330, %select_n3A_329 : i32
    %select_n3A_340 = arith.select %and3A_338, %add3A_339, %rem3A_330 : i32
    %eq3A_341 = arith.constant 0 : i32
    %eq3A_342 = arith.cmpi eq, %select_n3A_340, %eq3A_341 : i32
    %convert_element_type3A_343 = arith.extui %eq3A_342 : i1 to i32
    %cond3A_344 = arith.constant 0 : i32
    %cond3A_345 = arith.cmpi ne, %convert_element_type3A_343, %cond3A_344 : i32
    scf.if %cond3A_345 {
      %dma_wait3A = arith.constant 0 : i32
      %dma_wait3A_367 = arith.constant 0 : i32
      %dma_wait3A_368 = arith.constant 0 : i32
      %dma_wait3A_369 = arith.constant 0 : i32
      %dma_wait3A_370 = arith.constant 0 : i32
      %dma_wait3A_371 = tpu.memref_slice %arg1[%dma_wait3A, %dma_wait3A_367, %dma_wait3A_368, %dma_wait3A_369, %dma_wait3A_370] : memref<4x2x96x96x256xi32, #tpu.memory_space<any>> -> memref<1x1x14x24x256xi32, #tpu.memory_space<any>>
      %dma_wait3A_372 = tpu.memref_squeeze %dma_wait3A_371 : memref<1x1x14x24x256xi32, #tpu.memory_space<any>> -> memref<14x24x256xi32, #tpu.memory_space<any>>
      tpu.wait_dma2 semaphore(%arg13 : memref<!tpu.dma_semaphore, #tpu.memory_space<semaphore_mem>>) src(%dma_wait3A_372 : memref<14x24x256xi32, #tpu.memory_space<any>>) dst(%arg5 : memref<14x24x256xi32, #tpu.memory_space<vmem>>)
      %dma_wait3A_373 = arith.constant 1 : i32
      %dma_wait3A_374 = arith.constant 0 : i32
      %dma_wait3A_375 = arith.constant 0 : i32
      %dma_wait3A_376 = arith.constant 0 : i32
      %dma_wait3A_377 = arith.constant 0 : i32
      %dma_wait3A_378 = tpu.memref_slice %arg1[%dma_wait3A_373, %dma_wait3A_374, %dma_wait3A_375, %dma_wait3A_376, %dma_wait3A_377] : memref<4x2x96x96x256xi32, #tpu.memory_space<any>> -> memref<1x1x10x24x256xi32, #tpu.memory_space<any>>
      %dma_wait3A_379 = tpu.memref_squeeze %dma_wait3A_378 : memref<1x1x10x24x256xi32, #tpu.memory_space<any>> -> memref<10x24x256xi32, #tpu.memory_space<any>>
      tpu.wait_dma2 semaphore(%arg13 : memref<!tpu.dma_semaphore, #tpu.memory_space<semaphore_mem>>) src(%dma_wait3A_379 : memref<10x24x256xi32, #tpu.memory_space<any>>) dst(%arg6 : memref<10x24x256xi32, #tpu.memory_space<vmem>>)
      %dma_wait3A_380 = arith.constant 2 : i32
      %dma_wait3A_381 = arith.constant 0 : i32
      %dma_wait3A_382 = arith.constant 0 : i32
      %dma_wait3A_383 = arith.constant 0 : i32
      %dma_wait3A_384 = arith.constant 0 : i32
      %dma_wait3A_385 = tpu.memref_slice %arg1[%dma_wait3A_380, %dma_wait3A_381, %dma_wait3A_382, %dma_wait3A_383, %dma_wait3A_384] : memref<4x2x96x96x256xi32, #tpu.memory_space<any>> -> memref<1x1x9x16x256xi32, #tpu.memory_space<any>>
      %dma_wait3A_386 = tpu.memref_squeeze %dma_wait3A_385 : memref<1x1x9x16x256xi32, #tpu.memory_space<any>> -> memref<9x16x256xi32, #tpu.memory_space<any>>
      tpu.wait_dma2 semaphore(%arg13 : memref<!tpu.dma_semaphore, #tpu.memory_space<semaphore_mem>>) src(%dma_wait3A_386 : memref<9x16x256xi32, #tpu.memory_space<any>>) dst(%arg7 : memref<9x16x256xi32, #tpu.memory_space<vmem>>)
      %dma_wait3A_387 = arith.constant 3 : i32
      %dma_wait3A_388 = arith.constant 0 : i32
      %dma_wait3A_389 = arith.constant 0 : i32
      %dma_wait3A_390 = arith.constant 0 : i32
      %dma_wait3A_391 = arith.constant 0 : i32
      %dma_wait3A_392 = tpu.memref_slice %arg1[%dma_wait3A_387, %dma_wait3A_388, %dma_wait3A_389, %dma_wait3A_390, %dma_wait3A_391] : memref<4x2x96x96x256xi32, #tpu.memory_space<any>> -> memref<1x1x10x24x256xi32, #tpu.memory_space<any>>
      %dma_wait3A_393 = tpu.memref_squeeze %dma_wait3A_392 : memref<1x1x10x24x256xi32, #tpu.memory_space<any>> -> memref<10x24x256xi32, #tpu.memory_space<any>>
      tpu.wait_dma2 semaphore(%arg13 : memref<!tpu.dma_semaphore, #tpu.memory_space<semaphore_mem>>) src(%dma_wait3A_393 : memref<10x24x256xi32, #tpu.memory_space<any>>) dst(%arg8 : memref<10x24x256xi32, #tpu.memory_space<vmem>>)
      %get3A = arith.constant 0 : index
      %get3A_394 = arith.constant 0 : index
      %get3A_395 = vector.load %arg2[%get3A, %get3A_394] : memref<48x256xf32, #tpu.memory_space<vmem>>, vector<48x256xf32>
      %get3A_396 = arith.constant 0 : index
      %get3A_397 = arith.constant 0 : index
      %get3A_398 = vector.load %arg3[%get3A_396, %get3A_397] : memref<48x8xf32, #tpu.memory_space<vmem>>, vector<48x1xf32>
      %get3A_399 = arith.constant 0 : index
      %get3A_400 = arith.constant 1 : index
      %get3A_401 = vector.load %arg3[%get3A_399, %get3A_400] : memref<48x8xf32, #tpu.memory_space<vmem>>, vector<48x1xf32>
      %get3A_402 = arith.constant 0 : index
      %get3A_403 = arith.constant 0 : index
      %get3A_404 = arith.constant 0 : index
      %get3A_405 = vector.load %arg5[%get3A_402, %get3A_403, %get3A_404] : memref<14x24x256xi32, #tpu.memory_space<vmem>>, vector<14x24x256xi32>
      %reshape3A = vector.shape_cast %get3A_405 : vector<14x24x256xi32> to vector<336x256xi32>
      %slice3A = vector.extract_strided_slice %reshape3A {offsets = [0, 0], sizes = [336, 128], strides = [1, 1]} : vector<336x256xi32> to vector<336x128xi32>
      %slice3A_406 = vector.extract_strided_slice %reshape3A {offsets = [0, 128], sizes = [336, 128], strides = [1, 1]} : vector<336x256xi32> to vector<336x128xi32>
      %and3A_407 = arith.constant -65536 : i32
      %and3A_408 = vector.broadcast %and3A_407 : i32 to vector<336x128xi32>
      %and3A_409 = arith.andi %slice3A, %and3A_408 : vector<336x128xi32>
      %bitcast_convert_type3A = tpu.bitcast %and3A_409 : vector<336x128xi32> -> vector<336x128xf32>
      %shift_left3A = arith.constant 16 : i32
      %shift_left3A_410 = vector.broadcast %shift_left3A : i32 to vector<336x128xi32>
      %shift_left3A_411 = arith.shli %slice3A, %shift_left3A_410 : vector<336x128xi32>
      %bitcast_convert_type3A_412 = tpu.bitcast %shift_left3A_411 : vector<336x128xi32> -> vector<336x128xf32>
      %concatenate3A = tpu.concatenate %bitcast_convert_type3A, %bitcast_convert_type3A_412 in 1 : vector<336x128xf32>, vector<336x128xf32> -> vector<336x256xf32>
      %and3A_413 = arith.constant -65536 : i32
      %and3A_414 = vector.broadcast %and3A_413 : i32 to vector<336x128xi32>
      %and3A_415 = arith.andi %slice3A_406, %and3A_414 : vector<336x128xi32>
      %bitcast_convert_type3A_416 = tpu.bitcast %and3A_415 : vector<336x128xi32> -> vector<336x128xf32>
      %shift_left3A_417 = arith.constant 16 : i32
      %shift_left3A_418 = vector.broadcast %shift_left3A_417 : i32 to vector<336x128xi32>
      %shift_left3A_419 = arith.shli %slice3A_406, %shift_left3A_418 : vector<336x128xi32>
      %bitcast_convert_type3A_420 = tpu.bitcast %shift_left3A_419 : vector<336x128xi32> -> vector<336x128xf32>
      %concatenate3A_421 = tpu.concatenate %bitcast_convert_type3A_416, %bitcast_convert_type3A_420 in 1 : vector<336x128xf32>, vector<336x128xf32> -> vector<336x256xf32>
      %iota3A = tpu.iota {dimensions = array<i32: 1>} : vector<48x336xi32>
      %jit3A_422 = arith.constant 24 : i32
      %div3A_423 = vector.broadcast %jit3A_422 : i32 to vector<48x336xi32>
      %div3A_424 = arith.divsi %iota3A, %div3A_423 : vector<48x336xi32>
      %sign3A_425 = arith.constant 0 : i32
      %sign3A_426 = vector.broadcast %sign3A_425 : i32 to vector<48x336xi32>
      %sign3A_427 = arith.cmpi sgt, %iota3A, %sign3A_426 : vector<48x336xi32>
      %sign3A_428 = arith.extui %sign3A_427 : vector<48x336xi1> to vector<48x336xi32>
      %sign3A_429 = arith.constant 0 : i32
      %sign3A_430 = vector.broadcast %sign3A_429 : i32 to vector<48x336xi32>
      %sign3A_431 = arith.cmpi slt, %iota3A, %sign3A_430 : vector<48x336xi32>
      %sign3A_432 = arith.extui %sign3A_431 : vector<48x336xi1> to vector<48x336xi32>
      %sign3A_433 = arith.subi %sign3A_428, %sign3A_432 : vector<48x336xi32>
      %sign3A_434 = arith.constant 0 : i32
      %sign3A_435 = arith.cmpi sgt, %jit3A_422, %sign3A_434 : i32
      %sign3A_436 = arith.extui %sign3A_435 : i1 to i32
      %sign3A_437 = arith.constant 0 : i32
      %sign3A_438 = arith.cmpi slt, %jit3A_422, %sign3A_437 : i32
      %sign3A_439 = arith.extui %sign3A_438 : i1 to i32
      %sign3A_440 = arith.subi %sign3A_436, %sign3A_439 : i32
      %ne3A_441 = vector.broadcast %sign3A_440 : i32 to vector<48x336xi32>
      %ne3A_442 = arith.cmpi ne, %sign3A_433, %ne3A_441 : vector<48x336xi32>
      %rem3A_443 = vector.broadcast %jit3A_422 : i32 to vector<48x336xi32>
      %rem3A_444 = arith.remsi %iota3A, %rem3A_443 : vector<48x336xi32>
      %ne3A_445 = arith.constant 0 : i32
      %ne3A_446 = vector.broadcast %ne3A_445 : i32 to vector<48x336xi32>
      %ne3A_447 = arith.cmpi ne, %rem3A_444, %ne3A_446 : vector<48x336xi32>
      %and3A_448 = arith.andi %ne3A_442, %ne3A_447 : vector<48x336xi1>
      %sub3A_449 = arith.constant 1 : i32
      %sub3A_450 = vector.broadcast %sub3A_449 : i32 to vector<48x336xi32>
      %sub3A_451 = arith.subi %div3A_424, %sub3A_450 : vector<48x336xi32>
      %select_n3A_452 = arith.select %and3A_448, %sub3A_451, %div3A_424 : vector<48x336xi1>, vector<48x336xi32>
      %add3A_453 = vector.broadcast %min3A : i32 to vector<48x336xi32>
      %add3A_454 = arith.addi %add3A_453, %select_n3A_452 : vector<48x336xi32>
      %jit3A_455 = arith.constant 24 : i32
      %eq3A_456 = arith.constant 0 : i32
      %eq3A_457 = arith.cmpi eq, %jit3A_455, %eq3A_456 : i32
      %jit3A_458 = arith.constant 1 : i32
      %select_n3A_459 = arith.select %eq3A_457, %jit3A_458, %jit3A_455 : i32
      %rem3A_460 = vector.broadcast %select_n3A_459 : i32 to vector<48x336xi32>
      %rem3A_461 = arith.remsi %iota3A, %rem3A_460 : vector<48x336xi32>
      %ne3A_462 = arith.constant 0 : i32
      %ne3A_463 = vector.broadcast %ne3A_462 : i32 to vector<48x336xi32>
      %ne3A_464 = arith.cmpi ne, %rem3A_461, %ne3A_463 : vector<48x336xi32>
      %lt3A_465 = arith.constant 0 : i32
      %lt3A_466 = vector.broadcast %lt3A_465 : i32 to vector<48x336xi32>
      %lt3A_467 = arith.cmpi slt, %rem3A_461, %lt3A_466 : vector<48x336xi32>
      %lt3A_468 = arith.constant 0 : i32
      %lt3A_469 = arith.cmpi slt, %select_n3A_459, %lt3A_468 : i32
      %ne3A_470 = vector.broadcast %lt3A_469 : i1 to vector<48x336xi1>
      %ne3A_471 = vector.broadcast %ne3A_470 : vector<48x336xi1> to vector<48x336xi1>
      %ne3A_472 = arith.xori %lt3A_467, %ne3A_471 : vector<48x336xi1>
      %and3A_473 = arith.andi %ne3A_472, %ne3A_464 : vector<48x336xi1>
      %add3A_474 = vector.broadcast %select_n3A_459 : i32 to vector<48x336xi32>
      %add3A_475 = arith.addi %rem3A_461, %add3A_474 : vector<48x336xi32>
      %select_n3A_476 = arith.select %and3A_473, %add3A_475, %rem3A_461 : vector<48x336xi1>, vector<48x336xi32>
      %add3A_477 = vector.broadcast %mul3A_216 : i32 to vector<48x336xi32>
      %add3A_478 = arith.addi %add3A_477, %select_n3A_476 : vector<48x336xi32>
      %mul3A_479 = arith.constant 1.000000e+00 : f32
      %mul3A_480 = vector.broadcast %mul3A_479 : f32 to vector<48x1xf32>
      %mul3A_481 = arith.mulf %get3A_398, %mul3A_480 : vector<48x1xf32>
      %floor3A = math.floor %mul3A_481 : vector<48x1xf32>
      %convert_element_type3A_482 = arith.fptosi %floor3A : vector<48x1xf32> to vector<48x1xi32>
      %mul3A_483 = arith.constant 1.000000e+00 : f32
      %mul3A_484 = vector.broadcast %mul3A_483 : f32 to vector<48x1xf32>
      %mul3A_485 = arith.mulf %get3A_401, %mul3A_484 : vector<48x1xf32>
      %floor3A_486 = math.floor %mul3A_485 : vector<48x1xf32>
      %convert_element_type3A_487 = arith.fptosi %floor3A_486 : vector<48x1xf32> to vector<48x1xi32>
      %sub3A_488 = vector.broadcast %convert_element_type3A_482 : vector<48x1xi32> to vector<48x336xi32>
      %sub3A_489 = arith.subi %add3A_454, %sub3A_488 : vector<48x336xi32>
      %abs3A = math.absi %sub3A_489 : vector<48x336xi32>
      %le3A = arith.constant 1 : i32
      %le3A_490 = vector.broadcast %le3A : i32 to vector<48x336xi32>
      %le3A_491 = arith.cmpi sle, %abs3A, %le3A_490 : vector<48x336xi32>
      %sub3A_492 = vector.broadcast %convert_element_type3A_487 : vector<48x1xi32> to vector<48x336xi32>
      %sub3A_493 = arith.subi %add3A_478, %sub3A_492 : vector<48x336xi32>
      %abs3A_494 = math.absi %sub3A_493 : vector<48x336xi32>
      %le3A_495 = arith.constant 1 : i32
      %le3A_496 = vector.broadcast %le3A_495 : i32 to vector<48x336xi32>
      %le3A_497 = arith.cmpi sle, %abs3A_494, %le3A_496 : vector<48x336xi32>
      %and3A_498 = arith.andi %le3A_491, %le3A_497 : vector<48x336xi1>
      %lt3A_499 = arith.constant 96 : i32
      %lt3A_500 = vector.broadcast %lt3A_499 : i32 to vector<48x336xi32>
      %lt3A_501 = arith.cmpi slt, %add3A_478, %lt3A_500 : vector<48x336xi32>
      %and3A_502 = arith.andi %and3A_498, %lt3A_501 : vector<48x336xi1>
      %jit3A_503 = arith.constant 0.000000e+00 : f32
      %jit3A_504 = arith.constant -1.000000e+09 : f32
      %broadcast_in_dim3A = vector.broadcast %jit3A_503 : f32 to vector<48x336xf32>
      %broadcast_in_dim3A_505 = vector.broadcast %jit3A_504 : f32 to vector<48x336xf32>
      %select_n3A_506 = arith.select %and3A_502, %broadcast_in_dim3A, %broadcast_in_dim3A_505 : vector<48x336xi1>, vector<48x336xf32>
      %get3A_507 = arith.constant 0 : index
      %get3A_508 = arith.constant 0 : index
      %get3A_509 = arith.constant 0 : index
      %get3A_510 = vector.load %arg6[%get3A_507, %get3A_508, %get3A_509] : memref<10x24x256xi32, #tpu.memory_space<vmem>>, vector<10x24x256xi32>
      %reshape3A_511 = vector.shape_cast %get3A_510 : vector<10x24x256xi32> to vector<240x256xi32>
      %slice3A_512 = vector.extract_strided_slice %reshape3A_511 {offsets = [0, 0], sizes = [240, 128], strides = [1, 1]} : vector<240x256xi32> to vector<240x128xi32>
      %slice3A_513 = vector.extract_strided_slice %reshape3A_511 {offsets = [0, 128], sizes = [240, 128], strides = [1, 1]} : vector<240x256xi32> to vector<240x128xi32>
      %and3A_514 = arith.constant -65536 : i32
      %and3A_515 = vector.broadcast %and3A_514 : i32 to vector<240x128xi32>
      %and3A_516 = arith.andi %slice3A_512, %and3A_515 : vector<240x128xi32>
      %bitcast_convert_type3A_517 = tpu.bitcast %and3A_516 : vector<240x128xi32> -> vector<240x128xf32>
      %shift_left3A_518 = arith.constant 16 : i32
      %shift_left3A_519 = vector.broadcast %shift_left3A_518 : i32 to vector<240x128xi32>
      %shift_left3A_520 = arith.shli %slice3A_512, %shift_left3A_519 : vector<240x128xi32>
      %bitcast_convert_type3A_521 = tpu.bitcast %shift_left3A_520 : vector<240x128xi32> -> vector<240x128xf32>
      %concatenate3A_522 = tpu.concatenate %bitcast_convert_type3A_517, %bitcast_convert_type3A_521 in 1 : vector<240x128xf32>, vector<240x128xf32> -> vector<240x256xf32>
      %and3A_523 = arith.constant -65536 : i32
      %and3A_524 = vector.broadcast %and3A_523 : i32 to vector<240x128xi32>
      %and3A_525 = arith.andi %slice3A_513, %and3A_524 : vector<240x128xi32>
      %bitcast_convert_type3A_526 = tpu.bitcast %and3A_525 : vector<240x128xi32> -> vector<240x128xf32>
      %shift_left3A_527 = arith.constant 16 : i32
      %shift_left3A_528 = vector.broadcast %shift_left3A_527 : i32 to vector<240x128xi32>
      %shift_left3A_529 = arith.shli %slice3A_513, %shift_left3A_528 : vector<240x128xi32>
      %bitcast_convert_type3A_530 = tpu.bitcast %shift_left3A_529 : vector<240x128xi32> -> vector<240x128xf32>
      %concatenate3A_531 = tpu.concatenate %bitcast_convert_type3A_526, %bitcast_convert_type3A_530 in 1 : vector<240x128xf32>, vector<240x128xf32> -> vector<240x256xf32>
      %iota3A_532 = tpu.iota {dimensions = array<i32: 1>} : vector<48x240xi32>
      %jit3A_533 = arith.constant 24 : i32
      %div3A_534 = vector.broadcast %jit3A_533 : i32 to vector<48x240xi32>
      %div3A_535 = arith.divsi %iota3A_532, %div3A_534 : vector<48x240xi32>
      %sign3A_536 = arith.constant 0 : i32
      %sign3A_537 = vector.broadcast %sign3A_536 : i32 to vector<48x240xi32>
      %sign3A_538 = arith.cmpi sgt, %iota3A_532, %sign3A_537 : vector<48x240xi32>
      %sign3A_539 = arith.extui %sign3A_538 : vector<48x240xi1> to vector<48x240xi32>
      %sign3A_540 = arith.constant 0 : i32
      %sign3A_541 = vector.broadcast %sign3A_540 : i32 to vector<48x240xi32>
      %sign3A_542 = arith.cmpi slt, %iota3A_532, %sign3A_541 : vector<48x240xi32>
      %sign3A_543 = arith.extui %sign3A_542 : vector<48x240xi1> to vector<48x240xi32>
      %sign3A_544 = arith.subi %sign3A_539, %sign3A_543 : vector<48x240xi32>
      %sign3A_545 = arith.constant 0 : i32
      %sign3A_546 = arith.cmpi sgt, %jit3A_533, %sign3A_545 : i32
      %sign3A_547 = arith.extui %sign3A_546 : i1 to i32
      %sign3A_548 = arith.constant 0 : i32
      %sign3A_549 = arith.cmpi slt, %jit3A_533, %sign3A_548 : i32
      %sign3A_550 = arith.extui %sign3A_549 : i1 to i32
      %sign3A_551 = arith.subi %sign3A_547, %sign3A_550 : i32
      %ne3A_552 = vector.broadcast %sign3A_551 : i32 to vector<48x240xi32>
      %ne3A_553 = arith.cmpi ne, %sign3A_544, %ne3A_552 : vector<48x240xi32>
      %rem3A_554 = vector.broadcast %jit3A_533 : i32 to vector<48x240xi32>
      %rem3A_555 = arith.remsi %iota3A_532, %rem3A_554 : vector<48x240xi32>
      %ne3A_556 = arith.constant 0 : i32
      %ne3A_557 = vector.broadcast %ne3A_556 : i32 to vector<48x240xi32>
      %ne3A_558 = arith.cmpi ne, %rem3A_555, %ne3A_557 : vector<48x240xi32>
      %and3A_559 = arith.andi %ne3A_553, %ne3A_558 : vector<48x240xi1>
      %sub3A_560 = arith.constant 1 : i32
      %sub3A_561 = vector.broadcast %sub3A_560 : i32 to vector<48x240xi32>
      %sub3A_562 = arith.subi %div3A_535, %sub3A_561 : vector<48x240xi32>
      %select_n3A_563 = arith.select %and3A_559, %sub3A_562, %div3A_535 : vector<48x240xi1>, vector<48x240xi32>
      %add3A_564 = vector.broadcast %min3A_220 : i32 to vector<48x240xi32>
      %add3A_565 = arith.addi %add3A_564, %select_n3A_563 : vector<48x240xi32>
      %jit3A_566 = arith.constant 24 : i32
      %eq3A_567 = arith.constant 0 : i32
      %eq3A_568 = arith.cmpi eq, %jit3A_566, %eq3A_567 : i32
      %jit3A_569 = arith.constant 1 : i32
      %select_n3A_570 = arith.select %eq3A_568, %jit3A_569, %jit3A_566 : i32
      %rem3A_571 = vector.broadcast %select_n3A_570 : i32 to vector<48x240xi32>
      %rem3A_572 = arith.remsi %iota3A_532, %rem3A_571 : vector<48x240xi32>
      %ne3A_573 = arith.constant 0 : i32
      %ne3A_574 = vector.broadcast %ne3A_573 : i32 to vector<48x240xi32>
      %ne3A_575 = arith.cmpi ne, %rem3A_572, %ne3A_574 : vector<48x240xi32>
      %lt3A_576 = arith.constant 0 : i32
      %lt3A_577 = vector.broadcast %lt3A_576 : i32 to vector<48x240xi32>
      %lt3A_578 = arith.cmpi slt, %rem3A_572, %lt3A_577 : vector<48x240xi32>
      %lt3A_579 = arith.constant 0 : i32
      %lt3A_580 = arith.cmpi slt, %select_n3A_570, %lt3A_579 : i32
      %ne3A_581 = vector.broadcast %lt3A_580 : i1 to vector<48x240xi1>
      %ne3A_582 = vector.broadcast %ne3A_581 : vector<48x240xi1> to vector<48x240xi1>
      %ne3A_583 = arith.xori %lt3A_578, %ne3A_582 : vector<48x240xi1>
      %and3A_584 = arith.andi %ne3A_583, %ne3A_575 : vector<48x240xi1>
      %add3A_585 = vector.broadcast %select_n3A_570 : i32 to vector<48x240xi32>
      %add3A_586 = arith.addi %rem3A_572, %add3A_585 : vector<48x240xi32>
      %select_n3A_587 = arith.select %and3A_584, %add3A_586, %rem3A_572 : vector<48x240xi1>, vector<48x240xi32>
      %add3A_588 = vector.broadcast %mul3A_252 : i32 to vector<48x240xi32>
      %add3A_589 = arith.addi %add3A_588, %select_n3A_587 : vector<48x240xi32>
      %mul3A_590 = arith.constant 5.000000e-01 : f32
      %mul3A_591 = vector.broadcast %mul3A_590 : f32 to vector<48x1xf32>
      %mul3A_592 = arith.mulf %get3A_398, %mul3A_591 : vector<48x1xf32>
      %floor3A_593 = math.floor %mul3A_592 : vector<48x1xf32>
      %convert_element_type3A_594 = arith.fptosi %floor3A_593 : vector<48x1xf32> to vector<48x1xi32>
      %mul3A_595 = arith.constant 5.000000e-01 : f32
      %mul3A_596 = vector.broadcast %mul3A_595 : f32 to vector<48x1xf32>
      %mul3A_597 = arith.mulf %get3A_401, %mul3A_596 : vector<48x1xf32>
      %floor3A_598 = math.floor %mul3A_597 : vector<48x1xf32>
      %convert_element_type3A_599 = arith.fptosi %floor3A_598 : vector<48x1xf32> to vector<48x1xi32>
      %sub3A_600 = vector.broadcast %convert_element_type3A_594 : vector<48x1xi32> to vector<48x240xi32>
      %sub3A_601 = arith.subi %add3A_565, %sub3A_600 : vector<48x240xi32>
      %abs3A_602 = math.absi %sub3A_601 : vector<48x240xi32>
      %le3A_603 = arith.constant 2 : i32
      %le3A_604 = vector.broadcast %le3A_603 : i32 to vector<48x240xi32>
      %le3A_605 = arith.cmpi sle, %abs3A_602, %le3A_604 : vector<48x240xi32>
      %sub3A_606 = vector.broadcast %convert_element_type3A_599 : vector<48x1xi32> to vector<48x240xi32>
      %sub3A_607 = arith.subi %add3A_589, %sub3A_606 : vector<48x240xi32>
      %abs3A_608 = math.absi %sub3A_607 : vector<48x240xi32>
      %le3A_609 = arith.constant 2 : i32
      %le3A_610 = vector.broadcast %le3A_609 : i32 to vector<48x240xi32>
      %le3A_611 = arith.cmpi sle, %abs3A_608, %le3A_610 : vector<48x240xi32>
      %and3A_612 = arith.andi %le3A_605, %le3A_611 : vector<48x240xi1>
      %lt3A_613 = arith.constant 48 : i32
      %lt3A_614 = vector.broadcast %lt3A_613 : i32 to vector<48x240xi32>
      %lt3A_615 = arith.cmpi slt, %add3A_589, %lt3A_614 : vector<48x240xi32>
      %and3A_616 = arith.andi %and3A_612, %lt3A_615 : vector<48x240xi1>
      %jit3A_617 = arith.constant 0.000000e+00 : f32
      %jit3A_618 = arith.constant -1.000000e+09 : f32
      %broadcast_in_dim3A_619 = vector.broadcast %jit3A_617 : f32 to vector<48x240xf32>
      %broadcast_in_dim3A_620 = vector.broadcast %jit3A_618 : f32 to vector<48x240xf32>
      %select_n3A_621 = arith.select %and3A_616, %broadcast_in_dim3A_619, %broadcast_in_dim3A_620 : vector<48x240xi1>, vector<48x240xf32>
      %get3A_622 = arith.constant 0 : index
      %get3A_623 = arith.constant 0 : index
      %get3A_624 = arith.constant 0 : index
      %get3A_625 = vector.load %arg7[%get3A_622, %get3A_623, %get3A_624] : memref<9x16x256xi32, #tpu.memory_space<vmem>>, vector<9x16x256xi32>
      %reshape3A_626 = vector.shape_cast %get3A_625 : vector<9x16x256xi32> to vector<144x256xi32>
      %slice3A_627 = vector.extract_strided_slice %reshape3A_626 {offsets = [0, 0], sizes = [144, 128], strides = [1, 1]} : vector<144x256xi32> to vector<144x128xi32>
      %slice3A_628 = vector.extract_strided_slice %reshape3A_626 {offsets = [0, 128], sizes = [144, 128], strides = [1, 1]} : vector<144x256xi32> to vector<144x128xi32>
      %and3A_629 = arith.constant -65536 : i32
      %and3A_630 = vector.broadcast %and3A_629 : i32 to vector<144x128xi32>
      %and3A_631 = arith.andi %slice3A_627, %and3A_630 : vector<144x128xi32>
      %bitcast_convert_type3A_632 = tpu.bitcast %and3A_631 : vector<144x128xi32> -> vector<144x128xf32>
      %shift_left3A_633 = arith.constant 16 : i32
      %shift_left3A_634 = vector.broadcast %shift_left3A_633 : i32 to vector<144x128xi32>
      %shift_left3A_635 = arith.shli %slice3A_627, %shift_left3A_634 : vector<144x128xi32>
      %bitcast_convert_type3A_636 = tpu.bitcast %shift_left3A_635 : vector<144x128xi32> -> vector<144x128xf32>
      %concatenate3A_637 = tpu.concatenate %bitcast_convert_type3A_632, %bitcast_convert_type3A_636 in 1 : vector<144x128xf32>, vector<144x128xf32> -> vector<144x256xf32>
      %and3A_638 = arith.constant -65536 : i32
      %and3A_639 = vector.broadcast %and3A_638 : i32 to vector<144x128xi32>
      %and3A_640 = arith.andi %slice3A_628, %and3A_639 : vector<144x128xi32>
      %bitcast_convert_type3A_641 = tpu.bitcast %and3A_640 : vector<144x128xi32> -> vector<144x128xf32>
      %shift_left3A_642 = arith.constant 16 : i32
      %shift_left3A_643 = vector.broadcast %shift_left3A_642 : i32 to vector<144x128xi32>
      %shift_left3A_644 = arith.shli %slice3A_628, %shift_left3A_643 : vector<144x128xi32>
      %bitcast_convert_type3A_645 = tpu.bitcast %shift_left3A_644 : vector<144x128xi32> -> vector<144x128xf32>
      %concatenate3A_646 = tpu.concatenate %bitcast_convert_type3A_641, %bitcast_convert_type3A_645 in 1 : vector<144x128xf32>, vector<144x128xf32> -> vector<144x256xf32>
      %iota3A_647 = tpu.iota {dimensions = array<i32: 1>} : vector<48x144xi32>
      %jit3A_648 = arith.constant 16 : i32
      %div3A_649 = vector.broadcast %jit3A_648 : i32 to vector<48x144xi32>
      %div3A_650 = arith.divsi %iota3A_647, %div3A_649 : vector<48x144xi32>
      %sign3A_651 = arith.constant 0 : i32
      %sign3A_652 = vector.broadcast %sign3A_651 : i32 to vector<48x144xi32>
      %sign3A_653 = arith.cmpi sgt, %iota3A_647, %sign3A_652 : vector<48x144xi32>
      %sign3A_654 = arith.extui %sign3A_653 : vector<48x144xi1> to vector<48x144xi32>
      %sign3A_655 = arith.constant 0 : i32
      %sign3A_656 = vector.broadcast %sign3A_655 : i32 to vector<48x144xi32>
      %sign3A_657 = arith.cmpi slt, %iota3A_647, %sign3A_656 : vector<48x144xi32>
      %sign3A_658 = arith.extui %sign3A_657 : vector<48x144xi1> to vector<48x144xi32>
      %sign3A_659 = arith.subi %sign3A_654, %sign3A_658 : vector<48x144xi32>
      %sign3A_660 = arith.constant 0 : i32
      %sign3A_661 = arith.cmpi sgt, %jit3A_648, %sign3A_660 : i32
      %sign3A_662 = arith.extui %sign3A_661 : i1 to i32
      %sign3A_663 = arith.constant 0 : i32
      %sign3A_664 = arith.cmpi slt, %jit3A_648, %sign3A_663 : i32
      %sign3A_665 = arith.extui %sign3A_664 : i1 to i32
      %sign3A_666 = arith.subi %sign3A_662, %sign3A_665 : i32
      %ne3A_667 = vector.broadcast %sign3A_666 : i32 to vector<48x144xi32>
      %ne3A_668 = arith.cmpi ne, %sign3A_659, %ne3A_667 : vector<48x144xi32>
      %rem3A_669 = vector.broadcast %jit3A_648 : i32 to vector<48x144xi32>
      %rem3A_670 = arith.remsi %iota3A_647, %rem3A_669 : vector<48x144xi32>
      %ne3A_671 = arith.constant 0 : i32
      %ne3A_672 = vector.broadcast %ne3A_671 : i32 to vector<48x144xi32>
      %ne3A_673 = arith.cmpi ne, %rem3A_670, %ne3A_672 : vector<48x144xi32>
      %and3A_674 = arith.andi %ne3A_668, %ne3A_673 : vector<48x144xi1>
      %sub3A_675 = arith.constant 1 : i32
      %sub3A_676 = vector.broadcast %sub3A_675 : i32 to vector<48x144xi32>
      %sub3A_677 = arith.subi %div3A_650, %sub3A_676 : vector<48x144xi32>
      %select_n3A_678 = arith.select %and3A_674, %sub3A_677, %div3A_650 : vector<48x144xi1>, vector<48x144xi32>
      %add3A_679 = vector.broadcast %min3A_256 : i32 to vector<48x144xi32>
      %add3A_680 = arith.addi %add3A_679, %select_n3A_678 : vector<48x144xi32>
      %jit3A_681 = arith.constant 16 : i32
      %eq3A_682 = arith.constant 0 : i32
      %eq3A_683 = arith.cmpi eq, %jit3A_681, %eq3A_682 : i32
      %jit3A_684 = arith.constant 1 : i32
      %select_n3A_685 = arith.select %eq3A_683, %jit3A_684, %jit3A_681 : i32
      %rem3A_686 = vector.broadcast %select_n3A_685 : i32 to vector<48x144xi32>
      %rem3A_687 = arith.remsi %iota3A_647, %rem3A_686 : vector<48x144xi32>
      %ne3A_688 = arith.constant 0 : i32
      %ne3A_689 = vector.broadcast %ne3A_688 : i32 to vector<48x144xi32>
      %ne3A_690 = arith.cmpi ne, %rem3A_687, %ne3A_689 : vector<48x144xi32>
      %lt3A_691 = arith.constant 0 : i32
      %lt3A_692 = vector.broadcast %lt3A_691 : i32 to vector<48x144xi32>
      %lt3A_693 = arith.cmpi slt, %rem3A_687, %lt3A_692 : vector<48x144xi32>
      %lt3A_694 = arith.constant 0 : i32
      %lt3A_695 = arith.cmpi slt, %select_n3A_685, %lt3A_694 : i32
      %ne3A_696 = vector.broadcast %lt3A_695 : i1 to vector<48x144xi1>
      %ne3A_697 = vector.broadcast %ne3A_696 : vector<48x144xi1> to vector<48x144xi1>
      %ne3A_698 = arith.xori %lt3A_693, %ne3A_697 : vector<48x144xi1>
      %and3A_699 = arith.andi %ne3A_698, %ne3A_690 : vector<48x144xi1>
      %add3A_700 = vector.broadcast %select_n3A_685 : i32 to vector<48x144xi32>
      %add3A_701 = arith.addi %rem3A_687, %add3A_700 : vector<48x144xi32>
      %select_n3A_702 = arith.select %and3A_699, %add3A_701, %rem3A_687 : vector<48x144xi1>, vector<48x144xi32>
      %add3A_703 = vector.broadcast %mul3A_288 : i32 to vector<48x144xi32>
      %add3A_704 = arith.addi %add3A_703, %select_n3A_702 : vector<48x144xi32>
      %mul3A_705 = arith.constant 2.500000e-01 : f32
      %mul3A_706 = vector.broadcast %mul3A_705 : f32 to vector<48x1xf32>
      %mul3A_707 = arith.mulf %get3A_398, %mul3A_706 : vector<48x1xf32>
      %floor3A_708 = math.floor %mul3A_707 : vector<48x1xf32>
      %convert_element_type3A_709 = arith.fptosi %floor3A_708 : vector<48x1xf32> to vector<48x1xi32>
      %mul3A_710 = arith.constant 2.500000e-01 : f32
      %mul3A_711 = vector.broadcast %mul3A_710 : f32 to vector<48x1xf32>
      %mul3A_712 = arith.mulf %get3A_401, %mul3A_711 : vector<48x1xf32>
      %floor3A_713 = math.floor %mul3A_712 : vector<48x1xf32>
      %convert_element_type3A_714 = arith.fptosi %floor3A_713 : vector<48x1xf32> to vector<48x1xi32>
      %sub3A_715 = vector.broadcast %convert_element_type3A_709 : vector<48x1xi32> to vector<48x144xi32>
      %sub3A_716 = arith.subi %add3A_680, %sub3A_715 : vector<48x144xi32>
      %abs3A_717 = math.absi %sub3A_716 : vector<48x144xi32>
      %le3A_718 = arith.constant 3 : i32
      %le3A_719 = vector.broadcast %le3A_718 : i32 to vector<48x144xi32>
      %le3A_720 = arith.cmpi sle, %abs3A_717, %le3A_719 : vector<48x144xi32>
      %sub3A_721 = vector.broadcast %convert_element_type3A_714 : vector<48x1xi32> to vector<48x144xi32>
      %sub3A_722 = arith.subi %add3A_704, %sub3A_721 : vector<48x144xi32>
      %abs3A_723 = math.absi %sub3A_722 : vector<48x144xi32>
      %le3A_724 = arith.constant 3 : i32
      %le3A_725 = vector.broadcast %le3A_724 : i32 to vector<48x144xi32>
      %le3A_726 = arith.cmpi sle, %abs3A_723, %le3A_725 : vector<48x144xi32>
      %and3A_727 = arith.andi %le3A_720, %le3A_726 : vector<48x144xi1>
      %lt3A_728 = arith.constant 24 : i32
      %lt3A_729 = vector.broadcast %lt3A_728 : i32 to vector<48x144xi32>
      %lt3A_730 = arith.cmpi slt, %add3A_704, %lt3A_729 : vector<48x144xi32>
      %and3A_731 = arith.andi %and3A_727, %lt3A_730 : vector<48x144xi1>
      %jit3A_732 = arith.constant 0.000000e+00 : f32
      %jit3A_733 = arith.constant -1.000000e+09 : f32
      %broadcast_in_dim3A_734 = vector.broadcast %jit3A_732 : f32 to vector<48x144xf32>
      %broadcast_in_dim3A_735 = vector.broadcast %jit3A_733 : f32 to vector<48x144xf32>
      %select_n3A_736 = arith.select %and3A_731, %broadcast_in_dim3A_734, %broadcast_in_dim3A_735 : vector<48x144xi1>, vector<48x144xf32>
      %get3A_737 = arith.constant 0 : index
      %get3A_738 = arith.constant 0 : index
      %get3A_739 = arith.constant 0 : index
      %get3A_740 = vector.load %arg8[%get3A_737, %get3A_738, %get3A_739] : memref<10x24x256xi32, #tpu.memory_space<vmem>>, vector<10x24x256xi32>
      %reshape3A_741 = vector.shape_cast %get3A_740 : vector<10x24x256xi32> to vector<240x256xi32>
      %slice3A_742 = vector.extract_strided_slice %reshape3A_741 {offsets = [0, 0], sizes = [240, 128], strides = [1, 1]} : vector<240x256xi32> to vector<240x128xi32>
      %slice3A_743 = vector.extract_strided_slice %reshape3A_741 {offsets = [0, 128], sizes = [240, 128], strides = [1, 1]} : vector<240x256xi32> to vector<240x128xi32>
      %and3A_744 = arith.constant -65536 : i32
      %and3A_745 = vector.broadcast %and3A_744 : i32 to vector<240x128xi32>
      %and3A_746 = arith.andi %slice3A_742, %and3A_745 : vector<240x128xi32>
      %bitcast_convert_type3A_747 = tpu.bitcast %and3A_746 : vector<240x128xi32> -> vector<240x128xf32>
      %shift_left3A_748 = arith.constant 16 : i32
      %shift_left3A_749 = vector.broadcast %shift_left3A_748 : i32 to vector<240x128xi32>
      %shift_left3A_750 = arith.shli %slice3A_742, %shift_left3A_749 : vector<240x128xi32>
      %bitcast_convert_type3A_751 = tpu.bitcast %shift_left3A_750 : vector<240x128xi32> -> vector<240x128xf32>
      %concatenate3A_752 = tpu.concatenate %bitcast_convert_type3A_747, %bitcast_convert_type3A_751 in 1 : vector<240x128xf32>, vector<240x128xf32> -> vector<240x256xf32>
      %and3A_753 = arith.constant -65536 : i32
      %and3A_754 = vector.broadcast %and3A_753 : i32 to vector<240x128xi32>
      %and3A_755 = arith.andi %slice3A_743, %and3A_754 : vector<240x128xi32>
      %bitcast_convert_type3A_756 = tpu.bitcast %and3A_755 : vector<240x128xi32> -> vector<240x128xf32>
      %shift_left3A_757 = arith.constant 16 : i32
      %shift_left3A_758 = vector.broadcast %shift_left3A_757 : i32 to vector<240x128xi32>
      %shift_left3A_759 = arith.shli %slice3A_743, %shift_left3A_758 : vector<240x128xi32>
      %bitcast_convert_type3A_760 = tpu.bitcast %shift_left3A_759 : vector<240x128xi32> -> vector<240x128xf32>
      %concatenate3A_761 = tpu.concatenate %bitcast_convert_type3A_756, %bitcast_convert_type3A_760 in 1 : vector<240x128xf32>, vector<240x128xf32> -> vector<240x256xf32>
      %iota3A_762 = tpu.iota {dimensions = array<i32: 1>} : vector<48x240xi32>
      %jit3A_763 = arith.constant 24 : i32
      %div3A_764 = vector.broadcast %jit3A_763 : i32 to vector<48x240xi32>
      %div3A_765 = arith.divsi %iota3A_762, %div3A_764 : vector<48x240xi32>
      %sign3A_766 = arith.constant 0 : i32
      %sign3A_767 = vector.broadcast %sign3A_766 : i32 to vector<48x240xi32>
      %sign3A_768 = arith.cmpi sgt, %iota3A_762, %sign3A_767 : vector<48x240xi32>
      %sign3A_769 = arith.extui %sign3A_768 : vector<48x240xi1> to vector<48x240xi32>
      %sign3A_770 = arith.constant 0 : i32
      %sign3A_771 = vector.broadcast %sign3A_770 : i32 to vector<48x240xi32>
      %sign3A_772 = arith.cmpi slt, %iota3A_762, %sign3A_771 : vector<48x240xi32>
      %sign3A_773 = arith.extui %sign3A_772 : vector<48x240xi1> to vector<48x240xi32>
      %sign3A_774 = arith.subi %sign3A_769, %sign3A_773 : vector<48x240xi32>
      %sign3A_775 = arith.constant 0 : i32
      %sign3A_776 = arith.cmpi sgt, %jit3A_763, %sign3A_775 : i32
      %sign3A_777 = arith.extui %sign3A_776 : i1 to i32
      %sign3A_778 = arith.constant 0 : i32
      %sign3A_779 = arith.cmpi slt, %jit3A_763, %sign3A_778 : i32
      %sign3A_780 = arith.extui %sign3A_779 : i1 to i32
      %sign3A_781 = arith.subi %sign3A_777, %sign3A_780 : i32
      %ne3A_782 = vector.broadcast %sign3A_781 : i32 to vector<48x240xi32>
      %ne3A_783 = arith.cmpi ne, %sign3A_774, %ne3A_782 : vector<48x240xi32>
      %rem3A_784 = vector.broadcast %jit3A_763 : i32 to vector<48x240xi32>
      %rem3A_785 = arith.remsi %iota3A_762, %rem3A_784 : vector<48x240xi32>
      %ne3A_786 = arith.constant 0 : i32
      %ne3A_787 = vector.broadcast %ne3A_786 : i32 to vector<48x240xi32>
      %ne3A_788 = arith.cmpi ne, %rem3A_785, %ne3A_787 : vector<48x240xi32>
      %and3A_789 = arith.andi %ne3A_783, %ne3A_788 : vector<48x240xi1>
      %sub3A_790 = arith.constant 1 : i32
      %sub3A_791 = vector.broadcast %sub3A_790 : i32 to vector<48x240xi32>
      %sub3A_792 = arith.subi %div3A_765, %sub3A_791 : vector<48x240xi32>
      %select_n3A_793 = arith.select %and3A_789, %sub3A_792, %div3A_765 : vector<48x240xi1>, vector<48x240xi32>
      %add3A_794 = vector.broadcast %min3A_292 : i32 to vector<48x240xi32>
      %add3A_795 = arith.addi %add3A_794, %select_n3A_793 : vector<48x240xi32>
      %jit3A_796 = arith.constant 24 : i32
      %eq3A_797 = arith.constant 0 : i32
      %eq3A_798 = arith.cmpi eq, %jit3A_796, %eq3A_797 : i32
      %jit3A_799 = arith.constant 1 : i32
      %select_n3A_800 = arith.select %eq3A_798, %jit3A_799, %jit3A_796 : i32
      %rem3A_801 = vector.broadcast %select_n3A_800 : i32 to vector<48x240xi32>
      %rem3A_802 = arith.remsi %iota3A_762, %rem3A_801 : vector<48x240xi32>
      %ne3A_803 = arith.constant 0 : i32
      %ne3A_804 = vector.broadcast %ne3A_803 : i32 to vector<48x240xi32>
      %ne3A_805 = arith.cmpi ne, %rem3A_802, %ne3A_804 : vector<48x240xi32>
      %lt3A_806 = arith.constant 0 : i32
      %lt3A_807 = vector.broadcast %lt3A_806 : i32 to vector<48x240xi32>
      %lt3A_808 = arith.cmpi slt, %rem3A_802, %lt3A_807 : vector<48x240xi32>
      %lt3A_809 = arith.constant 0 : i32
      %lt3A_810 = arith.cmpi slt, %select_n3A_800, %lt3A_809 : i32
      %ne3A_811 = vector.broadcast %lt3A_810 : i1 to vector<48x240xi1>
      %ne3A_812 = vector.broadcast %ne3A_811 : vector<48x240xi1> to vector<48x240xi1>
      %ne3A_813 = arith.xori %lt3A_808, %ne3A_812 : vector<48x240xi1>
      %and3A_814 = arith.andi %ne3A_813, %ne3A_805 : vector<48x240xi1>
      %add3A_815 = vector.broadcast %select_n3A_800 : i32 to vector<48x240xi32>
      %add3A_816 = arith.addi %rem3A_802, %add3A_815 : vector<48x240xi32>
      %select_n3A_817 = arith.select %and3A_814, %add3A_816, %rem3A_802 : vector<48x240xi1>, vector<48x240xi32>
      %add3A_818 = vector.broadcast %mul3A_324 : i32 to vector<48x240xi32>
      %add3A_819 = arith.addi %add3A_818, %select_n3A_817 : vector<48x240xi32>
      %mul3A_820 = arith.constant 1.250000e-01 : f32
      %mul3A_821 = vector.broadcast %mul3A_820 : f32 to vector<48x1xf32>
      %mul3A_822 = arith.mulf %get3A_398, %mul3A_821 : vector<48x1xf32>
      %floor3A_823 = math.floor %mul3A_822 : vector<48x1xf32>
      %convert_element_type3A_824 = arith.fptosi %floor3A_823 : vector<48x1xf32> to vector<48x1xi32>
      %mul3A_825 = arith.constant 1.250000e-01 : f32
      %mul3A_826 = vector.broadcast %mul3A_825 : f32 to vector<48x1xf32>
      %mul3A_827 = arith.mulf %get3A_401, %mul3A_826 : vector<48x1xf32>
      %floor3A_828 = math.floor %mul3A_827 : vector<48x1xf32>
      %convert_element_type3A_829 = arith.fptosi %floor3A_828 : vector<48x1xf32> to vector<48x1xi32>
      %sub3A_830 = vector.broadcast %convert_element_type3A_824 : vector<48x1xi32> to vector<48x240xi32>
      %sub3A_831 = arith.subi %add3A_795, %sub3A_830 : vector<48x240xi32>
      %abs3A_832 = math.absi %sub3A_831 : vector<48x240xi32>
      %le3A_833 = arith.constant 4 : i32
      %le3A_834 = vector.broadcast %le3A_833 : i32 to vector<48x240xi32>
      %le3A_835 = arith.cmpi sle, %abs3A_832, %le3A_834 : vector<48x240xi32>
      %sub3A_836 = vector.broadcast %convert_element_type3A_829 : vector<48x1xi32> to vector<48x240xi32>
      %sub3A_837 = arith.subi %add3A_819, %sub3A_836 : vector<48x240xi32>
      %abs3A_838 = math.absi %sub3A_837 : vector<48x240xi32>
      %le3A_839 = arith.constant 4 : i32
      %le3A_840 = vector.broadcast %le3A_839 : i32 to vector<48x240xi32>
      %le3A_841 = arith.cmpi sle, %abs3A_838, %le3A_840 : vector<48x240xi32>
      %and3A_842 = arith.andi %le3A_835, %le3A_841 : vector<48x240xi1>
      %lt3A_843 = arith.constant 12 : i32
      %lt3A_844 = vector.broadcast %lt3A_843 : i32 to vector<48x240xi32>
      %lt3A_845 = arith.cmpi slt, %add3A_819, %lt3A_844 : vector<48x240xi32>
      %and3A_846 = arith.andi %and3A_842, %lt3A_845 : vector<48x240xi1>
      %jit3A_847 = arith.constant 0.000000e+00 : f32
      %jit3A_848 = arith.constant -1.000000e+09 : f32
      %broadcast_in_dim3A_849 = vector.broadcast %jit3A_847 : f32 to vector<48x240xf32>
      %broadcast_in_dim3A_850 = vector.broadcast %jit3A_848 : f32 to vector<48x240xf32>
      %select_n3A_851 = arith.select %and3A_846, %broadcast_in_dim3A_849, %broadcast_in_dim3A_850 : vector<48x240xi1>, vector<48x240xf32>
      %broadcast_in_dim3A_852 = arith.constant 0.000000e+00 : f32
      %broadcast_in_dim3A_853 = vector.broadcast %broadcast_in_dim3A_852 : f32 to vector<64x256xf32>
      %concatenate3A_854 = tpu.concatenate %concatenate3A, %concatenate3A_522, %concatenate3A_637, %concatenate3A_752, %broadcast_in_dim3A_853 in 0 : vector<336x256xf32>, vector<240x256xf32>, vector<144x256xf32>, vector<240x256xf32>, vector<64x256xf32> -> vector<1024x256xf32>
      %broadcast_in_dim3A_855 = arith.constant 0.000000e+00 : f32
      %broadcast_in_dim3A_856 = vector.broadcast %broadcast_in_dim3A_855 : f32 to vector<64x256xf32>
      %concatenate3A_857 = tpu.concatenate %concatenate3A_421, %concatenate3A_531, %concatenate3A_646, %concatenate3A_761, %broadcast_in_dim3A_856 in 0 : vector<336x256xf32>, vector<240x256xf32>, vector<144x256xf32>, vector<240x256xf32>, vector<64x256xf32> -> vector<1024x256xf32>
      %broadcast_in_dim3A_858 = arith.constant -1.000000e+09 : f32
      %broadcast_in_dim3A_859 = vector.broadcast %broadcast_in_dim3A_858 : f32 to vector<48x64xf32>
      %concatenate3A_860 = tpu.concatenate %select_n3A_506, %select_n3A_621, %select_n3A_736, %select_n3A_851, %broadcast_in_dim3A_859 in 1 : vector<48x336xf32>, vector<48x240xf32>, vector<48x144xf32>, vector<48x240xf32>, vector<48x64xf32> -> vector<48x1024xf32>
      %convert_element_type3A_861 = arith.truncf %concatenate3A_854 : vector<1024x256xf32> to vector<1024x256xbf16>
      %convert_element_type3A_862 = arith.truncf %concatenate3A_857 : vector<1024x256xf32> to vector<1024x256xbf16>
      %broadcast_in_dim3A_863 = arith.constant 0.000000e+00 : f32
      %broadcast_in_dim3A_864 = vector.broadcast %broadcast_in_dim3A_863 : f32 to vector<48x256xf32>
      %slice3A_865 = vector.extract_strided_slice %get3A_395 {offsets = [0, 0], sizes = [48, 16], strides = [1, 1]} : vector<48x256xf32> to vector<48x16xf32>
      %slice3A_866 = vector.extract_strided_slice %get3A_395 {offsets = [0, 128], sizes = [48, 16], strides = [1, 1]} : vector<48x256xf32> to vector<48x16xf32>
      %concatenate3A_867 = tpu.concatenate %slice3A_865, %slice3A_866 in 1 : vector<48x16xf32>, vector<48x16xf32> -> vector<48x32xf32>
      %slice3A_868 = vector.extract_strided_slice %convert_element_type3A_861 {offsets = [0, 0], sizes = [1024, 16], strides = [1, 1]} : vector<1024x256xbf16> to vector<1024x16xbf16>
      %slice3A_869 = vector.extract_strided_slice %convert_element_type3A_861 {offsets = [0, 128], sizes = [1024, 16], strides = [1, 1]} : vector<1024x256xbf16> to vector<1024x16xbf16>
      %concatenate3A_870 = tpu.concatenate %slice3A_868, %slice3A_869 in 1 : vector<1024x16xbf16>, vector<1024x16xbf16> -> vector<1024x32xbf16>
      %convert_element_type3A_871 = arith.truncf %concatenate3A_867 : vector<48x32xf32> to vector<48x32xbf16>
      %dot_general3A = arith.constant dense<0.000000e+00> : vector<48x1024xf32>
      %dot_general3A_872 = tpu.matmul %convert_element_type3A_871, %concatenate3A_870, %dot_general3A {dimension_numbers = #tpu.dot_dimension_numbers<[1], [1], [0], [0], [0, 0, 1, 0], [], []>, transpose_lhs_hint = false} : vector<48x32xbf16>, vector<1024x32xbf16>, vector<48x1024xf32> -> vector<48x1024xf32>
      %add3A_873 = arith.addf %dot_general3A_872, %concatenate3A_860 : vector<48x1024xf32>
      %reduce_max3A = arith.constant dense<0xFF800000> : vector<48xf32>
      %reduce_max3A_874 = vector.multi_reduction <maximumf>, %add3A_873, %reduce_max3A [1] : vector<48x1024xf32> to vector<48xf32>
      %broadcast_in_dim3A_875 = vector.shape_cast %reduce_max3A_874 : vector<48xf32> to vector<48x1xf32>
      %sub3A_876 = vector.broadcast %broadcast_in_dim3A_875 : vector<48x1xf32> to vector<48x1024xf32>
      %sub3A_877 = arith.subf %add3A_873, %sub3A_876 : vector<48x1024xf32>
      %exp3A = math.exp %sub3A_877 : vector<48x1024xf32>
      %reduce_sum3A = arith.constant dense<0.000000e+00> : vector<48xf32>
      %reduce_sum3A_878 = vector.multi_reduction <add>, %exp3A, %reduce_sum3A [1] : vector<48x1024xf32> to vector<48xf32>
      %broadcast_in_dim3A_879 = vector.shape_cast %reduce_sum3A_878 : vector<48xf32> to vector<48x1xf32>
      %div3A_880 = vector.broadcast %broadcast_in_dim3A_879 : vector<48x1xf32> to vector<48x1024xf32>
      %div3A_881 = arith.divf %exp3A, %div3A_880 : vector<48x1024xf32>
      %convert_element_type3A_882 = arith.truncf %div3A_881 : vector<48x1024xf32> to vector<48x1024xbf16>
      %dot_general3A_883 = arith.constant dense<0.000000e+00> : vector<48x256xf32>
      %dot_general3A_884 = tpu.matmul %convert_element_type3A_882, %convert_element_type3A_862, %dot_general3A_883 {dimension_numbers = #tpu.dot_dimension_numbers<[1], [0], [0], [1], [0, 0, 1, 1], [], []>, transpose_lhs_hint = false} : vector<48x1024xbf16>, vector<1024x256xbf16>, vector<48x256xf32> -> vector<48x256xf32>
      %iota3A_885 = tpu.iota {dimensions = array<i32: 1>} : vector<1x256xi32>
      %jit3A_886 = arith.constant 128 : i32
      %eq3A_887 = arith.constant 0 : i32
      %eq3A_888 = arith.cmpi eq, %jit3A_886, %eq3A_887 : i32
      %jit3A_889 = arith.constant 1 : i32
      %select_n3A_890 = arith.select %eq3A_888, %jit3A_889, %jit3A_886 : i32
      %rem3A_891 = vector.broadcast %select_n3A_890 : i32 to vector<1x256xi32>
      %rem3A_892 = arith.remsi %iota3A_885, %rem3A_891 : vector<1x256xi32>
      %ne3A_893 = arith.constant 0 : i32
      %ne3A_894 = vector.broadcast %ne3A_893 : i32 to vector<1x256xi32>
      %ne3A_895 = arith.cmpi ne, %rem3A_892, %ne3A_894 : vector<1x256xi32>
      %lt3A_896 = arith.constant 0 : i32
      %lt3A_897 = vector.broadcast %lt3A_896 : i32 to vector<1x256xi32>
      %lt3A_898 = arith.cmpi slt, %rem3A_892, %lt3A_897 : vector<1x256xi32>
      %lt3A_899 = arith.constant 0 : i32
      %lt3A_900 = arith.cmpi slt, %select_n3A_890, %lt3A_899 : i32
      %ne3A_901 = vector.broadcast %lt3A_900 : i1 to vector<1x256xi1>
      %ne3A_902 = vector.broadcast %ne3A_901 : vector<1x256xi1> to vector<1x256xi1>
      %ne3A_903 = arith.xori %lt3A_898, %ne3A_902 : vector<1x256xi1>
      %and3A_904 = arith.andi %ne3A_903, %ne3A_895 : vector<1x256xi1>
      %add3A_905 = vector.broadcast %select_n3A_890 : i32 to vector<1x256xi32>
      %add3A_906 = arith.addi %rem3A_892, %add3A_905 : vector<1x256xi32>
      %select_n3A_907 = arith.select %and3A_904, %add3A_906, %rem3A_892 : vector<1x256xi1>, vector<1x256xi32>
      %jit3A_908 = arith.constant 16 : i32
      %div3A_909 = vector.broadcast %jit3A_908 : i32 to vector<1x256xi32>
      %div3A_910 = arith.divsi %select_n3A_907, %div3A_909 : vector<1x256xi32>
      %sign3A_911 = arith.constant 0 : i32
      %sign3A_912 = vector.broadcast %sign3A_911 : i32 to vector<1x256xi32>
      %sign3A_913 = arith.cmpi sgt, %select_n3A_907, %sign3A_912 : vector<1x256xi32>
      %sign3A_914 = arith.extui %sign3A_913 : vector<1x256xi1> to vector<1x256xi32>
      %sign3A_915 = arith.constant 0 : i32
      %sign3A_916 = vector.broadcast %sign3A_915 : i32 to vector<1x256xi32>
      %sign3A_917 = arith.cmpi slt, %select_n3A_907, %sign3A_916 : vector<1x256xi32>
      %sign3A_918 = arith.extui %sign3A_917 : vector<1x256xi1> to vector<1x256xi32>
      %sign3A_919 = arith.subi %sign3A_914, %sign3A_918 : vector<1x256xi32>
      %sign3A_920 = arith.constant 0 : i32
      %sign3A_921 = arith.cmpi sgt, %jit3A_908, %sign3A_920 : i32
      %sign3A_922 = arith.extui %sign3A_921 : i1 to i32
      %sign3A_923 = arith.constant 0 : i32
      %sign3A_924 = arith.cmpi slt, %jit3A_908, %sign3A_923 : i32
      %sign3A_925 = arith.extui %sign3A_924 : i1 to i32
      %sign3A_926 = arith.subi %sign3A_922, %sign3A_925 : i32
      %ne3A_927 = vector.broadcast %sign3A_926 : i32 to vector<1x256xi32>
      %ne3A_928 = arith.cmpi ne, %sign3A_919, %ne3A_927 : vector<1x256xi32>
      %rem3A_929 = vector.broadcast %jit3A_908 : i32 to vector<1x256xi32>
      %rem3A_930 = arith.remsi %select_n3A_907, %rem3A_929 : vector<1x256xi32>
      %ne3A_931 = arith.constant 0 : i32
      %ne3A_932 = vector.broadcast %ne3A_931 : i32 to vector<1x256xi32>
      %ne3A_933 = arith.cmpi ne, %rem3A_930, %ne3A_932 : vector<1x256xi32>
      %and3A_934 = arith.andi %ne3A_928, %ne3A_933 : vector<1x256xi1>
      %sub3A_935 = arith.constant 1 : i32
      %sub3A_936 = vector.broadcast %sub3A_935 : i32 to vector<1x256xi32>
      %sub3A_937 = arith.subi %div3A_910, %sub3A_936 : vector<1x256xi32>
      %select_n3A_938 = arith.select %and3A_934, %sub3A_937, %div3A_910 : vector<1x256xi1>, vector<1x256xi32>
      %eq3A_939 = arith.constant 0 : i32
      %eq3A_940 = vector.broadcast %eq3A_939 : i32 to vector<1x256xi32>
      %eq3A_941 = arith.cmpi eq, %select_n3A_938, %eq3A_940 : vector<1x256xi32>
      %convert_element_type3A_942 = arith.extui %eq3A_941 : vector<1x256xi1> to vector<1x256xi32>
      %convert_element_type3A_943 = arith.sitofp %convert_element_type3A_942 : vector<1x256xi32> to vector<1x256xf32>
      %mul3A_944 = vector.broadcast %convert_element_type3A_943 : vector<1x256xf32> to vector<48x256xf32>
      %mul3A_945 = arith.mulf %dot_general3A_884, %mul3A_944 : vector<48x256xf32>
      %add3A_946 = arith.addf %broadcast_in_dim3A_864, %mul3A_945 : vector<48x256xf32>
      %slice3A_947 = vector.extract_strided_slice %get3A_395 {offsets = [0, 16], sizes = [48, 16], strides = [1, 1]} : vector<48x256xf32> to vector<48x16xf32>
      %slice3A_948 = vector.extract_strided_slice %get3A_395 {offsets = [0, 144], sizes = [48, 16], strides = [1, 1]} : vector<48x256xf32> to vector<48x16xf32>
      %concatenate3A_949 = tpu.concatenate %slice3A_947, %slice3A_948 in 1 : vector<48x16xf32>, vector<48x16xf32> -> vector<48x32xf32>
      %slice3A_950 = vector.extract_strided_slice %convert_element_type3A_861 {offsets = [0, 16], sizes = [1024, 16], strides = [1, 1]} : vector<1024x256xbf16> to vector<1024x16xbf16>
      %slice3A_951 = vector.extract_strided_slice %convert_element_type3A_861 {offsets = [0, 144], sizes = [1024, 16], strides = [1, 1]} : vector<1024x256xbf16> to vector<1024x16xbf16>
      %concatenate3A_952 = tpu.concatenate %slice3A_950, %slice3A_951 in 1 : vector<1024x16xbf16>, vector<1024x16xbf16> -> vector<1024x32xbf16>
      %convert_element_type3A_953 = arith.truncf %concatenate3A_949 : vector<48x32xf32> to vector<48x32xbf16>
      %dot_general3A_954 = arith.constant dense<0.000000e+00> : vector<48x1024xf32>
      %dot_general3A_955 = tpu.matmul %convert_element_type3A_953, %concatenate3A_952, %dot_general3A_954 {dimension_numbers = #tpu.dot_dimension_numbers<[1], [1], [0], [0], [0, 0, 1, 0], [], []>, transpose_lhs_hint = false} : vector<48x32xbf16>, vector<1024x32xbf16>, vector<48x1024xf32> -> vector<48x1024xf32>
      %add3A_956 = arith.addf %dot_general3A_955, %concatenate3A_860 : vector<48x1024xf32>
      %reduce_max3A_957 = arith.constant dense<0xFF800000> : vector<48xf32>
      %reduce_max3A_958 = vector.multi_reduction <maximumf>, %add3A_956, %reduce_max3A_957 [1] : vector<48x1024xf32> to vector<48xf32>
      %broadcast_in_dim3A_959 = vector.shape_cast %reduce_max3A_958 : vector<48xf32> to vector<48x1xf32>
      %sub3A_960 = vector.broadcast %broadcast_in_dim3A_959 : vector<48x1xf32> to vector<48x1024xf32>
      %sub3A_961 = arith.subf %add3A_956, %sub3A_960 : vector<48x1024xf32>
      %exp3A_962 = math.exp %sub3A_961 : vector<48x1024xf32>
      %reduce_sum3A_963 = arith.constant dense<0.000000e+00> : vector<48xf32>
      %reduce_sum3A_964 = vector.multi_reduction <add>, %exp3A_962, %reduce_sum3A_963 [1] : vector<48x1024xf32> to vector<48xf32>
      %broadcast_in_dim3A_965 = vector.shape_cast %reduce_sum3A_964 : vector<48xf32> to vector<48x1xf32>
      %div3A_966 = vector.broadcast %broadcast_in_dim3A_965 : vector<48x1xf32> to vector<48x1024xf32>
      %div3A_967 = arith.divf %exp3A_962, %div3A_966 : vector<48x1024xf32>
      %convert_element_type3A_968 = arith.truncf %div3A_967 : vector<48x1024xf32> to vector<48x1024xbf16>
      %dot_general3A_969 = arith.constant dense<0.000000e+00> : vector<48x256xf32>
      %dot_general3A_970 = tpu.matmul %convert_element_type3A_968, %convert_element_type3A_862, %dot_general3A_969 {dimension_numbers = #tpu.dot_dimension_numbers<[1], [0], [0], [1], [0, 0, 1, 1], [], []>, transpose_lhs_hint = false} : vector<48x1024xbf16>, vector<1024x256xbf16>, vector<48x256xf32> -> vector<48x256xf32>
      %iota3A_971 = tpu.iota {dimensions = array<i32: 1>} : vector<1x256xi32>
      %jit3A_972 = arith.constant 128 : i32
      %eq3A_973 = arith.constant 0 : i32
      %eq3A_974 = arith.cmpi eq, %jit3A_972, %eq3A_973 : i32
      %jit3A_975 = arith.constant 1 : i32
      %select_n3A_976 = arith.select %eq3A_974, %jit3A_975, %jit3A_972 : i32
      %rem3A_977 = vector.broadcast %select_n3A_976 : i32 to vector<1x256xi32>
      %rem3A_978 = arith.remsi %iota3A_971, %rem3A_977 : vector<1x256xi32>
      %ne3A_979 = arith.constant 0 : i32
      %ne3A_980 = vector.broadcast %ne3A_979 : i32 to vector<1x256xi32>
      %ne3A_981 = arith.cmpi ne, %rem3A_978, %ne3A_980 : vector<1x256xi32>
      %lt3A_982 = arith.constant 0 : i32
      %lt3A_983 = vector.broadcast %lt3A_982 : i32 to vector<1x256xi32>
      %lt3A_984 = arith.cmpi slt, %rem3A_978, %lt3A_983 : vector<1x256xi32>
      %lt3A_985 = arith.constant 0 : i32
      %lt3A_986 = arith.cmpi slt, %select_n3A_976, %lt3A_985 : i32
      %ne3A_987 = vector.broadcast %lt3A_986 : i1 to vector<1x256xi1>
      %ne3A_988 = vector.broadcast %ne3A_987 : vector<1x256xi1> to vector<1x256xi1>
      %ne3A_989 = arith.xori %lt3A_984, %ne3A_988 : vector<1x256xi1>
      %and3A_990 = arith.andi %ne3A_989, %ne3A_981 : vector<1x256xi1>
      %add3A_991 = vector.broadcast %select_n3A_976 : i32 to vector<1x256xi32>
      %add3A_992 = arith.addi %rem3A_978, %add3A_991 : vector<1x256xi32>
      %select_n3A_993 = arith.select %and3A_990, %add3A_992, %rem3A_978 : vector<1x256xi1>, vector<1x256xi32>
      %jit3A_994 = arith.constant 16 : i32
      %div3A_995 = vector.broadcast %jit3A_994 : i32 to vector<1x256xi32>
      %div3A_996 = arith.divsi %select_n3A_993, %div3A_995 : vector<1x256xi32>
      %sign3A_997 = arith.constant 0 : i32
      %sign3A_998 = vector.broadcast %sign3A_997 : i32 to vector<1x256xi32>
      %sign3A_999 = arith.cmpi sgt, %select_n3A_993, %sign3A_998 : vector<1x256xi32>
      %sign3A_1000 = arith.extui %sign3A_999 : vector<1x256xi1> to vector<1x256xi32>
      %sign3A_1001 = arith.constant 0 : i32
      %sign3A_1002 = vector.broadcast %sign3A_1001 : i32 to vector<1x256xi32>
      %sign3A_1003 = arith.cmpi slt, %select_n3A_993, %sign3A_1002 : vector<1x256xi32>
      %sign3A_1004 = arith.extui %sign3A_1003 : vector<1x256xi1> to vector<1x256xi32>
      %sign3A_1005 = arith.subi %sign3A_1000, %sign3A_1004 : vector<1x256xi32>
      %sign3A_1006 = arith.constant 0 : i32
      %sign3A_1007 = arith.cmpi sgt, %jit3A_994, %sign3A_1006 : i32
      %sign3A_1008 = arith.extui %sign3A_1007 : i1 to i32
      %sign3A_1009 = arith.constant 0 : i32
      %sign3A_1010 = arith.cmpi slt, %jit3A_994, %sign3A_1009 : i32
      %sign3A_1011 = arith.extui %sign3A_1010 : i1 to i32
      %sign3A_1012 = arith.subi %sign3A_1008, %sign3A_1011 : i32
      %ne3A_1013 = vector.broadcast %sign3A_1012 : i32 to vector<1x256xi32>
      %ne3A_1014 = arith.cmpi ne, %sign3A_1005, %ne3A_1013 : vector<1x256xi32>
      %rem3A_1015 = vector.broadcast %jit3A_994 : i32 to vector<1x256xi32>
      %rem3A_1016 = arith.remsi %select_n3A_993, %rem3A_1015 : vector<1x256xi32>
      %ne3A_1017 = arith.constant 0 : i32
      %ne3A_1018 = vector.broadcast %ne3A_1017 : i32 to vector<1x256xi32>
      %ne3A_1019 = arith.cmpi ne, %rem3A_1016, %ne3A_1018 : vector<1x256xi32>
      %and3A_1020 = arith.andi %ne3A_1014, %ne3A_1019 : vector<1x256xi1>
      %sub3A_1021 = arith.constant 1 : i32
      %sub3A_1022 = vector.broadcast %sub3A_1021 : i32 to vector<1x256xi32>
      %sub3A_1023 = arith.subi %div3A_996, %sub3A_1022 : vector<1x256xi32>
      %select_n3A_1024 = arith.select %and3A_1020, %sub3A_1023, %div3A_996 : vector<1x256xi1>, vector<1x256xi32>
      %eq3A_1025 = arith.constant 1 : i32
      %eq3A_1026 = vector.broadcast %eq3A_1025 : i32 to vector<1x256xi32>
      %eq3A_1027 = arith.cmpi eq, %select_n3A_1024, %eq3A_1026 : vector<1x256xi32>
      %convert_element_type3A_1028 = arith.extui %eq3A_1027 : vector<1x256xi1> to vector<1x256xi32>
      %convert_element_type3A_1029 = arith.sitofp %convert_element_type3A_1028 : vector<1x256xi32> to vector<1x256xf32>
      %mul3A_1030 = vector.broadcast %convert_element_type3A_1029 : vector<1x256xf32> to vector<48x256xf32>
      %mul3A_1031 = arith.mulf %dot_general3A_970, %mul3A_1030 : vector<48x256xf32>
      %add3A_1032 = arith.addf %add3A_946, %mul3A_1031 : vector<48x256xf32>
      %slice3A_1033 = vector.extract_strided_slice %get3A_395 {offsets = [0, 32], sizes = [48, 16], strides = [1, 1]} : vector<48x256xf32> to vector<48x16xf32>
      %slice3A_1034 = vector.extract_strided_slice %get3A_395 {offsets = [0, 160], sizes = [48, 16], strides = [1, 1]} : vector<48x256xf32> to vector<48x16xf32>
      %concatenate3A_1035 = tpu.concatenate %slice3A_1033, %slice3A_1034 in 1 : vector<48x16xf32>, vector<48x16xf32> -> vector<48x32xf32>
      %slice3A_1036 = vector.extract_strided_slice %convert_element_type3A_861 {offsets = [0, 32], sizes = [1024, 16], strides = [1, 1]} : vector<1024x256xbf16> to vector<1024x16xbf16>
      %slice3A_1037 = vector.extract_strided_slice %convert_element_type3A_861 {offsets = [0, 160], sizes = [1024, 16], strides = [1, 1]} : vector<1024x256xbf16> to vector<1024x16xbf16>
      %concatenate3A_1038 = tpu.concatenate %slice3A_1036, %slice3A_1037 in 1 : vector<1024x16xbf16>, vector<1024x16xbf16> -> vector<1024x32xbf16>
      %convert_element_type3A_1039 = arith.truncf %concatenate3A_1035 : vector<48x32xf32> to vector<48x32xbf16>
      %dot_general3A_1040 = arith.constant dense<0.000000e+00> : vector<48x1024xf32>
      %dot_general3A_1041 = tpu.matmul %convert_element_type3A_1039, %concatenate3A_1038, %dot_general3A_1040 {dimension_numbers = #tpu.dot_dimension_numbers<[1], [1], [0], [0], [0, 0, 1, 0], [], []>, transpose_lhs_hint = false} : vector<48x32xbf16>, vector<1024x32xbf16>, vector<48x1024xf32> -> vector<48x1024xf32>
      %add3A_1042 = arith.addf %dot_general3A_1041, %concatenate3A_860 : vector<48x1024xf32>
      %reduce_max3A_1043 = arith.constant dense<0xFF800000> : vector<48xf32>
      %reduce_max3A_1044 = vector.multi_reduction <maximumf>, %add3A_1042, %reduce_max3A_1043 [1] : vector<48x1024xf32> to vector<48xf32>
      %broadcast_in_dim3A_1045 = vector.shape_cast %reduce_max3A_1044 : vector<48xf32> to vector<48x1xf32>
      %sub3A_1046 = vector.broadcast %broadcast_in_dim3A_1045 : vector<48x1xf32> to vector<48x1024xf32>
      %sub3A_1047 = arith.subf %add3A_1042, %sub3A_1046 : vector<48x1024xf32>
      %exp3A_1048 = math.exp %sub3A_1047 : vector<48x1024xf32>
      %reduce_sum3A_1049 = arith.constant dense<0.000000e+00> : vector<48xf32>
      %reduce_sum3A_1050 = vector.multi_reduction <add>, %exp3A_1048, %reduce_sum3A_1049 [1] : vector<48x1024xf32> to vector<48xf32>
      %broadcast_in_dim3A_1051 = vector.shape_cast %reduce_sum3A_1050 : vector<48xf32> to vector<48x1xf32>
      %div3A_1052 = vector.broadcast %broadcast_in_dim3A_1051 : vector<48x1xf32> to vector<48x1024xf32>
      %div3A_1053 = arith.divf %exp3A_1048, %div3A_1052 : vector<48x1024xf32>
      %convert_element_type3A_1054 = arith.truncf %div3A_1053 : vector<48x1024xf32> to vector<48x1024xbf16>
      %dot_general3A_1055 = arith.constant dense<0.000000e+00> : vector<48x256xf32>
      %dot_general3A_1056 = tpu.matmul %convert_element_type3A_1054, %convert_element_type3A_862, %dot_general3A_1055 {dimension_numbers = #tpu.dot_dimension_numbers<[1], [0], [0], [1], [0, 0, 1, 1], [], []>, transpose_lhs_hint = false} : vector<48x1024xbf16>, vector<1024x256xbf16>, vector<48x256xf32> -> vector<48x256xf32>
      %iota3A_1057 = tpu.iota {dimensions = array<i32: 1>} : vector<1x256xi32>
      %jit3A_1058 = arith.constant 128 : i32
      %eq3A_1059 = arith.constant 0 : i32
      %eq3A_1060 = arith.cmpi eq, %jit3A_1058, %eq3A_1059 : i32
      %jit3A_1061 = arith.constant 1 : i32
      %select_n3A_1062 = arith.select %eq3A_1060, %jit3A_1061, %jit3A_1058 : i32
      %rem3A_1063 = vector.broadcast %select_n3A_1062 : i32 to vector<1x256xi32>
      %rem3A_1064 = arith.remsi %iota3A_1057, %rem3A_1063 : vector<1x256xi32>
      %ne3A_1065 = arith.constant 0 : i32
      %ne3A_1066 = vector.broadcast %ne3A_1065 : i32 to vector<1x256xi32>
      %ne3A_1067 = arith.cmpi ne, %rem3A_1064, %ne3A_1066 : vector<1x256xi32>
      %lt3A_1068 = arith.constant 0 : i32
      %lt3A_1069 = vector.broadcast %lt3A_1068 : i32 to vector<1x256xi32>
      %lt3A_1070 = arith.cmpi slt, %rem3A_1064, %lt3A_1069 : vector<1x256xi32>
      %lt3A_1071 = arith.constant 0 : i32
      %lt3A_1072 = arith.cmpi slt, %select_n3A_1062, %lt3A_1071 : i32
      %ne3A_1073 = vector.broadcast %lt3A_1072 : i1 to vector<1x256xi1>
      %ne3A_1074 = vector.broadcast %ne3A_1073 : vector<1x256xi1> to vector<1x256xi1>
      %ne3A_1075 = arith.xori %lt3A_1070, %ne3A_1074 : vector<1x256xi1>
      %and3A_1076 = arith.andi %ne3A_1075, %ne3A_1067 : vector<1x256xi1>
      %add3A_1077 = vector.broadcast %select_n3A_1062 : i32 to vector<1x256xi32>
      %add3A_1078 = arith.addi %rem3A_1064, %add3A_1077 : vector<1x256xi32>
      %select_n3A_1079 = arith.select %and3A_1076, %add3A_1078, %rem3A_1064 : vector<1x256xi1>, vector<1x256xi32>
      %jit3A_1080 = arith.constant 16 : i32
      %div3A_1081 = vector.broadcast %jit3A_1080 : i32 to vector<1x256xi32>
      %div3A_1082 = arith.divsi %select_n3A_1079, %div3A_1081 : vector<1x256xi32>
      %sign3A_1083 = arith.constant 0 : i32
      %sign3A_1084 = vector.broadcast %sign3A_1083 : i32 to vector<1x256xi32>
      %sign3A_1085 = arith.cmpi sgt, %select_n3A_1079, %sign3A_1084 : vector<1x256xi32>
      %sign3A_1086 = arith.extui %sign3A_1085 : vector<1x256xi1> to vector<1x256xi32>
      %sign3A_1087 = arith.constant 0 : i32
      %sign3A_1088 = vector.broadcast %sign3A_1087 : i32 to vector<1x256xi32>
      %sign3A_1089 = arith.cmpi slt, %select_n3A_1079, %sign3A_1088 : vector<1x256xi32>
      %sign3A_1090 = arith.extui %sign3A_1089 : vector<1x256xi1> to vector<1x256xi32>
      %sign3A_1091 = arith.subi %sign3A_1086, %sign3A_1090 : vector<1x256xi32>
      %sign3A_1092 = arith.constant 0 : i32
      %sign3A_1093 = arith.cmpi sgt, %jit3A_1080, %sign3A_1092 : i32
      %sign3A_1094 = arith.extui %sign3A_1093 : i1 to i32
      %sign3A_1095 = arith.constant 0 : i32
      %sign3A_1096 = arith.cmpi slt, %jit3A_1080, %sign3A_1095 : i32
      %sign3A_1097 = arith.extui %sign3A_1096 : i1 to i32
      %sign3A_1098 = arith.subi %sign3A_1094, %sign3A_1097 : i32
      %ne3A_1099 = vector.broadcast %sign3A_1098 : i32 to vector<1x256xi32>
      %ne3A_1100 = arith.cmpi ne, %sign3A_1091, %ne3A_1099 : vector<1x256xi32>
      %rem3A_1101 = vector.broadcast %jit3A_1080 : i32 to vector<1x256xi32>
      %rem3A_1102 = arith.remsi %select_n3A_1079, %rem3A_1101 : vector<1x256xi32>
      %ne3A_1103 = arith.constant 0 : i32
      %ne3A_1104 = vector.broadcast %ne3A_1103 : i32 to vector<1x256xi32>
      %ne3A_1105 = arith.cmpi ne, %rem3A_1102, %ne3A_1104 : vector<1x256xi32>
      %and3A_1106 = arith.andi %ne3A_1100, %ne3A_1105 : vector<1x256xi1>
      %sub3A_1107 = arith.constant 1 : i32
      %sub3A_1108 = vector.broadcast %sub3A_1107 : i32 to vector<1x256xi32>
      %sub3A_1109 = arith.subi %div3A_1082, %sub3A_1108 : vector<1x256xi32>
      %select_n3A_1110 = arith.select %and3A_1106, %sub3A_1109, %div3A_1082 : vector<1x256xi1>, vector<1x256xi32>
      %eq3A_1111 = arith.constant 2 : i32
      %eq3A_1112 = vector.broadcast %eq3A_1111 : i32 to vector<1x256xi32>
      %eq3A_1113 = arith.cmpi eq, %select_n3A_1110, %eq3A_1112 : vector<1x256xi32>
      %convert_element_type3A_1114 = arith.extui %eq3A_1113 : vector<1x256xi1> to vector<1x256xi32>
      %convert_element_type3A_1115 = arith.sitofp %convert_element_type3A_1114 : vector<1x256xi32> to vector<1x256xf32>
      %mul3A_1116 = vector.broadcast %convert_element_type3A_1115 : vector<1x256xf32> to vector<48x256xf32>
      %mul3A_1117 = arith.mulf %dot_general3A_1056, %mul3A_1116 : vector<48x256xf32>
      %add3A_1118 = arith.addf %add3A_1032, %mul3A_1117 : vector<48x256xf32>
      %slice3A_1119 = vector.extract_strided_slice %get3A_395 {offsets = [0, 48], sizes = [48, 16], strides = [1, 1]} : vector<48x256xf32> to vector<48x16xf32>
      %slice3A_1120 = vector.extract_strided_slice %get3A_395 {offsets = [0, 176], sizes = [48, 16], strides = [1, 1]} : vector<48x256xf32> to vector<48x16xf32>
      %concatenate3A_1121 = tpu.concatenate %slice3A_1119, %slice3A_1120 in 1 : vector<48x16xf32>, vector<48x16xf32> -> vector<48x32xf32>
      %slice3A_1122 = vector.extract_strided_slice %convert_element_type3A_861 {offsets = [0, 48], sizes = [1024, 16], strides = [1, 1]} : vector<1024x256xbf16> to vector<1024x16xbf16>
      %slice3A_1123 = vector.extract_strided_slice %convert_element_type3A_861 {offsets = [0, 176], sizes = [1024, 16], strides = [1, 1]} : vector<1024x256xbf16> to vector<1024x16xbf16>
      %concatenate3A_1124 = tpu.concatenate %slice3A_1122, %slice3A_1123 in 1 : vector<1024x16xbf16>, vector<1024x16xbf16> -> vector<1024x32xbf16>
      %convert_element_type3A_1125 = arith.truncf %concatenate3A_1121 : vector<48x32xf32> to vector<48x32xbf16>
      %dot_general3A_1126 = arith.constant dense<0.000000e+00> : vector<48x1024xf32>
      %dot_general3A_1127 = tpu.matmul %convert_element_type3A_1125, %concatenate3A_1124, %dot_general3A_1126 {dimension_numbers = #tpu.dot_dimension_numbers<[1], [1], [0], [0], [0, 0, 1, 0], [], []>, transpose_lhs_hint = false} : vector<48x32xbf16>, vector<1024x32xbf16>, vector<48x1024xf32> -> vector<48x1024xf32>
      %add3A_1128 = arith.addf %dot_general3A_1127, %concatenate3A_860 : vector<48x1024xf32>
      %reduce_max3A_1129 = arith.constant dense<0xFF800000> : vector<48xf32>
      %reduce_max3A_1130 = vector.multi_reduction <maximumf>, %add3A_1128, %reduce_max3A_1129 [1] : vector<48x1024xf32> to vector<48xf32>
      %broadcast_in_dim3A_1131 = vector.shape_cast %reduce_max3A_1130 : vector<48xf32> to vector<48x1xf32>
      %sub3A_1132 = vector.broadcast %broadcast_in_dim3A_1131 : vector<48x1xf32> to vector<48x1024xf32>
      %sub3A_1133 = arith.subf %add3A_1128, %sub3A_1132 : vector<48x1024xf32>
      %exp3A_1134 = math.exp %sub3A_1133 : vector<48x1024xf32>
      %reduce_sum3A_1135 = arith.constant dense<0.000000e+00> : vector<48xf32>
      %reduce_sum3A_1136 = vector.multi_reduction <add>, %exp3A_1134, %reduce_sum3A_1135 [1] : vector<48x1024xf32> to vector<48xf32>
      %broadcast_in_dim3A_1137 = vector.shape_cast %reduce_sum3A_1136 : vector<48xf32> to vector<48x1xf32>
      %div3A_1138 = vector.broadcast %broadcast_in_dim3A_1137 : vector<48x1xf32> to vector<48x1024xf32>
      %div3A_1139 = arith.divf %exp3A_1134, %div3A_1138 : vector<48x1024xf32>
      %convert_element_type3A_1140 = arith.truncf %div3A_1139 : vector<48x1024xf32> to vector<48x1024xbf16>
      %dot_general3A_1141 = arith.constant dense<0.000000e+00> : vector<48x256xf32>
      %dot_general3A_1142 = tpu.matmul %convert_element_type3A_1140, %convert_element_type3A_862, %dot_general3A_1141 {dimension_numbers = #tpu.dot_dimension_numbers<[1], [0], [0], [1], [0, 0, 1, 1], [], []>, transpose_lhs_hint = false} : vector<48x1024xbf16>, vector<1024x256xbf16>, vector<48x256xf32> -> vector<48x256xf32>
      %iota3A_1143 = tpu.iota {dimensions = array<i32: 1>} : vector<1x256xi32>
      %jit3A_1144 = arith.constant 128 : i32
      %eq3A_1145 = arith.constant 0 : i32
      %eq3A_1146 = arith.cmpi eq, %jit3A_1144, %eq3A_1145 : i32
      %jit3A_1147 = arith.constant 1 : i32
      %select_n3A_1148 = arith.select %eq3A_1146, %jit3A_1147, %jit3A_1144 : i32
      %rem3A_1149 = vector.broadcast %select_n3A_1148 : i32 to vector<1x256xi32>
      %rem3A_1150 = arith.remsi %iota3A_1143, %rem3A_1149 : vector<1x256xi32>
      %ne3A_1151 = arith.constant 0 : i32
      %ne3A_1152 = vector.broadcast %ne3A_1151 : i32 to vector<1x256xi32>
      %ne3A_1153 = arith.cmpi ne, %rem3A_1150, %ne3A_1152 : vector<1x256xi32>
      %lt3A_1154 = arith.constant 0 : i32
      %lt3A_1155 = vector.broadcast %lt3A_1154 : i32 to vector<1x256xi32>
      %lt3A_1156 = arith.cmpi slt, %rem3A_1150, %lt3A_1155 : vector<1x256xi32>
      %lt3A_1157 = arith.constant 0 : i32
      %lt3A_1158 = arith.cmpi slt, %select_n3A_1148, %lt3A_1157 : i32
      %ne3A_1159 = vector.broadcast %lt3A_1158 : i1 to vector<1x256xi1>
      %ne3A_1160 = vector.broadcast %ne3A_1159 : vector<1x256xi1> to vector<1x256xi1>
      %ne3A_1161 = arith.xori %lt3A_1156, %ne3A_1160 : vector<1x256xi1>
      %and3A_1162 = arith.andi %ne3A_1161, %ne3A_1153 : vector<1x256xi1>
      %add3A_1163 = vector.broadcast %select_n3A_1148 : i32 to vector<1x256xi32>
      %add3A_1164 = arith.addi %rem3A_1150, %add3A_1163 : vector<1x256xi32>
      %select_n3A_1165 = arith.select %and3A_1162, %add3A_1164, %rem3A_1150 : vector<1x256xi1>, vector<1x256xi32>
      %jit3A_1166 = arith.constant 16 : i32
      %div3A_1167 = vector.broadcast %jit3A_1166 : i32 to vector<1x256xi32>
      %div3A_1168 = arith.divsi %select_n3A_1165, %div3A_1167 : vector<1x256xi32>
      %sign3A_1169 = arith.constant 0 : i32
      %sign3A_1170 = vector.broadcast %sign3A_1169 : i32 to vector<1x256xi32>
      %sign3A_1171 = arith.cmpi sgt, %select_n3A_1165, %sign3A_1170 : vector<1x256xi32>
      %sign3A_1172 = arith.extui %sign3A_1171 : vector<1x256xi1> to vector<1x256xi32>
      %sign3A_1173 = arith.constant 0 : i32
      %sign3A_1174 = vector.broadcast %sign3A_1173 : i32 to vector<1x256xi32>
      %sign3A_1175 = arith.cmpi slt, %select_n3A_1165, %sign3A_1174 : vector<1x256xi32>
      %sign3A_1176 = arith.extui %sign3A_1175 : vector<1x256xi1> to vector<1x256xi32>
      %sign3A_1177 = arith.subi %sign3A_1172, %sign3A_1176 : vector<1x256xi32>
      %sign3A_1178 = arith.constant 0 : i32
      %sign3A_1179 = arith.cmpi sgt, %jit3A_1166, %sign3A_1178 : i32
      %sign3A_1180 = arith.extui %sign3A_1179 : i1 to i32
      %sign3A_1181 = arith.constant 0 : i32
      %sign3A_1182 = arith.cmpi slt, %jit3A_1166, %sign3A_1181 : i32
      %sign3A_1183 = arith.extui %sign3A_1182 : i1 to i32
      %sign3A_1184 = arith.subi %sign3A_1180, %sign3A_1183 : i32
      %ne3A_1185 = vector.broadcast %sign3A_1184 : i32 to vector<1x256xi32>
      %ne3A_1186 = arith.cmpi ne, %sign3A_1177, %ne3A_1185 : vector<1x256xi32>
      %rem3A_1187 = vector.broadcast %jit3A_1166 : i32 to vector<1x256xi32>
      %rem3A_1188 = arith.remsi %select_n3A_1165, %rem3A_1187 : vector<1x256xi32>
      %ne3A_1189 = arith.constant 0 : i32
      %ne3A_1190 = vector.broadcast %ne3A_1189 : i32 to vector<1x256xi32>
      %ne3A_1191 = arith.cmpi ne, %rem3A_1188, %ne3A_1190 : vector<1x256xi32>
      %and3A_1192 = arith.andi %ne3A_1186, %ne3A_1191 : vector<1x256xi1>
      %sub3A_1193 = arith.constant 1 : i32
      %sub3A_1194 = vector.broadcast %sub3A_1193 : i32 to vector<1x256xi32>
      %sub3A_1195 = arith.subi %div3A_1168, %sub3A_1194 : vector<1x256xi32>
      %select_n3A_1196 = arith.select %and3A_1192, %sub3A_1195, %div3A_1168 : vector<1x256xi1>, vector<1x256xi32>
      %eq3A_1197 = arith.constant 3 : i32
      %eq3A_1198 = vector.broadcast %eq3A_1197 : i32 to vector<1x256xi32>
      %eq3A_1199 = arith.cmpi eq, %select_n3A_1196, %eq3A_1198 : vector<1x256xi32>
      %convert_element_type3A_1200 = arith.extui %eq3A_1199 : vector<1x256xi1> to vector<1x256xi32>
      %convert_element_type3A_1201 = arith.sitofp %convert_element_type3A_1200 : vector<1x256xi32> to vector<1x256xf32>
      %mul3A_1202 = vector.broadcast %convert_element_type3A_1201 : vector<1x256xf32> to vector<48x256xf32>
      %mul3A_1203 = arith.mulf %dot_general3A_1142, %mul3A_1202 : vector<48x256xf32>
      %add3A_1204 = arith.addf %add3A_1118, %mul3A_1203 : vector<48x256xf32>
      %slice3A_1205 = vector.extract_strided_slice %get3A_395 {offsets = [0, 64], sizes = [48, 16], strides = [1, 1]} : vector<48x256xf32> to vector<48x16xf32>
      %slice3A_1206 = vector.extract_strided_slice %get3A_395 {offsets = [0, 192], sizes = [48, 16], strides = [1, 1]} : vector<48x256xf32> to vector<48x16xf32>
      %concatenate3A_1207 = tpu.concatenate %slice3A_1205, %slice3A_1206 in 1 : vector<48x16xf32>, vector<48x16xf32> -> vector<48x32xf32>
      %slice3A_1208 = vector.extract_strided_slice %convert_element_type3A_861 {offsets = [0, 64], sizes = [1024, 16], strides = [1, 1]} : vector<1024x256xbf16> to vector<1024x16xbf16>
      %slice3A_1209 = vector.extract_strided_slice %convert_element_type3A_861 {offsets = [0, 192], sizes = [1024, 16], strides = [1, 1]} : vector<1024x256xbf16> to vector<1024x16xbf16>
      %concatenate3A_1210 = tpu.concatenate %slice3A_1208, %slice3A_1209 in 1 : vector<1024x16xbf16>, vector<1024x16xbf16> -> vector<1024x32xbf16>
      %convert_element_type3A_1211 = arith.truncf %concatenate3A_1207 : vector<48x32xf32> to vector<48x32xbf16>
      %dot_general3A_1212 = arith.constant dense<0.000000e+00> : vector<48x1024xf32>
      %dot_general3A_1213 = tpu.matmul %convert_element_type3A_1211, %concatenate3A_1210, %dot_general3A_1212 {dimension_numbers = #tpu.dot_dimension_numbers<[1], [1], [0], [0], [0, 0, 1, 0], [], []>, transpose_lhs_hint = false} : vector<48x32xbf16>, vector<1024x32xbf16>, vector<48x1024xf32> -> vector<48x1024xf32>
      %add3A_1214 = arith.addf %dot_general3A_1213, %concatenate3A_860 : vector<48x1024xf32>
      %reduce_max3A_1215 = arith.constant dense<0xFF800000> : vector<48xf32>
      %reduce_max3A_1216 = vector.multi_reduction <maximumf>, %add3A_1214, %reduce_max3A_1215 [1] : vector<48x1024xf32> to vector<48xf32>
      %broadcast_in_dim3A_1217 = vector.shape_cast %reduce_max3A_1216 : vector<48xf32> to vector<48x1xf32>
      %sub3A_1218 = vector.broadcast %broadcast_in_dim3A_1217 : vector<48x1xf32> to vector<48x1024xf32>
      %sub3A_1219 = arith.subf %add3A_1214, %sub3A_1218 : vector<48x1024xf32>
      %exp3A_1220 = math.exp %sub3A_1219 : vector<48x1024xf32>
      %reduce_sum3A_1221 = arith.constant dense<0.000000e+00> : vector<48xf32>
      %reduce_sum3A_1222 = vector.multi_reduction <add>, %exp3A_1220, %reduce_sum3A_1221 [1] : vector<48x1024xf32> to vector<48xf32>
      %broadcast_in_dim3A_1223 = vector.shape_cast %reduce_sum3A_1222 : vector<48xf32> to vector<48x1xf32>
      %div3A_1224 = vector.broadcast %broadcast_in_dim3A_1223 : vector<48x1xf32> to vector<48x1024xf32>
      %div3A_1225 = arith.divf %exp3A_1220, %div3A_1224 : vector<48x1024xf32>
      %convert_element_type3A_1226 = arith.truncf %div3A_1225 : vector<48x1024xf32> to vector<48x1024xbf16>
      %dot_general3A_1227 = arith.constant dense<0.000000e+00> : vector<48x256xf32>
      %dot_general3A_1228 = tpu.matmul %convert_element_type3A_1226, %convert_element_type3A_862, %dot_general3A_1227 {dimension_numbers = #tpu.dot_dimension_numbers<[1], [0], [0], [1], [0, 0, 1, 1], [], []>, transpose_lhs_hint = false} : vector<48x1024xbf16>, vector<1024x256xbf16>, vector<48x256xf32> -> vector<48x256xf32>
      %iota3A_1229 = tpu.iota {dimensions = array<i32: 1>} : vector<1x256xi32>
      %jit3A_1230 = arith.constant 128 : i32
      %eq3A_1231 = arith.constant 0 : i32
      %eq3A_1232 = arith.cmpi eq, %jit3A_1230, %eq3A_1231 : i32
      %jit3A_1233 = arith.constant 1 : i32
      %select_n3A_1234 = arith.select %eq3A_1232, %jit3A_1233, %jit3A_1230 : i32
      %rem3A_1235 = vector.broadcast %select_n3A_1234 : i32 to vector<1x256xi32>
      %rem3A_1236 = arith.remsi %iota3A_1229, %rem3A_1235 : vector<1x256xi32>
      %ne3A_1237 = arith.constant 0 : i32
      %ne3A_1238 = vector.broadcast %ne3A_1237 : i32 to vector<1x256xi32>
      %ne3A_1239 = arith.cmpi ne, %rem3A_1236, %ne3A_1238 : vector<1x256xi32>
      %lt3A_1240 = arith.constant 0 : i32
      %lt3A_1241 = vector.broadcast %lt3A_1240 : i32 to vector<1x256xi32>
      %lt3A_1242 = arith.cmpi slt, %rem3A_1236, %lt3A_1241 : vector<1x256xi32>
      %lt3A_1243 = arith.constant 0 : i32
      %lt3A_1244 = arith.cmpi slt, %select_n3A_1234, %lt3A_1243 : i32
      %ne3A_1245 = vector.broadcast %lt3A_1244 : i1 to vector<1x256xi1>
      %ne3A_1246 = vector.broadcast %ne3A_1245 : vector<1x256xi1> to vector<1x256xi1>
      %ne3A_1247 = arith.xori %lt3A_1242, %ne3A_1246 : vector<1x256xi1>
      %and3A_1248 = arith.andi %ne3A_1247, %ne3A_1239 : vector<1x256xi1>
      %add3A_1249 = vector.broadcast %select_n3A_1234 : i32 to vector<1x256xi32>
      %add3A_1250 = arith.addi %rem3A_1236, %add3A_1249 : vector<1x256xi32>
      %select_n3A_1251 = arith.select %and3A_1248, %add3A_1250, %rem3A_1236 : vector<1x256xi1>, vector<1x256xi32>
      %jit3A_1252 = arith.constant 16 : i32
      %div3A_1253 = vector.broadcast %jit3A_1252 : i32 to vector<1x256xi32>
      %div3A_1254 = arith.divsi %select_n3A_1251, %div3A_1253 : vector<1x256xi32>
      %sign3A_1255 = arith.constant 0 : i32
      %sign3A_1256 = vector.broadcast %sign3A_1255 : i32 to vector<1x256xi32>
      %sign3A_1257 = arith.cmpi sgt, %select_n3A_1251, %sign3A_1256 : vector<1x256xi32>
      %sign3A_1258 = arith.extui %sign3A_1257 : vector<1x256xi1> to vector<1x256xi32>
      %sign3A_1259 = arith.constant 0 : i32
      %sign3A_1260 = vector.broadcast %sign3A_1259 : i32 to vector<1x256xi32>
      %sign3A_1261 = arith.cmpi slt, %select_n3A_1251, %sign3A_1260 : vector<1x256xi32>
      %sign3A_1262 = arith.extui %sign3A_1261 : vector<1x256xi1> to vector<1x256xi32>
      %sign3A_1263 = arith.subi %sign3A_1258, %sign3A_1262 : vector<1x256xi32>
      %sign3A_1264 = arith.constant 0 : i32
      %sign3A_1265 = arith.cmpi sgt, %jit3A_1252, %sign3A_1264 : i32
      %sign3A_1266 = arith.extui %sign3A_1265 : i1 to i32
      %sign3A_1267 = arith.constant 0 : i32
      %sign3A_1268 = arith.cmpi slt, %jit3A_1252, %sign3A_1267 : i32
      %sign3A_1269 = arith.extui %sign3A_1268 : i1 to i32
      %sign3A_1270 = arith.subi %sign3A_1266, %sign3A_1269 : i32
      %ne3A_1271 = vector.broadcast %sign3A_1270 : i32 to vector<1x256xi32>
      %ne3A_1272 = arith.cmpi ne, %sign3A_1263, %ne3A_1271 : vector<1x256xi32>
      %rem3A_1273 = vector.broadcast %jit3A_1252 : i32 to vector<1x256xi32>
      %rem3A_1274 = arith.remsi %select_n3A_1251, %rem3A_1273 : vector<1x256xi32>
      %ne3A_1275 = arith.constant 0 : i32
      %ne3A_1276 = vector.broadcast %ne3A_1275 : i32 to vector<1x256xi32>
      %ne3A_1277 = arith.cmpi ne, %rem3A_1274, %ne3A_1276 : vector<1x256xi32>
      %and3A_1278 = arith.andi %ne3A_1272, %ne3A_1277 : vector<1x256xi1>
      %sub3A_1279 = arith.constant 1 : i32
      %sub3A_1280 = vector.broadcast %sub3A_1279 : i32 to vector<1x256xi32>
      %sub3A_1281 = arith.subi %div3A_1254, %sub3A_1280 : vector<1x256xi32>
      %select_n3A_1282 = arith.select %and3A_1278, %sub3A_1281, %div3A_1254 : vector<1x256xi1>, vector<1x256xi32>
      %eq3A_1283 = arith.constant 4 : i32
      %eq3A_1284 = vector.broadcast %eq3A_1283 : i32 to vector<1x256xi32>
      %eq3A_1285 = arith.cmpi eq, %select_n3A_1282, %eq3A_1284 : vector<1x256xi32>
      %convert_element_type3A_1286 = arith.extui %eq3A_1285 : vector<1x256xi1> to vector<1x256xi32>
      %convert_element_type3A_1287 = arith.sitofp %convert_element_type3A_1286 : vector<1x256xi32> to vector<1x256xf32>
      %mul3A_1288 = vector.broadcast %convert_element_type3A_1287 : vector<1x256xf32> to vector<48x256xf32>
      %mul3A_1289 = arith.mulf %dot_general3A_1228, %mul3A_1288 : vector<48x256xf32>
      %add3A_1290 = arith.addf %add3A_1204, %mul3A_1289 : vector<48x256xf32>
      %slice3A_1291 = vector.extract_strided_slice %get3A_395 {offsets = [0, 80], sizes = [48, 16], strides = [1, 1]} : vector<48x256xf32> to vector<48x16xf32>
      %slice3A_1292 = vector.extract_strided_slice %get3A_395 {offsets = [0, 208], sizes = [48, 16], strides = [1, 1]} : vector<48x256xf32> to vector<48x16xf32>
      %concatenate3A_1293 = tpu.concatenate %slice3A_1291, %slice3A_1292 in 1 : vector<48x16xf32>, vector<48x16xf32> -> vector<48x32xf32>
      %slice3A_1294 = vector.extract_strided_slice %convert_element_type3A_861 {offsets = [0, 80], sizes = [1024, 16], strides = [1, 1]} : vector<1024x256xbf16> to vector<1024x16xbf16>
      %slice3A_1295 = vector.extract_strided_slice %convert_element_type3A_861 {offsets = [0, 208], sizes = [1024, 16], strides = [1, 1]} : vector<1024x256xbf16> to vector<1024x16xbf16>
      %concatenate3A_1296 = tpu.concatenate %slice3A_1294, %slice3A_1295 in 1 : vector<1024x16xbf16>, vector<1024x16xbf16> -> vector<1024x32xbf16>
      %convert_element_type3A_1297 = arith.truncf %concatenate3A_1293 : vector<48x32xf32> to vector<48x32xbf16>
      %dot_general3A_1298 = arith.constant dense<0.000000e+00> : vector<48x1024xf32>
      %dot_general3A_1299 = tpu.matmul %convert_element_type3A_1297, %concatenate3A_1296, %dot_general3A_1298 {dimension_numbers = #tpu.dot_dimension_numbers<[1], [1], [0], [0], [0, 0, 1, 0], [], []>, transpose_lhs_hint = false} : vector<48x32xbf16>, vector<1024x32xbf16>, vector<48x1024xf32> -> vector<48x1024xf32>
      %add3A_1300 = arith.addf %dot_general3A_1299, %concatenate3A_860 : vector<48x1024xf32>
      %reduce_max3A_1301 = arith.constant dense<0xFF800000> : vector<48xf32>
      %reduce_max3A_1302 = vector.multi_reduction <maximumf>, %add3A_1300, %reduce_max3A_1301 [1] : vector<48x1024xf32> to vector<48xf32>
      %broadcast_in_dim3A_1303 = vector.shape_cast %reduce_max3A_1302 : vector<48xf32> to vector<48x1xf32>
      %sub3A_1304 = vector.broadcast %broadcast_in_dim3A_1303 : vector<48x1xf32> to vector<48x1024xf32>
      %sub3A_1305 = arith.subf %add3A_1300, %sub3A_1304 : vector<48x1024xf32>
      %exp3A_1306 = math.exp %sub3A_1305 : vector<48x1024xf32>
      %reduce_sum3A_1307 = arith.constant dense<0.000000e+00> : vector<48xf32>
      %reduce_sum3A_1308 = vector.multi_reduction <add>, %exp3A_1306, %reduce_sum3A_1307 [1] : vector<48x1024xf32> to vector<48xf32>
      %broadcast_in_dim3A_1309 = vector.shape_cast %reduce_sum3A_1308 : vector<48xf32> to vector<48x1xf32>
      %div3A_1310 = vector.broadcast %broadcast_in_dim3A_1309 : vector<48x1xf32> to vector<48x1024xf32>
      %div3A_1311 = arith.divf %exp3A_1306, %div3A_1310 : vector<48x1024xf32>
      %convert_element_type3A_1312 = arith.truncf %div3A_1311 : vector<48x1024xf32> to vector<48x1024xbf16>
      %dot_general3A_1313 = arith.constant dense<0.000000e+00> : vector<48x256xf32>
      %dot_general3A_1314 = tpu.matmul %convert_element_type3A_1312, %convert_element_type3A_862, %dot_general3A_1313 {dimension_numbers = #tpu.dot_dimension_numbers<[1], [0], [0], [1], [0, 0, 1, 1], [], []>, transpose_lhs_hint = false} : vector<48x1024xbf16>, vector<1024x256xbf16>, vector<48x256xf32> -> vector<48x256xf32>
      %iota3A_1315 = tpu.iota {dimensions = array<i32: 1>} : vector<1x256xi32>
      %jit3A_1316 = arith.constant 128 : i32
      %eq3A_1317 = arith.constant 0 : i32
      %eq3A_1318 = arith.cmpi eq, %jit3A_1316, %eq3A_1317 : i32
      %jit3A_1319 = arith.constant 1 : i32
      %select_n3A_1320 = arith.select %eq3A_1318, %jit3A_1319, %jit3A_1316 : i32
      %rem3A_1321 = vector.broadcast %select_n3A_1320 : i32 to vector<1x256xi32>
      %rem3A_1322 = arith.remsi %iota3A_1315, %rem3A_1321 : vector<1x256xi32>
      %ne3A_1323 = arith.constant 0 : i32
      %ne3A_1324 = vector.broadcast %ne3A_1323 : i32 to vector<1x256xi32>
      %ne3A_1325 = arith.cmpi ne, %rem3A_1322, %ne3A_1324 : vector<1x256xi32>
      %lt3A_1326 = arith.constant 0 : i32
      %lt3A_1327 = vector.broadcast %lt3A_1326 : i32 to vector<1x256xi32>
      %lt3A_1328 = arith.cmpi slt, %rem3A_1322, %lt3A_1327 : vector<1x256xi32>
      %lt3A_1329 = arith.constant 0 : i32
      %lt3A_1330 = arith.cmpi slt, %select_n3A_1320, %lt3A_1329 : i32
      %ne3A_1331 = vector.broadcast %lt3A_1330 : i1 to vector<1x256xi1>
      %ne3A_1332 = vector.broadcast %ne3A_1331 : vector<1x256xi1> to vector<1x256xi1>
      %ne3A_1333 = arith.xori %lt3A_1328, %ne3A_1332 : vector<1x256xi1>
      %and3A_1334 = arith.andi %ne3A_1333, %ne3A_1325 : vector<1x256xi1>
      %add3A_1335 = vector.broadcast %select_n3A_1320 : i32 to vector<1x256xi32>
      %add3A_1336 = arith.addi %rem3A_1322, %add3A_1335 : vector<1x256xi32>
      %select_n3A_1337 = arith.select %and3A_1334, %add3A_1336, %rem3A_1322 : vector<1x256xi1>, vector<1x256xi32>
      %jit3A_1338 = arith.constant 16 : i32
      %div3A_1339 = vector.broadcast %jit3A_1338 : i32 to vector<1x256xi32>
      %div3A_1340 = arith.divsi %select_n3A_1337, %div3A_1339 : vector<1x256xi32>
      %sign3A_1341 = arith.constant 0 : i32
      %sign3A_1342 = vector.broadcast %sign3A_1341 : i32 to vector<1x256xi32>
      %sign3A_1343 = arith.cmpi sgt, %select_n3A_1337, %sign3A_1342 : vector<1x256xi32>
      %sign3A_1344 = arith.extui %sign3A_1343 : vector<1x256xi1> to vector<1x256xi32>
      %sign3A_1345 = arith.constant 0 : i32
      %sign3A_1346 = vector.broadcast %sign3A_1345 : i32 to vector<1x256xi32>
      %sign3A_1347 = arith.cmpi slt, %select_n3A_1337, %sign3A_1346 : vector<1x256xi32>
      %sign3A_1348 = arith.extui %sign3A_1347 : vector<1x256xi1> to vector<1x256xi32>
      %sign3A_1349 = arith.subi %sign3A_1344, %sign3A_1348 : vector<1x256xi32>
      %sign3A_1350 = arith.constant 0 : i32
      %sign3A_1351 = arith.cmpi sgt, %jit3A_1338, %sign3A_1350 : i32
      %sign3A_1352 = arith.extui %sign3A_1351 : i1 to i32
      %sign3A_1353 = arith.constant 0 : i32
      %sign3A_1354 = arith.cmpi slt, %jit3A_1338, %sign3A_1353 : i32
      %sign3A_1355 = arith.extui %sign3A_1354 : i1 to i32
      %sign3A_1356 = arith.subi %sign3A_1352, %sign3A_1355 : i32
      %ne3A_1357 = vector.broadcast %sign3A_1356 : i32 to vector<1x256xi32>
      %ne3A_1358 = arith.cmpi ne, %sign3A_1349, %ne3A_1357 : vector<1x256xi32>
      %rem3A_1359 = vector.broadcast %jit3A_1338 : i32 to vector<1x256xi32>
      %rem3A_1360 = arith.remsi %select_n3A_1337, %rem3A_1359 : vector<1x256xi32>
      %ne3A_1361 = arith.constant 0 : i32
      %ne3A_1362 = vector.broadcast %ne3A_1361 : i32 to vector<1x256xi32>
      %ne3A_1363 = arith.cmpi ne, %rem3A_1360, %ne3A_1362 : vector<1x256xi32>
      %and3A_1364 = arith.andi %ne3A_1358, %ne3A_1363 : vector<1x256xi1>
      %sub3A_1365 = arith.constant 1 : i32
      %sub3A_1366 = vector.broadcast %sub3A_1365 : i32 to vector<1x256xi32>
      %sub3A_1367 = arith.subi %div3A_1340, %sub3A_1366 : vector<1x256xi32>
      %select_n3A_1368 = arith.select %and3A_1364, %sub3A_1367, %div3A_1340 : vector<1x256xi1>, vector<1x256xi32>
      %eq3A_1369 = arith.constant 5 : i32
      %eq3A_1370 = vector.broadcast %eq3A_1369 : i32 to vector<1x256xi32>
      %eq3A_1371 = arith.cmpi eq, %select_n3A_1368, %eq3A_1370 : vector<1x256xi32>
      %convert_element_type3A_1372 = arith.extui %eq3A_1371 : vector<1x256xi1> to vector<1x256xi32>
      %convert_element_type3A_1373 = arith.sitofp %convert_element_type3A_1372 : vector<1x256xi32> to vector<1x256xf32>
      %mul3A_1374 = vector.broadcast %convert_element_type3A_1373 : vector<1x256xf32> to vector<48x256xf32>
      %mul3A_1375 = arith.mulf %dot_general3A_1314, %mul3A_1374 : vector<48x256xf32>
      %add3A_1376 = arith.addf %add3A_1290, %mul3A_1375 : vector<48x256xf32>
      %slice3A_1377 = vector.extract_strided_slice %get3A_395 {offsets = [0, 96], sizes = [48, 16], strides = [1, 1]} : vector<48x256xf32> to vector<48x16xf32>
      %slice3A_1378 = vector.extract_strided_slice %get3A_395 {offsets = [0, 224], sizes = [48, 16], strides = [1, 1]} : vector<48x256xf32> to vector<48x16xf32>
      %concatenate3A_1379 = tpu.concatenate %slice3A_1377, %slice3A_1378 in 1 : vector<48x16xf32>, vector<48x16xf32> -> vector<48x32xf32>
      %slice3A_1380 = vector.extract_strided_slice %convert_element_type3A_861 {offsets = [0, 96], sizes = [1024, 16], strides = [1, 1]} : vector<1024x256xbf16> to vector<1024x16xbf16>
      %slice3A_1381 = vector.extract_strided_slice %convert_element_type3A_861 {offsets = [0, 224], sizes = [1024, 16], strides = [1, 1]} : vector<1024x256xbf16> to vector<1024x16xbf16>
      %concatenate3A_1382 = tpu.concatenate %slice3A_1380, %slice3A_1381 in 1 : vector<1024x16xbf16>, vector<1024x16xbf16> -> vector<1024x32xbf16>
      %convert_element_type3A_1383 = arith.truncf %concatenate3A_1379 : vector<48x32xf32> to vector<48x32xbf16>
      %dot_general3A_1384 = arith.constant dense<0.000000e+00> : vector<48x1024xf32>
      %dot_general3A_1385 = tpu.matmul %convert_element_type3A_1383, %concatenate3A_1382, %dot_general3A_1384 {dimension_numbers = #tpu.dot_dimension_numbers<[1], [1], [0], [0], [0, 0, 1, 0], [], []>, transpose_lhs_hint = false} : vector<48x32xbf16>, vector<1024x32xbf16>, vector<48x1024xf32> -> vector<48x1024xf32>
      %add3A_1386 = arith.addf %dot_general3A_1385, %concatenate3A_860 : vector<48x1024xf32>
      %reduce_max3A_1387 = arith.constant dense<0xFF800000> : vector<48xf32>
      %reduce_max3A_1388 = vector.multi_reduction <maximumf>, %add3A_1386, %reduce_max3A_1387 [1] : vector<48x1024xf32> to vector<48xf32>
      %broadcast_in_dim3A_1389 = vector.shape_cast %reduce_max3A_1388 : vector<48xf32> to vector<48x1xf32>
      %sub3A_1390 = vector.broadcast %broadcast_in_dim3A_1389 : vector<48x1xf32> to vector<48x1024xf32>
      %sub3A_1391 = arith.subf %add3A_1386, %sub3A_1390 : vector<48x1024xf32>
      %exp3A_1392 = math.exp %sub3A_1391 : vector<48x1024xf32>
      %reduce_sum3A_1393 = arith.constant dense<0.000000e+00> : vector<48xf32>
      %reduce_sum3A_1394 = vector.multi_reduction <add>, %exp3A_1392, %reduce_sum3A_1393 [1] : vector<48x1024xf32> to vector<48xf32>
      %broadcast_in_dim3A_1395 = vector.shape_cast %reduce_sum3A_1394 : vector<48xf32> to vector<48x1xf32>
      %div3A_1396 = vector.broadcast %broadcast_in_dim3A_1395 : vector<48x1xf32> to vector<48x1024xf32>
      %div3A_1397 = arith.divf %exp3A_1392, %div3A_1396 : vector<48x1024xf32>
      %convert_element_type3A_1398 = arith.truncf %div3A_1397 : vector<48x1024xf32> to vector<48x1024xbf16>
      %dot_general3A_1399 = arith.constant dense<0.000000e+00> : vector<48x256xf32>
      %dot_general3A_1400 = tpu.matmul %convert_element_type3A_1398, %convert_element_type3A_862, %dot_general3A_1399 {dimension_numbers = #tpu.dot_dimension_numbers<[1], [0], [0], [1], [0, 0, 1, 1], [], []>, transpose_lhs_hint = false} : vector<48x1024xbf16>, vector<1024x256xbf16>, vector<48x256xf32> -> vector<48x256xf32>
      %iota3A_1401 = tpu.iota {dimensions = array<i32: 1>} : vector<1x256xi32>
      %jit3A_1402 = arith.constant 128 : i32
      %eq3A_1403 = arith.constant 0 : i32
      %eq3A_1404 = arith.cmpi eq, %jit3A_1402, %eq3A_1403 : i32
      %jit3A_1405 = arith.constant 1 : i32
      %select_n3A_1406 = arith.select %eq3A_1404, %jit3A_1405, %jit3A_1402 : i32
      %rem3A_1407 = vector.broadcast %select_n3A_1406 : i32 to vector<1x256xi32>
      %rem3A_1408 = arith.remsi %iota3A_1401, %rem3A_1407 : vector<1x256xi32>
      %ne3A_1409 = arith.constant 0 : i32
      %ne3A_1410 = vector.broadcast %ne3A_1409 : i32 to vector<1x256xi32>
      %ne3A_1411 = arith.cmpi ne, %rem3A_1408, %ne3A_1410 : vector<1x256xi32>
      %lt3A_1412 = arith.constant 0 : i32
      %lt3A_1413 = vector.broadcast %lt3A_1412 : i32 to vector<1x256xi32>
      %lt3A_1414 = arith.cmpi slt, %rem3A_1408, %lt3A_1413 : vector<1x256xi32>
      %lt3A_1415 = arith.constant 0 : i32
      %lt3A_1416 = arith.cmpi slt, %select_n3A_1406, %lt3A_1415 : i32
      %ne3A_1417 = vector.broadcast %lt3A_1416 : i1 to vector<1x256xi1>
      %ne3A_1418 = vector.broadcast %ne3A_1417 : vector<1x256xi1> to vector<1x256xi1>
      %ne3A_1419 = arith.xori %lt3A_1414, %ne3A_1418 : vector<1x256xi1>
      %and3A_1420 = arith.andi %ne3A_1419, %ne3A_1411 : vector<1x256xi1>
      %add3A_1421 = vector.broadcast %select_n3A_1406 : i32 to vector<1x256xi32>
      %add3A_1422 = arith.addi %rem3A_1408, %add3A_1421 : vector<1x256xi32>
      %select_n3A_1423 = arith.select %and3A_1420, %add3A_1422, %rem3A_1408 : vector<1x256xi1>, vector<1x256xi32>
      %jit3A_1424 = arith.constant 16 : i32
      %div3A_1425 = vector.broadcast %jit3A_1424 : i32 to vector<1x256xi32>
      %div3A_1426 = arith.divsi %select_n3A_1423, %div3A_1425 : vector<1x256xi32>
      %sign3A_1427 = arith.constant 0 : i32
      %sign3A_1428 = vector.broadcast %sign3A_1427 : i32 to vector<1x256xi32>
      %sign3A_1429 = arith.cmpi sgt, %select_n3A_1423, %sign3A_1428 : vector<1x256xi32>
      %sign3A_1430 = arith.extui %sign3A_1429 : vector<1x256xi1> to vector<1x256xi32>
      %sign3A_1431 = arith.constant 0 : i32
      %sign3A_1432 = vector.broadcast %sign3A_1431 : i32 to vector<1x256xi32>
      %sign3A_1433 = arith.cmpi slt, %select_n3A_1423, %sign3A_1432 : vector<1x256xi32>
      %sign3A_1434 = arith.extui %sign3A_1433 : vector<1x256xi1> to vector<1x256xi32>
      %sign3A_1435 = arith.subi %sign3A_1430, %sign3A_1434 : vector<1x256xi32>
      %sign3A_1436 = arith.constant 0 : i32
      %sign3A_1437 = arith.cmpi sgt, %jit3A_1424, %sign3A_1436 : i32
      %sign3A_1438 = arith.extui %sign3A_1437 : i1 to i32
      %sign3A_1439 = arith.constant 0 : i32
      %sign3A_1440 = arith.cmpi slt, %jit3A_1424, %sign3A_1439 : i32
      %sign3A_1441 = arith.extui %sign3A_1440 : i1 to i32
      %sign3A_1442 = arith.subi %sign3A_1438, %sign3A_1441 : i32
      %ne3A_1443 = vector.broadcast %sign3A_1442 : i32 to vector<1x256xi32>
      %ne3A_1444 = arith.cmpi ne, %sign3A_1435, %ne3A_1443 : vector<1x256xi32>
      %rem3A_1445 = vector.broadcast %jit3A_1424 : i32 to vector<1x256xi32>
      %rem3A_1446 = arith.remsi %select_n3A_1423, %rem3A_1445 : vector<1x256xi32>
      %ne3A_1447 = arith.constant 0 : i32
      %ne3A_1448 = vector.broadcast %ne3A_1447 : i32 to vector<1x256xi32>
      %ne3A_1449 = arith.cmpi ne, %rem3A_1446, %ne3A_1448 : vector<1x256xi32>
      %and3A_1450 = arith.andi %ne3A_1444, %ne3A_1449 : vector<1x256xi1>
      %sub3A_1451 = arith.constant 1 : i32
      %sub3A_1452 = vector.broadcast %sub3A_1451 : i32 to vector<1x256xi32>
      %sub3A_1453 = arith.subi %div3A_1426, %sub3A_1452 : vector<1x256xi32>
      %select_n3A_1454 = arith.select %and3A_1450, %sub3A_1453, %div3A_1426 : vector<1x256xi1>, vector<1x256xi32>
      %eq3A_1455 = arith.constant 6 : i32
      %eq3A_1456 = vector.broadcast %eq3A_1455 : i32 to vector<1x256xi32>
      %eq3A_1457 = arith.cmpi eq, %select_n3A_1454, %eq3A_1456 : vector<1x256xi32>
      %convert_element_type3A_1458 = arith.extui %eq3A_1457 : vector<1x256xi1> to vector<1x256xi32>
      %convert_element_type3A_1459 = arith.sitofp %convert_element_type3A_1458 : vector<1x256xi32> to vector<1x256xf32>
      %mul3A_1460 = vector.broadcast %convert_element_type3A_1459 : vector<1x256xf32> to vector<48x256xf32>
      %mul3A_1461 = arith.mulf %dot_general3A_1400, %mul3A_1460 : vector<48x256xf32>
      %add3A_1462 = arith.addf %add3A_1376, %mul3A_1461 : vector<48x256xf32>
      %slice3A_1463 = vector.extract_strided_slice %get3A_395 {offsets = [0, 112], sizes = [48, 16], strides = [1, 1]} : vector<48x256xf32> to vector<48x16xf32>
      %slice3A_1464 = vector.extract_strided_slice %get3A_395 {offsets = [0, 240], sizes = [48, 16], strides = [1, 1]} : vector<48x256xf32> to vector<48x16xf32>
      %concatenate3A_1465 = tpu.concatenate %slice3A_1463, %slice3A_1464 in 1 : vector<48x16xf32>, vector<48x16xf32> -> vector<48x32xf32>
      %slice3A_1466 = vector.extract_strided_slice %convert_element_type3A_861 {offsets = [0, 112], sizes = [1024, 16], strides = [1, 1]} : vector<1024x256xbf16> to vector<1024x16xbf16>
      %slice3A_1467 = vector.extract_strided_slice %convert_element_type3A_861 {offsets = [0, 240], sizes = [1024, 16], strides = [1, 1]} : vector<1024x256xbf16> to vector<1024x16xbf16>
      %concatenate3A_1468 = tpu.concatenate %slice3A_1466, %slice3A_1467 in 1 : vector<1024x16xbf16>, vector<1024x16xbf16> -> vector<1024x32xbf16>
      %convert_element_type3A_1469 = arith.truncf %concatenate3A_1465 : vector<48x32xf32> to vector<48x32xbf16>
      %dot_general3A_1470 = arith.constant dense<0.000000e+00> : vector<48x1024xf32>
      %dot_general3A_1471 = tpu.matmul %convert_element_type3A_1469, %concatenate3A_1468, %dot_general3A_1470 {dimension_numbers = #tpu.dot_dimension_numbers<[1], [1], [0], [0], [0, 0, 1, 0], [], []>, transpose_lhs_hint = false} : vector<48x32xbf16>, vector<1024x32xbf16>, vector<48x1024xf32> -> vector<48x1024xf32>
      %add3A_1472 = arith.addf %dot_general3A_1471, %concatenate3A_860 : vector<48x1024xf32>
      %reduce_max3A_1473 = arith.constant dense<0xFF800000> : vector<48xf32>
      %reduce_max3A_1474 = vector.multi_reduction <maximumf>, %add3A_1472, %reduce_max3A_1473 [1] : vector<48x1024xf32> to vector<48xf32>
      %broadcast_in_dim3A_1475 = vector.shape_cast %reduce_max3A_1474 : vector<48xf32> to vector<48x1xf32>
      %sub3A_1476 = vector.broadcast %broadcast_in_dim3A_1475 : vector<48x1xf32> to vector<48x1024xf32>
      %sub3A_1477 = arith.subf %add3A_1472, %sub3A_1476 : vector<48x1024xf32>
      %exp3A_1478 = math.exp %sub3A_1477 : vector<48x1024xf32>
      %reduce_sum3A_1479 = arith.constant dense<0.000000e+00> : vector<48xf32>
      %reduce_sum3A_1480 = vector.multi_reduction <add>, %exp3A_1478, %reduce_sum3A_1479 [1] : vector<48x1024xf32> to vector<48xf32>
      %broadcast_in_dim3A_1481 = vector.shape_cast %reduce_sum3A_1480 : vector<48xf32> to vector<48x1xf32>
      %div3A_1482 = vector.broadcast %broadcast_in_dim3A_1481 : vector<48x1xf32> to vector<48x1024xf32>
      %div3A_1483 = arith.divf %exp3A_1478, %div3A_1482 : vector<48x1024xf32>
      %convert_element_type3A_1484 = arith.truncf %div3A_1483 : vector<48x1024xf32> to vector<48x1024xbf16>
      %dot_general3A_1485 = arith.constant dense<0.000000e+00> : vector<48x256xf32>
      %dot_general3A_1486 = tpu.matmul %convert_element_type3A_1484, %convert_element_type3A_862, %dot_general3A_1485 {dimension_numbers = #tpu.dot_dimension_numbers<[1], [0], [0], [1], [0, 0, 1, 1], [], []>, transpose_lhs_hint = false} : vector<48x1024xbf16>, vector<1024x256xbf16>, vector<48x256xf32> -> vector<48x256xf32>
      %iota3A_1487 = tpu.iota {dimensions = array<i32: 1>} : vector<1x256xi32>
      %jit3A_1488 = arith.constant 128 : i32
      %eq3A_1489 = arith.constant 0 : i32
      %eq3A_1490 = arith.cmpi eq, %jit3A_1488, %eq3A_1489 : i32
      %jit3A_1491 = arith.constant 1 : i32
      %select_n3A_1492 = arith.select %eq3A_1490, %jit3A_1491, %jit3A_1488 : i32
      %rem3A_1493 = vector.broadcast %select_n3A_1492 : i32 to vector<1x256xi32>
      %rem3A_1494 = arith.remsi %iota3A_1487, %rem3A_1493 : vector<1x256xi32>
      %ne3A_1495 = arith.constant 0 : i32
      %ne3A_1496 = vector.broadcast %ne3A_1495 : i32 to vector<1x256xi32>
      %ne3A_1497 = arith.cmpi ne, %rem3A_1494, %ne3A_1496 : vector<1x256xi32>
      %lt3A_1498 = arith.constant 0 : i32
      %lt3A_1499 = vector.broadcast %lt3A_1498 : i32 to vector<1x256xi32>
      %lt3A_1500 = arith.cmpi slt, %rem3A_1494, %lt3A_1499 : vector<1x256xi32>
      %lt3A_1501 = arith.constant 0 : i32
      %lt3A_1502 = arith.cmpi slt, %select_n3A_1492, %lt3A_1501 : i32
      %ne3A_1503 = vector.broadcast %lt3A_1502 : i1 to vector<1x256xi1>
      %ne3A_1504 = vector.broadcast %ne3A_1503 : vector<1x256xi1> to vector<1x256xi1>
      %ne3A_1505 = arith.xori %lt3A_1500, %ne3A_1504 : vector<1x256xi1>
      %and3A_1506 = arith.andi %ne3A_1505, %ne3A_1497 : vector<1x256xi1>
      %add3A_1507 = vector.broadcast %select_n3A_1492 : i32 to vector<1x256xi32>
      %add3A_1508 = arith.addi %rem3A_1494, %add3A_1507 : vector<1x256xi32>
      %select_n3A_1509 = arith.select %and3A_1506, %add3A_1508, %rem3A_1494 : vector<1x256xi1>, vector<1x256xi32>
      %jit3A_1510 = arith.constant 16 : i32
      %div3A_1511 = vector.broadcast %jit3A_1510 : i32 to vector<1x256xi32>
      %div3A_1512 = arith.divsi %select_n3A_1509, %div3A_1511 : vector<1x256xi32>
      %sign3A_1513 = arith.constant 0 : i32
      %sign3A_1514 = vector.broadcast %sign3A_1513 : i32 to vector<1x256xi32>
      %sign3A_1515 = arith.cmpi sgt, %select_n3A_1509, %sign3A_1514 : vector<1x256xi32>
      %sign3A_1516 = arith.extui %sign3A_1515 : vector<1x256xi1> to vector<1x256xi32>
      %sign3A_1517 = arith.constant 0 : i32
      %sign3A_1518 = vector.broadcast %sign3A_1517 : i32 to vector<1x256xi32>
      %sign3A_1519 = arith.cmpi slt, %select_n3A_1509, %sign3A_1518 : vector<1x256xi32>
      %sign3A_1520 = arith.extui %sign3A_1519 : vector<1x256xi1> to vector<1x256xi32>
      %sign3A_1521 = arith.subi %sign3A_1516, %sign3A_1520 : vector<1x256xi32>
      %sign3A_1522 = arith.constant 0 : i32
      %sign3A_1523 = arith.cmpi sgt, %jit3A_1510, %sign3A_1522 : i32
      %sign3A_1524 = arith.extui %sign3A_1523 : i1 to i32
      %sign3A_1525 = arith.constant 0 : i32
      %sign3A_1526 = arith.cmpi slt, %jit3A_1510, %sign3A_1525 : i32
      %sign3A_1527 = arith.extui %sign3A_1526 : i1 to i32
      %sign3A_1528 = arith.subi %sign3A_1524, %sign3A_1527 : i32
      %ne3A_1529 = vector.broadcast %sign3A_1528 : i32 to vector<1x256xi32>
      %ne3A_1530 = arith.cmpi ne, %sign3A_1521, %ne3A_1529 : vector<1x256xi32>
      %rem3A_1531 = vector.broadcast %jit3A_1510 : i32 to vector<1x256xi32>
      %rem3A_1532 = arith.remsi %select_n3A_1509, %rem3A_1531 : vector<1x256xi32>
      %ne3A_1533 = arith.constant 0 : i32
      %ne3A_1534 = vector.broadcast %ne3A_1533 : i32 to vector<1x256xi32>
      %ne3A_1535 = arith.cmpi ne, %rem3A_1532, %ne3A_1534 : vector<1x256xi32>
      %and3A_1536 = arith.andi %ne3A_1530, %ne3A_1535 : vector<1x256xi1>
      %sub3A_1537 = arith.constant 1 : i32
      %sub3A_1538 = vector.broadcast %sub3A_1537 : i32 to vector<1x256xi32>
      %sub3A_1539 = arith.subi %div3A_1512, %sub3A_1538 : vector<1x256xi32>
      %select_n3A_1540 = arith.select %and3A_1536, %sub3A_1539, %div3A_1512 : vector<1x256xi1>, vector<1x256xi32>
      %eq3A_1541 = arith.constant 7 : i32
      %eq3A_1542 = vector.broadcast %eq3A_1541 : i32 to vector<1x256xi32>
      %eq3A_1543 = arith.cmpi eq, %select_n3A_1540, %eq3A_1542 : vector<1x256xi32>
      %convert_element_type3A_1544 = arith.extui %eq3A_1543 : vector<1x256xi1> to vector<1x256xi32>
      %convert_element_type3A_1545 = arith.sitofp %convert_element_type3A_1544 : vector<1x256xi32> to vector<1x256xf32>
      %mul3A_1546 = vector.broadcast %convert_element_type3A_1545 : vector<1x256xf32> to vector<48x256xf32>
      %mul3A_1547 = arith.mulf %dot_general3A_1486, %mul3A_1546 : vector<48x256xf32>
      %add3A_1548 = arith.addf %add3A_1462, %mul3A_1547 : vector<48x256xf32>
      %swap3A = arith.constant 0 : index
      %swap3A_1549 = arith.constant 0 : index
      %swap3A_1550 = vector.load %arg4[%swap3A, %swap3A_1549] : memref<48x256xf32, #tpu.memory_space<vmem>>, vector<48x256xf32>
      tpu.vector_store %arg4[%swap3A, %swap3A_1549], %add3A_1548 {strides = array<i32>} : memref<48x256xf32, #tpu.memory_space<vmem>>, vector<48x256xf32>,
    } else {
    }
    %jit3A_346 = arith.constant 2 : i32
    %eq3A_347 = arith.constant 0 : i32
    %eq3A_348 = arith.cmpi eq, %jit3A_346, %eq3A_347 : i32
    %jit3A_349 = arith.constant 1 : i32
    %select_n3A_350 = arith.select %eq3A_348, %jit3A_349, %jit3A_346 : i32
    %rem3A_351 = arith.remsi %arg0, %select_n3A_350 : i32
    %ne3A_352 = arith.constant 0 : i32
    %ne3A_353 = arith.cmpi ne, %rem3A_351, %ne3A_352 : i32
    %lt3A_354 = arith.constant 0 : i32
    %lt3A_355 = arith.cmpi slt, %rem3A_351, %lt3A_354 : i32
    %lt3A_356 = arith.constant 0 : i32
    %lt3A_357 = arith.cmpi slt, %select_n3A_350, %lt3A_356 : i32
    %ne3A_358 = arith.xori %lt3A_355, %lt3A_357 : i1
    %and3A_359 = arith.andi %ne3A_358, %ne3A_353 : i1
    %add3A_360 = arith.addi %rem3A_351, %select_n3A_350 : i32
    %select_n3A_361 = arith.select %and3A_359, %add3A_360, %rem3A_351 : i32
    %eq3A_362 = arith.constant 1 : i32
    %eq3A_363 = arith.cmpi eq, %select_n3A_361, %eq3A_362 : i32
    %convert_element_type3A_364 = arith.extui %eq3A_363 : i1 to i32
    %cond3A_365 = arith.constant 0 : i32
    %cond3A_366 = arith.cmpi ne, %convert_element_type3A_364, %cond3A_365 : i32
    scf.if %cond3A_366 {
      %dma_wait3A = arith.constant 0 : i32
      %dma_wait3A_367 = arith.constant 0 : i32
      %dma_wait3A_368 = arith.constant 0 : i32
      %dma_wait3A_369 = arith.constant 0 : i32
      %dma_wait3A_370 = arith.constant 0 : i32
      %dma_wait3A_371 = tpu.memref_slice %arg1[%dma_wait3A, %dma_wait3A_367, %dma_wait3A_368, %dma_wait3A_369, %dma_wait3A_370] : memref<4x2x96x96x256xi32, #tpu.memory_space<any>> -> memref<1x1x14x24x256xi32, #tpu.memory_space<any>>
      %dma_wait3A_372 = tpu.memref_squeeze %dma_wait3A_371 : memref<1x1x14x24x256xi32, #tpu.memory_space<any>> -> memref<14x24x256xi32, #tpu.memory_space<any>>
      tpu.wait_dma2 semaphore(%arg14 : memref<!tpu.dma_semaphore, #tpu.memory_space<semaphore_mem>>) src(%dma_wait3A_372 : memref<14x24x256xi32, #tpu.memory_space<any>>) dst(%arg9 : memref<14x24x256xi32, #tpu.memory_space<vmem>>)
      %dma_wait3A_373 = arith.constant 1 : i32
      %dma_wait3A_374 = arith.constant 0 : i32
      %dma_wait3A_375 = arith.constant 0 : i32
      %dma_wait3A_376 = arith.constant 0 : i32
      %dma_wait3A_377 = arith.constant 0 : i32
      %dma_wait3A_378 = tpu.memref_slice %arg1[%dma_wait3A_373, %dma_wait3A_374, %dma_wait3A_375, %dma_wait3A_376, %dma_wait3A_377] : memref<4x2x96x96x256xi32, #tpu.memory_space<any>> -> memref<1x1x10x24x256xi32, #tpu.memory_space<any>>
      %dma_wait3A_379 = tpu.memref_squeeze %dma_wait3A_378 : memref<1x1x10x24x256xi32, #tpu.memory_space<any>> -> memref<10x24x256xi32, #tpu.memory_space<any>>
      tpu.wait_dma2 semaphore(%arg14 : memref<!tpu.dma_semaphore, #tpu.memory_space<semaphore_mem>>) src(%dma_wait3A_379 : memref<10x24x256xi32, #tpu.memory_space<any>>) dst(%arg10 : memref<10x24x256xi32, #tpu.memory_space<vmem>>)
      %dma_wait3A_380 = arith.constant 2 : i32
      %dma_wait3A_381 = arith.constant 0 : i32
      %dma_wait3A_382 = arith.constant 0 : i32
      %dma_wait3A_383 = arith.constant 0 : i32
      %dma_wait3A_384 = arith.constant 0 : i32
      %dma_wait3A_385 = tpu.memref_slice %arg1[%dma_wait3A_380, %dma_wait3A_381, %dma_wait3A_382, %dma_wait3A_383, %dma_wait3A_384] : memref<4x2x96x96x256xi32, #tpu.memory_space<any>> -> memref<1x1x9x16x256xi32, #tpu.memory_space<any>>
      %dma_wait3A_386 = tpu.memref_squeeze %dma_wait3A_385 : memref<1x1x9x16x256xi32, #tpu.memory_space<any>> -> memref<9x16x256xi32, #tpu.memory_space<any>>
      tpu.wait_dma2 semaphore(%arg14 : memref<!tpu.dma_semaphore, #tpu.memory_space<semaphore_mem>>) src(%dma_wait3A_386 : memref<9x16x256xi32, #tpu.memory_space<any>>) dst(%arg11 : memref<9x16x256xi32, #tpu.memory_space<vmem>>)
      %dma_wait3A_387 = arith.constant 3 : i32
      %dma_wait3A_388 = arith.constant 0 : i32
      %dma_wait3A_389 = arith.constant 0 : i32
      %dma_wait3A_390 = arith.constant 0 : i32
      %dma_wait3A_391 = arith.constant 0 : i32
      %dma_wait3A_392 = tpu.memref_slice %arg1[%dma_wait3A_387, %dma_wait3A_388, %dma_wait3A_389, %dma_wait3A_390, %dma_wait3A_391] : memref<4x2x96x96x256xi32, #tpu.memory_space<any>> -> memref<1x1x10x24x256xi32, #tpu.memory_space<any>>
      %dma_wait3A_393 = tpu.memref_squeeze %dma_wait3A_392 : memref<1x1x10x24x256xi32, #tpu.memory_space<any>> -> memref<10x24x256xi32, #tpu.memory_space<any>>
      tpu.wait_dma2 semaphore(%arg14 : memref<!tpu.dma_semaphore, #tpu.memory_space<semaphore_mem>>) src(%dma_wait3A_393 : memref<10x24x256xi32, #tpu.memory_space<any>>) dst(%arg12 : memref<10x24x256xi32, #tpu.memory_space<vmem>>)
      %get3A = arith.constant 0 : index
      %get3A_394 = arith.constant 0 : index
      %get3A_395 = vector.load %arg2[%get3A, %get3A_394] : memref<48x256xf32, #tpu.memory_space<vmem>>, vector<48x256xf32>
      %get3A_396 = arith.constant 0 : index
      %get3A_397 = arith.constant 0 : index
      %get3A_398 = vector.load %arg3[%get3A_396, %get3A_397] : memref<48x8xf32, #tpu.memory_space<vmem>>, vector<48x1xf32>
      %get3A_399 = arith.constant 0 : index
      %get3A_400 = arith.constant 1 : index
      %get3A_401 = vector.load %arg3[%get3A_399, %get3A_400] : memref<48x8xf32, #tpu.memory_space<vmem>>, vector<48x1xf32>
      %get3A_402 = arith.constant 0 : index
      %get3A_403 = arith.constant 0 : index
      %get3A_404 = arith.constant 0 : index
      %get3A_405 = vector.load %arg9[%get3A_402, %get3A_403, %get3A_404] : memref<14x24x256xi32, #tpu.memory_space<vmem>>, vector<14x24x256xi32>
      %reshape3A = vector.shape_cast %get3A_405 : vector<14x24x256xi32> to vector<336x256xi32>
      %slice3A = vector.extract_strided_slice %reshape3A {offsets = [0, 0], sizes = [336, 128], strides = [1, 1]} : vector<336x256xi32> to vector<336x128xi32>
      %slice3A_406 = vector.extract_strided_slice %reshape3A {offsets = [0, 128], sizes = [336, 128], strides = [1, 1]} : vector<336x256xi32> to vector<336x128xi32>
      %and3A_407 = arith.constant -65536 : i32
      %and3A_408 = vector.broadcast %and3A_407 : i32 to vector<336x128xi32>
      %and3A_409 = arith.andi %slice3A, %and3A_408 : vector<336x128xi32>
      %bitcast_convert_type3A = tpu.bitcast %and3A_409 : vector<336x128xi32> -> vector<336x128xf32>
      %shift_left3A = arith.constant 16 : i32
      %shift_left3A_410 = vector.broadcast %shift_left3A : i32 to vector<336x128xi32>
      %shift_left3A_411 = arith.shli %slice3A, %shift_left3A_410 : vector<336x128xi32>
      %bitcast_convert_type3A_412 = tpu.bitcast %shift_left3A_411 : vector<336x128xi32> -> vector<336x128xf32>
      %concatenate3A = tpu.concatenate %bitcast_convert_type3A, %bitcast_convert_type3A_412 in 1 : vector<336x128xf32>, vector<336x128xf32> -> vector<336x256xf32>
      %and3A_413 = arith.constant -65536 : i32
      %and3A_414 = vector.broadcast %and3A_413 : i32 to vector<336x128xi32>
      %and3A_415 = arith.andi %slice3A_406, %and3A_414 : vector<336x128xi32>
      %bitcast_convert_type3A_416 = tpu.bitcast %and3A_415 : vector<336x128xi32> -> vector<336x128xf32>
      %shift_left3A_417 = arith.constant 16 : i32
      %shift_left3A_418 = vector.broadcast %shift_left3A_417 : i32 to vector<336x128xi32>
      %shift_left3A_419 = arith.shli %slice3A_406, %shift_left3A_418 : vector<336x128xi32>
      %bitcast_convert_type3A_420 = tpu.bitcast %shift_left3A_419 : vector<336x128xi32> -> vector<336x128xf32>
      %concatenate3A_421 = tpu.concatenate %bitcast_convert_type3A_416, %bitcast_convert_type3A_420 in 1 : vector<336x128xf32>, vector<336x128xf32> -> vector<336x256xf32>
      %iota3A = tpu.iota {dimensions = array<i32: 1>} : vector<48x336xi32>
      %jit3A_422 = arith.constant 24 : i32
      %div3A_423 = vector.broadcast %jit3A_422 : i32 to vector<48x336xi32>
      %div3A_424 = arith.divsi %iota3A, %div3A_423 : vector<48x336xi32>
      %sign3A_425 = arith.constant 0 : i32
      %sign3A_426 = vector.broadcast %sign3A_425 : i32 to vector<48x336xi32>
      %sign3A_427 = arith.cmpi sgt, %iota3A, %sign3A_426 : vector<48x336xi32>
      %sign3A_428 = arith.extui %sign3A_427 : vector<48x336xi1> to vector<48x336xi32>
      %sign3A_429 = arith.constant 0 : i32
      %sign3A_430 = vector.broadcast %sign3A_429 : i32 to vector<48x336xi32>
      %sign3A_431 = arith.cmpi slt, %iota3A, %sign3A_430 : vector<48x336xi32>
      %sign3A_432 = arith.extui %sign3A_431 : vector<48x336xi1> to vector<48x336xi32>
      %sign3A_433 = arith.subi %sign3A_428, %sign3A_432 : vector<48x336xi32>
      %sign3A_434 = arith.constant 0 : i32
      %sign3A_435 = arith.cmpi sgt, %jit3A_422, %sign3A_434 : i32
      %sign3A_436 = arith.extui %sign3A_435 : i1 to i32
      %sign3A_437 = arith.constant 0 : i32
      %sign3A_438 = arith.cmpi slt, %jit3A_422, %sign3A_437 : i32
      %sign3A_439 = arith.extui %sign3A_438 : i1 to i32
      %sign3A_440 = arith.subi %sign3A_436, %sign3A_439 : i32
      %ne3A_441 = vector.broadcast %sign3A_440 : i32 to vector<48x336xi32>
      %ne3A_442 = arith.cmpi ne, %sign3A_433, %ne3A_441 : vector<48x336xi32>
      %rem3A_443 = vector.broadcast %jit3A_422 : i32 to vector<48x336xi32>
      %rem3A_444 = arith.remsi %iota3A, %rem3A_443 : vector<48x336xi32>
      %ne3A_445 = arith.constant 0 : i32
      %ne3A_446 = vector.broadcast %ne3A_445 : i32 to vector<48x336xi32>
      %ne3A_447 = arith.cmpi ne, %rem3A_444, %ne3A_446 : vector<48x336xi32>
      %and3A_448 = arith.andi %ne3A_442, %ne3A_447 : vector<48x336xi1>
      %sub3A_449 = arith.constant 1 : i32
      %sub3A_450 = vector.broadcast %sub3A_449 : i32 to vector<48x336xi32>
      %sub3A_451 = arith.subi %div3A_424, %sub3A_450 : vector<48x336xi32>
      %select_n3A_452 = arith.select %and3A_448, %sub3A_451, %div3A_424 : vector<48x336xi1>, vector<48x336xi32>
      %add3A_453 = vector.broadcast %min3A : i32 to vector<48x336xi32>
      %add3A_454 = arith.addi %add3A_453, %select_n3A_452 : vector<48x336xi32>
      %jit3A_455 = arith.constant 24 : i32
      %eq3A_456 = arith.constant 0 : i32
      %eq3A_457 = arith.cmpi eq, %jit3A_455, %eq3A_456 : i32
      %jit3A_458 = arith.constant 1 : i32
      %select_n3A_459 = arith.select %eq3A_457, %jit3A_458, %jit3A_455 : i32
      %rem3A_460 = vector.broadcast %select_n3A_459 : i32 to vector<48x336xi32>
      %rem3A_461 = arith.remsi %iota3A, %rem3A_460 : vector<48x336xi32>
      %ne3A_462 = arith.constant 0 : i32
      %ne3A_463 = vector.broadcast %ne3A_462 : i32 to vector<48x336xi32>
      %ne3A_464 = arith.cmpi ne, %rem3A_461, %ne3A_463 : vector<48x336xi32>
      %lt3A_465 = arith.constant 0 : i32
      %lt3A_466 = vector.broadcast %lt3A_465 : i32 to vector<48x336xi32>
      %lt3A_467 = arith.cmpi slt, %rem3A_461, %lt3A_466 : vector<48x336xi32>
      %lt3A_468 = arith.constant 0 : i32
      %lt3A_469 = arith.cmpi slt, %select_n3A_459, %lt3A_468 : i32
      %ne3A_470 = vector.broadcast %lt3A_469 : i1 to vector<48x336xi1>
      %ne3A_471 = vector.broadcast %ne3A_470 : vector<48x336xi1> to vector<48x336xi1>
      %ne3A_472 = arith.xori %lt3A_467, %ne3A_471 : vector<48x336xi1>
      %and3A_473 = arith.andi %ne3A_472, %ne3A_464 : vector<48x336xi1>
      %add3A_474 = vector.broadcast %select_n3A_459 : i32 to vector<48x336xi32>
      %add3A_475 = arith.addi %rem3A_461, %add3A_474 : vector<48x336xi32>
      %select_n3A_476 = arith.select %and3A_473, %add3A_475, %rem3A_461 : vector<48x336xi1>, vector<48x336xi32>
      %add3A_477 = vector.broadcast %mul3A_216 : i32 to vector<48x336xi32>
      %add3A_478 = arith.addi %add3A_477, %select_n3A_476 : vector<48x336xi32>
      %mul3A_479 = arith.constant 1.000000e+00 : f32
      %mul3A_480 = vector.broadcast %mul3A_479 : f32 to vector<48x1xf32>
      %mul3A_481 = arith.mulf %get3A_398, %mul3A_480 : vector<48x1xf32>
      %floor3A = math.floor %mul3A_481 : vector<48x1xf32>
      %convert_element_type3A_482 = arith.fptosi %floor3A : vector<48x1xf32> to vector<48x1xi32>
      %mul3A_483 = arith.constant 1.000000e+00 : f32
      %mul3A_484 = vector.broadcast %mul3A_483 : f32 to vector<48x1xf32>
      %mul3A_485 = arith.mulf %get3A_401, %mul3A_484 : vector<48x1xf32>
      %floor3A_486 = math.floor %mul3A_485 : vector<48x1xf32>
      %convert_element_type3A_487 = arith.fptosi %floor3A_486 : vector<48x1xf32> to vector<48x1xi32>
      %sub3A_488 = vector.broadcast %convert_element_type3A_482 : vector<48x1xi32> to vector<48x336xi32>
      %sub3A_489 = arith.subi %add3A_454, %sub3A_488 : vector<48x336xi32>
      %abs3A = math.absi %sub3A_489 : vector<48x336xi32>
      %le3A = arith.constant 1 : i32
      %le3A_490 = vector.broadcast %le3A : i32 to vector<48x336xi32>
      %le3A_491 = arith.cmpi sle, %abs3A, %le3A_490 : vector<48x336xi32>
      %sub3A_492 = vector.broadcast %convert_element_type3A_487 : vector<48x1xi32> to vector<48x336xi32>
      %sub3A_493 = arith.subi %add3A_478, %sub3A_492 : vector<48x336xi32>
      %abs3A_494 = math.absi %sub3A_493 : vector<48x336xi32>
      %le3A_495 = arith.constant 1 : i32
      %le3A_496 = vector.broadcast %le3A_495 : i32 to vector<48x336xi32>
      %le3A_497 = arith.cmpi sle, %abs3A_494, %le3A_496 : vector<48x336xi32>
      %and3A_498 = arith.andi %le3A_491, %le3A_497 : vector<48x336xi1>
      %lt3A_499 = arith.constant 96 : i32
      %lt3A_500 = vector.broadcast %lt3A_499 : i32 to vector<48x336xi32>
      %lt3A_501 = arith.cmpi slt, %add3A_478, %lt3A_500 : vector<48x336xi32>
      %and3A_502 = arith.andi %and3A_498, %lt3A_501 : vector<48x336xi1>
      %jit3A_503 = arith.constant 0.000000e+00 : f32
      %jit3A_504 = arith.constant -1.000000e+09 : f32
      %broadcast_in_dim3A = vector.broadcast %jit3A_503 : f32 to vector<48x336xf32>
      %broadcast_in_dim3A_505 = vector.broadcast %jit3A_504 : f32 to vector<48x336xf32>
      %select_n3A_506 = arith.select %and3A_502, %broadcast_in_dim3A, %broadcast_in_dim3A_505 : vector<48x336xi1>, vector<48x336xf32>
      %get3A_507 = arith.constant 0 : index
      %get3A_508 = arith.constant 0 : index
      %get3A_509 = arith.constant 0 : index
      %get3A_510 = vector.load %arg10[%get3A_507, %get3A_508, %get3A_509] : memref<10x24x256xi32, #tpu.memory_space<vmem>>, vector<10x24x256xi32>
      %reshape3A_511 = vector.shape_cast %get3A_510 : vector<10x24x256xi32> to vector<240x256xi32>
      %slice3A_512 = vector.extract_strided_slice %reshape3A_511 {offsets = [0, 0], sizes = [240, 128], strides = [1, 1]} : vector<240x256xi32> to vector<240x128xi32>
      %slice3A_513 = vector.extract_strided_slice %reshape3A_511 {offsets = [0, 128], sizes = [240, 128], strides = [1, 1]} : vector<240x256xi32> to vector<240x128xi32>
      %and3A_514 = arith.constant -65536 : i32
      %and3A_515 = vector.broadcast %and3A_514 : i32 to vector<240x128xi32>
      %and3A_516 = arith.andi %slice3A_512, %and3A_515 : vector<240x128xi32>
      %bitcast_convert_type3A_517 = tpu.bitcast %and3A_516 : vector<240x128xi32> -> vector<240x128xf32>
      %shift_left3A_518 = arith.constant 16 : i32
      %shift_left3A_519 = vector.broadcast %shift_left3A_518 : i32 to vector<240x128xi32>
      %shift_left3A_520 = arith.shli %slice3A_512, %shift_left3A_519 : vector<240x128xi32>
      %bitcast_convert_type3A_521 = tpu.bitcast %shift_left3A_520 : vector<240x128xi32> -> vector<240x128xf32>
      %concatenate3A_522 = tpu.concatenate %bitcast_convert_type3A_517, %bitcast_convert_type3A_521 in 1 : vector<240x128xf32>, vector<240x128xf32> -> vector<240x256xf32>
      %and3A_523 = arith.constant -65536 : i32
      %and3A_524 = vector.broadcast %and3A_523 : i32 to vector<240x128xi32>
      %and3A_525 = arith.andi %slice3A_513, %and3A_524 : vector<240x128xi32>
      %bitcast_convert_type3A_526 = tpu.bitcast %and3A_525 : vector<240x128xi32> -> vector<240x128xf32>
      %shift_left3A_527 = arith.constant 16 : i32
      %shift_left3A_528 = vector.broadcast %shift_left3A_527 : i32 to vector<240x128xi32>
      %shift_left3A_529 = arith.shli %slice3A_513, %shift_left3A_528 : vector<240x128xi32>
      %bitcast_convert_type3A_530 = tpu.bitcast %shift_left3A_529 : vector<240x128xi32> -> vector<240x128xf32>
      %concatenate3A_531 = tpu.concatenate %bitcast_convert_type3A_526, %bitcast_convert_type3A_530 in 1 : vector<240x128xf32>, vector<240x128xf32> -> vector<240x256xf32>
      %iota3A_532 = tpu.iota {dimensions = array<i32: 1>} : vector<48x240xi32>
      %jit3A_533 = arith.constant 24 : i32
      %div3A_534 = vector.broadcast %jit3A_533 : i32 to vector<48x240xi32>
      %div3A_535 = arith.divsi %iota3A_532, %div3A_534 : vector<48x240xi32>
      %sign3A_536 = arith.constant 0 : i32
      %sign3A_537 = vector.broadcast %sign3A_536 : i32 to vector<48x240xi32>
      %sign3A_538 = arith.cmpi sgt, %iota3A_532, %sign3A_537 : vector<48x240xi32>
      %sign3A_539 = arith.extui %sign3A_538 : vector<48x240xi1> to vector<48x240xi32>
      %sign3A_540 = arith.constant 0 : i32
      %sign3A_541 = vector.broadcast %sign3A_540 : i32 to vector<48x240xi32>
      %sign3A_542 = arith.cmpi slt, %iota3A_532, %sign3A_541 : vector<48x240xi32>
      %sign3A_543 = arith.extui %sign3A_542 : vector<48x240xi1> to vector<48x240xi32>
      %sign3A_544 = arith.subi %sign3A_539, %sign3A_543 : vector<48x240xi32>
      %sign3A_545 = arith.constant 0 : i32
      %sign3A_546 = arith.cmpi sgt, %jit3A_533, %sign3A_545 : i32
      %sign3A_547 = arith.extui %sign3A_546 : i1 to i32
      %sign3A_548 = arith.constant 0 : i32
      %sign3A_549 = arith.cmpi slt, %jit3A_533, %sign3A_548 : i32
      %sign3A_550 = arith.extui %sign3A_549 : i1 to i32
      %sign3A_551 = arith.subi %sign3A_547, %sign3A_550 : i32
      %ne3A_552 = vector.broadcast %sign3A_551 : i32 to vector<48x240xi32>
      %ne3A_553 = arith.cmpi ne, %sign3A_544, %ne3A_552 : vector<48x240xi32>
      %rem3A_554 = vector.broadcast %jit3A_533 : i32 to vector<48x240xi32>
      %rem3A_555 = arith.remsi %iota3A_532, %rem3A_554 : vector<48x240xi32>
      %ne3A_556 = arith.constant 0 : i32
      %ne3A_557 = vector.broadcast %ne3A_556 : i32 to vector<48x240xi32>
      %ne3A_558 = arith.cmpi ne, %rem3A_555, %ne3A_557 : vector<48x240xi32>
      %and3A_559 = arith.andi %ne3A_553, %ne3A_558 : vector<48x240xi1>
      %sub3A_560 = arith.constant 1 : i32
      %sub3A_561 = vector.broadcast %sub3A_560 : i32 to vector<48x240xi32>
      %sub3A_562 = arith.subi %div3A_535, %sub3A_561 : vector<48x240xi32>
      %select_n3A_563 = arith.select %and3A_559, %sub3A_562, %div3A_535 : vector<48x240xi1>, vector<48x240xi32>
      %add3A_564 = vector.broadcast %min3A_220 : i32 to vector<48x240xi32>
      %add3A_565 = arith.addi %add3A_564, %select_n3A_563 : vector<48x240xi32>
      %jit3A_566 = arith.constant 24 : i32
      %eq3A_567 = arith.constant 0 : i32
      %eq3A_568 = arith.cmpi eq, %jit3A_566, %eq3A_567 : i32
      %jit3A_569 = arith.constant 1 : i32
      %select_n3A_570 = arith.select %eq3A_568, %jit3A_569, %jit3A_566 : i32
      %rem3A_571 = vector.broadcast %select_n3A_570 : i32 to vector<48x240xi32>
      %rem3A_572 = arith.remsi %iota3A_532, %rem3A_571 : vector<48x240xi32>
      %ne3A_573 = arith.constant 0 : i32
      %ne3A_574 = vector.broadcast %ne3A_573 : i32 to vector<48x240xi32>
      %ne3A_575 = arith.cmpi ne, %rem3A_572, %ne3A_574 : vector<48x240xi32>
      %lt3A_576 = arith.constant 0 : i32
      %lt3A_577 = vector.broadcast %lt3A_576 : i32 to vector<48x240xi32>
      %lt3A_578 = arith.cmpi slt, %rem3A_572, %lt3A_577 : vector<48x240xi32>
      %lt3A_579 = arith.constant 0 : i32
      %lt3A_580 = arith.cmpi slt, %select_n3A_570, %lt3A_579 : i32
      %ne3A_581 = vector.broadcast %lt3A_580 : i1 to vector<48x240xi1>
      %ne3A_582 = vector.broadcast %ne3A_581 : vector<48x240xi1> to vector<48x240xi1>
      %ne3A_583 = arith.xori %lt3A_578, %ne3A_582 : vector<48x240xi1>
      %and3A_584 = arith.andi %ne3A_583, %ne3A_575 : vector<48x240xi1>
      %add3A_585 = vector.broadcast %select_n3A_570 : i32 to vector<48x240xi32>
      %add3A_586 = arith.addi %rem3A_572, %add3A_585 : vector<48x240xi32>
      %select_n3A_587 = arith.select %and3A_584, %add3A_586, %rem3A_572 : vector<48x240xi1>, vector<48x240xi32>
      %add3A_588 = vector.broadcast %mul3A_252 : i32 to vector<48x240xi32>
      %add3A_589 = arith.addi %add3A_588, %select_n3A_587 : vector<48x240xi32>
      %mul3A_590 = arith.constant 5.000000e-01 : f32
      %mul3A_591 = vector.broadcast %mul3A_590 : f32 to vector<48x1xf32>
      %mul3A_592 = arith.mulf %get3A_398, %mul3A_591 : vector<48x1xf32>
      %floor3A_593 = math.floor %mul3A_592 : vector<48x1xf32>
      %convert_element_type3A_594 = arith.fptosi %floor3A_593 : vector<48x1xf32> to vector<48x1xi32>
      %mul3A_595 = arith.constant 5.000000e-01 : f32
      %mul3A_596 = vector.broadcast %mul3A_595 : f32 to vector<48x1xf32>
      %mul3A_597 = arith.mulf %get3A_401, %mul3A_596 : vector<48x1xf32>
      %floor3A_598 = math.floor %mul3A_597 : vector<48x1xf32>
      %convert_element_type3A_599 = arith.fptosi %floor3A_598 : vector<48x1xf32> to vector<48x1xi32>
      %sub3A_600 = vector.broadcast %convert_element_type3A_594 : vector<48x1xi32> to vector<48x240xi32>
      %sub3A_601 = arith.subi %add3A_565, %sub3A_600 : vector<48x240xi32>
      %abs3A_602 = math.absi %sub3A_601 : vector<48x240xi32>
      %le3A_603 = arith.constant 2 : i32
      %le3A_604 = vector.broadcast %le3A_603 : i32 to vector<48x240xi32>
      %le3A_605 = arith.cmpi sle, %abs3A_602, %le3A_604 : vector<48x240xi32>
      %sub3A_606 = vector.broadcast %convert_element_type3A_599 : vector<48x1xi32> to vector<48x240xi32>
      %sub3A_607 = arith.subi %add3A_589, %sub3A_606 : vector<48x240xi32>
      %abs3A_608 = math.absi %sub3A_607 : vector<48x240xi32>
      %le3A_609 = arith.constant 2 : i32
      %le3A_610 = vector.broadcast %le3A_609 : i32 to vector<48x240xi32>
      %le3A_611 = arith.cmpi sle, %abs3A_608, %le3A_610 : vector<48x240xi32>
      %and3A_612 = arith.andi %le3A_605, %le3A_611 : vector<48x240xi1>
      %lt3A_613 = arith.constant 48 : i32
      %lt3A_614 = vector.broadcast %lt3A_613 : i32 to vector<48x240xi32>
      %lt3A_615 = arith.cmpi slt, %add3A_589, %lt3A_614 : vector<48x240xi32>
      %and3A_616 = arith.andi %and3A_612, %lt3A_615 : vector<48x240xi1>
      %jit3A_617 = arith.constant 0.000000e+00 : f32
      %jit3A_618 = arith.constant -1.000000e+09 : f32
      %broadcast_in_dim3A_619 = vector.broadcast %jit3A_617 : f32 to vector<48x240xf32>
      %broadcast_in_dim3A_620 = vector.broadcast %jit3A_618 : f32 to vector<48x240xf32>
      %select_n3A_621 = arith.select %and3A_616, %broadcast_in_dim3A_619, %broadcast_in_dim3A_620 : vector<48x240xi1>, vector<48x240xf32>
      %get3A_622 = arith.constant 0 : index
      %get3A_623 = arith.constant 0 : index
      %get3A_624 = arith.constant 0 : index
      %get3A_625 = vector.load %arg11[%get3A_622, %get3A_623, %get3A_624] : memref<9x16x256xi32, #tpu.memory_space<vmem>>, vector<9x16x256xi32>
      %reshape3A_626 = vector.shape_cast %get3A_625 : vector<9x16x256xi32> to vector<144x256xi32>
      %slice3A_627 = vector.extract_strided_slice %reshape3A_626 {offsets = [0, 0], sizes = [144, 128], strides = [1, 1]} : vector<144x256xi32> to vector<144x128xi32>
      %slice3A_628 = vector.extract_strided_slice %reshape3A_626 {offsets = [0, 128], sizes = [144, 128], strides = [1, 1]} : vector<144x256xi32> to vector<144x128xi32>
      %and3A_629 = arith.constant -65536 : i32
      %and3A_630 = vector.broadcast %and3A_629 : i32 to vector<144x128xi32>
      %and3A_631 = arith.andi %slice3A_627, %and3A_630 : vector<144x128xi32>
      %bitcast_convert_type3A_632 = tpu.bitcast %and3A_631 : vector<144x128xi32> -> vector<144x128xf32>
      %shift_left3A_633 = arith.constant 16 : i32
      %shift_left3A_634 = vector.broadcast %shift_left3A_633 : i32 to vector<144x128xi32>
      %shift_left3A_635 = arith.shli %slice3A_627, %shift_left3A_634 : vector<144x128xi32>
      %bitcast_convert_type3A_636 = tpu.bitcast %shift_left3A_635 : vector<144x128xi32> -> vector<144x128xf32>
      %concatenate3A_637 = tpu.concatenate %bitcast_convert_type3A_632, %bitcast_convert_type3A_636 in 1 : vector<144x128xf32>, vector<144x128xf32> -> vector<144x256xf32>
      %and3A_638 = arith.constant -65536 : i32
      %and3A_639 = vector.broadcast %and3A_638 : i32 to vector<144x128xi32>
      %and3A_640 = arith.andi %slice3A_628, %and3A_639 : vector<144x128xi32>
      %bitcast_convert_type3A_641 = tpu.bitcast %and3A_640 : vector<144x128xi32> -> vector<144x128xf32>
      %shift_left3A_642 = arith.constant 16 : i32
      %shift_left3A_643 = vector.broadcast %shift_left3A_642 : i32 to vector<144x128xi32>
      %shift_left3A_644 = arith.shli %slice3A_628, %shift_left3A_643 : vector<144x128xi32>
      %bitcast_convert_type3A_645 = tpu.bitcast %shift_left3A_644 : vector<144x128xi32> -> vector<144x128xf32>
      %concatenate3A_646 = tpu.concatenate %bitcast_convert_type3A_641, %bitcast_convert_type3A_645 in 1 : vector<144x128xf32>, vector<144x128xf32> -> vector<144x256xf32>
      %iota3A_647 = tpu.iota {dimensions = array<i32: 1>} : vector<48x144xi32>
      %jit3A_648 = arith.constant 16 : i32
      %div3A_649 = vector.broadcast %jit3A_648 : i32 to vector<48x144xi32>
      %div3A_650 = arith.divsi %iota3A_647, %div3A_649 : vector<48x144xi32>
      %sign3A_651 = arith.constant 0 : i32
      %sign3A_652 = vector.broadcast %sign3A_651 : i32 to vector<48x144xi32>
      %sign3A_653 = arith.cmpi sgt, %iota3A_647, %sign3A_652 : vector<48x144xi32>
      %sign3A_654 = arith.extui %sign3A_653 : vector<48x144xi1> to vector<48x144xi32>
      %sign3A_655 = arith.constant 0 : i32
      %sign3A_656 = vector.broadcast %sign3A_655 : i32 to vector<48x144xi32>
      %sign3A_657 = arith.cmpi slt, %iota3A_647, %sign3A_656 : vector<48x144xi32>
      %sign3A_658 = arith.extui %sign3A_657 : vector<48x144xi1> to vector<48x144xi32>
      %sign3A_659 = arith.subi %sign3A_654, %sign3A_658 : vector<48x144xi32>
      %sign3A_660 = arith.constant 0 : i32
      %sign3A_661 = arith.cmpi sgt, %jit3A_648, %sign3A_660 : i32
      %sign3A_662 = arith.extui %sign3A_661 : i1 to i32
      %sign3A_663 = arith.constant 0 : i32
      %sign3A_664 = arith.cmpi slt, %jit3A_648, %sign3A_663 : i32
      %sign3A_665 = arith.extui %sign3A_664 : i1 to i32
      %sign3A_666 = arith.subi %sign3A_662, %sign3A_665 : i32
      %ne3A_667 = vector.broadcast %sign3A_666 : i32 to vector<48x144xi32>
      %ne3A_668 = arith.cmpi ne, %sign3A_659, %ne3A_667 : vector<48x144xi32>
      %rem3A_669 = vector.broadcast %jit3A_648 : i32 to vector<48x144xi32>
      %rem3A_670 = arith.remsi %iota3A_647, %rem3A_669 : vector<48x144xi32>
      %ne3A_671 = arith.constant 0 : i32
      %ne3A_672 = vector.broadcast %ne3A_671 : i32 to vector<48x144xi32>
      %ne3A_673 = arith.cmpi ne, %rem3A_670, %ne3A_672 : vector<48x144xi32>
      %and3A_674 = arith.andi %ne3A_668, %ne3A_673 : vector<48x144xi1>
      %sub3A_675 = arith.constant 1 : i32
      %sub3A_676 = vector.broadcast %sub3A_675 : i32 to vector<48x144xi32>
      %sub3A_677 = arith.subi %div3A_650, %sub3A_676 : vector<48x144xi32>
      %select_n3A_678 = arith.select %and3A_674, %sub3A_677, %div3A_650 : vector<48x144xi1>, vector<48x144xi32>
      %add3A_679 = vector.broadcast %min3A_256 : i32 to vector<48x144xi32>
      %add3A_680 = arith.addi %add3A_679, %select_n3A_678 : vector<48x144xi32>
      %jit3A_681 = arith.constant 16 : i32
      %eq3A_682 = arith.constant 0 : i32
      %eq3A_683 = arith.cmpi eq, %jit3A_681, %eq3A_682 : i32
      %jit3A_684 = arith.constant 1 : i32
      %select_n3A_685 = arith.select %eq3A_683, %jit3A_684, %jit3A_681 : i32
      %rem3A_686 = vector.broadcast %select_n3A_685 : i32 to vector<48x144xi32>
      %rem3A_687 = arith.remsi %iota3A_647, %rem3A_686 : vector<48x144xi32>
      %ne3A_688 = arith.constant 0 : i32
      %ne3A_689 = vector.broadcast %ne3A_688 : i32 to vector<48x144xi32>
      %ne3A_690 = arith.cmpi ne, %rem3A_687, %ne3A_689 : vector<48x144xi32>
      %lt3A_691 = arith.constant 0 : i32
      %lt3A_692 = vector.broadcast %lt3A_691 : i32 to vector<48x144xi32>
      %lt3A_693 = arith.cmpi slt, %rem3A_687, %lt3A_692 : vector<48x144xi32>
      %lt3A_694 = arith.constant 0 : i32
      %lt3A_695 = arith.cmpi slt, %select_n3A_685, %lt3A_694 : i32
      %ne3A_696 = vector.broadcast %lt3A_695 : i1 to vector<48x144xi1>
      %ne3A_697 = vector.broadcast %ne3A_696 : vector<48x144xi1> to vector<48x144xi1>
      %ne3A_698 = arith.xori %lt3A_693, %ne3A_697 : vector<48x144xi1>
      %and3A_699 = arith.andi %ne3A_698, %ne3A_690 : vector<48x144xi1>
      %add3A_700 = vector.broadcast %select_n3A_685 : i32 to vector<48x144xi32>
      %add3A_701 = arith.addi %rem3A_687, %add3A_700 : vector<48x144xi32>
      %select_n3A_702 = arith.select %and3A_699, %add3A_701, %rem3A_687 : vector<48x144xi1>, vector<48x144xi32>
      %add3A_703 = vector.broadcast %mul3A_288 : i32 to vector<48x144xi32>
      %add3A_704 = arith.addi %add3A_703, %select_n3A_702 : vector<48x144xi32>
      %mul3A_705 = arith.constant 2.500000e-01 : f32
      %mul3A_706 = vector.broadcast %mul3A_705 : f32 to vector<48x1xf32>
      %mul3A_707 = arith.mulf %get3A_398, %mul3A_706 : vector<48x1xf32>
      %floor3A_708 = math.floor %mul3A_707 : vector<48x1xf32>
      %convert_element_type3A_709 = arith.fptosi %floor3A_708 : vector<48x1xf32> to vector<48x1xi32>
      %mul3A_710 = arith.constant 2.500000e-01 : f32
      %mul3A_711 = vector.broadcast %mul3A_710 : f32 to vector<48x1xf32>
      %mul3A_712 = arith.mulf %get3A_401, %mul3A_711 : vector<48x1xf32>
      %floor3A_713 = math.floor %mul3A_712 : vector<48x1xf32>
      %convert_element_type3A_714 = arith.fptosi %floor3A_713 : vector<48x1xf32> to vector<48x1xi32>
      %sub3A_715 = vector.broadcast %convert_element_type3A_709 : vector<48x1xi32> to vector<48x144xi32>
      %sub3A_716 = arith.subi %add3A_680, %sub3A_715 : vector<48x144xi32>
      %abs3A_717 = math.absi %sub3A_716 : vector<48x144xi32>
      %le3A_718 = arith.constant 3 : i32
      %le3A_719 = vector.broadcast %le3A_718 : i32 to vector<48x144xi32>
      %le3A_720 = arith.cmpi sle, %abs3A_717, %le3A_719 : vector<48x144xi32>
      %sub3A_721 = vector.broadcast %convert_element_type3A_714 : vector<48x1xi32> to vector<48x144xi32>
      %sub3A_722 = arith.subi %add3A_704, %sub3A_721 : vector<48x144xi32>
      %abs3A_723 = math.absi %sub3A_722 : vector<48x144xi32>
      %le3A_724 = arith.constant 3 : i32
      %le3A_725 = vector.broadcast %le3A_724 : i32 to vector<48x144xi32>
      %le3A_726 = arith.cmpi sle, %abs3A_723, %le3A_725 : vector<48x144xi32>
      %and3A_727 = arith.andi %le3A_720, %le3A_726 : vector<48x144xi1>
      %lt3A_728 = arith.constant 24 : i32
      %lt3A_729 = vector.broadcast %lt3A_728 : i32 to vector<48x144xi32>
      %lt3A_730 = arith.cmpi slt, %add3A_704, %lt3A_729 : vector<48x144xi32>
      %and3A_731 = arith.andi %and3A_727, %lt3A_730 : vector<48x144xi1>
      %jit3A_732 = arith.constant 0.000000e+00 : f32
      %jit3A_733 = arith.constant -1.000000e+09 : f32
      %broadcast_in_dim3A_734 = vector.broadcast %jit3A_732 : f32 to vector<48x144xf32>
      %broadcast_in_dim3A_735 = vector.broadcast %jit3A_733 : f32 to vector<48x144xf32>
      %select_n3A_736 = arith.select %and3A_731, %broadcast_in_dim3A_734, %broadcast_in_dim3A_735 : vector<48x144xi1>, vector<48x144xf32>
      %get3A_737 = arith.constant 0 : index
      %get3A_738 = arith.constant 0 : index
      %get3A_739 = arith.constant 0 : index
      %get3A_740 = vector.load %arg12[%get3A_737, %get3A_738, %get3A_739] : memref<10x24x256xi32, #tpu.memory_space<vmem>>, vector<10x24x256xi32>
      %reshape3A_741 = vector.shape_cast %get3A_740 : vector<10x24x256xi32> to vector<240x256xi32>
      %slice3A_742 = vector.extract_strided_slice %reshape3A_741 {offsets = [0, 0], sizes = [240, 128], strides = [1, 1]} : vector<240x256xi32> to vector<240x128xi32>
      %slice3A_743 = vector.extract_strided_slice %reshape3A_741 {offsets = [0, 128], sizes = [240, 128], strides = [1, 1]} : vector<240x256xi32> to vector<240x128xi32>
      %and3A_744 = arith.constant -65536 : i32
      %and3A_745 = vector.broadcast %and3A_744 : i32 to vector<240x128xi32>
      %and3A_746 = arith.andi %slice3A_742, %and3A_745 : vector<240x128xi32>
      %bitcast_convert_type3A_747 = tpu.bitcast %and3A_746 : vector<240x128xi32> -> vector<240x128xf32>
      %shift_left3A_748 = arith.constant 16 : i32
      %shift_left3A_749 = vector.broadcast %shift_left3A_748 : i32 to vector<240x128xi32>
      %shift_left3A_750 = arith.shli %slice3A_742, %shift_left3A_749 : vector<240x128xi32>
      %bitcast_convert_type3A_751 = tpu.bitcast %shift_left3A_750 : vector<240x128xi32> -> vector<240x128xf32>
      %concatenate3A_752 = tpu.concatenate %bitcast_convert_type3A_747, %bitcast_convert_type3A_751 in 1 : vector<240x128xf32>, vector<240x128xf32> -> vector<240x256xf32>
      %and3A_753 = arith.constant -65536 : i32
      %and3A_754 = vector.broadcast %and3A_753 : i32 to vector<240x128xi32>
      %and3A_755 = arith.andi %slice3A_743, %and3A_754 : vector<240x128xi32>
      %bitcast_convert_type3A_756 = tpu.bitcast %and3A_755 : vector<240x128xi32> -> vector<240x128xf32>
      %shift_left3A_757 = arith.constant 16 : i32
      %shift_left3A_758 = vector.broadcast %shift_left3A_757 : i32 to vector<240x128xi32>
      %shift_left3A_759 = arith.shli %slice3A_743, %shift_left3A_758 : vector<240x128xi32>
      %bitcast_convert_type3A_760 = tpu.bitcast %shift_left3A_759 : vector<240x128xi32> -> vector<240x128xf32>
      %concatenate3A_761 = tpu.concatenate %bitcast_convert_type3A_756, %bitcast_convert_type3A_760 in 1 : vector<240x128xf32>, vector<240x128xf32> -> vector<240x256xf32>
      %iota3A_762 = tpu.iota {dimensions = array<i32: 1>} : vector<48x240xi32>
      %jit3A_763 = arith.constant 24 : i32
      %div3A_764 = vector.broadcast %jit3A_763 : i32 to vector<48x240xi32>
      %div3A_765 = arith.divsi %iota3A_762, %div3A_764 : vector<48x240xi32>
      %sign3A_766 = arith.constant 0 : i32
      %sign3A_767 = vector.broadcast %sign3A_766 : i32 to vector<48x240xi32>
      %sign3A_768 = arith.cmpi sgt, %iota3A_762, %sign3A_767 : vector<48x240xi32>
      %sign3A_769 = arith.extui %sign3A_768 : vector<48x240xi1> to vector<48x240xi32>
      %sign3A_770 = arith.constant 0 : i32
      %sign3A_771 = vector.broadcast %sign3A_770 : i32 to vector<48x240xi32>
      %sign3A_772 = arith.cmpi slt, %iota3A_762, %sign3A_771 : vector<48x240xi32>
      %sign3A_773 = arith.extui %sign3A_772 : vector<48x240xi1> to vector<48x240xi32>
      %sign3A_774 = arith.subi %sign3A_769, %sign3A_773 : vector<48x240xi32>
      %sign3A_775 = arith.constant 0 : i32
      %sign3A_776 = arith.cmpi sgt, %jit3A_763, %sign3A_775 : i32
      %sign3A_777 = arith.extui %sign3A_776 : i1 to i32
      %sign3A_778 = arith.constant 0 : i32
      %sign3A_779 = arith.cmpi slt, %jit3A_763, %sign3A_778 : i32
      %sign3A_780 = arith.extui %sign3A_779 : i1 to i32
      %sign3A_781 = arith.subi %sign3A_777, %sign3A_780 : i32
      %ne3A_782 = vector.broadcast %sign3A_781 : i32 to vector<48x240xi32>
      %ne3A_783 = arith.cmpi ne, %sign3A_774, %ne3A_782 : vector<48x240xi32>
      %rem3A_784 = vector.broadcast %jit3A_763 : i32 to vector<48x240xi32>
      %rem3A_785 = arith.remsi %iota3A_762, %rem3A_784 : vector<48x240xi32>
      %ne3A_786 = arith.constant 0 : i32
      %ne3A_787 = vector.broadcast %ne3A_786 : i32 to vector<48x240xi32>
      %ne3A_788 = arith.cmpi ne, %rem3A_785, %ne3A_787 : vector<48x240xi32>
      %and3A_789 = arith.andi %ne3A_783, %ne3A_788 : vector<48x240xi1>
      %sub3A_790 = arith.constant 1 : i32
      %sub3A_791 = vector.broadcast %sub3A_790 : i32 to vector<48x240xi32>
      %sub3A_792 = arith.subi %div3A_765, %sub3A_791 : vector<48x240xi32>
      %select_n3A_793 = arith.select %and3A_789, %sub3A_792, %div3A_765 : vector<48x240xi1>, vector<48x240xi32>
      %add3A_794 = vector.broadcast %min3A_292 : i32 to vector<48x240xi32>
      %add3A_795 = arith.addi %add3A_794, %select_n3A_793 : vector<48x240xi32>
      %jit3A_796 = arith.constant 24 : i32
      %eq3A_797 = arith.constant 0 : i32
      %eq3A_798 = arith.cmpi eq, %jit3A_796, %eq3A_797 : i32
      %jit3A_799 = arith.constant 1 : i32
      %select_n3A_800 = arith.select %eq3A_798, %jit3A_799, %jit3A_796 : i32
      %rem3A_801 = vector.broadcast %select_n3A_800 : i32 to vector<48x240xi32>
      %rem3A_802 = arith.remsi %iota3A_762, %rem3A_801 : vector<48x240xi32>
      %ne3A_803 = arith.constant 0 : i32
      %ne3A_804 = vector.broadcast %ne3A_803 : i32 to vector<48x240xi32>
      %ne3A_805 = arith.cmpi ne, %rem3A_802, %ne3A_804 : vector<48x240xi32>
      %lt3A_806 = arith.constant 0 : i32
      %lt3A_807 = vector.broadcast %lt3A_806 : i32 to vector<48x240xi32>
      %lt3A_808 = arith.cmpi slt, %rem3A_802, %lt3A_807 : vector<48x240xi32>
      %lt3A_809 = arith.constant 0 : i32
      %lt3A_810 = arith.cmpi slt, %select_n3A_800, %lt3A_809 : i32
      %ne3A_811 = vector.broadcast %lt3A_810 : i1 to vector<48x240xi1>
      %ne3A_812 = vector.broadcast %ne3A_811 : vector<48x240xi1> to vector<48x240xi1>
      %ne3A_813 = arith.xori %lt3A_808, %ne3A_812 : vector<48x240xi1>
      %and3A_814 = arith.andi %ne3A_813, %ne3A_805 : vector<48x240xi1>
      %add3A_815 = vector.broadcast %select_n3A_800 : i32 to vector<48x240xi32>
      %add3A_816 = arith.addi %rem3A_802, %add3A_815 : vector<48x240xi32>
      %select_n3A_817 = arith.select %and3A_814, %add3A_816, %rem3A_802 : vector<48x240xi1>, vector<48x240xi32>
      %add3A_818 = vector.broadcast %mul3A_324 : i32 to vector<48x240xi32>
      %add3A_819 = arith.addi %add3A_818, %select_n3A_817 : vector<48x240xi32>
      %mul3A_820 = arith.constant 1.250000e-01 : f32
      %mul3A_821 = vector.broadcast %mul3A_820 : f32 to vector<48x1xf32>
      %mul3A_822 = arith.mulf %get3A_398, %mul3A_821 : vector<48x1xf32>
      %floor3A_823 = math.floor %mul3A_822 : vector<48x1xf32>
      %convert_element_type3A_824 = arith.fptosi %floor3A_823 : vector<48x1xf32> to vector<48x1xi32>
      %mul3A_825 = arith.constant 1.250000e-01 : f32
      %mul3A_826 = vector.broadcast %mul3A_825 : f32 to vector<48x1xf32>
      %mul3A_827 = arith.mulf %get3A_401, %mul3A_826 : vector<48x1xf32>
      %floor3A_828 = math.floor %mul3A_827 : vector<48x1xf32>
      %convert_element_type3A_829 = arith.fptosi %floor3A_828 : vector<48x1xf32> to vector<48x1xi32>
      %sub3A_830 = vector.broadcast %convert_element_type3A_824 : vector<48x1xi32> to vector<48x240xi32>
      %sub3A_831 = arith.subi %add3A_795, %sub3A_830 : vector<48x240xi32>
      %abs3A_832 = math.absi %sub3A_831 : vector<48x240xi32>
      %le3A_833 = arith.constant 4 : i32
      %le3A_834 = vector.broadcast %le3A_833 : i32 to vector<48x240xi32>
      %le3A_835 = arith.cmpi sle, %abs3A_832, %le3A_834 : vector<48x240xi32>
      %sub3A_836 = vector.broadcast %convert_element_type3A_829 : vector<48x1xi32> to vector<48x240xi32>
      %sub3A_837 = arith.subi %add3A_819, %sub3A_836 : vector<48x240xi32>
      %abs3A_838 = math.absi %sub3A_837 : vector<48x240xi32>
      %le3A_839 = arith.constant 4 : i32
      %le3A_840 = vector.broadcast %le3A_839 : i32 to vector<48x240xi32>
      %le3A_841 = arith.cmpi sle, %abs3A_838, %le3A_840 : vector<48x240xi32>
      %and3A_842 = arith.andi %le3A_835, %le3A_841 : vector<48x240xi1>
      %lt3A_843 = arith.constant 12 : i32
      %lt3A_844 = vector.broadcast %lt3A_843 : i32 to vector<48x240xi32>
      %lt3A_845 = arith.cmpi slt, %add3A_819, %lt3A_844 : vector<48x240xi32>
      %and3A_846 = arith.andi %and3A_842, %lt3A_845 : vector<48x240xi1>
      %jit3A_847 = arith.constant 0.000000e+00 : f32
      %jit3A_848 = arith.constant -1.000000e+09 : f32
      %broadcast_in_dim3A_849 = vector.broadcast %jit3A_847 : f32 to vector<48x240xf32>
      %broadcast_in_dim3A_850 = vector.broadcast %jit3A_848 : f32 to vector<48x240xf32>
      %select_n3A_851 = arith.select %and3A_846, %broadcast_in_dim3A_849, %broadcast_in_dim3A_850 : vector<48x240xi1>, vector<48x240xf32>
      %broadcast_in_dim3A_852 = arith.constant 0.000000e+00 : f32
      %broadcast_in_dim3A_853 = vector.broadcast %broadcast_in_dim3A_852 : f32 to vector<64x256xf32>
      %concatenate3A_854 = tpu.concatenate %concatenate3A, %concatenate3A_522, %concatenate3A_637, %concatenate3A_752, %broadcast_in_dim3A_853 in 0 : vector<336x256xf32>, vector<240x256xf32>, vector<144x256xf32>, vector<240x256xf32>, vector<64x256xf32> -> vector<1024x256xf32>
      %broadcast_in_dim3A_855 = arith.constant 0.000000e+00 : f32
      %broadcast_in_dim3A_856 = vector.broadcast %broadcast_in_dim3A_855 : f32 to vector<64x256xf32>
      %concatenate3A_857 = tpu.concatenate %concatenate3A_421, %concatenate3A_531, %concatenate3A_646, %concatenate3A_761, %broadcast_in_dim3A_856 in 0 : vector<336x256xf32>, vector<240x256xf32>, vector<144x256xf32>, vector<240x256xf32>, vector<64x256xf32> -> vector<1024x256xf32>
      %broadcast_in_dim3A_858 = arith.constant -1.000000e+09 : f32
      %broadcast_in_dim3A_859 = vector.broadcast %broadcast_in_dim3A_858 : f32 to vector<48x64xf32>
      %concatenate3A_860 = tpu.concatenate %select_n3A_506, %select_n3A_621, %select_n3A_736, %select_n3A_851, %broadcast_in_dim3A_859 in 1 : vector<48x336xf32>, vector<48x240xf32>, vector<48x144xf32>, vector<48x240xf32>, vector<48x64xf32> -> vector<48x1024xf32>
      %convert_element_type3A_861 = arith.truncf %concatenate3A_854 : vector<1024x256xf32> to vector<1024x256xbf16>
      %convert_element_type3A_862 = arith.truncf %concatenate3A_857 : vector<1024x256xf32> to vector<1024x256xbf16>
      %broadcast_in_dim3A_863 = arith.constant 0.000000e+00 : f32
      %broadcast_in_dim3A_864 = vector.broadcast %broadcast_in_dim3A_863 : f32 to vector<48x256xf32>
      %slice3A_865 = vector.extract_strided_slice %get3A_395 {offsets = [0, 0], sizes = [48, 16], strides = [1, 1]} : vector<48x256xf32> to vector<48x16xf32>
      %slice3A_866 = vector.extract_strided_slice %get3A_395 {offsets = [0, 128], sizes = [48, 16], strides = [1, 1]} : vector<48x256xf32> to vector<48x16xf32>
      %concatenate3A_867 = tpu.concatenate %slice3A_865, %slice3A_866 in 1 : vector<48x16xf32>, vector<48x16xf32> -> vector<48x32xf32>
      %slice3A_868 = vector.extract_strided_slice %convert_element_type3A_861 {offsets = [0, 0], sizes = [1024, 16], strides = [1, 1]} : vector<1024x256xbf16> to vector<1024x16xbf16>
      %slice3A_869 = vector.extract_strided_slice %convert_element_type3A_861 {offsets = [0, 128], sizes = [1024, 16], strides = [1, 1]} : vector<1024x256xbf16> to vector<1024x16xbf16>
      %concatenate3A_870 = tpu.concatenate %slice3A_868, %slice3A_869 in 1 : vector<1024x16xbf16>, vector<1024x16xbf16> -> vector<1024x32xbf16>
      %convert_element_type3A_871 = arith.truncf %concatenate3A_867 : vector<48x32xf32> to vector<48x32xbf16>
      %dot_general3A = arith.constant dense<0.000000e+00> : vector<48x1024xf32>
      %dot_general3A_872 = tpu.matmul %convert_element_type3A_871, %concatenate3A_870, %dot_general3A {dimension_numbers = #tpu.dot_dimension_numbers<[1], [1], [0], [0], [0, 0, 1, 0], [], []>, transpose_lhs_hint = false} : vector<48x32xbf16>, vector<1024x32xbf16>, vector<48x1024xf32> -> vector<48x1024xf32>
      %add3A_873 = arith.addf %dot_general3A_872, %concatenate3A_860 : vector<48x1024xf32>
      %reduce_max3A = arith.constant dense<0xFF800000> : vector<48xf32>
      %reduce_max3A_874 = vector.multi_reduction <maximumf>, %add3A_873, %reduce_max3A [1] : vector<48x1024xf32> to vector<48xf32>
      %broadcast_in_dim3A_875 = vector.shape_cast %reduce_max3A_874 : vector<48xf32> to vector<48x1xf32>
      %sub3A_876 = vector.broadcast %broadcast_in_dim3A_875 : vector<48x1xf32> to vector<48x1024xf32>
      %sub3A_877 = arith.subf %add3A_873, %sub3A_876 : vector<48x1024xf32>
      %exp3A = math.exp %sub3A_877 : vector<48x1024xf32>
      %reduce_sum3A = arith.constant dense<0.000000e+00> : vector<48xf32>
      %reduce_sum3A_878 = vector.multi_reduction <add>, %exp3A, %reduce_sum3A [1] : vector<48x1024xf32> to vector<48xf32>
      %broadcast_in_dim3A_879 = vector.shape_cast %reduce_sum3A_878 : vector<48xf32> to vector<48x1xf32>
      %div3A_880 = vector.broadcast %broadcast_in_dim3A_879 : vector<48x1xf32> to vector<48x1024xf32>
      %div3A_881 = arith.divf %exp3A, %div3A_880 : vector<48x1024xf32>
      %convert_element_type3A_882 = arith.truncf %div3A_881 : vector<48x1024xf32> to vector<48x1024xbf16>
      %dot_general3A_883 = arith.constant dense<0.000000e+00> : vector<48x256xf32>
      %dot_general3A_884 = tpu.matmul %convert_element_type3A_882, %convert_element_type3A_862, %dot_general3A_883 {dimension_numbers = #tpu.dot_dimension_numbers<[1], [0], [0], [1], [0, 0, 1, 1], [], []>, transpose_lhs_hint = false} : vector<48x1024xbf16>, vector<1024x256xbf16>, vector<48x256xf32> -> vector<48x256xf32>
      %iota3A_885 = tpu.iota {dimensions = array<i32: 1>} : vector<1x256xi32>
      %jit3A_886 = arith.constant 128 : i32
      %eq3A_887 = arith.constant 0 : i32
      %eq3A_888 = arith.cmpi eq, %jit3A_886, %eq3A_887 : i32
      %jit3A_889 = arith.constant 1 : i32
      %select_n3A_890 = arith.select %eq3A_888, %jit3A_889, %jit3A_886 : i32
      %rem3A_891 = vector.broadcast %select_n3A_890 : i32 to vector<1x256xi32>
      %rem3A_892 = arith.remsi %iota3A_885, %rem3A_891 : vector<1x256xi32>
      %ne3A_893 = arith.constant 0 : i32
      %ne3A_894 = vector.broadcast %ne3A_893 : i32 to vector<1x256xi32>
      %ne3A_895 = arith.cmpi ne, %rem3A_892, %ne3A_894 : vector<1x256xi32>
      %lt3A_896 = arith.constant 0 : i32
      %lt3A_897 = vector.broadcast %lt3A_896 : i32 to vector<1x256xi32>
      %lt3A_898 = arith.cmpi slt, %rem3A_892, %lt3A_897 : vector<1x256xi32>
      %lt3A_899 = arith.constant 0 : i32
      %lt3A_900 = arith.cmpi slt, %select_n3A_890, %lt3A_899 : i32
      %ne3A_901 = vector.broadcast %lt3A_900 : i1 to vector<1x256xi1>
      %ne3A_902 = vector.broadcast %ne3A_901 : vector<1x256xi1> to vector<1x256xi1>
      %ne3A_903 = arith.xori %lt3A_898, %ne3A_902 : vector<1x256xi1>
      %and3A_904 = arith.andi %ne3A_903, %ne3A_895 : vector<1x256xi1>
      %add3A_905 = vector.broadcast %select_n3A_890 : i32 to vector<1x256xi32>
      %add3A_906 = arith.addi %rem3A_892, %add3A_905 : vector<1x256xi32>
      %select_n3A_907 = arith.select %and3A_904, %add3A_906, %rem3A_892 : vector<1x256xi1>, vector<1x256xi32>
      %jit3A_908 = arith.constant 16 : i32
      %div3A_909 = vector.broadcast %jit3A_908 : i32 to vector<1x256xi32>
      %div3A_910 = arith.divsi %select_n3A_907, %div3A_909 : vector<1x256xi32>
      %sign3A_911 = arith.constant 0 : i32
      %sign3A_912 = vector.broadcast %sign3A_911 : i32 to vector<1x256xi32>
      %sign3A_913 = arith.cmpi sgt, %select_n3A_907, %sign3A_912 : vector<1x256xi32>
      %sign3A_914 = arith.extui %sign3A_913 : vector<1x256xi1> to vector<1x256xi32>
      %sign3A_915 = arith.constant 0 : i32
      %sign3A_916 = vector.broadcast %sign3A_915 : i32 to vector<1x256xi32>
      %sign3A_917 = arith.cmpi slt, %select_n3A_907, %sign3A_916 : vector<1x256xi32>
      %sign3A_918 = arith.extui %sign3A_917 : vector<1x256xi1> to vector<1x256xi32>
      %sign3A_919 = arith.subi %sign3A_914, %sign3A_918 : vector<1x256xi32>
      %sign3A_920 = arith.constant 0 : i32
      %sign3A_921 = arith.cmpi sgt, %jit3A_908, %sign3A_920 : i32
      %sign3A_922 = arith.extui %sign3A_921 : i1 to i32
      %sign3A_923 = arith.constant 0 : i32
      %sign3A_924 = arith.cmpi slt, %jit3A_908, %sign3A_923 : i32
      %sign3A_925 = arith.extui %sign3A_924 : i1 to i32
      %sign3A_926 = arith.subi %sign3A_922, %sign3A_925 : i32
      %ne3A_927 = vector.broadcast %sign3A_926 : i32 to vector<1x256xi32>
      %ne3A_928 = arith.cmpi ne, %sign3A_919, %ne3A_927 : vector<1x256xi32>
      %rem3A_929 = vector.broadcast %jit3A_908 : i32 to vector<1x256xi32>
      %rem3A_930 = arith.remsi %select_n3A_907, %rem3A_929 : vector<1x256xi32>
      %ne3A_931 = arith.constant 0 : i32
      %ne3A_932 = vector.broadcast %ne3A_931 : i32 to vector<1x256xi32>
      %ne3A_933 = arith.cmpi ne, %rem3A_930, %ne3A_932 : vector<1x256xi32>
      %and3A_934 = arith.andi %ne3A_928, %ne3A_933 : vector<1x256xi1>
      %sub3A_935 = arith.constant 1 : i32
      %sub3A_936 = vector.broadcast %sub3A_935 : i32 to vector<1x256xi32>
      %sub3A_937 = arith.subi %div3A_910, %sub3A_936 : vector<1x256xi32>
      %select_n3A_938 = arith.select %and3A_934, %sub3A_937, %div3A_910 : vector<1x256xi1>, vector<1x256xi32>
      %eq3A_939 = arith.constant 0 : i32
      %eq3A_940 = vector.broadcast %eq3A_939 : i32 to vector<1x256xi32>
      %eq3A_941 = arith.cmpi eq, %select_n3A_938, %eq3A_940 : vector<1x256xi32>
      %convert_element_type3A_942 = arith.extui %eq3A_941 : vector<1x256xi1> to vector<1x256xi32>
      %convert_element_type3A_943 = arith.sitofp %convert_element_type3A_942 : vector<1x256xi32> to vector<1x256xf32>
      %mul3A_944 = vector.broadcast %convert_element_type3A_943 : vector<1x256xf32> to vector<48x256xf32>
      %mul3A_945 = arith.mulf %dot_general3A_884, %mul3A_944 : vector<48x256xf32>
      %add3A_946 = arith.addf %broadcast_in_dim3A_864, %mul3A_945 : vector<48x256xf32>
      %slice3A_947 = vector.extract_strided_slice %get3A_395 {offsets = [0, 16], sizes = [48, 16], strides = [1, 1]} : vector<48x256xf32> to vector<48x16xf32>
      %slice3A_948 = vector.extract_strided_slice %get3A_395 {offsets = [0, 144], sizes = [48, 16], strides = [1, 1]} : vector<48x256xf32> to vector<48x16xf32>
      %concatenate3A_949 = tpu.concatenate %slice3A_947, %slice3A_948 in 1 : vector<48x16xf32>, vector<48x16xf32> -> vector<48x32xf32>
      %slice3A_950 = vector.extract_strided_slice %convert_element_type3A_861 {offsets = [0, 16], sizes = [1024, 16], strides = [1, 1]} : vector<1024x256xbf16> to vector<1024x16xbf16>
      %slice3A_951 = vector.extract_strided_slice %convert_element_type3A_861 {offsets = [0, 144], sizes = [1024, 16], strides = [1, 1]} : vector<1024x256xbf16> to vector<1024x16xbf16>
      %concatenate3A_952 = tpu.concatenate %slice3A_950, %slice3A_951 in 1 : vector<1024x16xbf16>, vector<1024x16xbf16> -> vector<1024x32xbf16>
      %convert_element_type3A_953 = arith.truncf %concatenate3A_949 : vector<48x32xf32> to vector<48x32xbf16>
      %dot_general3A_954 = arith.constant dense<0.000000e+00> : vector<48x1024xf32>
      %dot_general3A_955 = tpu.matmul %convert_element_type3A_953, %concatenate3A_952, %dot_general3A_954 {dimension_numbers = #tpu.dot_dimension_numbers<[1], [1], [0], [0], [0, 0, 1, 0], [], []>, transpose_lhs_hint = false} : vector<48x32xbf16>, vector<1024x32xbf16>, vector<48x1024xf32> -> vector<48x1024xf32>
      %add3A_956 = arith.addf %dot_general3A_955, %concatenate3A_860 : vector<48x1024xf32>
      %reduce_max3A_957 = arith.constant dense<0xFF800000> : vector<48xf32>
      %reduce_max3A_958 = vector.multi_reduction <maximumf>, %add3A_956, %reduce_max3A_957 [1] : vector<48x1024xf32> to vector<48xf32>
      %broadcast_in_dim3A_959 = vector.shape_cast %reduce_max3A_958 : vector<48xf32> to vector<48x1xf32>
      %sub3A_960 = vector.broadcast %broadcast_in_dim3A_959 : vector<48x1xf32> to vector<48x1024xf32>
      %sub3A_961 = arith.subf %add3A_956, %sub3A_960 : vector<48x1024xf32>
      %exp3A_962 = math.exp %sub3A_961 : vector<48x1024xf32>
      %reduce_sum3A_963 = arith.constant dense<0.000000e+00> : vector<48xf32>
      %reduce_sum3A_964 = vector.multi_reduction <add>, %exp3A_962, %reduce_sum3A_963 [1] : vector<48x1024xf32> to vector<48xf32>
      %broadcast_in_dim3A_965 = vector.shape_cast %reduce_sum3A_964 : vector<48xf32> to vector<48x1xf32>
      %div3A_966 = vector.broadcast %broadcast_in_dim3A_965 : vector<48x1xf32> to vector<48x1024xf32>
      %div3A_967 = arith.divf %exp3A_962, %div3A_966 : vector<48x1024xf32>
      %convert_element_type3A_968 = arith.truncf %div3A_967 : vector<48x1024xf32> to vector<48x1024xbf16>
      %dot_general3A_969 = arith.constant dense<0.000000e+00> : vector<48x256xf32>
      %dot_general3A_970 = tpu.matmul %convert_element_type3A_968, %convert_element_type3A_862, %dot_general3A_969 {dimension_numbers = #tpu.dot_dimension_numbers<[1], [0], [0], [1], [0, 0, 1, 1], [], []>, transpose_lhs_hint = false} : vector<48x1024xbf16>, vector<1024x256xbf16>, vector<48x256xf32> -> vector<48x256xf32>
      %iota3A_971 = tpu.iota {dimensions = array<i32: 1>} : vector<1x256xi32>
      %jit3A_972 = arith.constant 128 : i32
      %eq3A_973 = arith.constant 0 : i32
      %eq3A_974 = arith.cmpi eq, %jit3A_972, %eq3A_973 : i32
      %jit3A_975 = arith.constant 1 : i32
      %select_n3A_976 = arith.select %eq3A_974, %jit3A_975, %jit3A_972 : i32
      %rem3A_977 = vector.broadcast %select_n3A_976 : i32 to vector<1x256xi32>
      %rem3A_978 = arith.remsi %iota3A_971, %rem3A_977 : vector<1x256xi32>
      %ne3A_979 = arith.constant 0 : i32
      %ne3A_980 = vector.broadcast %ne3A_979 : i32 to vector<1x256xi32>
      %ne3A_981 = arith.cmpi ne, %rem3A_978, %ne3A_980 : vector<1x256xi32>
      %lt3A_982 = arith.constant 0 : i32
      %lt3A_983 = vector.broadcast %lt3A_982 : i32 to vector<1x256xi32>
      %lt3A_984 = arith.cmpi slt, %rem3A_978, %lt3A_983 : vector<1x256xi32>
      %lt3A_985 = arith.constant 0 : i32
      %lt3A_986 = arith.cmpi slt, %select_n3A_976, %lt3A_985 : i32
      %ne3A_987 = vector.broadcast %lt3A_986 : i1 to vector<1x256xi1>
      %ne3A_988 = vector.broadcast %ne3A_987 : vector<1x256xi1> to vector<1x256xi1>
      %ne3A_989 = arith.xori %lt3A_984, %ne3A_988 : vector<1x256xi1>
      %and3A_990 = arith.andi %ne3A_989, %ne3A_981 : vector<1x256xi1>
      %add3A_991 = vector.broadcast %select_n3A_976 : i32 to vector<1x256xi32>
      %add3A_992 = arith.addi %rem3A_978, %add3A_991 : vector<1x256xi32>
      %select_n3A_993 = arith.select %and3A_990, %add3A_992, %rem3A_978 : vector<1x256xi1>, vector<1x256xi32>
      %jit3A_994 = arith.constant 16 : i32
      %div3A_995 = vector.broadcast %jit3A_994 : i32 to vector<1x256xi32>
      %div3A_996 = arith.divsi %select_n3A_993, %div3A_995 : vector<1x256xi32>
      %sign3A_997 = arith.constant 0 : i32
      %sign3A_998 = vector.broadcast %sign3A_997 : i32 to vector<1x256xi32>
      %sign3A_999 = arith.cmpi sgt, %select_n3A_993, %sign3A_998 : vector<1x256xi32>
      %sign3A_1000 = arith.extui %sign3A_999 : vector<1x256xi1> to vector<1x256xi32>
      %sign3A_1001 = arith.constant 0 : i32
      %sign3A_1002 = vector.broadcast %sign3A_1001 : i32 to vector<1x256xi32>
      %sign3A_1003 = arith.cmpi slt, %select_n3A_993, %sign3A_1002 : vector<1x256xi32>
      %sign3A_1004 = arith.extui %sign3A_1003 : vector<1x256xi1> to vector<1x256xi32>
      %sign3A_1005 = arith.subi %sign3A_1000, %sign3A_1004 : vector<1x256xi32>
      %sign3A_1006 = arith.constant 0 : i32
      %sign3A_1007 = arith.cmpi sgt, %jit3A_994, %sign3A_1006 : i32
      %sign3A_1008 = arith.extui %sign3A_1007 : i1 to i32
      %sign3A_1009 = arith.constant 0 : i32
      %sign3A_1010 = arith.cmpi slt, %jit3A_994, %sign3A_1009 : i32
      %sign3A_1011 = arith.extui %sign3A_1010 : i1 to i32
      %sign3A_1012 = arith.subi %sign3A_1008, %sign3A_1011 : i32
      %ne3A_1013 = vector.broadcast %sign3A_1012 : i32 to vector<1x256xi32>
      %ne3A_1014 = arith.cmpi ne, %sign3A_1005, %ne3A_1013 : vector<1x256xi32>
      %rem3A_1015 = vector.broadcast %jit3A_994 : i32 to vector<1x256xi32>
      %rem3A_1016 = arith.remsi %select_n3A_993, %rem3A_1015 : vector<1x256xi32>
      %ne3A_1017 = arith.constant 0 : i32
      %ne3A_1018 = vector.broadcast %ne3A_1017 : i32 to vector<1x256xi32>
      %ne3A_1019 = arith.cmpi ne, %rem3A_1016, %ne3A_1018 : vector<1x256xi32>
      %and3A_1020 = arith.andi %ne3A_1014, %ne3A_1019 : vector<1x256xi1>
      %sub3A_1021 = arith.constant 1 : i32
      %sub3A_1022 = vector.broadcast %sub3A_1021 : i32 to vector<1x256xi32>
      %sub3A_1023 = arith.subi %div3A_996, %sub3A_1022 : vector<1x256xi32>
      %select_n3A_1024 = arith.select %and3A_1020, %sub3A_1023, %div3A_996 : vector<1x256xi1>, vector<1x256xi32>
      %eq3A_1025 = arith.constant 1 : i32
      %eq3A_1026 = vector.broadcast %eq3A_1025 : i32 to vector<1x256xi32>
      %eq3A_1027 = arith.cmpi eq, %select_n3A_1024, %eq3A_1026 : vector<1x256xi32>
      %convert_element_type3A_1028 = arith.extui %eq3A_1027 : vector<1x256xi1> to vector<1x256xi32>
      %convert_element_type3A_1029 = arith.sitofp %convert_element_type3A_1028 : vector<1x256xi32> to vector<1x256xf32>
      %mul3A_1030 = vector.broadcast %convert_element_type3A_1029 : vector<1x256xf32> to vector<48x256xf32>
      %mul3A_1031 = arith.mulf %dot_general3A_970, %mul3A_1030 : vector<48x256xf32>
      %add3A_1032 = arith.addf %add3A_946, %mul3A_1031 : vector<48x256xf32>
      %slice3A_1033 = vector.extract_strided_slice %get3A_395 {offsets = [0, 32], sizes = [48, 16], strides = [1, 1]} : vector<48x256xf32> to vector<48x16xf32>
      %slice3A_1034 = vector.extract_strided_slice %get3A_395 {offsets = [0, 160], sizes = [48, 16], strides = [1, 1]} : vector<48x256xf32> to vector<48x16xf32>
      %concatenate3A_1035 = tpu.concatenate %slice3A_1033, %slice3A_1034 in 1 : vector<48x16xf32>, vector<48x16xf32> -> vector<48x32xf32>
      %slice3A_1036 = vector.extract_strided_slice %convert_element_type3A_861 {offsets = [0, 32], sizes = [1024, 16], strides = [1, 1]} : vector<1024x256xbf16> to vector<1024x16xbf16>
      %slice3A_1037 = vector.extract_strided_slice %convert_element_type3A_861 {offsets = [0, 160], sizes = [1024, 16], strides = [1, 1]} : vector<1024x256xbf16> to vector<1024x16xbf16>
      %concatenate3A_1038 = tpu.concatenate %slice3A_1036, %slice3A_1037 in 1 : vector<1024x16xbf16>, vector<1024x16xbf16> -> vector<1024x32xbf16>
      %convert_element_type3A_1039 = arith.truncf %concatenate3A_1035 : vector<48x32xf32> to vector<48x32xbf16>
      %dot_general3A_1040 = arith.constant dense<0.000000e+00> : vector<48x1024xf32>
      %dot_general3A_1041 = tpu.matmul %convert_element_type3A_1039, %concatenate3A_1038, %dot_general3A_1040 {dimension_numbers = #tpu.dot_dimension_numbers<[1], [1], [0], [0], [0, 0, 1, 0], [], []>, transpose_lhs_hint = false} : vector<48x32xbf16>, vector<1024x32xbf16>, vector<48x1024xf32> -> vector<48x1024xf32>
      %add3A_1042 = arith.addf %dot_general3A_1041, %concatenate3A_860 : vector<48x1024xf32>
      %reduce_max3A_1043 = arith.constant dense<0xFF800000> : vector<48xf32>
      %reduce_max3A_1044 = vector.multi_reduction <maximumf>, %add3A_1042, %reduce_max3A_1043 [1] : vector<48x1024xf32> to vector<48xf32>
      %broadcast_in_dim3A_1045 = vector.shape_cast %reduce_max3A_1044 : vector<48xf32> to vector<48x1xf32>
      %sub3A_1046 = vector.broadcast %broadcast_in_dim3A_1045 : vector<48x1xf32> to vector<48x1024xf32>
      %sub3A_1047 = arith.subf %add3A_1042, %sub3A_1046 : vector<48x1024xf32>
      %exp3A_1048 = math.exp %sub3A_1047 : vector<48x1024xf32>
      %reduce_sum3A_1049 = arith.constant dense<0.000000e+00> : vector<48xf32>
      %reduce_sum3A_1050 = vector.multi_reduction <add>, %exp3A_1048, %reduce_sum3A_1049 [1] : vector<48x1024xf32> to vector<48xf32>
      %broadcast_in_dim3A_1051 = vector.shape_cast %reduce_sum3A_1050 : vector<48xf32> to vector<48x1xf32>
      %div3A_1052 = vector.broadcast %broadcast_in_dim3A_1051 : vector<48x1xf32> to vector<48x1024xf32>
      %div3A_1053 = arith.divf %exp3A_1048, %div3A_1052 : vector<48x1024xf32>
      %convert_element_type3A_1054 = arith.truncf %div3A_1053 : vector<48x1024xf32> to vector<48x1024xbf16>
      %dot_general3A_1055 = arith.constant dense<0.000000e+00> : vector<48x256xf32>
      %dot_general3A_1056 = tpu.matmul %convert_element_type3A_1054, %convert_element_type3A_862, %dot_general3A_1055 {dimension_numbers = #tpu.dot_dimension_numbers<[1], [0], [0], [1], [0, 0, 1, 1], [], []>, transpose_lhs_hint = false} : vector<48x1024xbf16>, vector<1024x256xbf16>, vector<48x256xf32> -> vector<48x256xf32>
      %iota3A_1057 = tpu.iota {dimensions = array<i32: 1>} : vector<1x256xi32>
      %jit3A_1058 = arith.constant 128 : i32
      %eq3A_1059 = arith.constant 0 : i32
      %eq3A_1060 = arith.cmpi eq, %jit3A_1058, %eq3A_1059 : i32
      %jit3A_1061 = arith.constant 1 : i32
      %select_n3A_1062 = arith.select %eq3A_1060, %jit3A_1061, %jit3A_1058 : i32
      %rem3A_1063 = vector.broadcast %select_n3A_1062 : i32 to vector<1x256xi32>
      %rem3A_1064 = arith.remsi %iota3A_1057, %rem3A_1063 : vector<1x256xi32>
      %ne3A_1065 = arith.constant 0 : i32
      %ne3A_1066 = vector.broadcast %ne3A_1065 : i32 to vector<1x256xi32>
      %ne3A_1067 = arith.cmpi ne, %rem3A_1064, %ne3A_1066 : vector<1x256xi32>
      %lt3A_1068 = arith.constant 0 : i32
      %lt3A_1069 = vector.broadcast %lt3A_1068 : i32 to vector<1x256xi32>
      %lt3A_1070 = arith.cmpi slt, %rem3A_1064, %lt3A_1069 : vector<1x256xi32>
      %lt3A_1071 = arith.constant 0 : i32
      %lt3A_1072 = arith.cmpi slt, %select_n3A_1062, %lt3A_1071 : i32
      %ne3A_1073 = vector.broadcast %lt3A_1072 : i1 to vector<1x256xi1>
      %ne3A_1074 = vector.broadcast %ne3A_1073 : vector<1x256xi1> to vector<1x256xi1>
      %ne3A_1075 = arith.xori %lt3A_1070, %ne3A_1074 : vector<1x256xi1>
      %and3A_1076 = arith.andi %ne3A_1075, %ne3A_1067 : vector<1x256xi1>
      %add3A_1077 = vector.broadcast %select_n3A_1062 : i32 to vector<1x256xi32>
      %add3A_1078 = arith.addi %rem3A_1064, %add3A_1077 : vector<1x256xi32>
      %select_n3A_1079 = arith.select %and3A_1076, %add3A_1078, %rem3A_1064 : vector<1x256xi1>, vector<1x256xi32>
      %jit3A_1080 = arith.constant 16 : i32
      %div3A_1081 = vector.broadcast %jit3A_1080 : i32 to vector<1x256xi32>
      %div3A_1082 = arith.divsi %select_n3A_1079, %div3A_1081 : vector<1x256xi32>
      %sign3A_1083 = arith.constant 0 : i32
      %sign3A_1084 = vector.broadcast %sign3A_1083 : i32 to vector<1x256xi32>
      %sign3A_1085 = arith.cmpi sgt, %select_n3A_1079, %sign3A_1084 : vector<1x256xi32>
      %sign3A_1086 = arith.extui %sign3A_1085 : vector<1x256xi1> to vector<1x256xi32>
      %sign3A_1087 = arith.constant 0 : i32
      %sign3A_1088 = vector.broadcast %sign3A_1087 : i32 to vector<1x256xi32>
      %sign3A_1089 = arith.cmpi slt, %select_n3A_1079, %sign3A_1088 : vector<1x256xi32>
      %sign3A_1090 = arith.extui %sign3A_1089 : vector<1x256xi1> to vector<1x256xi32>
      %sign3A_1091 = arith.subi %sign3A_1086, %sign3A_1090 : vector<1x256xi32>
      %sign3A_1092 = arith.constant 0 : i32
      %sign3A_1093 = arith.cmpi sgt, %jit3A_1080, %sign3A_1092 : i32
      %sign3A_1094 = arith.extui %sign3A_1093 : i1 to i32
      %sign3A_1095 = arith.constant 0 : i32
      %sign3A_1096 = arith.cmpi slt, %jit3A_1080, %sign3A_1095 : i32
      %sign3A_1097 = arith.extui %sign3A_1096 : i1 to i32
      %sign3A_1098 = arith.subi %sign3A_1094, %sign3A_1097 : i32
      %ne3A_1099 = vector.broadcast %sign3A_1098 : i32 to vector<1x256xi32>
      %ne3A_1100 = arith.cmpi ne, %sign3A_1091, %ne3A_1099 : vector<1x256xi32>
      %rem3A_1101 = vector.broadcast %jit3A_1080 : i32 to vector<1x256xi32>
      %rem3A_1102 = arith.remsi %select_n3A_1079, %rem3A_1101 : vector<1x256xi32>
      %ne3A_1103 = arith.constant 0 : i32
      %ne3A_1104 = vector.broadcast %ne3A_1103 : i32 to vector<1x256xi32>
      %ne3A_1105 = arith.cmpi ne, %rem3A_1102, %ne3A_1104 : vector<1x256xi32>
      %and3A_1106 = arith.andi %ne3A_1100, %ne3A_1105 : vector<1x256xi1>
      %sub3A_1107 = arith.constant 1 : i32
      %sub3A_1108 = vector.broadcast %sub3A_1107 : i32 to vector<1x256xi32>
      %sub3A_1109 = arith.subi %div3A_1082, %sub3A_1108 : vector<1x256xi32>
      %select_n3A_1110 = arith.select %and3A_1106, %sub3A_1109, %div3A_1082 : vector<1x256xi1>, vector<1x256xi32>
      %eq3A_1111 = arith.constant 2 : i32
      %eq3A_1112 = vector.broadcast %eq3A_1111 : i32 to vector<1x256xi32>
      %eq3A_1113 = arith.cmpi eq, %select_n3A_1110, %eq3A_1112 : vector<1x256xi32>
      %convert_element_type3A_1114 = arith.extui %eq3A_1113 : vector<1x256xi1> to vector<1x256xi32>
      %convert_element_type3A_1115 = arith.sitofp %convert_element_type3A_1114 : vector<1x256xi32> to vector<1x256xf32>
      %mul3A_1116 = vector.broadcast %convert_element_type3A_1115 : vector<1x256xf32> to vector<48x256xf32>
      %mul3A_1117 = arith.mulf %dot_general3A_1056, %mul3A_1116 : vector<48x256xf32>
      %add3A_1118 = arith.addf %add3A_1032, %mul3A_1117 : vector<48x256xf32>
      %slice3A_1119 = vector.extract_strided_slice %get3A_395 {offsets = [0, 48], sizes = [48, 16], strides = [1, 1]} : vector<48x256xf32> to vector<48x16xf32>
      %slice3A_1120 = vector.extract_strided_slice %get3A_395 {offsets = [0, 176], sizes = [48, 16], strides = [1, 1]} : vector<48x256xf32> to vector<48x16xf32>
      %concatenate3A_1121 = tpu.concatenate %slice3A_1119, %slice3A_1120 in 1 : vector<48x16xf32>, vector<48x16xf32> -> vector<48x32xf32>
      %slice3A_1122 = vector.extract_strided_slice %convert_element_type3A_861 {offsets = [0, 48], sizes = [1024, 16], strides = [1, 1]} : vector<1024x256xbf16> to vector<1024x16xbf16>
      %slice3A_1123 = vector.extract_strided_slice %convert_element_type3A_861 {offsets = [0, 176], sizes = [1024, 16], strides = [1, 1]} : vector<1024x256xbf16> to vector<1024x16xbf16>
      %concatenate3A_1124 = tpu.concatenate %slice3A_1122, %slice3A_1123 in 1 : vector<1024x16xbf16>, vector<1024x16xbf16> -> vector<1024x32xbf16>
      %convert_element_type3A_1125 = arith.truncf %concatenate3A_1121 : vector<48x32xf32> to vector<48x32xbf16>
      %dot_general3A_1126 = arith.constant dense<0.000000e+00> : vector<48x1024xf32>
      %dot_general3A_1127 = tpu.matmul %convert_element_type3A_1125, %concatenate3A_1124, %dot_general3A_1126 {dimension_numbers = #tpu.dot_dimension_numbers<[1], [1], [0], [0], [0, 0, 1, 0], [], []>, transpose_lhs_hint = false} : vector<48x32xbf16>, vector<1024x32xbf16>, vector<48x1024xf32> -> vector<48x1024xf32>
      %add3A_1128 = arith.addf %dot_general3A_1127, %concatenate3A_860 : vector<48x1024xf32>
      %reduce_max3A_1129 = arith.constant dense<0xFF800000> : vector<48xf32>
      %reduce_max3A_1130 = vector.multi_reduction <maximumf>, %add3A_1128, %reduce_max3A_1129 [1] : vector<48x1024xf32> to vector<48xf32>
      %broadcast_in_dim3A_1131 = vector.shape_cast %reduce_max3A_1130 : vector<48xf32> to vector<48x1xf32>
      %sub3A_1132 = vector.broadcast %broadcast_in_dim3A_1131 : vector<48x1xf32> to vector<48x1024xf32>
      %sub3A_1133 = arith.subf %add3A_1128, %sub3A_1132 : vector<48x1024xf32>
      %exp3A_1134 = math.exp %sub3A_1133 : vector<48x1024xf32>
      %reduce_sum3A_1135 = arith.constant dense<0.000000e+00> : vector<48xf32>
      %reduce_sum3A_1136 = vector.multi_reduction <add>, %exp3A_1134, %reduce_sum3A_1135 [1] : vector<48x1024xf32> to vector<48xf32>
      %broadcast_in_dim3A_1137 = vector.shape_cast %reduce_sum3A_1136 : vector<48xf32> to vector<48x1xf32>
      %div3A_1138 = vector.broadcast %broadcast_in_dim3A_1137 : vector<48x1xf32> to vector<48x1024xf32>
      %div3A_1139 = arith.divf %exp3A_1134, %div3A_1138 : vector<48x1024xf32>
      %convert_element_type3A_1140 = arith.truncf %div3A_1139 : vector<48x1024xf32> to vector<48x1024xbf16>
      %dot_general3A_1141 = arith.constant dense<0.000000e+00> : vector<48x256xf32>
      %dot_general3A_1142 = tpu.matmul %convert_element_type3A_1140, %convert_element_type3A_862, %dot_general3A_1141 {dimension_numbers = #tpu.dot_dimension_numbers<[1], [0], [0], [1], [0, 0, 1, 1], [], []>, transpose_lhs_hint = false} : vector<48x1024xbf16>, vector<1024x256xbf16>, vector<48x256xf32> -> vector<48x256xf32>
      %iota3A_1143 = tpu.iota {dimensions = array<i32: 1>} : vector<1x256xi32>
      %jit3A_1144 = arith.constant 128 : i32
      %eq3A_1145 = arith.constant 0 : i32
      %eq3A_1146 = arith.cmpi eq, %jit3A_1144, %eq3A_1145 : i32
      %jit3A_1147 = arith.constant 1 : i32
      %select_n3A_1148 = arith.select %eq3A_1146, %jit3A_1147, %jit3A_1144 : i32
      %rem3A_1149 = vector.broadcast %select_n3A_1148 : i32 to vector<1x256xi32>
      %rem3A_1150 = arith.remsi %iota3A_1143, %rem3A_1149 : vector<1x256xi32>
      %ne3A_1151 = arith.constant 0 : i32
      %ne3A_1152 = vector.broadcast %ne3A_1151 : i32 to vector<1x256xi32>
      %ne3A_1153 = arith.cmpi ne, %rem3A_1150, %ne3A_1152 : vector<1x256xi32>
      %lt3A_1154 = arith.constant 0 : i32
      %lt3A_1155 = vector.broadcast %lt3A_1154 : i32 to vector<1x256xi32>
      %lt3A_1156 = arith.cmpi slt, %rem3A_1150, %lt3A_1155 : vector<1x256xi32>
      %lt3A_1157 = arith.constant 0 : i32
      %lt3A_1158 = arith.cmpi slt, %select_n3A_1148, %lt3A_1157 : i32
      %ne3A_1159 = vector.broadcast %lt3A_1158 : i1 to vector<1x256xi1>
      %ne3A_1160 = vector.broadcast %ne3A_1159 : vector<1x256xi1> to vector<1x256xi1>
      %ne3A_1161 = arith.xori %lt3A_1156, %ne3A_1160 : vector<1x256xi1>
      %and3A_1162 = arith.andi %ne3A_1161, %ne3A_1153 : vector<1x256xi1>
      %add3A_1163 = vector.broadcast %select_n3A_1148 : i32 to vector<1x256xi32>
      %add3A_1164 = arith.addi %rem3A_1150, %add3A_1163 : vector<1x256xi32>
      %select_n3A_1165 = arith.select %and3A_1162, %add3A_1164, %rem3A_1150 : vector<1x256xi1>, vector<1x256xi32>
      %jit3A_1166 = arith.constant 16 : i32
      %div3A_1167 = vector.broadcast %jit3A_1166 : i32 to vector<1x256xi32>
      %div3A_1168 = arith.divsi %select_n3A_1165, %div3A_1167 : vector<1x256xi32>
      %sign3A_1169 = arith.constant 0 : i32
      %sign3A_1170 = vector.broadcast %sign3A_1169 : i32 to vector<1x256xi32>
      %sign3A_1171 = arith.cmpi sgt, %select_n3A_1165, %sign3A_1170 : vector<1x256xi32>
      %sign3A_1172 = arith.extui %sign3A_1171 : vector<1x256xi1> to vector<1x256xi32>
      %sign3A_1173 = arith.constant 0 : i32
      %sign3A_1174 = vector.broadcast %sign3A_1173 : i32 to vector<1x256xi32>
      %sign3A_1175 = arith.cmpi slt, %select_n3A_1165, %sign3A_1174 : vector<1x256xi32>
      %sign3A_1176 = arith.extui %sign3A_1175 : vector<1x256xi1> to vector<1x256xi32>
      %sign3A_1177 = arith.subi %sign3A_1172, %sign3A_1176 : vector<1x256xi32>
      %sign3A_1178 = arith.constant 0 : i32
      %sign3A_1179 = arith.cmpi sgt, %jit3A_1166, %sign3A_1178 : i32
      %sign3A_1180 = arith.extui %sign3A_1179 : i1 to i32
      %sign3A_1181 = arith.constant 0 : i32
      %sign3A_1182 = arith.cmpi slt, %jit3A_1166, %sign3A_1181 : i32
      %sign3A_1183 = arith.extui %sign3A_1182 : i1 to i32
      %sign3A_1184 = arith.subi %sign3A_1180, %sign3A_1183 : i32
      %ne3A_1185 = vector.broadcast %sign3A_1184 : i32 to vector<1x256xi32>
      %ne3A_1186 = arith.cmpi ne, %sign3A_1177, %ne3A_1185 : vector<1x256xi32>
      %rem3A_1187 = vector.broadcast %jit3A_1166 : i32 to vector<1x256xi32>
      %rem3A_1188 = arith.remsi %select_n3A_1165, %rem3A_1187 : vector<1x256xi32>
      %ne3A_1189 = arith.constant 0 : i32
      %ne3A_1190 = vector.broadcast %ne3A_1189 : i32 to vector<1x256xi32>
      %ne3A_1191 = arith.cmpi ne, %rem3A_1188, %ne3A_1190 : vector<1x256xi32>
      %and3A_1192 = arith.andi %ne3A_1186, %ne3A_1191 : vector<1x256xi1>
      %sub3A_1193 = arith.constant 1 : i32
      %sub3A_1194 = vector.broadcast %sub3A_1193 : i32 to vector<1x256xi32>
      %sub3A_1195 = arith.subi %div3A_1168, %sub3A_1194 : vector<1x256xi32>
      %select_n3A_1196 = arith.select %and3A_1192, %sub3A_1195, %div3A_1168 : vector<1x256xi1>, vector<1x256xi32>
      %eq3A_1197 = arith.constant 3 : i32
      %eq3A_1198 = vector.broadcast %eq3A_1197 : i32 to vector<1x256xi32>
      %eq3A_1199 = arith.cmpi eq, %select_n3A_1196, %eq3A_1198 : vector<1x256xi32>
      %convert_element_type3A_1200 = arith.extui %eq3A_1199 : vector<1x256xi1> to vector<1x256xi32>
      %convert_element_type3A_1201 = arith.sitofp %convert_element_type3A_1200 : vector<1x256xi32> to vector<1x256xf32>
      %mul3A_1202 = vector.broadcast %convert_element_type3A_1201 : vector<1x256xf32> to vector<48x256xf32>
      %mul3A_1203 = arith.mulf %dot_general3A_1142, %mul3A_1202 : vector<48x256xf32>
      %add3A_1204 = arith.addf %add3A_1118, %mul3A_1203 : vector<48x256xf32>
      %slice3A_1205 = vector.extract_strided_slice %get3A_395 {offsets = [0, 64], sizes = [48, 16], strides = [1, 1]} : vector<48x256xf32> to vector<48x16xf32>
      %slice3A_1206 = vector.extract_strided_slice %get3A_395 {offsets = [0, 192], sizes = [48, 16], strides = [1, 1]} : vector<48x256xf32> to vector<48x16xf32>
      %concatenate3A_1207 = tpu.concatenate %slice3A_1205, %slice3A_1206 in 1 : vector<48x16xf32>, vector<48x16xf32> -> vector<48x32xf32>
      %slice3A_1208 = vector.extract_strided_slice %convert_element_type3A_861 {offsets = [0, 64], sizes = [1024, 16], strides = [1, 1]} : vector<1024x256xbf16> to vector<1024x16xbf16>
      %slice3A_1209 = vector.extract_strided_slice %convert_element_type3A_861 {offsets = [0, 192], sizes = [1024, 16], strides = [1, 1]} : vector<1024x256xbf16> to vector<1024x16xbf16>
      %concatenate3A_1210 = tpu.concatenate %slice3A_1208, %slice3A_1209 in 1 : vector<1024x16xbf16>, vector<1024x16xbf16> -> vector<1024x32xbf16>
      %convert_element_type3A_1211 = arith.truncf %concatenate3A_1207 : vector<48x32xf32> to vector<48x32xbf16>
      %dot_general3A_1212 = arith.constant dense<0.000000e+00> : vector<48x1024xf32>
      %dot_general3A_1213 = tpu.matmul %convert_element_type3A_1211, %concatenate3A_1210, %dot_general3A_1212 {dimension_numbers = #tpu.dot_dimension_numbers<[1], [1], [0], [0], [0, 0, 1, 0], [], []>, transpose_lhs_hint = false} : vector<48x32xbf16>, vector<1024x32xbf16>, vector<48x1024xf32> -> vector<48x1024xf32>
      %add3A_1214 = arith.addf %dot_general3A_1213, %concatenate3A_860 : vector<48x1024xf32>
      %reduce_max3A_1215 = arith.constant dense<0xFF800000> : vector<48xf32>
      %reduce_max3A_1216 = vector.multi_reduction <maximumf>, %add3A_1214, %reduce_max3A_1215 [1] : vector<48x1024xf32> to vector<48xf32>
      %broadcast_in_dim3A_1217 = vector.shape_cast %reduce_max3A_1216 : vector<48xf32> to vector<48x1xf32>
      %sub3A_1218 = vector.broadcast %broadcast_in_dim3A_1217 : vector<48x1xf32> to vector<48x1024xf32>
      %sub3A_1219 = arith.subf %add3A_1214, %sub3A_1218 : vector<48x1024xf32>
      %exp3A_1220 = math.exp %sub3A_1219 : vector<48x1024xf32>
      %reduce_sum3A_1221 = arith.constant dense<0.000000e+00> : vector<48xf32>
      %reduce_sum3A_1222 = vector.multi_reduction <add>, %exp3A_1220, %reduce_sum3A_1221 [1] : vector<48x1024xf32> to vector<48xf32>
      %broadcast_in_dim3A_1223 = vector.shape_cast %reduce_sum3A_1222 : vector<48xf32> to vector<48x1xf32>
      %div3A_1224 = vector.broadcast %broadcast_in_dim3A_1223 : vector<48x1xf32> to vector<48x1024xf32>
      %div3A_1225 = arith.divf %exp3A_1220, %div3A_1224 : vector<48x1024xf32>
      %convert_element_type3A_1226 = arith.truncf %div3A_1225 : vector<48x1024xf32> to vector<48x1024xbf16>
      %dot_general3A_1227 = arith.constant dense<0.000000e+00> : vector<48x256xf32>
      %dot_general3A_1228 = tpu.matmul %convert_element_type3A_1226, %convert_element_type3A_862, %dot_general3A_1227 {dimension_numbers = #tpu.dot_dimension_numbers<[1], [0], [0], [1], [0, 0, 1, 1], [], []>, transpose_lhs_hint = false} : vector<48x1024xbf16>, vector<1024x256xbf16>, vector<48x256xf32> -> vector<48x256xf32>
      %iota3A_1229 = tpu.iota {dimensions = array<i32: 1>} : vector<1x256xi32>
      %jit3A_1230 = arith.constant 128 : i32
      %eq3A_1231 = arith.constant 0 : i32
      %eq3A_1232 = arith.cmpi eq, %jit3A_1230, %eq3A_1231 : i32
      %jit3A_1233 = arith.constant 1 : i32
      %select_n3A_1234 = arith.select %eq3A_1232, %jit3A_1233, %jit3A_1230 : i32
      %rem3A_1235 = vector.broadcast %select_n3A_1234 : i32 to vector<1x256xi32>
      %rem3A_1236 = arith.remsi %iota3A_1229, %rem3A_1235 : vector<1x256xi32>
      %ne3A_1237 = arith.constant 0 : i32
      %ne3A_1238 = vector.broadcast %ne3A_1237 : i32 to vector<1x256xi32>
      %ne3A_1239 = arith.cmpi ne, %rem3A_1236, %ne3A_1238 : vector<1x256xi32>
      %lt3A_1240 = arith.constant 0 : i32
      %lt3A_1241 = vector.broadcast %lt3A_1240 : i32 to vector<1x256xi32>
      %lt3A_1242 = arith.cmpi slt, %rem3A_1236, %lt3A_1241 : vector<1x256xi32>
      %lt3A_1243 = arith.constant 0 : i32
      %lt3A_1244 = arith.cmpi slt, %select_n3A_1234, %lt3A_1243 : i32
      %ne3A_1245 = vector.broadcast %lt3A_1244 : i1 to vector<1x256xi1>
      %ne3A_1246 = vector.broadcast %ne3A_1245 : vector<1x256xi1> to vector<1x256xi1>
      %ne3A_1247 = arith.xori %lt3A_1242, %ne3A_1246 : vector<1x256xi1>
      %and3A_1248 = arith.andi %ne3A_1247, %ne3A_1239 : vector<1x256xi1>
      %add3A_1249 = vector.broadcast %select_n3A_1234 : i32 to vector<1x256xi32>
      %add3A_1250 = arith.addi %rem3A_1236, %add3A_1249 : vector<1x256xi32>
      %select_n3A_1251 = arith.select %and3A_1248, %add3A_1250, %rem3A_1236 : vector<1x256xi1>, vector<1x256xi32>
      %jit3A_1252 = arith.constant 16 : i32
      %div3A_1253 = vector.broadcast %jit3A_1252 : i32 to vector<1x256xi32>
      %div3A_1254 = arith.divsi %select_n3A_1251, %div3A_1253 : vector<1x256xi32>
      %sign3A_1255 = arith.constant 0 : i32
      %sign3A_1256 = vector.broadcast %sign3A_1255 : i32 to vector<1x256xi32>
      %sign3A_1257 = arith.cmpi sgt, %select_n3A_1251, %sign3A_1256 : vector<1x256xi32>
      %sign3A_1258 = arith.extui %sign3A_1257 : vector<1x256xi1> to vector<1x256xi32>
      %sign3A_1259 = arith.constant 0 : i32
      %sign3A_1260 = vector.broadcast %sign3A_1259 : i32 to vector<1x256xi32>
      %sign3A_1261 = arith.cmpi slt, %select_n3A_1251, %sign3A_1260 : vector<1x256xi32>
      %sign3A_1262 = arith.extui %sign3A_1261 : vector<1x256xi1> to vector<1x256xi32>
      %sign3A_1263 = arith.subi %sign3A_1258, %sign3A_1262 : vector<1x256xi32>
      %sign3A_1264 = arith.constant 0 : i32
      %sign3A_1265 = arith.cmpi sgt, %jit3A_1252, %sign3A_1264 : i32
      %sign3A_1266 = arith.extui %sign3A_1265 : i1 to i32
      %sign3A_1267 = arith.constant 0 : i32
      %sign3A_1268 = arith.cmpi slt, %jit3A_1252, %sign3A_1267 : i32
      %sign3A_1269 = arith.extui %sign3A_1268 : i1 to i32
      %sign3A_1270 = arith.subi %sign3A_1266, %sign3A_1269 : i32
      %ne3A_1271 = vector.broadcast %sign3A_1270 : i32 to vector<1x256xi32>
      %ne3A_1272 = arith.cmpi ne, %sign3A_1263, %ne3A_1271 : vector<1x256xi32>
      %rem3A_1273 = vector.broadcast %jit3A_1252 : i32 to vector<1x256xi32>
      %rem3A_1274 = arith.remsi %select_n3A_1251, %rem3A_1273 : vector<1x256xi32>
      %ne3A_1275 = arith.constant 0 : i32
      %ne3A_1276 = vector.broadcast %ne3A_1275 : i32 to vector<1x256xi32>
      %ne3A_1277 = arith.cmpi ne, %rem3A_1274, %ne3A_1276 : vector<1x256xi32>
      %and3A_1278 = arith.andi %ne3A_1272, %ne3A_1277 : vector<1x256xi1>
      %sub3A_1279 = arith.constant 1 : i32
      %sub3A_1280 = vector.broadcast %sub3A_1279 : i32 to vector<1x256xi32>
      %sub3A_1281 = arith.subi %div3A_1254, %sub3A_1280 : vector<1x256xi32>
      %select_n3A_1282 = arith.select %and3A_1278, %sub3A_1281, %div3A_1254 : vector<1x256xi1>, vector<1x256xi32>
      %eq3A_1283 = arith.constant 4 : i32
      %eq3A_1284 = vector.broadcast %eq3A_1283 : i32 to vector<1x256xi32>
      %eq3A_1285 = arith.cmpi eq, %select_n3A_1282, %eq3A_1284 : vector<1x256xi32>
      %convert_element_type3A_1286 = arith.extui %eq3A_1285 : vector<1x256xi1> to vector<1x256xi32>
      %convert_element_type3A_1287 = arith.sitofp %convert_element_type3A_1286 : vector<1x256xi32> to vector<1x256xf32>
      %mul3A_1288 = vector.broadcast %convert_element_type3A_1287 : vector<1x256xf32> to vector<48x256xf32>
      %mul3A_1289 = arith.mulf %dot_general3A_1228, %mul3A_1288 : vector<48x256xf32>
      %add3A_1290 = arith.addf %add3A_1204, %mul3A_1289 : vector<48x256xf32>
      %slice3A_1291 = vector.extract_strided_slice %get3A_395 {offsets = [0, 80], sizes = [48, 16], strides = [1, 1]} : vector<48x256xf32> to vector<48x16xf32>
      %slice3A_1292 = vector.extract_strided_slice %get3A_395 {offsets = [0, 208], sizes = [48, 16], strides = [1, 1]} : vector<48x256xf32> to vector<48x16xf32>
      %concatenate3A_1293 = tpu.concatenate %slice3A_1291, %slice3A_1292 in 1 : vector<48x16xf32>, vector<48x16xf32> -> vector<48x32xf32>
      %slice3A_1294 = vector.extract_strided_slice %convert_element_type3A_861 {offsets = [0, 80], sizes = [1024, 16], strides = [1, 1]} : vector<1024x256xbf16> to vector<1024x16xbf16>
      %slice3A_1295 = vector.extract_strided_slice %convert_element_type3A_861 {offsets = [0, 208], sizes = [1024, 16], strides = [1, 1]} : vector<1024x256xbf16> to vector<1024x16xbf16>
      %concatenate3A_1296 = tpu.concatenate %slice3A_1294, %slice3A_1295 in 1 : vector<1024x16xbf16>, vector<1024x16xbf16> -> vector<1024x32xbf16>
      %convert_element_type3A_1297 = arith.truncf %concatenate3A_1293 : vector<48x32xf32> to vector<48x32xbf16>
      %dot_general3A_1298 = arith.constant dense<0.000000e+00> : vector<48x1024xf32>
      %dot_general3A_1299 = tpu.matmul %convert_element_type3A_1297, %concatenate3A_1296, %dot_general3A_1298 {dimension_numbers = #tpu.dot_dimension_numbers<[1], [1], [0], [0], [0, 0, 1, 0], [], []>, transpose_lhs_hint = false} : vector<48x32xbf16>, vector<1024x32xbf16>, vector<48x1024xf32> -> vector<48x1024xf32>
      %add3A_1300 = arith.addf %dot_general3A_1299, %concatenate3A_860 : vector<48x1024xf32>
      %reduce_max3A_1301 = arith.constant dense<0xFF800000> : vector<48xf32>
      %reduce_max3A_1302 = vector.multi_reduction <maximumf>, %add3A_1300, %reduce_max3A_1301 [1] : vector<48x1024xf32> to vector<48xf32>
      %broadcast_in_dim3A_1303 = vector.shape_cast %reduce_max3A_1302 : vector<48xf32> to vector<48x1xf32>
      %sub3A_1304 = vector.broadcast %broadcast_in_dim3A_1303 : vector<48x1xf32> to vector<48x1024xf32>
      %sub3A_1305 = arith.subf %add3A_1300, %sub3A_1304 : vector<48x1024xf32>
      %exp3A_1306 = math.exp %sub3A_1305 : vector<48x1024xf32>
      %reduce_sum3A_1307 = arith.constant dense<0.000000e+00> : vector<48xf32>
      %reduce_sum3A_1308 = vector.multi_reduction <add>, %exp3A_1306, %reduce_sum3A_1307 [1] : vector<48x1024xf32> to vector<48xf32>
      %broadcast_in_dim3A_1309 = vector.shape_cast %reduce_sum3A_1308 : vector<48xf32> to vector<48x1xf32>
      %div3A_1310 = vector.broadcast %broadcast_in_dim3A_1309 : vector<48x1xf32> to vector<48x1024xf32>
      %div3A_1311 = arith.divf %exp3A_1306, %div3A_1310 : vector<48x1024xf32>
      %convert_element_type3A_1312 = arith.truncf %div3A_1311 : vector<48x1024xf32> to vector<48x1024xbf16>
      %dot_general3A_1313 = arith.constant dense<0.000000e+00> : vector<48x256xf32>
      %dot_general3A_1314 = tpu.matmul %convert_element_type3A_1312, %convert_element_type3A_862, %dot_general3A_1313 {dimension_numbers = #tpu.dot_dimension_numbers<[1], [0], [0], [1], [0, 0, 1, 1], [], []>, transpose_lhs_hint = false} : vector<48x1024xbf16>, vector<1024x256xbf16>, vector<48x256xf32> -> vector<48x256xf32>
      %iota3A_1315 = tpu.iota {dimensions = array<i32: 1>} : vector<1x256xi32>
      %jit3A_1316 = arith.constant 128 : i32
      %eq3A_1317 = arith.constant 0 : i32
      %eq3A_1318 = arith.cmpi eq, %jit3A_1316, %eq3A_1317 : i32
      %jit3A_1319 = arith.constant 1 : i32
      %select_n3A_1320 = arith.select %eq3A_1318, %jit3A_1319, %jit3A_1316 : i32
      %rem3A_1321 = vector.broadcast %select_n3A_1320 : i32 to vector<1x256xi32>
      %rem3A_1322 = arith.remsi %iota3A_1315, %rem3A_1321 : vector<1x256xi32>
      %ne3A_1323 = arith.constant 0 : i32
      %ne3A_1324 = vector.broadcast %ne3A_1323 : i32 to vector<1x256xi32>
      %ne3A_1325 = arith.cmpi ne, %rem3A_1322, %ne3A_1324 : vector<1x256xi32>
      %lt3A_1326 = arith.constant 0 : i32
      %lt3A_1327 = vector.broadcast %lt3A_1326 : i32 to vector<1x256xi32>
      %lt3A_1328 = arith.cmpi slt, %rem3A_1322, %lt3A_1327 : vector<1x256xi32>
      %lt3A_1329 = arith.constant 0 : i32
      %lt3A_1330 = arith.cmpi slt, %select_n3A_1320, %lt3A_1329 : i32
      %ne3A_1331 = vector.broadcast %lt3A_1330 : i1 to vector<1x256xi1>
      %ne3A_1332 = vector.broadcast %ne3A_1331 : vector<1x256xi1> to vector<1x256xi1>
      %ne3A_1333 = arith.xori %lt3A_1328, %ne3A_1332 : vector<1x256xi1>
      %and3A_1334 = arith.andi %ne3A_1333, %ne3A_1325 : vector<1x256xi1>
      %add3A_1335 = vector.broadcast %select_n3A_1320 : i32 to vector<1x256xi32>
      %add3A_1336 = arith.addi %rem3A_1322, %add3A_1335 : vector<1x256xi32>
      %select_n3A_1337 = arith.select %and3A_1334, %add3A_1336, %rem3A_1322 : vector<1x256xi1>, vector<1x256xi32>
      %jit3A_1338 = arith.constant 16 : i32
      %div3A_1339 = vector.broadcast %jit3A_1338 : i32 to vector<1x256xi32>
      %div3A_1340 = arith.divsi %select_n3A_1337, %div3A_1339 : vector<1x256xi32>
      %sign3A_1341 = arith.constant 0 : i32
      %sign3A_1342 = vector.broadcast %sign3A_1341 : i32 to vector<1x256xi32>
      %sign3A_1343 = arith.cmpi sgt, %select_n3A_1337, %sign3A_1342 : vector<1x256xi32>
      %sign3A_1344 = arith.extui %sign3A_1343 : vector<1x256xi1> to vector<1x256xi32>
      %sign3A_1345 = arith.constant 0 : i32
      %sign3A_1346 = vector.broadcast %sign3A_1345 : i32 to vector<1x256xi32>
      %sign3A_1347 = arith.cmpi slt, %select_n3A_1337, %sign3A_1346 : vector<1x256xi32>
      %sign3A_1348 = arith.extui %sign3A_1347 : vector<1x256xi1> to vector<1x256xi32>
      %sign3A_1349 = arith.subi %sign3A_1344, %sign3A_1348 : vector<1x256xi32>
      %sign3A_1350 = arith.constant 0 : i32
      %sign3A_1351 = arith.cmpi sgt, %jit3A_1338, %sign3A_1350 : i32
      %sign3A_1352 = arith.extui %sign3A_1351 : i1 to i32
      %sign3A_1353 = arith.constant 0 : i32
      %sign3A_1354 = arith.cmpi slt, %jit3A_1338, %sign3A_1353 : i32
      %sign3A_1355 = arith.extui %sign3A_1354 : i1 to i32
      %sign3A_1356 = arith.subi %sign3A_1352, %sign3A_1355 : i32
      %ne3A_1357 = vector.broadcast %sign3A_1356 : i32 to vector<1x256xi32>
      %ne3A_1358 = arith.cmpi ne, %sign3A_1349, %ne3A_1357 : vector<1x256xi32>
      %rem3A_1359 = vector.broadcast %jit3A_1338 : i32 to vector<1x256xi32>
      %rem3A_1360 = arith.remsi %select_n3A_1337, %rem3A_1359 : vector<1x256xi32>
      %ne3A_1361 = arith.constant 0 : i32
      %ne3A_1362 = vector.broadcast %ne3A_1361 : i32 to vector<1x256xi32>
      %ne3A_1363 = arith.cmpi ne, %rem3A_1360, %ne3A_1362 : vector<1x256xi32>
      %and3A_1364 = arith.andi %ne3A_1358, %ne3A_1363 : vector<1x256xi1>
      %sub3A_1365 = arith.constant 1 : i32
      %sub3A_1366 = vector.broadcast %sub3A_1365 : i32 to vector<1x256xi32>
      %sub3A_1367 = arith.subi %div3A_1340, %sub3A_1366 : vector<1x256xi32>
      %select_n3A_1368 = arith.select %and3A_1364, %sub3A_1367, %div3A_1340 : vector<1x256xi1>, vector<1x256xi32>
      %eq3A_1369 = arith.constant 5 : i32
      %eq3A_1370 = vector.broadcast %eq3A_1369 : i32 to vector<1x256xi32>
      %eq3A_1371 = arith.cmpi eq, %select_n3A_1368, %eq3A_1370 : vector<1x256xi32>
      %convert_element_type3A_1372 = arith.extui %eq3A_1371 : vector<1x256xi1> to vector<1x256xi32>
      %convert_element_type3A_1373 = arith.sitofp %convert_element_type3A_1372 : vector<1x256xi32> to vector<1x256xf32>
      %mul3A_1374 = vector.broadcast %convert_element_type3A_1373 : vector<1x256xf32> to vector<48x256xf32>
      %mul3A_1375 = arith.mulf %dot_general3A_1314, %mul3A_1374 : vector<48x256xf32>
      %add3A_1376 = arith.addf %add3A_1290, %mul3A_1375 : vector<48x256xf32>
      %slice3A_1377 = vector.extract_strided_slice %get3A_395 {offsets = [0, 96], sizes = [48, 16], strides = [1, 1]} : vector<48x256xf32> to vector<48x16xf32>
      %slice3A_1378 = vector.extract_strided_slice %get3A_395 {offsets = [0, 224], sizes = [48, 16], strides = [1, 1]} : vector<48x256xf32> to vector<48x16xf32>
      %concatenate3A_1379 = tpu.concatenate %slice3A_1377, %slice3A_1378 in 1 : vector<48x16xf32>, vector<48x16xf32> -> vector<48x32xf32>
      %slice3A_1380 = vector.extract_strided_slice %convert_element_type3A_861 {offsets = [0, 96], sizes = [1024, 16], strides = [1, 1]} : vector<1024x256xbf16> to vector<1024x16xbf16>
      %slice3A_1381 = vector.extract_strided_slice %convert_element_type3A_861 {offsets = [0, 224], sizes = [1024, 16], strides = [1, 1]} : vector<1024x256xbf16> to vector<1024x16xbf16>
      %concatenate3A_1382 = tpu.concatenate %slice3A_1380, %slice3A_1381 in 1 : vector<1024x16xbf16>, vector<1024x16xbf16> -> vector<1024x32xbf16>
      %convert_element_type3A_1383 = arith.truncf %concatenate3A_1379 : vector<48x32xf32> to vector<48x32xbf16>
      %dot_general3A_1384 = arith.constant dense<0.000000e+00> : vector<48x1024xf32>
      %dot_general3A_1385 = tpu.matmul %convert_element_type3A_1383, %concatenate3A_1382, %dot_general3A_1384 {dimension_numbers = #tpu.dot_dimension_numbers<[1], [1], [0], [0], [0, 0, 1, 0], [], []>, transpose_lhs_hint = false} : vector<48x32xbf16>, vector<1024x32xbf16>, vector<48x1024xf32> -> vector<48x1024xf32>
      %add3A_1386 = arith.addf %dot_general3A_1385, %concatenate3A_860 : vector<48x1024xf32>
      %reduce_max3A_1387 = arith.constant dense<0xFF800000> : vector<48xf32>
      %reduce_max3A_1388 = vector.multi_reduction <maximumf>, %add3A_1386, %reduce_max3A_1387 [1] : vector<48x1024xf32> to vector<48xf32>
      %broadcast_in_dim3A_1389 = vector.shape_cast %reduce_max3A_1388 : vector<48xf32> to vector<48x1xf32>
      %sub3A_1390 = vector.broadcast %broadcast_in_dim3A_1389 : vector<48x1xf32> to vector<48x1024xf32>
      %sub3A_1391 = arith.subf %add3A_1386, %sub3A_1390 : vector<48x1024xf32>
      %exp3A_1392 = math.exp %sub3A_1391 : vector<48x1024xf32>
      %reduce_sum3A_1393 = arith.constant dense<0.000000e+00> : vector<48xf32>
      %reduce_sum3A_1394 = vector.multi_reduction <add>, %exp3A_1392, %reduce_sum3A_1393 [1] : vector<48x1024xf32> to vector<48xf32>
      %broadcast_in_dim3A_1395 = vector.shape_cast %reduce_sum3A_1394 : vector<48xf32> to vector<48x1xf32>
      %div3A_1396 = vector.broadcast %broadcast_in_dim3A_1395 : vector<48x1xf32> to vector<48x1024xf32>
      %div3A_1397 = arith.divf %exp3A_1392, %div3A_1396 : vector<48x1024xf32>
      %convert_element_type3A_1398 = arith.truncf %div3A_1397 : vector<48x1024xf32> to vector<48x1024xbf16>
      %dot_general3A_1399 = arith.constant dense<0.000000e+00> : vector<48x256xf32>
      %dot_general3A_1400 = tpu.matmul %convert_element_type3A_1398, %convert_element_type3A_862, %dot_general3A_1399 {dimension_numbers = #tpu.dot_dimension_numbers<[1], [0], [0], [1], [0, 0, 1, 1], [], []>, transpose_lhs_hint = false} : vector<48x1024xbf16>, vector<1024x256xbf16>, vector<48x256xf32> -> vector<48x256xf32>
      %iota3A_1401 = tpu.iota {dimensions = array<i32: 1>} : vector<1x256xi32>
      %jit3A_1402 = arith.constant 128 : i32
      %eq3A_1403 = arith.constant 0 : i32
      %eq3A_1404 = arith.cmpi eq, %jit3A_1402, %eq3A_1403 : i32
      %jit3A_1405 = arith.constant 1 : i32
      %select_n3A_1406 = arith.select %eq3A_1404, %jit3A_1405, %jit3A_1402 : i32
      %rem3A_1407 = vector.broadcast %select_n3A_1406 : i32 to vector<1x256xi32>
      %rem3A_1408 = arith.remsi %iota3A_1401, %rem3A_1407 : vector<1x256xi32>
      %ne3A_1409 = arith.constant 0 : i32
      %ne3A_1410 = vector.broadcast %ne3A_1409 : i32 to vector<1x256xi32>
      %ne3A_1411 = arith.cmpi ne, %rem3A_1408, %ne3A_1410 : vector<1x256xi32>
      %lt3A_1412 = arith.constant 0 : i32
      %lt3A_1413 = vector.broadcast %lt3A_1412 : i32 to vector<1x256xi32>
      %lt3A_1414 = arith.cmpi slt, %rem3A_1408, %lt3A_1413 : vector<1x256xi32>
      %lt3A_1415 = arith.constant 0 : i32
      %lt3A_1416 = arith.cmpi slt, %select_n3A_1406, %lt3A_1415 : i32
      %ne3A_1417 = vector.broadcast %lt3A_1416 : i1 to vector<1x256xi1>
      %ne3A_1418 = vector.broadcast %ne3A_1417 : vector<1x256xi1> to vector<1x256xi1>
      %ne3A_1419 = arith.xori %lt3A_1414, %ne3A_1418 : vector<1x256xi1>
      %and3A_1420 = arith.andi %ne3A_1419, %ne3A_1411 : vector<1x256xi1>
      %add3A_1421 = vector.broadcast %select_n3A_1406 : i32 to vector<1x256xi32>
      %add3A_1422 = arith.addi %rem3A_1408, %add3A_1421 : vector<1x256xi32>
      %select_n3A_1423 = arith.select %and3A_1420, %add3A_1422, %rem3A_1408 : vector<1x256xi1>, vector<1x256xi32>
      %jit3A_1424 = arith.constant 16 : i32
      %div3A_1425 = vector.broadcast %jit3A_1424 : i32 to vector<1x256xi32>
      %div3A_1426 = arith.divsi %select_n3A_1423, %div3A_1425 : vector<1x256xi32>
      %sign3A_1427 = arith.constant 0 : i32
      %sign3A_1428 = vector.broadcast %sign3A_1427 : i32 to vector<1x256xi32>
      %sign3A_1429 = arith.cmpi sgt, %select_n3A_1423, %sign3A_1428 : vector<1x256xi32>
      %sign3A_1430 = arith.extui %sign3A_1429 : vector<1x256xi1> to vector<1x256xi32>
      %sign3A_1431 = arith.constant 0 : i32
      %sign3A_1432 = vector.broadcast %sign3A_1431 : i32 to vector<1x256xi32>
      %sign3A_1433 = arith.cmpi slt, %select_n3A_1423, %sign3A_1432 : vector<1x256xi32>
      %sign3A_1434 = arith.extui %sign3A_1433 : vector<1x256xi1> to vector<1x256xi32>
      %sign3A_1435 = arith.subi %sign3A_1430, %sign3A_1434 : vector<1x256xi32>
      %sign3A_1436 = arith.constant 0 : i32
      %sign3A_1437 = arith.cmpi sgt, %jit3A_1424, %sign3A_1436 : i32
      %sign3A_1438 = arith.extui %sign3A_1437 : i1 to i32
      %sign3A_1439 = arith.constant 0 : i32
      %sign3A_1440 = arith.cmpi slt, %jit3A_1424, %sign3A_1439 : i32
      %sign3A_1441 = arith.extui %sign3A_1440 : i1 to i32
      %sign3A_1442 = arith.subi %sign3A_1438, %sign3A_1441 : i32
      %ne3A_1443 = vector.broadcast %sign3A_1442 : i32 to vector<1x256xi32>
      %ne3A_1444 = arith.cmpi ne, %sign3A_1435, %ne3A_1443 : vector<1x256xi32>
      %rem3A_1445 = vector.broadcast %jit3A_1424 : i32 to vector<1x256xi32>
      %rem3A_1446 = arith.remsi %select_n3A_1423, %rem3A_1445 : vector<1x256xi32>
      %ne3A_1447 = arith.constant 0 : i32
      %ne3A_1448 = vector.broadcast %ne3A_1447 : i32 to vector<1x256xi32>
      %ne3A_1449 = arith.cmpi ne, %rem3A_1446, %ne3A_1448 : vector<1x256xi32>
      %and3A_1450 = arith.andi %ne3A_1444, %ne3A_1449 : vector<1x256xi1>
      %sub3A_1451 = arith.constant 1 : i32
      %sub3A_1452 = vector.broadcast %sub3A_1451 : i32 to vector<1x256xi32>
      %sub3A_1453 = arith.subi %div3A_1426, %sub3A_1452 : vector<1x256xi32>
      %select_n3A_1454 = arith.select %and3A_1450, %sub3A_1453, %div3A_1426 : vector<1x256xi1>, vector<1x256xi32>
      %eq3A_1455 = arith.constant 6 : i32
      %eq3A_1456 = vector.broadcast %eq3A_1455 : i32 to vector<1x256xi32>
      %eq3A_1457 = arith.cmpi eq, %select_n3A_1454, %eq3A_1456 : vector<1x256xi32>
      %convert_element_type3A_1458 = arith.extui %eq3A_1457 : vector<1x256xi1> to vector<1x256xi32>
      %convert_element_type3A_1459 = arith.sitofp %convert_element_type3A_1458 : vector<1x256xi32> to vector<1x256xf32>
      %mul3A_1460 = vector.broadcast %convert_element_type3A_1459 : vector<1x256xf32> to vector<48x256xf32>
      %mul3A_1461 = arith.mulf %dot_general3A_1400, %mul3A_1460 : vector<48x256xf32>
      %add3A_1462 = arith.addf %add3A_1376, %mul3A_1461 : vector<48x256xf32>
      %slice3A_1463 = vector.extract_strided_slice %get3A_395 {offsets = [0, 112], sizes = [48, 16], strides = [1, 1]} : vector<48x256xf32> to vector<48x16xf32>
      %slice3A_1464 = vector.extract_strided_slice %get3A_395 {offsets = [0, 240], sizes = [48, 16], strides = [1, 1]} : vector<48x256xf32> to vector<48x16xf32>
      %concatenate3A_1465 = tpu.concatenate %slice3A_1463, %slice3A_1464 in 1 : vector<48x16xf32>, vector<48x16xf32> -> vector<48x32xf32>
      %slice3A_1466 = vector.extract_strided_slice %convert_element_type3A_861 {offsets = [0, 112], sizes = [1024, 16], strides = [1, 1]} : vector<1024x256xbf16> to vector<1024x16xbf16>
      %slice3A_1467 = vector.extract_strided_slice %convert_element_type3A_861 {offsets = [0, 240], sizes = [1024, 16], strides = [1, 1]} : vector<1024x256xbf16> to vector<1024x16xbf16>
      %concatenate3A_1468 = tpu.concatenate %slice3A_1466, %slice3A_1467 in 1 : vector<1024x16xbf16>, vector<1024x16xbf16> -> vector<1024x32xbf16>
      %convert_element_type3A_1469 = arith.truncf %concatenate3A_1465 : vector<48x32xf32> to vector<48x32xbf16>
      %dot_general3A_1470 = arith.constant dense<0.000000e+00> : vector<48x1024xf32>
      %dot_general3A_1471 = tpu.matmul %convert_element_type3A_1469, %concatenate3A_1468, %dot_general3A_1470 {dimension_numbers = #tpu.dot_dimension_numbers<[1], [1], [0], [0], [0, 0, 1, 0], [], []>, transpose_lhs_hint = false} : vector<48x32xbf16>, vector<1024x32xbf16>, vector<48x1024xf32> -> vector<48x1024xf32>
      %add3A_1472 = arith.addf %dot_general3A_1471, %concatenate3A_860 : vector<48x1024xf32>
      %reduce_max3A_1473 = arith.constant dense<0xFF800000> : vector<48xf32>
      %reduce_max3A_1474 = vector.multi_reduction <maximumf>, %add3A_1472, %reduce_max3A_1473 [1] : vector<48x1024xf32> to vector<48xf32>
      %broadcast_in_dim3A_1475 = vector.shape_cast %reduce_max3A_1474 : vector<48xf32> to vector<48x1xf32>
      %sub3A_1476 = vector.broadcast %broadcast_in_dim3A_1475 : vector<48x1xf32> to vector<48x1024xf32>
      %sub3A_1477 = arith.subf %add3A_1472, %sub3A_1476 : vector<48x1024xf32>
      %exp3A_1478 = math.exp %sub3A_1477 : vector<48x1024xf32>
      %reduce_sum3A_1479 = arith.constant dense<0.000000e+00> : vector<48xf32>
      %reduce_sum3A_1480 = vector.multi_reduction <add>, %exp3A_1478, %reduce_sum3A_1479 [1] : vector<48x1024xf32> to vector<48xf32>
      %broadcast_in_dim3A_1481 = vector.shape_cast %reduce_sum3A_1480 : vector<48xf32> to vector<48x1xf32>
      %div3A_1482 = vector.broadcast %broadcast_in_dim3A_1481 : vector<48x1xf32> to vector<48x1024xf32>
      %div3A_1483 = arith.divf %exp3A_1478, %div3A_1482 : vector<48x1024xf32>
      %convert_element_type3A_1484 = arith.truncf %div3A_1483 : vector<48x1024xf32> to vector<48x1024xbf16>
      %dot_general3A_1485 = arith.constant dense<0.000000e+00> : vector<48x256xf32>
      %dot_general3A_1486 = tpu.matmul %convert_element_type3A_1484, %convert_element_type3A_862, %dot_general3A_1485 {dimension_numbers = #tpu.dot_dimension_numbers<[1], [0], [0], [1], [0, 0, 1, 1], [], []>, transpose_lhs_hint = false} : vector<48x1024xbf16>, vector<1024x256xbf16>, vector<48x256xf32> -> vector<48x256xf32>
      %iota3A_1487 = tpu.iota {dimensions = array<i32: 1>} : vector<1x256xi32>
      %jit3A_1488 = arith.constant 128 : i32
      %eq3A_1489 = arith.constant 0 : i32
      %eq3A_1490 = arith.cmpi eq, %jit3A_1488, %eq3A_1489 : i32
      %jit3A_1491 = arith.constant 1 : i32
      %select_n3A_1492 = arith.select %eq3A_1490, %jit3A_1491, %jit3A_1488 : i32
      %rem3A_1493 = vector.broadcast %select_n3A_1492 : i32 to vector<1x256xi32>
      %rem3A_1494 = arith.remsi %iota3A_1487, %rem3A_1493 : vector<1x256xi32>
      %ne3A_1495 = arith.constant 0 : i32
      %ne3A_1496 = vector.broadcast %ne3A_1495 : i32 to vector<1x256xi32>
      %ne3A_1497 = arith.cmpi ne, %rem3A_1494, %ne3A_1496 : vector<1x256xi32>
      %lt3A_1498 = arith.constant 0 : i32
      %lt3A_1499 = vector.broadcast %lt3A_1498 : i32 to vector<1x256xi32>
      %lt3A_1500 = arith.cmpi slt, %rem3A_1494, %lt3A_1499 : vector<1x256xi32>
      %lt3A_1501 = arith.constant 0 : i32
      %lt3A_1502 = arith.cmpi slt, %select_n3A_1492, %lt3A_1501 : i32
      %ne3A_1503 = vector.broadcast %lt3A_1502 : i1 to vector<1x256xi1>
      %ne3A_1504 = vector.broadcast %ne3A_1503 : vector<1x256xi1> to vector<1x256xi1>
      %ne3A_1505 = arith.xori %lt3A_1500, %ne3A_1504 : vector<1x256xi1>
      %and3A_1506 = arith.andi %ne3A_1505, %ne3A_1497 : vector<1x256xi1>
      %add3A_1507 = vector.broadcast %select_n3A_1492 : i32 to vector<1x256xi32>
      %add3A_1508 = arith.addi %rem3A_1494, %add3A_1507 : vector<1x256xi32>
      %select_n3A_1509 = arith.select %and3A_1506, %add3A_1508, %rem3A_1494 : vector<1x256xi1>, vector<1x256xi32>
      %jit3A_1510 = arith.constant 16 : i32
      %div3A_1511 = vector.broadcast %jit3A_1510 : i32 to vector<1x256xi32>
      %div3A_1512 = arith.divsi %select_n3A_1509, %div3A_1511 : vector<1x256xi32>
      %sign3A_1513 = arith.constant 0 : i32
      %sign3A_1514 = vector.broadcast %sign3A_1513 : i32 to vector<1x256xi32>
      %sign3A_1515 = arith.cmpi sgt, %select_n3A_1509, %sign3A_1514 : vector<1x256xi32>
      %sign3A_1516 = arith.extui %sign3A_1515 : vector<1x256xi1> to vector<1x256xi32>
      %sign3A_1517 = arith.constant 0 : i32
      %sign3A_1518 = vector.broadcast %sign3A_1517 : i32 to vector<1x256xi32>
      %sign3A_1519 = arith.cmpi slt, %select_n3A_1509, %sign3A_1518 : vector<1x256xi32>
      %sign3A_1520 = arith.extui %sign3A_1519 : vector<1x256xi1> to vector<1x256xi32>
      %sign3A_1521 = arith.subi %sign3A_1516, %sign3A_1520 : vector<1x256xi32>
      %sign3A_1522 = arith.constant 0 : i32
      %sign3A_1523 = arith.cmpi sgt, %jit3A_1510, %sign3A_1522 : i32
      %sign3A_1524 = arith.extui %sign3A_1523 : i1 to i32
      %sign3A_1525 = arith.constant 0 : i32
      %sign3A_1526 = arith.cmpi slt, %jit3A_1510, %sign3A_1525 : i32
      %sign3A_1527 = arith.extui %sign3A_1526 : i1 to i32
      %sign3A_1528 = arith.subi %sign3A_1524, %sign3A_1527 : i32
      %ne3A_1529 = vector.broadcast %sign3A_1528 : i32 to vector<1x256xi32>
      %ne3A_1530 = arith.cmpi ne, %sign3A_1521, %ne3A_1529 : vector<1x256xi32>
      %rem3A_1531 = vector.broadcast %jit3A_1510 : i32 to vector<1x256xi32>
      %rem3A_1532 = arith.remsi %select_n3A_1509, %rem3A_1531 : vector<1x256xi32>
      %ne3A_1533 = arith.constant 0 : i32
      %ne3A_1534 = vector.broadcast %ne3A_1533 : i32 to vector<1x256xi32>
      %ne3A_1535 = arith.cmpi ne, %rem3A_1532, %ne3A_1534 : vector<1x256xi32>
      %and3A_1536 = arith.andi %ne3A_1530, %ne3A_1535 : vector<1x256xi1>
      %sub3A_1537 = arith.constant 1 : i32
      %sub3A_1538 = vector.broadcast %sub3A_1537 : i32 to vector<1x256xi32>
      %sub3A_1539 = arith.subi %div3A_1512, %sub3A_1538 : vector<1x256xi32>
      %select_n3A_1540 = arith.select %and3A_1536, %sub3A_1539, %div3A_1512 : vector<1x256xi1>, vector<1x256xi32>
      %eq3A_1541 = arith.constant 7 : i32
      %eq3A_1542 = vector.broadcast %eq3A_1541 : i32 to vector<1x256xi32>
      %eq3A_1543 = arith.cmpi eq, %select_n3A_1540, %eq3A_1542 : vector<1x256xi32>
      %convert_element_type3A_1544 = arith.extui %eq3A_1543 : vector<1x256xi1> to vector<1x256xi32>
      %convert_element_type3A_1545 = arith.sitofp %convert_element_type3A_1544 : vector<1x256xi32> to vector<1x256xf32>
      %mul3A_1546 = vector.broadcast %convert_element_type3A_1545 : vector<1x256xf32> to vector<48x256xf32>
      %mul3A_1547 = arith.mulf %dot_general3A_1486, %mul3A_1546 : vector<48x256xf32>
      %add3A_1548 = arith.addf %add3A_1462, %mul3A_1547 : vector<48x256xf32>
      %swap3A = arith.constant 0 : index
      %swap3A_1549 = arith.constant 0 : index
      %swap3A_1550 = vector.load %arg4[%swap3A, %swap3A_1549] : memref<48x256xf32, #tpu.memory_space<vmem>>, vector<48x256xf32>
      tpu.vector_store %arg4[%swap3A, %swap3A_1549], %add3A_1548 {strides = array<i32>} : memref<48x256xf32, #tpu.memory_space<vmem>>, vector<48x256xf32>,
    } else {
    }
    return
  }
  func.func @transform_1(%arg0: i32) -> (i32, i32) {
    %c0_i32 = arith.constant 0 : i32
    %c0_i32_0 = arith.constant 0 : i32
    return %arg0, %c0_i32 : i32, i32
  }
  func.func @transform_2(%arg0: i32) -> (i32, i32) {
    %c0_i32 = arith.constant 0 : i32
    %c0_i32_0 = arith.constant 0 : i32
    return %arg0, %c0_i32 : i32, i32
  }
  func.func @transform_3(%arg0: i32) -> (i32, i32) {
    %c0_i32 = arith.constant 0 : i32
    %c0_i32_0 = arith.constant 0 : i32
    return %arg0, %c0_i32 : i32, i32
  }
}

module attributes {stable_mosaic.version = 14 : i64} {
  func.func @_out_body(%arg0: i32, %arg1: memref<256x256xf32, #tpu.memory_space<vmem>>, %arg2: memref<256x256xf32, #tpu.memory_space<vmem>>, %arg3: memref<256x256xf32, #tpu.memory_space<vmem>>, %arg4: memref<256x256xf32, #tpu.memory_space<vmem>>) attributes {dimension_semantics = [#tpu.dimension_semantics<arbitrary>], iteration_bounds = array<i64: 8>, scalar_prefetch = 0 : i64, scratch_operands = 0 : i64, tpu.core_type = #tpu.core_type<tc>, window_params = [{transform_indices = @transform_0, window_bounds = array<i64: 256, 256>}, {transform_indices = @transform_1, window_bounds = array<i64: 256, 256>}, {pipeline_mode = #tpu.pipeline_mode<synchronous>, transform_indices = @transform_2, window_bounds = array<i64: 256, 256>}, {transform_indices = @transform_3, window_bounds = array<i64: 256, 256>}]} {
    %get3A = arith.constant 0 : index
    %get3A_0 = arith.constant 0 : index
    %get3A_1 = vector.load %arg1[%get3A, %get3A_0] : memref<256x256xf32, #tpu.memory_space<vmem>>, vector<256x256xf32>
    %get3A_2 = arith.constant 0 : index
    %get3A_3 = arith.constant 0 : index
    %get3A_4 = vector.load %arg3[%get3A_2, %get3A_3] : memref<256x256xf32, #tpu.memory_space<vmem>>, vector<256x256xf32>
    %dot_general3A = arith.constant dense<0.000000e+00> : vector<256x256xf32>
    %dot_general3A_5 = tpu.matmul %get3A_1, %get3A_4, %dot_general3A {dimension_numbers = #tpu.dot_dimension_numbers<[1], [0], [0], [1], [0, 0, 1, 1], [], []>, transpose_lhs_hint = false} : vector<256x256xf32>, vector<256x256xf32>, vector<256x256xf32> -> vector<256x256xf32>
    %get3A_6 = arith.constant 0 : index
    %get3A_7 = arith.constant 0 : index
    %get3A_8 = vector.load %arg2[%get3A_6, %get3A_7] : memref<256x256xf32, #tpu.memory_space<vmem>>, vector<256x256xf32>
    %add3A = arith.addf %dot_general3A_5, %get3A_8 : vector<256x256xf32>
    %swap3A = arith.constant 0 : index
    %swap3A_9 = arith.constant 0 : index
    %swap3A_10 = vector.load %arg4[%swap3A, %swap3A_9] : memref<256x256xf32, #tpu.memory_space<vmem>>, vector<256x256xf32>
    tpu.vector_store %arg4[%swap3A, %swap3A_9], %add3A {strides = array<i32>} : memref<256x256xf32, #tpu.memory_space<vmem>>, vector<256x256xf32>,
    return
  }
  func.func @transform_0(%arg0: i32) -> (i32, i32) {
    %c0_i32 = arith.constant 0 : i32
    %c0_i32_0 = arith.constant 0 : i32
    return %arg0, %c0_i32 : i32, i32
  }
  func.func @transform_1(%arg0: i32) -> (i32, i32) {
    %c0_i32 = arith.constant 0 : i32
    %c0_i32_0 = arith.constant 0 : i32
    return %arg0, %c0_i32 : i32, i32
  }
  func.func @transform_2(%arg0: i32) -> (i32, i32) {
    %c0_i32 = arith.constant 0 : i32
    %c0_i32_0 = arith.constant 0 : i32
    %c0_i32_1 = arith.constant 0 : i32
    return %c0_i32, %c0_i32_0 : i32, i32
  }
  func.func @transform_3(%arg0: i32) -> (i32, i32) {
    %c0_i32 = arith.constant 0 : i32
    %c0_i32_0 = arith.constant 0 : i32
    return %arg0, %c0_i32 : i32, i32
  }
}

</mosaic_0001>

<sc_bundles>
// kernel: gather_offload_async_start.1
scs
__scs_entry_jumppad:
0x0: {  	(pc) =	sbr.rel $0x88, $3  }
0x1: {  	(tag) =	ssettag $0x0;
	lr =	simm.s32 $0x1  }
0x2: {  	[smem:$0x3F96] =	sst lr;
	_ =	strace $0xD0000000  }
0x3: {  	_ = 	snop  }
0x4: {  	_ = 	snop  }
0x5: {  	_ = 	snop  }
0x6: {  	_ = 	snop  }
0x7: {  	_ = 	snop  }
__scs_overlays_trampoline_lowered:
0x8: {  	[smem:$0x3FA5] =	sst s0  }
0x9: {  	[smem:$0x3FA6] =	sst s1  }
0xa: {  	[smem:$0x3FA7] =	sst s2  }
0xb: {  	[smem:$0x3FA8] =	sst s3  }
0xc: {  	[smem:$0x3FA9] =	sst s4  }
0xd: {  	[smem:$0x3FAA] =	sst s5  }
0xe: {  	[smem:$0x3FAB] =	sst s6  }
0xf: {  	[smem:$0x3FAC] =	sst s7  }
0x10: {  	[smem:$0x3FAD] =	sst s8  }
0x11: {  	[smem:$0x3FAE] =	sst s9;
	s0 =	simm.s32 @!p0 $0x0  }
0x12: {  	s1 =	sld [smem:$0x3F94];
	s0 =	simm.s32 @p0 $0x1  }
0x13: {  	[smem:$0x3FAF] =	sst s0;
	s0 =	simm.s32 @!p1 $0x0  }
0x14: {  	s2 =	sld [smem:$0x3F93];
	s0 =	simm.s32 @p1 $0x1  }
0x15: {  	[smem:$0x3FB0] =	sst s0;
	s0 =	simm.s32 @!p2 $0x0  }
0x16: {  	s3 =	sld [smem:$0x3FDB];
	s0 =	simm.s32 @p2 $0x1  }
0x17: {  	s4 =	simm.s32 $0x1BF5;
	[smem:$0x3FB2] =	sst s0  }
0x18: {  	s0 =	sld [smem:$0x3F95];
	_ =	swait.ge [sflag:s4], $0x0  }
0x19: {  	s7 =	sld [smem:$0x3F96]  }
0x1a: {  	s8 =	sadd.s32 $0xFFFFE003, lr  }
0x1b: {  	s9 =	sadd.s32 $0xFFFFFEF7, lr;
	s5 =	simm.s32 $0xFFFFFFFF;
	p2 =	slt.u32 s8, $0xFFFFF086  }
0x1c: {  	p1 =	slt.u32 s9, $0xF7A;
	s5 =	simm.s32 @!p2 $0x0  }
0x1d: {  	s5 =	simm.s32 @p1 $0x1;
	p0 =	seq.s32 s7, s2  }
0x1e: {  	s7 =	smul.u32 @!p0 $0xF7A, s2;
	p2 =	seq.s32 @!p0 s5, $0x0  }
0x1f: {  	s9 =	smul.u32 $0xF7A, s1;
	s8 =	simm.s32 @!p0 $0x1BF5;
	p2 =	por !p2, p0  }
0x20: {  	[sflag:s8] =	ssyncset.s32 @!p0 $0xFFFFF086;
	s6 =	sadd.s32 @!p0 s3, s7;
	s7 =	simm.s32 @!p0 $0x108  }
0x21: {  	s3 =	sadd.s32 s3, s9;
	s6 =	sadd.s32 @!p0 $0x88, s6;
	s7 =	simm.s32 @p2 $0x1082  }
0x22: {  	[simem:s7], [sflag:s8] =	dma.local @!p0 [hbm:s6], $0xF7A  }
0x23: {  	s9 =	sor.u32 $0xD0000000, s2;
	s6 =	simm.s32 $0x108;
	_ =	swait.ge @!p0 [sflag:s8], $0x0  }
0x24: {  	s3 =	sadd.s32 $0x88, s3;
	s6 =	simm.s32 @!p1 $0x1082;
	[sflag:s4] =	ssyncset.s32 $0xFFFFF086  }
0x25: {  	[simem:s6], [sflag:s4] =	dma.local [hbm:s3], $0xF7A  }
0x26: {  	[smem:$0x3F96] =	sst s1;
	(tag) =	ssettag s2;
	_ =	strace s9  }
0x27: {  	s1 =	sld [smem:$0x3FA6]  }
0x28: {  	s2 =	sld [smem:$0x3FA7]  }
0x29: {  	s4 =	sld [smem:$0x3FA9]  }
0x2a: {  	p0 =	seq.s32 s5, $0x0;
	s5 =	sld [smem:$0x3FAA]  }
0x2b: {  	s6 =	sld [smem:$0x3FAB]  }
0x2c: {  	s7 =	sld [smem:$0x3FAC]  }
0x2d: {  	s3 =	simm.s32 $0x108;
	s8 =	sld [smem:$0x3FAD]  }
0x2e: {  	s3 =	simm.s32 @!p0 $0x1082;
	s9 =	sld [smem:$0x3FAE]  }
0x2f: {  	lr =	sadd.s32 s0, s3;
	s0 =	sld [smem:$0x3FA5]  }
0x30: {  	s3 =	sld [smem:$0x3FA8]  }
0x31: {  	[smem:$0x3FB1] =	sst s10  }
0x32: {  	s10 =	sld [smem:$0x3FAF];
	_ =	sdelay $0x3  }
0x33: {  	p0 =	seq.s32 s10, $0x1;
	s10 =	sld [smem:$0x3FB1];
	_ =	sdelay $0x3  }
0x34: {  	[smem:$0x3FB1] =	sst s10  }
0x35: {  	s10 =	sld [smem:$0x3FB0];
	_ =	sdelay $0x3  }
0x36: {  	p1 =	seq.s32 s10, $0x1;
	s10 =	sld [smem:$0x3FB1];
	_ =	sdelay $0x3  }
0x37: {  	[smem:$0x3FB1] =	sst s10  }
0x38: {  	s10 =	sld [smem:$0x3FB2]  }
0x39: {  	_ = 	snop;
	(pc) =	sbr.ind lr, $3  }
0x3a: {  	_ = 	snop  }
0x3b: {  	_ = 	snop  }
0x3c: {  	p2 =	seq.s32 s10, $0x1;
	s10 =	sld [smem:$0x3FB1]  }
0x3d: {  	_ =	shalt  }
0x3e: {  	_ =	shalt  }
0x3f: {  	_ =	shalt  }
0x40: {  	_ =	shalt  }
0x41: {  	_ =	shalt  }
0x42: {  	_ =	shalt  }
0x43: {  	_ =	shalt  }
0x44: {  	_ =	shalt  }
0x45: {  	_ =	shalt  }
0x46: {  	_ =	shalt  }
0x47: {  	_ =	shalt  }
0x48: {  	_ =	shalt  }
0x49: {  	_ =	shalt  }
0x4a: {  	_ =	shalt  }
0x4b: {  	_ =	shalt  }
0x4c: {  	_ =	shalt  }
0x4d: {  	_ =	shalt  }
0x4e: {  	_ =	shalt  }
0x4f: {  	_ =	shalt  }
0x50: {  	_ =	shalt  }
0x51: {  	_ =	shalt  }
0x52: {  	_ =	shalt  }
0x53: {  	_ =	shalt  }
0x54: {  	_ =	shalt  }
0x55: {  	_ =	shalt  }
0x56: {  	_ =	shalt  }
0x57: {  	_ =	shalt  }
0x58: {  	_ =	shalt  }
0x59: {  	_ =	shalt  }
0x5a: {  	_ =	shalt  }
0x5b: {  	_ =	shalt  }
0x5c: {  	_ =	shalt  }
0x5d: {  	_ =	shalt  }
0x5e: {  	_ =	shalt  }
0x5f: {  	_ =	shalt  }
0x60: {  	_ =	shalt  }
0x61: {  	_ =	shalt  }
0x62: {  	_ =	shalt  }
0x63: {  	_ =	shalt  }
0x64: {  	_ =	shalt  }
0x65: {  	_ =	shalt  }
0x66: {  	_ =	shalt  }
0x67: {  	_ =	shalt  }
0x68: {  	_ =	shalt  }
0x69: {  	_ =	shalt  }
0x6a: {  	_ =	shalt  }
0x6b: {  	_ =	shalt  }
0x6c: {  	_ =	shalt  }
0x6d: {  	_ =	shalt  }
0x6e: {  	_ =	shalt  }
0x6f: {  	_ =	shalt  }
0x70: {  	_ =	shalt  }
0x71: {  	_ =	shalt  }
0x72: {  	_ =	shalt  }
0x73: {  	_ =	shalt  }
0x74: {  	_ =	shalt  }
0x75: {  	_ =	shalt  }
0x76: {  	_ =	shalt  }
0x77: {  	_ =	shalt  }
0x78: {  	_ =	shalt  }
0x79: {  	_ =	shalt  }
0x7a: {  	_ =	shalt  }
0x7b: {  	_ =	shalt  }
0x7c: {  	_ =	shalt  }
0x7d: {  	_ =	shalt  }
0x7e: {  	_ =	shalt  }
0x7f: {  	_ =	shalt  }
0x80: {  	_ =	shalt  }
0x81: {  	_ =	shalt  }
0x82: {  	_ =	shalt  }
0x83: {  	_ =	shalt  }
0x84: {  	_ =	shalt  }
0x85: {  	_ =	shalt  }
0x86: {  	_ =	shalt  }
0x87: {  	_ =	shalt  }
.Lfunc_end0:
.L_simem_size_0:
called_computation.2_lowered:
.L_overlay_start_0:
0x88: {  	s2 =	sld [smem:$0x3FD9]  }
0x89: {  	s3 =	sld [smem:$0x3FFE];
	_ =	sdelay $0x1  }
0x8a: {  	s1 =	srdreg.scid  }
0x8b: {  	s0 =	sand.u32 $0x1, s1  }
0x8c: {  	s17 =	sshll.u32 s0, $0xA;
	s2 =	sadd.s32 s3, s2  }
0x8d: {  	s2 =	sadd.s32 s2, s17  }
0x8e: {  	[smem:$0x3FBD] =	sst s2  }
0x8f: {  	_ = 	snop  }
0x90: {  	s2 =	sld [smem:$0x3FD0];
	(tm) =	ssettm $0x1  }
0x91: {  	s18 =	sld [smem:$0x3FFB];
	_ =	sdelay $0x3  }
0x92: {  	_ =	strace s18  }
0x93: {  	s3 =	sld [smem:$0x3FFC];
	_ =	sdelay $0x3  }
0x94: {  	_ =	strace s3  }
0x95: {  	s3 =	sld [smem:$0x3FFD];
	_ =	sdelay $0x3  }
0x96: {  	_ =	strace s3  }
0x97: {  	_ =	strace $0x8FFFFFFF  }
0x98: {  	s19 =	sld [smem:$0x3FDB];
	_ =	sdelay $0x1  }
0x99: {  	s4 =	simm.s32 $_scs_section_size  }
0x9a: {  	s5 =	simm.s32 $_size__tile_overlayer_lowered;
	s6 =	simm.s32 $_tile_overlayer_lowered  }
0x9b: {  	s22 =	simm.s32 $0x1BFF;
	s21 =	sshll.u32 s6, $0x1;
	s3 =	sadd.s32 s4, s19  }
0x9c: {  	s7 =	simm.s32 $0x0;
	s20 =	sshll.u32 s5, $0x1;
	s5 =	sadd.s32 s21, s3  }
0x9d: {  	[timem:s7], [sflag:s22] =	dma.local [hbm:s5], s20  }
0x9e: {  	_ =	swait.ge [sflag:s22], s20  }
0x9f: {  	s4 =	ssub.s32 $0x0, s20;
	[sflag:s22] =	ssyncset.done $0x0  }
0xa0: {  	[sflag:s22] =	ssyncadd.s32 s4;
	_ =	sdelay $0x1  }
0xa1: {  	s23 =	simm.s32 $0x1B8B  }
0xa2: {  	_ =	swait.ge [sflag:s23], $0x1  }
0xa3: {  	[sflag:s23] =	ssyncset.done $0x0  }
0xa4: {  	s25 =	simm.s32 $0x1B8E;
	s24 =	sld [smem:$0x3FFE];
	[sflag:s23] =	ssyncadd.s32 $0xFFFFFFFF  }
0xa5: {  	s26 =	simm.s32 $execute0_lowered;
	[smem:$0x3FD2] =	sst s25  }
0xa6: {  	s5 =	sshll.u32 s26, $0x1;
	_ =	strace $0x80000046;
	[dreg:$0x1] =	wrdreg $0xFFFFFFFF  }
0xa7: {  	s28 =	simm.s32 $_size_execute0_lowered;
	s3 =	sadd.s32 s3, s5;
	[dreg:$0x0] =	wrdreg $0x0  }
0xa8: {  	s5 =	sshll.u32 s28, $0x1;
	[dreg:$0x2] =	wrdreg s3  }
0xa9: {  	[dreg:$0x3] =	wrdreg s5  }
0xaa: {  	[dreg:$0x4] =	wrdreg $0xC0  }
0xab: {  	_ =	task [dreg:s7], $0x5FFFF  }
0xac: {  	[dreg:$0x1] =	wrdreg $0xFFFFFFFF  }
0xad: {  	[dreg:$0x0] =	wrdreg $0x60  }
0xae: {  	[dreg:$0x2] =	wrdreg s2  }
0xaf: {  	[dreg:$0x3] =	wrdreg s24  }
0xb0: {  	[dreg:$0x4] =	wrdreg $0xA  }
0xb1: {  	_ =	task.clear_ibuf [dreg:s7], $0x5FFFF;
	_ =	strace $0x90000046  }
0xb2: {  	s29 =	simm.s32 $0xA;
	_ =	strace $0x80000048  }
0xb3: {  	_ =	swait.ge [sflag:s29], $0x1  }
0xb4: {  	[sflag:s29] =	ssyncadd.s32 $0xFFFFFFFF  }
0xb5: {  	_ =	strace $0x90000048  }
0xb6: {  	_ =	sfence  }
0xb7: {  	s30 =	sld [smem:$0x0];
	_ =	sdelay $0x2  }
0xb8: {  	s31 =	sshll.u32 s1, $0xD;
	s1 =	sshrl.u32 s1, $0x2  }
0xb9: {  	s3 =	sand.u32 $0x4000, s31;
	s1 =	sadd.s32 s1, s30  }
0xba: {  	s0 =	sor.u32 s3, s0;
	s1 =	sshll.u32 s1, $0x11  }
0xbb: {  	s0 =	sor.u32 s1, s0  }
0xbc: {  	s0 =	sadd.s32 $0x8F2B, s0  }
0xbd: {  	[sflag:s0] =	ssyncadd.remote.s32 $0x1  }
0xbe: {  	_ =	sfence.sel $0xFFFF  }
0xbf: {  	[dreg:$0x0] =	wrdreg $0xFFFFFFFF;
	(pc) =	sbr.abs _section_cstart, $3  }
0xc0: {  	[dreg:$0x1] =	wrdreg $0xFFFFFFFF  }
0xc1: {  	_ =	task.clear_ibuf [dreg:s7], $0x2FFFF;
	_ =	strace $0x9FFFFFFF  }
0xc2: {  	(tm) =	ssettm $0x7FFFFFFF  }
0xc3: {  	_ =	shalt  }
tec
execute0_lowered:
.L_overlay_start_1:
0x0: {  	(tag) =	ssettag $0x1  }
0x1: {  	s1 =	srdreg.scid;
	s2 =	rddreg [dreg:$0x0]  }
0x2: {  	s0 =	stileid.u32;
	s6 =	rddreg [dreg:$0x1];
	s1 =	sshll.u32 s1, $0x5  }
0x3: {  	s7 =	simm.s32 $0x1;
	s3 =	sshll.u32 s0, $0x6;
	s1 =	sand.u32 $0x20, s1  }
0x4: {  	s30 =	simm.s32 $0x2;
	s31 =	simm.s32 $0x3;
	s3 =	sor.u32 s3, s1  }
0x5: {  	s11 =	simm.s32 $0x0;
	s9 =	simm.s32 $0x0;
	s5 =	ssub.s32 $0x800, s3  }
0x6: {  	s4 =	sadd.s32 $0x1000, s6;
	s6 =	sadd.s32 $0x1400, s6;
	s8 =	sand.u32 $0x3E0, s5  }
0x7: {  	s1 =	rddreg [dreg:$0x2];
	_ =	strace $0x80000047;
	p0 =	sne.s32 s8, $0x0  }
0x8: {  	[sflag:s7] =	ssyncpa.u1 $0x0;
	s5 =	sshrl.u32 s5, $0xA;
	s7 =	simm.s32 @!p0 $0x0  }
0x9: {  	s10 =	smov.u32 s3;
	[sflag:s30] =	ssyncpa.u1 $0x0;
	s5 =	sadd.s32 s7, s5  }
0xa: {  	[sflag:s31] =	ssyncpa.u1 $0x0;
	s8 =	simm.s32 $0x0;
	s7 =	sadd.s32 $0x1, s5  }
.LBB2_1:
0xb: {  	p0 =	sge.u32 s9, s5  }
0xc: {  	s31 =	sadd.s32 $0xFFFFFFFF, s9;
	s12 =	sxor.u32 @!p0 $0xFFFFFFFF, s8;
	s13 =	sshrl.u32 @!p0 s10, $0x3  }
0xd: {  	s14 =	sand.u32 @!p0 $0x7, s10;
	s12 =	sand.u32 @!p0 $0x20, s12;
	s13 =	sadd.s32 @!p0 s4, s13  }
0xe: {  	[tilespmem:s12], [sflag:$0x2] =	stream.linear.gather @!p0 [hbm4b:s13+s14], $0x20, $0x38;
	[tilespmem:$0x80] =	vst v63  }
0xf: {  	p0 =	sge.u32 s31, s5  }
0x10: {  	s12 =	simm.s32 @!p0 $0x2  }
0x11: {  	_ =	swait.ge @!p0 [sflag:s12], $0x20  }
0x12: {  	[sflag:s12] =	ssyncset.done @!p0 $0x0  }
0x13: {  	[sflag:s12] =	ssyncadd.s32 @!p0 $0xFFFFFFE0;
	s12 =	sand.u32 @!p0 $0x20, s8  }
0x14: {  	(ifvalue) =	ssetifvalue @!p0 $0x7FFFFFFF;
	v0 =	vld.msk @!p0 [tilespmem:s12+$0x0 ss:$0x1], $0xffff;
	_ =	sdelay $0x4  }
0x15: {  	vm0 =	vgt.s32 @!p0 v0, $0x0  }
0x16: {  	v0 =	vnsel @!p0 vm0, $0x0, v0  }
0x17: {  	v0 =	vmin.u32 @!p0 v0, $0x7FF;
	_ =	sdelay $0x2  }
0x18: {  	s14 =	simm.s32 @!p0 $0x0  }
0x19: {  	s13 =	sor.u32 @!p0 $0x40, s12;
	(ifvalue) =	ssetifvalue @!p0 $0x7FFFFFFF;
	s15 =	sor.u32 @!p0 $0x10, s12;
	vm0 =	vmmov @!p0 $0xffff  }
0x1a: {  	[tilespmem:s13], [sflag:$0x1] =	stream.indirect_vreg.gather @!p0 [hbm4b:s2+s14], $0x1, v0, vm0, $0x4038;
	[tilespmem:$0x80] =	vst v63  }
0x1b: {  	v0 =	vld.msk @!p0 [tilespmem:s15+$0x0 ss:$0x1], $0xffff;
	_ =	sdelay $0x4  }
0x1c: {  	vm1 =	vgt.s32 @!p0 v0, $0x0  }
0x1d: {  	v0 =	vnsel @!p0 vm1, $0x0, v0  }
0x1e: {  	v0 =	vmin.u32 @!p0 v0, $0x7FF;
	_ =	sdelay $0x3  }
0x1f: {  	s12 =	sor.u32 @!p0 $0x50, s12;
	(ifvalue) =	ssetifvalue @!p0 $0x7FFFFFFF  }
0x20: {  	[tilespmem:s12], [sflag:$0x1] =	stream.indirect_vreg.gather @!p0 [hbm4b:s2+s14], $0x1, v0, vm0, $0x4038;
	[tilespmem:$0x80] =	vst v63  }
0x21: {  	s12 =	simm.s32 @!p0 $0x1  }
0x22: {  	_ =	swait.ge @!p0 [sflag:s12], $0x20  }
0x23: {  	s14 =	sshrl.u32 @!p0 s11, $0x3;
	[sflag:s12] =	ssyncset.done @!p0 $0x0  }
0x24: {  	s11 =	sand.u32 @!p0 $0x7, s11;
	[sflag:s12] =	ssyncadd.s32 @!p0 $0xFFFFFFE0;
	s12 =	sadd.s32 @!p0 s6, s14  }
0x25: {  	[hbm4b:s12+s11] =	stream.linear.scatter @!p0 [tilespmem:s13], [sflag:$0x3], $0x20, $0x38;
	[tilespmem:$0x80] =	vst v63  }
0x26: {  	s13 =	sadd.s32 $0x400, s10  }
0x27: {  	p1 =	sgt.s32 s13, $0x7FF  }
0x28: {  	s13 =	smov.u32 @p1 s3;
	p1 =	sne.s32 s9, s7  }
.Ltmp0:
0x29: {  	p0 =	slt.u32 s9, $0x2;
	(pc) =	sbr.rel @p1 .LBB2_1-.Ltmp0, $4  }
0x2a: {  	s12 =	simm.s32 @!p0 $0x3  }
0x2b: {  	_ =	swait.ge @!p0 [sflag:s12], $0x20  }
0x2c: {  	s8 =	sadd.s32 $0x20, s8;
	s11 =	smov.u32 s10;
	[sflag:s12] =	ssyncset.done @!p0 $0x0  }
0x2d: {  	s9 =	sadd.s32 $0x1, s9;
	s10 =	smov.u32 s13;
	[sflag:s12] =	ssyncadd.s32 @!p0 $0xFFFFFFE0  }
0x2e: {  	_ =	sfence.sel $0x180000  }
0x2f: {  	s2 =	simm.s32 $0x2;
	[bflag:$0x0] =	sbarrier.arrive $0xFFFF  }
0x30: {  	s30 =	simm.s32 $0x3;
	[sflag:s2] =	ssyncpa.u1 $0x1  }
0x31: {  	s31 =	simm.s32 $0x1;
	[sflag:s30] =	ssyncpa.u1 $0x1  }
0x32: {  	[sflag:s31] =	ssyncpa.u1 $0x1  }
0x33: {  	p0 =	sne.s32 s0, $0x0;
	_ =	strace $0x90000047  }
0x34: {  	s0 =	sadd.s32 @!p0 $0x100000, s1;
	[bflag:$0x2] =	sbarrier.arrive $0xFFFF  }
0x35: {  	[sflag:s0] =	ssyncadd.tile.s32 @!p0 $0x1;
	_ =	shalt  }
.Lfunc_end2:
_tile_overlayer_lowered:
.L_overlay_start_2:
0x36: {  	(tag) =	ssettag $0x2  }
0x37: {  	s0 =	rddreg [dreg:$0x0];
	s2 =	stileid.u32  }
0x38: {  	s1 =	rddreg [dreg:$0x1];
	p0 =	sne.s32 s2, $0x0  }
0x39: {  	s3 =	rddreg [dreg:$0x2];
	[bflag:$0x3] =	sbarrier.arrive $0xFFFF;
	s2 =	simm.s32 @!p0 $0x1C01  }
0x3a: {  	[timem:s3], [sflag:s2] =	dma.local @!p0 [hbm:s0], s1  }
0x3b: {  	s0 =	simm.s32 @!p0 $0x1  }
0x3c: {  	_ =	swait.ge @!p0 [sflag:s0], s1  }
0x3d: {  	s1 =	ssub.s32 @!p0 $0x0, s1;
	[sflag:s0] =	ssyncset.done @!p0 $0x0  }
0x3e: {  	[sflag:s0] =	ssyncadd.s32 @!p0 s1  }
0x3f: {  	[bflag:$0x3] =	sbarrier.arrive $0xFFFF  }
0x40: {  	_ =	shalt  }

// kernel: gather_offload_async_start
scs
__scs_entry_jumppad:
0x0: {  	(pc) =	sbr.rel $0x88, $3  }
0x1: {  	(tag) =	ssettag $0x0;
	lr =	simm.s32 $0x1  }
0x2: {  	[smem:$0x3F96] =	sst lr;
	_ =	strace $0xD0000000  }
0x3: {  	_ = 	snop  }
0x4: {  	_ = 	snop  }
0x5: {  	_ = 	snop  }
0x6: {  	_ = 	snop  }
0x7: {  	_ = 	snop  }
__scs_overlays_trampoline_lowered:
0x8: {  	[smem:$0x3FA5] =	sst s0  }
0x9: {  	[smem:$0x3FA6] =	sst s1  }
0xa: {  	[smem:$0x3FA7] =	sst s2  }
0xb: {  	[smem:$0x3FA8] =	sst s3  }
0xc: {  	[smem:$0x3FA9] =	sst s4  }
0xd: {  	[smem:$0x3FAA] =	sst s5  }
0xe: {  	[smem:$0x3FAB] =	sst s6  }
0xf: {  	[smem:$0x3FAC] =	sst s7  }
0x10: {  	[smem:$0x3FAD] =	sst s8  }
0x11: {  	[smem:$0x3FAE] =	sst s9;
	s0 =	simm.s32 @!p0 $0x0  }
0x12: {  	s1 =	sld [smem:$0x3F94];
	s0 =	simm.s32 @p0 $0x1  }
0x13: {  	[smem:$0x3FAF] =	sst s0;
	s0 =	simm.s32 @!p1 $0x0  }
0x14: {  	s2 =	sld [smem:$0x3F93];
	s0 =	simm.s32 @p1 $0x1  }
0x15: {  	[smem:$0x3FB0] =	sst s0;
	s0 =	simm.s32 @!p2 $0x0  }
0x16: {  	s3 =	sld [smem:$0x3FDB];
	s0 =	simm.s32 @p2 $0x1  }
0x17: {  	s4 =	simm.s32 $0x1BF5;
	[smem:$0x3FB2] =	sst s0  }
0x18: {  	s0 =	sld [smem:$0x3F95];
	_ =	swait.ge [sflag:s4], $0x0  }
0x19: {  	s7 =	sld [smem:$0x3F96]  }
0x1a: {  	s8 =	sadd.s32 $0xFFFFE003, lr  }
0x1b: {  	s9 =	sadd.s32 $0xFFFFFEF7, lr;
	s5 =	simm.s32 $0xFFFFFFFF;
	p2 =	slt.u32 s8, $0xFFFFF086  }
0x1c: {  	p1 =	slt.u32 s9, $0xF7A;
	s5 =	simm.s32 @!p2 $0x0  }
0x1d: {  	s5 =	simm.s32 @p1 $0x1;
	p0 =	seq.s32 s7, s2  }
0x1e: {  	s7 =	smul.u32 @!p0 $0xF7A, s2;
	p2 =	seq.s32 @!p0 s5, $0x0  }
0x1f: {  	s9 =	smul.u32 $0xF7A, s1;
	s8 =	simm.s32 @!p0 $0x1BF5;
	p2 =	por !p2, p0  }
0x20: {  	[sflag:s8] =	ssyncset.s32 @!p0 $0xFFFFF086;
	s6 =	sadd.s32 @!p0 s3, s7;
	s7 =	simm.s32 @!p0 $0x108  }
0x21: {  	s3 =	sadd.s32 s3, s9;
	s6 =	sadd.s32 @!p0 $0x88, s6;
	s7 =	simm.s32 @p2 $0x1082  }
0x22: {  	[simem:s7], [sflag:s8] =	dma.local @!p0 [hbm:s6], $0xF7A  }
0x23: {  	s9 =	sor.u32 $0xD0000000, s2;
	s6 =	simm.s32 $0x108;
	_ =	swait.ge @!p0 [sflag:s8], $0x0  }
0x24: {  	s3 =	sadd.s32 $0x88, s3;
	s6 =	simm.s32 @!p1 $0x1082;
	[sflag:s4] =	ssyncset.s32 $0xFFFFF086  }
0x25: {  	[simem:s6], [sflag:s4] =	dma.local [hbm:s3], $0xF7A  }
0x26: {  	[smem:$0x3F96] =	sst s1;
	(tag) =	ssettag s2;
	_ =	strace s9  }
0x27: {  	s1 =	sld [smem:$0x3FA6]  }
0x28: {  	s2 =	sld [smem:$0x3FA7]  }
0x29: {  	s4 =	sld [smem:$0x3FA9]  }
0x2a: {  	p0 =	seq.s32 s5, $0x0;
	s5 =	sld [smem:$0x3FAA]  }
0x2b: {  	s6 =	sld [smem:$0x3FAB]  }
0x2c: {  	s7 =	sld [smem:$0x3FAC]  }
0x2d: {  	s3 =	simm.s32 $0x108;
	s8 =	sld [smem:$0x3FAD]  }
0x2e: {  	s3 =	simm.s32 @!p0 $0x1082;
	s9 =	sld [smem:$0x3FAE]  }
0x2f: {  	lr =	sadd.s32 s0, s3;
	s0 =	sld [smem:$0x3FA5]  }
0x30: {  	s3 =	sld [smem:$0x3FA8]  }
0x31: {  	[smem:$0x3FB1] =	sst s10  }
0x32: {  	s10 =	sld [smem:$0x3FAF];
	_ =	sdelay $0x3  }
0x33: {  	p0 =	seq.s32 s10, $0x1;
	s10 =	sld [smem:$0x3FB1];
	_ =	sdelay $0x3  }
0x34: {  	[smem:$0x3FB1] =	sst s10  }
0x35: {  	s10 =	sld [smem:$0x3FB0];
	_ =	sdelay $0x3  }
0x36: {  	p1 =	seq.s32 s10, $0x1;
	s10 =	sld [smem:$0x3FB1];
	_ =	sdelay $0x3  }
0x37: {  	[smem:$0x3FB1] =	sst s10  }
0x38: {  	s10 =	sld [smem:$0x3FB2]  }
0x39: {  	_ = 	snop;
	(pc) =	sbr.ind lr, $3  }
0x3a: {  	_ = 	snop  }
0x3b: {  	_ = 	snop  }
0x3c: {  	p2 =	seq.s32 s10, $0x1;
	s10 =	sld [smem:$0x3FB1]  }
0x3d: {  	_ =	shalt  }
0x3e: {  	_ =	shalt  }
0x3f: {  	_ =	shalt  }
0x40: {  	_ =	shalt  }
0x41: {  	_ =	shalt  }
0x42: {  	_ =	shalt  }
0x43: {  	_ =	shalt  }
0x44: {  	_ =	shalt  }
0x45: {  	_ =	shalt  }
0x46: {  	_ =	shalt  }
0x47: {  	_ =	shalt  }
0x48: {  	_ =	shalt  }
0x49: {  	_ =	shalt  }
0x4a: {  	_ =	shalt  }
0x4b: {  	_ =	shalt  }
0x4c: {  	_ =	shalt  }
0x4d: {  	_ =	shalt  }
0x4e: {  	_ =	shalt  }
0x4f: {  	_ =	shalt  }
0x50: {  	_ =	shalt  }
0x51: {  	_ =	shalt  }
0x52: {  	_ =	shalt  }
0x53: {  	_ =	shalt  }
0x54: {  	_ =	shalt  }
0x55: {  	_ =	shalt  }
0x56: {  	_ =	shalt  }
0x57: {  	_ =	shalt  }
0x58: {  	_ =	shalt  }
0x59: {  	_ =	shalt  }
0x5a: {  	_ =	shalt  }
0x5b: {  	_ =	shalt  }
0x5c: {  	_ =	shalt  }
0x5d: {  	_ =	shalt  }
0x5e: {  	_ =	shalt  }
0x5f: {  	_ =	shalt  }
0x60: {  	_ =	shalt  }
0x61: {  	_ =	shalt  }
0x62: {  	_ =	shalt  }
0x63: {  	_ =	shalt  }
0x64: {  	_ =	shalt  }
0x65: {  	_ =	shalt  }
0x66: {  	_ =	shalt  }
0x67: {  	_ =	shalt  }
0x68: {  	_ =	shalt  }
0x69: {  	_ =	shalt  }
0x6a: {  	_ =	shalt  }
0x6b: {  	_ =	shalt  }
0x6c: {  	_ =	shalt  }
0x6d: {  	_ =	shalt  }
0x6e: {  	_ =	shalt  }
0x6f: {  	_ =	shalt  }
0x70: {  	_ =	shalt  }
0x71: {  	_ =	shalt  }
0x72: {  	_ =	shalt  }
0x73: {  	_ =	shalt  }
0x74: {  	_ =	shalt  }
0x75: {  	_ =	shalt  }
0x76: {  	_ =	shalt  }
0x77: {  	_ =	shalt  }
0x78: {  	_ =	shalt  }
0x79: {  	_ =	shalt  }
0x7a: {  	_ =	shalt  }
0x7b: {  	_ =	shalt  }
0x7c: {  	_ =	shalt  }
0x7d: {  	_ =	shalt  }
0x7e: {  	_ =	shalt  }
0x7f: {  	_ =	shalt  }
0x80: {  	_ =	shalt  }
0x81: {  	_ =	shalt  }
0x82: {  	_ =	shalt  }
0x83: {  	_ =	shalt  }
0x84: {  	_ =	shalt  }
0x85: {  	_ =	shalt  }
0x86: {  	_ =	shalt  }
0x87: {  	_ =	shalt  }
.Lfunc_end0:
.L_simem_size_0:
called_computation.1_lowered:
.L_overlay_start_0:
0x88: {  	s2 =	sld [smem:$0x3FD9]  }
0x89: {  	s3 =	sld [smem:$0x3FFE];
	_ =	sdelay $0x1  }
0x8a: {  	s1 =	srdreg.scid  }
0x8b: {  	s0 =	sand.u32 $0x1, s1  }
0x8c: {  	s17 =	sshll.u32 s0, $0xA;
	s2 =	sadd.s32 s3, s2  }
0x8d: {  	s2 =	sadd.s32 s2, s17  }
0x8e: {  	[smem:$0x3FBD] =	sst s2  }
0x8f: {  	_ = 	snop  }
0x90: {  	s2 =	sld [smem:$0x3FD0];
	(tm) =	ssettm $0x1  }
0x91: {  	s18 =	sld [smem:$0x3FFB];
	_ =	sdelay $0x3  }
0x92: {  	_ =	strace s18  }
0x93: {  	s3 =	sld [smem:$0x3FFC];
	_ =	sdelay $0x3  }
0x94: {  	_ =	strace s3  }
0x95: {  	s3 =	sld [smem:$0x3FFD];
	_ =	sdelay $0x3  }
0x96: {  	_ =	strace s3  }
0x97: {  	_ =	strace $0x8FFFFFFF  }
0x98: {  	s19 =	sld [smem:$0x3FDB];
	_ =	sdelay $0x1  }
0x99: {  	s4 =	simm.s32 $_scs_section_size  }
0x9a: {  	s5 =	simm.s32 $_size__tile_overlayer_lowered;
	s6 =	simm.s32 $_tile_overlayer_lowered  }
0x9b: {  	s22 =	simm.s32 $0x1BFF;
	s21 =	sshll.u32 s6, $0x1;
	s3 =	sadd.s32 s4, s19  }
0x9c: {  	s7 =	simm.s32 $0x0;
	s20 =	sshll.u32 s5, $0x1;
	s5 =	sadd.s32 s21, s3  }
0x9d: {  	[timem:s7], [sflag:s22] =	dma.local [hbm:s5], s20  }
0x9e: {  	_ =	swait.ge [sflag:s22], s20  }
0x9f: {  	s4 =	ssub.s32 $0x0, s20;
	[sflag:s22] =	ssyncset.done $0x0  }
0xa0: {  	[sflag:s22] =	ssyncadd.s32 s4;
	_ =	sdelay $0x1  }
0xa1: {  	s23 =	simm.s32 $0x1B8B  }
0xa2: {  	_ =	swait.ge [sflag:s23], $0x1  }
0xa3: {  	[sflag:s23] =	ssyncset.done $0x0  }
0xa4: {  	s25 =	simm.s32 $0x1B8E;
	s24 =	sld [smem:$0x3FFE];
	[sflag:s23] =	ssyncadd.s32 $0xFFFFFFFF  }
0xa5: {  	s26 =	simm.s32 $execute0_lowered;
	[smem:$0x3FD2] =	sst s25  }
0xa6: {  	s5 =	sshll.u32 s26, $0x1;
	_ =	strace $0x80000052;
	[dreg:$0x1] =	wrdreg $0xFFFFFFFF  }
0xa7: {  	s28 =	simm.s32 $_size_execute0_lowered;
	s3 =	sadd.s32 s3, s5;
	[dreg:$0x0] =	wrdreg $0x0  }
0xa8: {  	s5 =	sshll.u32 s28, $0x1;
	[dreg:$0x2] =	wrdreg s3  }
0xa9: {  	[dreg:$0x3] =	wrdreg s5  }
0xaa: {  	[dreg:$0x4] =	wrdreg $0xC0  }
0xab: {  	_ =	task [dreg:s7], $0x5FFFF  }
0xac: {  	[dreg:$0x1] =	wrdreg $0xFFFFFFFF  }
0xad: {  	[dreg:$0x0] =	wrdreg $0x60  }
0xae: {  	[dreg:$0x2] =	wrdreg s24  }
0xaf: {  	[dreg:$0x3] =	wrdreg s2  }
0xb0: {  	[dreg:$0x4] =	wrdreg $0x9  }
0xb1: {  	_ =	task.clear_ibuf [dreg:s7], $0x5FFFF;
	_ =	strace $0x90000052  }
0xb2: {  	s29 =	simm.s32 $0x9;
	_ =	strace $0x80000054  }
0xb3: {  	_ =	swait.ge [sflag:s29], $0x1  }
0xb4: {  	[sflag:s29] =	ssyncadd.s32 $0xFFFFFFFF  }
0xb5: {  	_ =	strace $0x90000054  }
0xb6: {  	_ =	sfence  }
0xb7: {  	s30 =	sld [smem:$0x0];
	_ =	sdelay $0x2  }
0xb8: {  	s31 =	sshll.u32 s1, $0xD;
	s1 =	sshrl.u32 s1, $0x2  }
0xb9: {  	s3 =	sand.u32 $0x4000, s31;
	s1 =	sadd.s32 s1, s30  }
0xba: {  	s0 =	sor.u32 s3, s0;
	s1 =	sshll.u32 s1, $0x11  }
0xbb: {  	s0 =	sor.u32 s1, s0  }
0xbc: {  	s0 =	sadd.s32 $0x8F2B, s0  }
0xbd: {  	[sflag:s0] =	ssyncadd.remote.s32 $0x1  }
0xbe: {  	_ =	sfence.sel $0xFFFF  }
0xbf: {  	[dreg:$0x0] =	wrdreg $0xFFFFFFFF;
	(pc) =	sbr.abs _section_cstart, $3  }
0xc0: {  	[dreg:$0x1] =	wrdreg $0xFFFFFFFF  }
0xc1: {  	_ =	task.clear_ibuf [dreg:s7], $0x2FFFF;
	_ =	strace $0x9FFFFFFF  }
0xc2: {  	(tm) =	ssettm $0x7FFFFFFF  }
0xc3: {  	_ =	shalt  }
tec
execute0_lowered:
.L_overlay_start_1:
0x0: {  	(tag) =	ssettag $0x1  }
0x1: {  	s1 =	srdreg.scid;
	s6 =	rddreg [dreg:$0x0]  }
0x2: {  	s0 =	stileid.u32;
	s2 =	rddreg [dreg:$0x1];
	s1 =	sshll.u32 s1, $0x5  }
0x3: {  	s7 =	simm.s32 $0x1;
	s3 =	sshll.u32 s0, $0x6;
	s1 =	sand.u32 $0x20, s1  }
0x4: {  	s30 =	simm.s32 $0x2;
	s31 =	simm.s32 $0x3;
	s3 =	sor.u32 s3, s1  }
0x5: {  	s11 =	simm.s32 $0x0;
	s9 =	simm.s32 $0x0;
	s5 =	ssub.s32 $0x800, s3  }
0x6: {  	s4 =	sadd.s32 $0x1400, s6;
	s6 =	sadd.s32 $0x1000, s6;
	s8 =	sand.u32 $0x3E0, s5  }
0x7: {  	s1 =	rddreg [dreg:$0x2];
	_ =	strace $0x80000053;
	p0 =	sne.s32 s8, $0x0  }
0x8: {  	[sflag:s7] =	ssyncpa.u1 $0x0;
	s5 =	sshrl.u32 s5, $0xA;
	s7 =	simm.s32 @!p0 $0x0  }
0x9: {  	s10 =	smov.u32 s3;
	[sflag:s30] =	ssyncpa.u1 $0x0;
	s5 =	sadd.s32 s7, s5  }
0xa: {  	[sflag:s31] =	ssyncpa.u1 $0x0;
	s8 =	simm.s32 $0x0;
	s7 =	sadd.s32 $0x1, s5  }
.LBB2_1:
0xb: {  	p0 =	sge.u32 s9, s5  }
0xc: {  	s31 =	sadd.s32 $0xFFFFFFFF, s9;
	s12 =	sxor.u32 @!p0 $0xFFFFFFFF, s8;
	s13 =	sshrl.u32 @!p0 s10, $0x3  }
0xd: {  	s14 =	sand.u32 @!p0 $0x7, s10;
	s12 =	sand.u32 @!p0 $0x20, s12;
	s13 =	sadd.s32 @!p0 s2, s13  }
0xe: {  	[tilespmem:s12], [sflag:$0x2] =	stream.linear.gather @!p0 [hbm4b:s13+s14], $0x20, $0x38;
	[tilespmem:$0x80] =	vst v63  }
0xf: {  	p0 =	sge.u32 s31, s5  }
0x10: {  	s12 =	simm.s32 @!p0 $0x2  }
0x11: {  	_ =	swait.ge @!p0 [sflag:s12], $0x20  }
0x12: {  	[sflag:s12] =	ssyncset.done @!p0 $0x0  }
0x13: {  	[sflag:s12] =	ssyncadd.s32 @!p0 $0xFFFFFFE0;
	s12 =	sand.u32 @!p0 $0x20, s8  }
0x14: {  	(ifvalue) =	ssetifvalue @!p0 $0x7FFFFFFF;
	v0 =	vld.msk @!p0 [tilespmem:s12+$0x0 ss:$0x1], $0xffff;
	_ =	sdelay $0x4  }
0x15: {  	vm0 =	vgt.s32 @!p0 v0, $0x0  }
0x16: {  	v0 =	vnsel @!p0 vm0, $0x0, v0  }
0x17: {  	v0 =	vmin.u32 @!p0 v0, $0x7FF;
	_ =	sdelay $0x2  }
0x18: {  	s14 =	simm.s32 @!p0 $0x0  }
0x19: {  	s13 =	sor.u32 @!p0 $0x40, s12;
	(ifvalue) =	ssetifvalue @!p0 $0x7FFFFFFF;
	s15 =	sor.u32 @!p0 $0x10, s12;
	vm0 =	vmmov @!p0 $0xffff  }
0x1a: {  	[tilespmem:s13], [sflag:$0x1] =	stream.indirect_vreg.gather @!p0 [hbm4b:s4+s14], $0x1, v0, vm0, $0x4038;
	[tilespmem:$0x80] =	vst v63  }
0x1b: {  	v0 =	vld.msk @!p0 [tilespmem:s15+$0x0 ss:$0x1], $0xffff;
	_ =	sdelay $0x4  }
0x1c: {  	vm1 =	vgt.s32 @!p0 v0, $0x0  }
0x1d: {  	v0 =	vnsel @!p0 vm1, $0x0, v0  }
0x1e: {  	v0 =	vmin.u32 @!p0 v0, $0x7FF;
	_ =	sdelay $0x3  }
0x1f: {  	s12 =	sor.u32 @!p0 $0x50, s12;
	(ifvalue) =	ssetifvalue @!p0 $0x7FFFFFFF  }
0x20: {  	[tilespmem:s12], [sflag:$0x1] =	stream.indirect_vreg.gather @!p0 [hbm4b:s4+s14], $0x1, v0, vm0, $0x4038;
	[tilespmem:$0x80] =	vst v63  }
0x21: {  	s12 =	simm.s32 @!p0 $0x1  }
0x22: {  	_ =	swait.ge @!p0 [sflag:s12], $0x20  }
0x23: {  	s14 =	sshrl.u32 @!p0 s11, $0x3;
	[sflag:s12] =	ssyncset.done @!p0 $0x0  }
0x24: {  	s11 =	sand.u32 @!p0 $0x7, s11;
	[sflag:s12] =	ssyncadd.s32 @!p0 $0xFFFFFFE0;
	s12 =	sadd.s32 @!p0 s6, s14  }
0x25: {  	[hbm4b:s12+s11] =	stream.linear.scatter @!p0 [tilespmem:s13], [sflag:$0x3], $0x20, $0x38;
	[tilespmem:$0x80] =	vst v63  }
0x26: {  	s13 =	sadd.s32 $0x400, s10  }
0x27: {  	p1 =	sgt.s32 s13, $0x7FF  }
0x28: {  	s13 =	smov.u32 @p1 s3;
	p1 =	sne.s32 s9, s7  }
.Ltmp0:
0x29: {  	p0 =	slt.u32 s9, $0x2;
	(pc) =	sbr.rel @p1 .LBB2_1-.Ltmp0, $4  }
0x2a: {  	s12 =	simm.s32 @!p0 $0x3  }
0x2b: {  	_ =	swait.ge @!p0 [sflag:s12], $0x20  }
0x2c: {  	s8 =	sadd.s32 $0x20, s8;
	s11 =	smov.u32 s10;
	[sflag:s12] =	ssyncset.done @!p0 $0x0  }
0x2d: {  	s9 =	sadd.s32 $0x1, s9;
	s10 =	smov.u32 s13;
	[sflag:s12] =	ssyncadd.s32 @!p0 $0xFFFFFFE0  }
0x2e: {  	_ =	sfence.sel $0x180000  }
0x2f: {  	s2 =	simm.s32 $0x2;
	[bflag:$0x0] =	sbarrier.arrive $0xFFFF  }
0x30: {  	s30 =	simm.s32 $0x3;
	[sflag:s2] =	ssyncpa.u1 $0x1  }
0x31: {  	s31 =	simm.s32 $0x1;
	[sflag:s30] =	ssyncpa.u1 $0x1  }
0x32: {  	[sflag:s31] =	ssyncpa.u1 $0x1  }
0x33: {  	p0 =	sne.s32 s0, $0x0;
	_ =	strace $0x90000053  }
0x34: {  	s0 =	sadd.s32 @!p0 $0x100000, s1;
	[bflag:$0x2] =	sbarrier.arrive $0xFFFF  }
0x35: {  	[sflag:s0] =	ssyncadd.tile.s32 @!p0 $0x1;
	_ =	shalt  }
.Lfunc_end2:
_tile_overlayer_lowered:
.L_overlay_start_2:
0x36: {  	(tag) =	ssettag $0x2  }
0x37: {  	s0 =	rddreg [dreg:$0x0];
	s2 =	stileid.u32  }
0x38: {  	s1 =	rddreg [dreg:$0x1];
	p0 =	sne.s32 s2, $0x0  }
0x39: {  	s3 =	rddreg [dreg:$0x2];
	[bflag:$0x3] =	sbarrier.arrive $0xFFFF;
	s2 =	simm.s32 @!p0 $0x1C01  }
0x3a: {  	[timem:s3], [sflag:s2] =	dma.local @!p0 [hbm:s0], s1  }
0x3b: {  	s0 =	simm.s32 @!p0 $0x1  }
0x3c: {  	_ =	swait.ge @!p0 [sflag:s0], s1  }
0x3d: {  	s1 =	ssub.s32 @!p0 $0x0, s1;
	[sflag:s0] =	ssyncset.done @!p0 $0x0  }
0x3e: {  	[sflag:s0] =	ssyncadd.s32 @!p0 s1  }
0x3f: {  	[bflag:$0x3] =	sbarrier.arrive $0xFFFF  }
0x40: {  	_ =	shalt  }

// kernel: kernel.11.cloned.1.call-start
scs
__scs_entry_jumppad:
0x0: {  	(pc) =	sbr.rel $0x88, $3  }
0x1: {  	(tag) =	ssettag $0x0;
	lr =	simm.s32 $0x1  }
0x2: {  	[smem:$0x3F96] =	sst lr;
	_ =	strace $0xD0000000  }
0x3: {  	_ = 	snop  }
0x4: {  	_ = 	snop  }
0x5: {  	_ = 	snop  }
0x6: {  	_ = 	snop  }
0x7: {  	_ = 	snop  }
__scs_overlays_trampoline_lowered:
0x8: {  	[smem:$0x3FA5] =	sst s0  }
0x9: {  	[smem:$0x3FA6] =	sst s1  }
0xa: {  	[smem:$0x3FA7] =	sst s2  }
0xb: {  	[smem:$0x3FA8] =	sst s3  }
0xc: {  	[smem:$0x3FA9] =	sst s4  }
0xd: {  	[smem:$0x3FAA] =	sst s5  }
0xe: {  	[smem:$0x3FAB] =	sst s6  }
0xf: {  	[smem:$0x3FAC] =	sst s7  }
0x10: {  	[smem:$0x3FAD] =	sst s8  }
0x11: {  	[smem:$0x3FAE] =	sst s9;
	s0 =	simm.s32 @!p0 $0x0  }
0x12: {  	s1 =	sld [smem:$0x3F94];
	s0 =	simm.s32 @p0 $0x1  }
0x13: {  	[smem:$0x3FAF] =	sst s0;
	s0 =	simm.s32 @!p1 $0x0  }
0x14: {  	s2 =	sld [smem:$0x3F93];
	s0 =	simm.s32 @p1 $0x1  }
0x15: {  	[smem:$0x3FB0] =	sst s0;
	s0 =	simm.s32 @!p2 $0x0  }
0x16: {  	s3 =	sld [smem:$0x3FDB];
	s0 =	simm.s32 @p2 $0x1  }
0x17: {  	s4 =	simm.s32 $0x1BF5;
	[smem:$0x3FB2] =	sst s0  }
0x18: {  	s0 =	sld [smem:$0x3F95];
	_ =	swait.ge [sflag:s4], $0x0  }
0x19: {  	s7 =	sld [smem:$0x3F96]  }
0x1a: {  	s8 =	sadd.s32 $0xFFFFE003, lr  }
0x1b: {  	s9 =	sadd.s32 $0xFFFFFEF7, lr;
	s5 =	simm.s32 $0xFFFFFFFF;
	p2 =	slt.u32 s8, $0xFFFFF086  }
0x1c: {  	p1 =	slt.u32 s9, $0xF7A;
	s5 =	simm.s32 @!p2 $0x0  }
0x1d: {  	s5 =	simm.s32 @p1 $0x1;
	p0 =	seq.s32 s7, s2  }
0x1e: {  	s7 =	smul.u32 @!p0 $0xF7A, s2;
	p2 =	seq.s32 @!p0 s5, $0x0  }
0x1f: {  	s9 =	smul.u32 $0xF7A, s1;
	s8 =	simm.s32 @!p0 $0x1BF5;
	p2 =	por !p2, p0  }
0x20: {  	[sflag:s8] =	ssyncset.s32 @!p0 $0xFFFFF086;
	s6 =	sadd.s32 @!p0 s3, s7;
	s7 =	simm.s32 @!p0 $0x108  }
0x21: {  	s3 =	sadd.s32 s3, s9;
	s6 =	sadd.s32 @!p0 $0x88, s6;
	s7 =	simm.s32 @p2 $0x1082  }
0x22: {  	[simem:s7], [sflag:s8] =	dma.local @!p0 [hbm:s6], $0xF7A  }
0x23: {  	s9 =	sor.u32 $0xD0000000, s2;
	s6 =	simm.s32 $0x108;
	_ =	swait.ge @!p0 [sflag:s8], $0x0  }
0x24: {  	s3 =	sadd.s32 $0x88, s3;
	s6 =	simm.s32 @!p1 $0x1082;
	[sflag:s4] =	ssyncset.s32 $0xFFFFF086  }
0x25: {  	[simem:s6], [sflag:s4] =	dma.local [hbm:s3], $0xF7A  }
0x26: {  	[smem:$0x3F96] =	sst s1;
	(tag) =	ssettag s2;
	_ =	strace s9  }
0x27: {  	s1 =	sld [smem:$0x3FA6]  }
0x28: {  	s2 =	sld [smem:$0x3FA7]  }
0x29: {  	s4 =	sld [smem:$0x3FA9]  }
0x2a: {  	p0 =	seq.s32 s5, $0x0;
	s5 =	sld [smem:$0x3FAA]  }
0x2b: {  	s6 =	sld [smem:$0x3FAB]  }
0x2c: {  	s7 =	sld [smem:$0x3FAC]  }
0x2d: {  	s3 =	simm.s32 $0x108;
	s8 =	sld [smem:$0x3FAD]  }
0x2e: {  	s3 =	simm.s32 @!p0 $0x1082;
	s9 =	sld [smem:$0x3FAE]  }
0x2f: {  	lr =	sadd.s32 s0, s3;
	s0 =	sld [smem:$0x3FA5]  }
0x30: {  	s3 =	sld [smem:$0x3FA8]  }
0x31: {  	[smem:$0x3FB1] =	sst s10  }
0x32: {  	s10 =	sld [smem:$0x3FAF];
	_ =	sdelay $0x3  }
0x33: {  	p0 =	seq.s32 s10, $0x1;
	s10 =	sld [smem:$0x3FB1];
	_ =	sdelay $0x3  }
0x34: {  	[smem:$0x3FB1] =	sst s10  }
0x35: {  	s10 =	sld [smem:$0x3FB0];
	_ =	sdelay $0x3  }
0x36: {  	p1 =	seq.s32 s10, $0x1;
	s10 =	sld [smem:$0x3FB1];
	_ =	sdelay $0x3  }
0x37: {  	[smem:$0x3FB1] =	sst s10  }
0x38: {  	s10 =	sld [smem:$0x3FB2]  }
0x39: {  	_ = 	snop;
	(pc) =	sbr.ind lr, $3  }
0x3a: {  	_ = 	snop  }
0x3b: {  	_ = 	snop  }
0x3c: {  	p2 =	seq.s32 s10, $0x1;
	s10 =	sld [smem:$0x3FB1]  }
0x3d: {  	_ =	shalt  }
0x3e: {  	_ =	shalt  }
0x3f: {  	_ =	shalt  }
0x40: {  	_ =	shalt  }
0x41: {  	_ =	shalt  }
0x42: {  	_ =	shalt  }
0x43: {  	_ =	shalt  }
0x44: {  	_ =	shalt  }
0x45: {  	_ =	shalt  }
0x46: {  	_ =	shalt  }
0x47: {  	_ =	shalt  }
0x48: {  	_ =	shalt  }
0x49: {  	_ =	shalt  }
0x4a: {  	_ =	shalt  }
0x4b: {  	_ =	shalt  }
0x4c: {  	_ =	shalt  }
0x4d: {  	_ =	shalt  }
0x4e: {  	_ =	shalt  }
0x4f: {  	_ =	shalt  }
0x50: {  	_ =	shalt  }
0x51: {  	_ =	shalt  }
0x52: {  	_ =	shalt  }
0x53: {  	_ =	shalt  }
0x54: {  	_ =	shalt  }
0x55: {  	_ =	shalt  }
0x56: {  	_ =	shalt  }
0x57: {  	_ =	shalt  }
0x58: {  	_ =	shalt  }
0x59: {  	_ =	shalt  }
0x5a: {  	_ =	shalt  }
0x5b: {  	_ =	shalt  }
0x5c: {  	_ =	shalt  }
0x5d: {  	_ =	shalt  }
0x5e: {  	_ =	shalt  }
0x5f: {  	_ =	shalt  }
0x60: {  	_ =	shalt  }
0x61: {  	_ =	shalt  }
0x62: {  	_ =	shalt  }
0x63: {  	_ =	shalt  }
0x64: {  	_ =	shalt  }
0x65: {  	_ =	shalt  }
0x66: {  	_ =	shalt  }
0x67: {  	_ =	shalt  }
0x68: {  	_ =	shalt  }
0x69: {  	_ =	shalt  }
0x6a: {  	_ =	shalt  }
0x6b: {  	_ =	shalt  }
0x6c: {  	_ =	shalt  }
0x6d: {  	_ =	shalt  }
0x6e: {  	_ =	shalt  }
0x6f: {  	_ =	shalt  }
0x70: {  	_ =	shalt  }
0x71: {  	_ =	shalt  }
0x72: {  	_ =	shalt  }
0x73: {  	_ =	shalt  }
0x74: {  	_ =	shalt  }
0x75: {  	_ =	shalt  }
0x76: {  	_ =	shalt  }
0x77: {  	_ =	shalt  }
0x78: {  	_ =	shalt  }
0x79: {  	_ =	shalt  }
0x7a: {  	_ =	shalt  }
0x7b: {  	_ =	shalt  }
0x7c: {  	_ =	shalt  }
0x7d: {  	_ =	shalt  }
0x7e: {  	_ =	shalt  }
0x7f: {  	_ =	shalt  }
0x80: {  	_ =	shalt  }
0x81: {  	_ =	shalt  }
0x82: {  	_ =	shalt  }
0x83: {  	_ =	shalt  }
0x84: {  	_ =	shalt  }
0x85: {  	_ =	shalt  }
0x86: {  	_ =	shalt  }
0x87: {  	_ =	shalt  }
.Lfunc_end0:
.L_simem_size_0:
called_computation.4_lowered:
.L_overlay_start_0:
0x88: {  	s2 =	sld [smem:$0x3FD9]  }
0x89: {  	s3 =	sld [smem:$0x3FFE];
	_ =	sdelay $0x1  }
0x8a: {  	s1 =	srdreg.scid  }
0x8b: {  	s0 =	sand.u32 $0x1, s1  }
0x8c: {  	s17 =	sshll.u32 s0, $0xA;
	s2 =	sadd.s32 s3, s2  }
0x8d: {  	s2 =	sadd.s32 s2, s17  }
0x8e: {  	[smem:$0x3FBD] =	sst s2  }
0x8f: {  	_ = 	snop  }
0x90: {  	s2 =	sld [smem:$0x3FD0];
	(tm) =	ssettm $0x1  }
0x91: {  	s18 =	sld [smem:$0x3FFB];
	_ =	sdelay $0x3  }
0x92: {  	_ =	strace s18  }
0x93: {  	s3 =	sld [smem:$0x3FFC];
	_ =	sdelay $0x3  }
0x94: {  	_ =	strace s3  }
0x95: {  	s3 =	sld [smem:$0x3FFD];
	_ =	sdelay $0x3  }
0x96: {  	_ =	strace s3  }
0x97: {  	_ =	strace $0x8FFFFFFF  }
0x98: {  	s19 =	sld [smem:$0x3FDB];
	_ =	sdelay $0x1  }
0x99: {  	s4 =	simm.s32 $_scs_section_size  }
0x9a: {  	s5 =	simm.s32 $_size__tile_overlayer_lowered;
	s6 =	simm.s32 $_tile_overlayer_lowered  }
0x9b: {  	s22 =	simm.s32 $0x1BFF;
	s21 =	sshll.u32 s6, $0x1;
	s3 =	sadd.s32 s4, s19  }
0x9c: {  	s7 =	simm.s32 $0x0;
	s20 =	sshll.u32 s5, $0x1;
	s5 =	sadd.s32 s21, s3  }
0x9d: {  	[timem:s7], [sflag:s22] =	dma.local [hbm:s5], s20  }
0x9e: {  	_ =	swait.ge [sflag:s22], s20  }
0x9f: {  	s4 =	ssub.s32 $0x0, s20;
	[sflag:s22] =	ssyncset.done $0x0  }
0xa0: {  	[sflag:s22] =	ssyncadd.s32 s4;
	_ =	sdelay $0x1  }
0xa1: {  	s23 =	simm.s32 $0x1B8B  }
0xa2: {  	_ =	swait.ge [sflag:s23], $0x1  }
0xa3: {  	[sflag:s23] =	ssyncset.done $0x0  }
0xa4: {  	s25 =	simm.s32 $0x1B8E;
	s24 =	sld [smem:$0x3FFE];
	[sflag:s23] =	ssyncadd.s32 $0xFFFFFFFF  }
0xa5: {  	s26 =	simm.s32 $execute0_lowered;
	[smem:$0x3FD2] =	sst s25  }
0xa6: {  	s5 =	sshll.u32 s26, $0x1;
	_ =	strace $0x8000004F;
	[dreg:$0x1] =	wrdreg $0xFFFFFFFF  }
0xa7: {  	s28 =	simm.s32 $_size_execute0_lowered;
	s3 =	sadd.s32 s3, s5;
	[dreg:$0x0] =	wrdreg $0x0  }
0xa8: {  	s5 =	sshll.u32 s28, $0x1;
	[dreg:$0x2] =	wrdreg s3  }
0xa9: {  	[dreg:$0x3] =	wrdreg s5  }
0xaa: {  	[dreg:$0x4] =	wrdreg $0xC0  }
0xab: {  	_ =	task [dreg:s7], $0x5FFFF  }
0xac: {  	[dreg:$0x1] =	wrdreg $0xFFFFFFFF  }
0xad: {  	[dreg:$0x0] =	wrdreg $0x60  }
0xae: {  	[dreg:$0x2] =	wrdreg s24  }
0xaf: {  	[dreg:$0x3] =	wrdreg s2  }
0xb0: {  	[dreg:$0x4] =	wrdreg $0x9  }
0xb1: {  	_ =	task.clear_ibuf [dreg:s7], $0x5FFFF;
	_ =	strace $0x9000004F  }
0xb2: {  	s29 =	simm.s32 $0x9;
	_ =	strace $0x80000051  }
0xb3: {  	_ =	swait.ge [sflag:s29], $0x1  }
0xb4: {  	[sflag:s29] =	ssyncadd.s32 $0xFFFFFFFF  }
0xb5: {  	_ =	strace $0x90000051  }
0xb6: {  	_ =	sfence  }
0xb7: {  	s30 =	sld [smem:$0x0];
	_ =	sdelay $0x2  }
0xb8: {  	s31 =	sshll.u32 s1, $0xD;
	s1 =	sshrl.u32 s1, $0x2  }
0xb9: {  	s3 =	sand.u32 $0x4000, s31;
	s1 =	sadd.s32 s1, s30  }
0xba: {  	s0 =	sor.u32 s3, s0;
	s1 =	sshll.u32 s1, $0x11  }
0xbb: {  	s0 =	sor.u32 s1, s0  }
0xbc: {  	s0 =	sadd.s32 $0x8F2B, s0  }
0xbd: {  	[sflag:s0] =	ssyncadd.remote.s32 $0x1  }
0xbe: {  	_ =	sfence.sel $0xFFFF  }
0xbf: {  	[dreg:$0x0] =	wrdreg $0xFFFFFFFF;
	(pc) =	sbr.abs _section_cstart, $3  }
0xc0: {  	[dreg:$0x1] =	wrdreg $0xFFFFFFFF  }
0xc1: {  	_ =	task.clear_ibuf [dreg:s7], $0x2FFFF;
	_ =	strace $0x9FFFFFFF  }
0xc2: {  	(tm) =	ssettm $0x7FFFFFFF  }
0xc3: {  	_ =	shalt  }
tec
execute0_lowered:
.L_overlay_start_1:
0x0: {  	(tag) =	ssettag $0x1  }
0x1: {  	s4 =	rddreg [dreg:$0x0]  }
0x2: {  	s5 =	rddreg [dreg:$0x1];
	s2 =	srdreg.scid  }
0x3: {  	s0 =	rddreg [dreg:$0x2];
	s1 =	stileid.u32  }
0x4: {  	s9 =	simm.s32 $0x880;
	s10 =	simm.s32 $0x1080;
	s11 =	simm.s32 $0x1880  }
0x5: {  	s12 =	simm.s32 $0x2080;
	s13 =	simm.s32 $0x2880;
	s14 =	simm.s32 $0x3080  }
0x6: {  	s15 =	simm.s32 $0x3880;
	s16 =	simm.s32 $0x1;
	s3 =	sand.u32 $0x1, s2  }
0x7: {  	s2 =	simm.s32 $0x0;
	s6 =	sshll.u32 s1, $0x7;
	s7 =	sshll.u32 s3, $0x6  }
0x8: {  	[smem:$0x7FF] =	sst s2;
	s8 =	ssub.s32 $0x2, s3;
	s6 =	sor.u32 s7, s6  }
0x9: {  	s3 =	sadd.s32 $0x1600, s4;
	_ =	strace $0x80000050;
	s7 =	sshrl.u32 s6, $0x3  }
0xa: {  	v2 =	vlaneseq.u32;
	s31 =	sshrl.u32 s8, $0x1;
	s6 =	sshll.u32 s6, $0x5;
	s4 =	sadd.s32 s7, s4  }
0xb: {  	vm0 =	vmmov $0xffff;
	v1 =	vshrl.u32 v2, $0x3;
	s7 =	ssub.s32 s8, s31;
	s5 =	sadd.s32 s5, s6;
	s8 =	simm.s32 $0x80  }
0xc: {  	v0 =	vand.u32 $0x7, v2;
	v2 =	vor.u32 $0x8, v2;
	v1 =	vmul.u32 $0x8, v1;
	s4 =	sadd.s32 $0x1400, s4;
	s6 =	smax.u32 s7, $0x1;
	s7 =	simm.s32 $0x2  }
.LBB2_1:
0xd: {  	[tilespmem:s2], [sflag:$0x2] =	stream.linear.gather [hbm4b:s4+s2], $0x40, $0x38;
	[tilespmem:$0x4080] =	vst v63  }
0xe: {  	_ =	swait.ge [sflag:s7], $0x40  }
0xf: {  	[sflag:s7] =	ssyncset.done $0x0  }
0x10: {  	[sflag:s7] =	ssyncadd.s32 $0xFFFFFFC0  }
0x11: {  	v3 =	vld [tilespmem:$0x0];
	_ =	sdelay $0x4  }
0x12: {  	v4 =	vshll.u32 v3, $0x1  }
0x13: {  	v3 =	vand.u32 $0x7, v3;
	v4 =	vand.u32 $0xFFFFFFF0, v4  }
0x14: {  	v3 =	vor.u32 v3, v4  }
0x15: {  	v4 =	vperm.xlane v3, v0;
	_ =	sdelay $0x1  }
0x16: {  	v3 =	vperm.xlane v3, v2;
	v4 =	vadd.s32 v1, v4;
	_ =	sdelay $0x1  }
0x17: {  	v3 =	vadd.s32 v1, v3;
	_ =	sdelay $0x2  }
0x18: {  	[tilespmem:s8], [sflag:$0x1] =	stream.indirect_vreg.gather [hbm4b:s3+s2], $0x80, v4, vm0, $0xb8;
	[tilespmem:$0x4080] =	vst v63  }
0x19: {  	_ = 	snop  }
0x1a: {  	[tilespmem:s9], [sflag:$0x1] =	stream.indirect_vreg.gather [hbm4b:s3+s2], $0x80, v3, vm0, $0xb8;
	[tilespmem:$0x4080] =	vst v63  }
0x1b: {  	v3 =	vld [tilespmem:$0x10];
	_ =	sdelay $0x4  }
0x1c: {  	v61 =	vshll.u32 v3, $0x1  }
0x1d: {  	v3 =	vand.u32 $0x7, v3;
	v4 =	vand.u32 $0xFFFFFFF0, v61  }
0x1e: {  	v3 =	vor.u32 v3, v4  }
0x1f: {  	v4 =	vperm.xlane v3, v0;
	_ =	sdelay $0x1  }
0x20: {  	v3 =	vperm.xlane v3, v2;
	v4 =	vadd.s32 v1, v4;
	_ =	sdelay $0x1  }
0x21: {  	v3 =	vadd.s32 v1, v3;
	_ =	sdelay $0x2  }
0x22: {  	[tilespmem:s10], [sflag:$0x1] =	stream.indirect_vreg.gather [hbm4b:s3+s2], $0x80, v4, vm0, $0xb8;
	[tilespmem:$0x4080] =	vst v63  }
0x23: {  	_ = 	snop  }
0x24: {  	[tilespmem:s11], [sflag:$0x1] =	stream.indirect_vreg.gather [hbm4b:s3+s2], $0x80, v3, vm0, $0xb8;
	[tilespmem:$0x4080] =	vst v63  }
0x25: {  	v3 =	vld [tilespmem:$0x20];
	_ =	sdelay $0x4  }
0x26: {  	v62 =	vshll.u32 v3, $0x1  }
0x27: {  	v3 =	vand.u32 $0x7, v3;
	v4 =	vand.u32 $0xFFFFFFF0, v62  }
0x28: {  	v3 =	vor.u32 v3, v4  }
0x29: {  	v4 =	vperm.xlane v3, v0;
	_ =	sdelay $0x1  }
0x2a: {  	v3 =	vperm.xlane v3, v2;
	v4 =	vadd.s32 v1, v4;
	_ =	sdelay $0x1  }
0x2b: {  	v3 =	vadd.s32 v1, v3;
	_ =	sdelay $0x2  }
0x2c: {  	[tilespmem:s12], [sflag:$0x1] =	stream.indirect_vreg.gather [hbm4b:s3+s2], $0x80, v4, vm0, $0xb8;
	[tilespmem:$0x4080] =	vst v63  }
0x2d: {  	_ = 	snop  }
0x2e: {  	[tilespmem:s13], [sflag:$0x1] =	stream.indirect_vreg.gather [hbm4b:s3+s2], $0x80, v3, vm0, $0xb8;
	[tilespmem:$0x4080] =	vst v63  }
0x2f: {  	v3 =	vld [tilespmem:$0x30];
	_ =	sdelay $0x4  }
0x30: {  	v63 =	vshll.u32 v3, $0x1  }
0x31: {  	v3 =	vand.u32 $0x7, v3;
	v4 =	vand.u32 $0xFFFFFFF0, v63  }
0x32: {  	v3 =	vor.u32 v3, v4  }
0x33: {  	v4 =	vperm.xlane v3, v0;
	_ =	sdelay $0x1  }
0x34: {  	v3 =	vperm.xlane v3, v2;
	v4 =	vadd.s32 v1, v4;
	_ =	sdelay $0x1  }
0x35: {  	v3 =	vadd.s32 v1, v3;
	_ =	sdelay $0x2  }
0x36: {  	[tilespmem:s14], [sflag:$0x1] =	stream.indirect_vreg.gather [hbm4b:s3+s2], $0x80, v4, vm0, $0xb8;
	[tilespmem:$0x4080] =	vst v63  }
0x37: {  	_ = 	snop  }
0x38: {  	[tilespmem:s15], [sflag:$0x1] =	stream.indirect_vreg.gather [hbm4b:s3+s2], $0x80, v3, vm0, $0xb8;
	[tilespmem:$0x4080] =	vst v63  }
0x39: {  	_ =	swait.ge [sflag:s16], $0x4000  }
0x3a: {  	p0 =	sne.s32 s6, $0x1;
	[sflag:s16] =	ssyncset.done $0x0  }
.Ltmp0:
0x3b: {  	[sflag:s16] =	ssyncadd.s32 $0xFFFFC000;
	(pc) =	sbr.rel @p0 .LBB2_1-.Ltmp0, $4  }
0x3c: {  	[hbm4b:s5+s2] =	stream.linear.scatter [tilespmem:s8], [sflag:$0x2], $0x4000, $0x38;
	[tilespmem:$0x4080] =	vst v63  }
0x3d: {  	_ =	swait.ge [sflag:s7], $0x4000  }
0x3e: {  	[sflag:s7] =	ssyncset.done $0x0  }
0x3f: {  	s6 =	sadd.s32 $0xFFFFFFFF, s6;
	[sflag:s7] =	ssyncadd.s32 $0xFFFFC000  }
0x40: {  	_ =	sfence.sel $0x180000  }
0x41: {  	[bflag:$0x0] =	sbarrier.arrive $0xFFFF  }
0x42: {  	p0 =	sne.s32 s1, $0x0;
	_ =	strace $0x90000050  }
0x43: {  	s0 =	sadd.s32 @!p0 $0x100000, s0;
	[bflag:$0x2] =	sbarrier.arrive $0xFFFF  }
0x44: {  	[sflag:s0] =	ssyncadd.tile.s32 @!p0 $0x1;
	_ =	shalt  }
.Lfunc_end2:
_tile_overlayer_lowered:
.L_overlay_start_2:
0x45: {  	(tag) =	ssettag $0x2  }
0x46: {  	s0 =	rddreg [dreg:$0x0];
	s2 =	stileid.u32  }
0x47: {  	s1 =	rddreg [dreg:$0x1];
	p0 =	sne.s32 s2, $0x0  }
0x48: {  	s3 =	rddreg [dreg:$0x2];
	[bflag:$0x3] =	sbarrier.arrive $0xFFFF;
	s2 =	simm.s32 @!p0 $0x1C02  }
0x49: {  	[timem:s3], [sflag:s2] =	dma.local @!p0 [hbm:s0], s1  }
0x4a: {  	s0 =	simm.s32 @!p0 $0x2  }
0x4b: {  	_ =	swait.ge @!p0 [sflag:s0], s1  }
0x4c: {  	s1 =	ssub.s32 @!p0 $0x0, s1;
	[sflag:s0] =	ssyncset.done @!p0 $0x0  }
0x4d: {  	[sflag:s0] =	ssyncadd.s32 @!p0 s1  }
0x4e: {  	[bflag:$0x3] =	sbarrier.arrive $0xFFFF  }
0x4f: {  	_ =	shalt  }

// kernel: kernel.8.cloned.1.call-start
scs
__scs_entry_jumppad:
0x0: {  	(pc) =	sbr.rel $0x88, $3  }
0x1: {  	(tag) =	ssettag $0x0;
	lr =	simm.s32 $0x1  }
0x2: {  	[smem:$0x3F96] =	sst lr;
	_ =	strace $0xD0000000  }
0x3: {  	_ = 	snop  }
0x4: {  	_ = 	snop  }
0x5: {  	_ = 	snop  }
0x6: {  	_ = 	snop  }
0x7: {  	_ = 	snop  }
__scs_overlays_trampoline_lowered:
0x8: {  	[smem:$0x3FA5] =	sst s0  }
0x9: {  	[smem:$0x3FA6] =	sst s1  }
0xa: {  	[smem:$0x3FA7] =	sst s2  }
0xb: {  	[smem:$0x3FA8] =	sst s3  }
0xc: {  	[smem:$0x3FA9] =	sst s4  }
0xd: {  	[smem:$0x3FAA] =	sst s5  }
0xe: {  	[smem:$0x3FAB] =	sst s6  }
0xf: {  	[smem:$0x3FAC] =	sst s7  }
0x10: {  	[smem:$0x3FAD] =	sst s8  }
0x11: {  	[smem:$0x3FAE] =	sst s9;
	s0 =	simm.s32 @!p0 $0x0  }
0x12: {  	s1 =	sld [smem:$0x3F94];
	s0 =	simm.s32 @p0 $0x1  }
0x13: {  	[smem:$0x3FAF] =	sst s0;
	s0 =	simm.s32 @!p1 $0x0  }
0x14: {  	s2 =	sld [smem:$0x3F93];
	s0 =	simm.s32 @p1 $0x1  }
0x15: {  	[smem:$0x3FB0] =	sst s0;
	s0 =	simm.s32 @!p2 $0x0  }
0x16: {  	s3 =	sld [smem:$0x3FDB];
	s0 =	simm.s32 @p2 $0x1  }
0x17: {  	s4 =	simm.s32 $0x1BF5;
	[smem:$0x3FB2] =	sst s0  }
0x18: {  	s0 =	sld [smem:$0x3F95];
	_ =	swait.ge [sflag:s4], $0x0  }
0x19: {  	s7 =	sld [smem:$0x3F96]  }
0x1a: {  	s8 =	sadd.s32 $0xFFFFE003, lr  }
0x1b: {  	s9 =	sadd.s32 $0xFFFFFEF7, lr;
	s5 =	simm.s32 $0xFFFFFFFF;
	p2 =	slt.u32 s8, $0xFFFFF086  }
0x1c: {  	p1 =	slt.u32 s9, $0xF7A;
	s5 =	simm.s32 @!p2 $0x0  }
0x1d: {  	s5 =	simm.s32 @p1 $0x1;
	p0 =	seq.s32 s7, s2  }
0x1e: {  	s7 =	smul.u32 @!p0 $0xF7A, s2;
	p2 =	seq.s32 @!p0 s5, $0x0  }
0x1f: {  	s9 =	smul.u32 $0xF7A, s1;
	s8 =	simm.s32 @!p0 $0x1BF5;
	p2 =	por !p2, p0  }
0x20: {  	[sflag:s8] =	ssyncset.s32 @!p0 $0xFFFFF086;
	s6 =	sadd.s32 @!p0 s3, s7;
	s7 =	simm.s32 @!p0 $0x108  }
0x21: {  	s3 =	sadd.s32 s3, s9;
	s6 =	sadd.s32 @!p0 $0x88, s6;
	s7 =	simm.s32 @p2 $0x1082  }
0x22: {  	[simem:s7], [sflag:s8] =	dma.local @!p0 [hbm:s6], $0xF7A  }
0x23: {  	s9 =	sor.u32 $0xD0000000, s2;
	s6 =	simm.s32 $0x108;
	_ =	swait.ge @!p0 [sflag:s8], $0x0  }
0x24: {  	s3 =	sadd.s32 $0x88, s3;
	s6 =	simm.s32 @!p1 $0x1082;
	[sflag:s4] =	ssyncset.s32 $0xFFFFF086  }
0x25: {  	[simem:s6], [sflag:s4] =	dma.local [hbm:s3], $0xF7A  }
0x26: {  	[smem:$0x3F96] =	sst s1;
	(tag) =	ssettag s2;
	_ =	strace s9  }
0x27: {  	s1 =	sld [smem:$0x3FA6]  }
0x28: {  	s2 =	sld [smem:$0x3FA7]  }
0x29: {  	s4 =	sld [smem:$0x3FA9]  }
0x2a: {  	p0 =	seq.s32 s5, $0x0;
	s5 =	sld [smem:$0x3FAA]  }
0x2b: {  	s6 =	sld [smem:$0x3FAB]  }
0x2c: {  	s7 =	sld [smem:$0x3FAC]  }
0x2d: {  	s3 =	simm.s32 $0x108;
	s8 =	sld [smem:$0x3FAD]  }
0x2e: {  	s3 =	simm.s32 @!p0 $0x1082;
	s9 =	sld [smem:$0x3FAE]  }
0x2f: {  	lr =	sadd.s32 s0, s3;
	s0 =	sld [smem:$0x3FA5]  }
0x30: {  	s3 =	sld [smem:$0x3FA8]  }
0x31: {  	[smem:$0x3FB1] =	sst s10  }
0x32: {  	s10 =	sld [smem:$0x3FAF];
	_ =	sdelay $0x3  }
0x33: {  	p0 =	seq.s32 s10, $0x1;
	s10 =	sld [smem:$0x3FB1];
	_ =	sdelay $0x3  }
0x34: {  	[smem:$0x3FB1] =	sst s10  }
0x35: {  	s10 =	sld [smem:$0x3FB0];
	_ =	sdelay $0x3  }
0x36: {  	p1 =	seq.s32 s10, $0x1;
	s10 =	sld [smem:$0x3FB1];
	_ =	sdelay $0x3  }
0x37: {  	[smem:$0x3FB1] =	sst s10  }
0x38: {  	s10 =	sld [smem:$0x3FB2]  }
0x39: {  	_ = 	snop;
	(pc) =	sbr.ind lr, $3  }
0x3a: {  	_ = 	snop  }
0x3b: {  	_ = 	snop  }
0x3c: {  	p2 =	seq.s32 s10, $0x1;
	s10 =	sld [smem:$0x3FB1]  }
0x3d: {  	_ =	shalt  }
0x3e: {  	_ =	shalt  }
0x3f: {  	_ =	shalt  }
0x40: {  	_ =	shalt  }
0x41: {  	_ =	shalt  }
0x42: {  	_ =	shalt  }
0x43: {  	_ =	shalt  }
0x44: {  	_ =	shalt  }
0x45: {  	_ =	shalt  }
0x46: {  	_ =	shalt  }
0x47: {  	_ =	shalt  }
0x48: {  	_ =	shalt  }
0x49: {  	_ =	shalt  }
0x4a: {  	_ =	shalt  }
0x4b: {  	_ =	shalt  }
0x4c: {  	_ =	shalt  }
0x4d: {  	_ =	shalt  }
0x4e: {  	_ =	shalt  }
0x4f: {  	_ =	shalt  }
0x50: {  	_ =	shalt  }
0x51: {  	_ =	shalt  }
0x52: {  	_ =	shalt  }
0x53: {  	_ =	shalt  }
0x54: {  	_ =	shalt  }
0x55: {  	_ =	shalt  }
0x56: {  	_ =	shalt  }
0x57: {  	_ =	shalt  }
0x58: {  	_ =	shalt  }
0x59: {  	_ =	shalt  }
0x5a: {  	_ =	shalt  }
0x5b: {  	_ =	shalt  }
0x5c: {  	_ =	shalt  }
0x5d: {  	_ =	shalt  }
0x5e: {  	_ =	shalt  }
0x5f: {  	_ =	shalt  }
0x60: {  	_ =	shalt  }
0x61: {  	_ =	shalt  }
0x62: {  	_ =	shalt  }
0x63: {  	_ =	shalt  }
0x64: {  	_ =	shalt  }
0x65: {  	_ =	shalt  }
0x66: {  	_ =	shalt  }
0x67: {  	_ =	shalt  }
0x68: {  	_ =	shalt  }
0x69: {  	_ =	shalt  }
0x6a: {  	_ =	shalt  }
0x6b: {  	_ =	shalt  }
0x6c: {  	_ =	shalt  }
0x6d: {  	_ =	shalt  }
0x6e: {  	_ =	shalt  }
0x6f: {  	_ =	shalt  }
0x70: {  	_ =	shalt  }
0x71: {  	_ =	shalt  }
0x72: {  	_ =	shalt  }
0x73: {  	_ =	shalt  }
0x74: {  	_ =	shalt  }
0x75: {  	_ =	shalt  }
0x76: {  	_ =	shalt  }
0x77: {  	_ =	shalt  }
0x78: {  	_ =	shalt  }
0x79: {  	_ =	shalt  }
0x7a: {  	_ =	shalt  }
0x7b: {  	_ =	shalt  }
0x7c: {  	_ =	shalt  }
0x7d: {  	_ =	shalt  }
0x7e: {  	_ =	shalt  }
0x7f: {  	_ =	shalt  }
0x80: {  	_ =	shalt  }
0x81: {  	_ =	shalt  }
0x82: {  	_ =	shalt  }
0x83: {  	_ =	shalt  }
0x84: {  	_ =	shalt  }
0x85: {  	_ =	shalt  }
0x86: {  	_ =	shalt  }
0x87: {  	_ =	shalt  }
.Lfunc_end0:
.L_simem_size_0:
called_computation.3_lowered:
.L_overlay_start_0:
0x88: {  	s2 =	sld [smem:$0x3FD9]  }
0x89: {  	s3 =	sld [smem:$0x3FFE];
	_ =	sdelay $0x1  }
0x8a: {  	s1 =	srdreg.scid  }
0x8b: {  	s0 =	sand.u32 $0x1, s1  }
0x8c: {  	s17 =	sshll.u32 s0, $0xA;
	s2 =	sadd.s32 s3, s2  }
0x8d: {  	s2 =	sadd.s32 s2, s17  }
0x8e: {  	[smem:$0x3FBD] =	sst s2  }
0x8f: {  	_ = 	snop  }
0x90: {  	s2 =	sld [smem:$0x3FD0];
	(tm) =	ssettm $0x1  }
0x91: {  	s18 =	sld [smem:$0x3FFB];
	_ =	sdelay $0x3  }
0x92: {  	_ =	strace s18  }
0x93: {  	s3 =	sld [smem:$0x3FFC];
	_ =	sdelay $0x3  }
0x94: {  	_ =	strace s3  }
0x95: {  	s3 =	sld [smem:$0x3FFD];
	_ =	sdelay $0x3  }
0x96: {  	_ =	strace s3  }
0x97: {  	_ =	strace $0x8FFFFFFF  }
0x98: {  	s19 =	sld [smem:$0x3FDB];
	_ =	sdelay $0x1  }
0x99: {  	s4 =	simm.s32 $_scs_section_size  }
0x9a: {  	s5 =	simm.s32 $_size__tile_overlayer_lowered;
	s6 =	simm.s32 $_tile_overlayer_lowered  }
0x9b: {  	s22 =	simm.s32 $0x1BFF;
	s21 =	sshll.u32 s6, $0x1;
	s3 =	sadd.s32 s4, s19  }
0x9c: {  	s7 =	simm.s32 $0x0;
	s20 =	sshll.u32 s5, $0x1;
	s5 =	sadd.s32 s21, s3  }
0x9d: {  	[timem:s7], [sflag:s22] =	dma.local [hbm:s5], s20  }
0x9e: {  	_ =	swait.ge [sflag:s22], s20  }
0x9f: {  	s4 =	ssub.s32 $0x0, s20;
	[sflag:s22] =	ssyncset.done $0x0  }
0xa0: {  	[sflag:s22] =	ssyncadd.s32 s4;
	_ =	sdelay $0x1  }
0xa1: {  	s23 =	simm.s32 $0x1B8B  }
0xa2: {  	_ =	swait.ge [sflag:s23], $0x1  }
0xa3: {  	[sflag:s23] =	ssyncset.done $0x0  }
0xa4: {  	s25 =	simm.s32 $0x1B8E;
	s24 =	sld [smem:$0x3FFE];
	[sflag:s23] =	ssyncadd.s32 $0xFFFFFFFF  }
0xa5: {  	s26 =	simm.s32 $execute0_lowered;
	[smem:$0x3FD2] =	sst s25  }
0xa6: {  	s5 =	sshll.u32 s26, $0x1;
	_ =	strace $0x8000004C;
	[dreg:$0x1] =	wrdreg $0xFFFFFFFF  }
0xa7: {  	s28 =	simm.s32 $_size_execute0_lowered;
	s3 =	sadd.s32 s3, s5;
	[dreg:$0x0] =	wrdreg $0x0  }
0xa8: {  	s5 =	sshll.u32 s28, $0x1;
	[dreg:$0x2] =	wrdreg s3  }
0xa9: {  	[dreg:$0x3] =	wrdreg s5  }
0xaa: {  	[dreg:$0x4] =	wrdreg $0xC0  }
0xab: {  	_ =	task [dreg:s7], $0x5FFFF  }
0xac: {  	[dreg:$0x1] =	wrdreg $0xFFFFFFFF  }
0xad: {  	[dreg:$0x0] =	wrdreg $0x60  }
0xae: {  	[dreg:$0x2] =	wrdreg s24  }
0xaf: {  	[dreg:$0x3] =	wrdreg s2  }
0xb0: {  	[dreg:$0x4] =	wrdreg $0x9  }
0xb1: {  	_ =	task.clear_ibuf [dreg:s7], $0x5FFFF;
	_ =	strace $0x9000004C  }
0xb2: {  	s29 =	simm.s32 $0x9;
	_ =	strace $0x8000004E  }
0xb3: {  	_ =	swait.ge [sflag:s29], $0x1  }
0xb4: {  	[sflag:s29] =	ssyncadd.s32 $0xFFFFFFFF  }
0xb5: {  	_ =	strace $0x9000004E  }
0xb6: {  	_ =	sfence  }
0xb7: {  	s30 =	sld [smem:$0x0];
	_ =	sdelay $0x2  }
0xb8: {  	s31 =	sshll.u32 s1, $0xD;
	s1 =	sshrl.u32 s1, $0x2  }
0xb9: {  	s3 =	sand.u32 $0x4000, s31;
	s1 =	sadd.s32 s1, s30  }
0xba: {  	s0 =	sor.u32 s3, s0;
	s1 =	sshll.u32 s1, $0x11  }
0xbb: {  	s0 =	sor.u32 s1, s0  }
0xbc: {  	s0 =	sadd.s32 $0x8F2B, s0  }
0xbd: {  	[sflag:s0] =	ssyncadd.remote.s32 $0x1  }
0xbe: {  	_ =	sfence.sel $0xFFFF  }
0xbf: {  	[dreg:$0x0] =	wrdreg $0xFFFFFFFF;
	(pc) =	sbr.abs _section_cstart, $3  }
0xc0: {  	[dreg:$0x1] =	wrdreg $0xFFFFFFFF  }
0xc1: {  	_ =	task.clear_ibuf [dreg:s7], $0x2FFFF;
	_ =	strace $0x9FFFFFFF  }
0xc2: {  	(tm) =	ssettm $0x7FFFFFFF  }
0xc3: {  	_ =	shalt  }
tec
execute0_lowered:
.L_overlay_start_1:
0x0: {  	(tag) =	ssettag $0x1  }
0x1: {  	s3 =	rddreg [dreg:$0x0]  }
0x2: {  	s4 =	rddreg [dreg:$0x1]  }
0x3: {  	s0 =	rddreg [dreg:$0x2]  }
0x4: {  	s5 =	srdreg.scid;
	s1 =	stileid.u32;
	s2 =	simm.s32 $0x0  }
0x5: {  	s11 =	simm.s32 $0x900;
	s12 =	simm.s32 $0x1100;
	s13 =	simm.s32 $0x1900  }
0x6: {  	s14 =	simm.s32 $0x2100;
	s5 =	sand.u32 $0x1, s5;
	s6 =	sshll.u32 s1, $0x1  }
0x7: {  	s15 =	simm.s32 $0x2900;
	s16 =	simm.s32 $0x3100;
	s6 =	sor.u32 s5, s6  }
0x8: {  	s17 =	simm.s32 $0x3900;
	s18 =	simm.s32 $0x1;
	s7 =	smul.u32 $0xC000, s6  }
0x9: {  	[smem:$0x7FF] =	sst s2;
	s5 =	ssub.s32 $0x2, s5;
	s9 =	smul.u32 $0x18, s6  }
0xa: {  	s8 =	sadd.s32 $0x251A00, s3;
	s10 =	sshrl.u32 s5, $0x1;
	s6 =	smul.u32 $0x1800, s6  }
0xb: {  	s3 =	sadd.s32 $0x241800, s3;
	_ =	strace $0x8000004D;
	s10 =	ssub.s32 s5, s10  }
0xc: {  	v2 =	vlaneseq.u32;
	s7 =	sshrl.u32 s7, $0x3;
	s4 =	sadd.s32 s4, s9;
	s5 =	sadd.s32 s8, s6  }
0xd: {  	vm0 =	vmmov $0xffff;
	v1 =	vshrl.u32 v2, $0x3;
	s9 =	simm.s32 $0x2;
	s7 =	sadd.s32 s8, s7;
	s8 =	smax.u32 s10, $0x1  }
0xe: {  	v0 =	vand.u32 $0x7, v2;
	v2 =	vor.u32 $0x8, v2;
	v1 =	vmul.u32 $0x8, v1;
	s10 =	simm.s32 $0x100;
	s6 =	sadd.s32 $0x800, s7;
	s7 =	sadd.s32 $0x1000, s7  }
.LBB2_1:
0xf: {  	[tilespmem:s2], [sflag:$0x2] =	stream.linear.gather [hbm4b:s4+s2], $0xC0, $0x38;
	[tilespmem:$0x4100] =	vst v63  }
0x10: {  	_ =	swait.ge [sflag:s9], $0xC0  }
0x11: {  	[sflag:s9] =	ssyncset.done $0x0  }
0x12: {  	[sflag:s9] =	ssyncadd.s32 $0xFFFFFF40  }
0x13: {  	v3 =	vld [tilespmem:$0x0];
	_ =	sdelay $0x4  }
0x14: {  	v4 =	vshll.u32 v3, $0x1  }
0x15: {  	v3 =	vand.u32 $0x7, v3;
	v4 =	vand.u32 $0xFFFFFFF0, v4  }
0x16: {  	v3 =	vor.u32 v3, v4  }
0x17: {  	v4 =	vperm.xlane v3, v0;
	_ =	sdelay $0x1  }
0x18: {  	v3 =	vperm.xlane v3, v2;
	v4 =	vadd.s32 v1, v4;
	_ =	sdelay $0x1  }
0x19: {  	v3 =	vadd.s32 v1, v3;
	_ =	sdelay $0x2  }
0x1a: {  	[tilespmem:s10], [sflag:$0x1] =	stream.indirect_vreg.gather [hbm4b:s3+s2], $0x80, v4, vm0, $0xb8;
	[tilespmem:$0x4100] =	vst v63  }
0x1b: {  	_ = 	snop  }
0x1c: {  	[tilespmem:s11], [sflag:$0x1] =	stream.indirect_vreg.gather [hbm4b:s3+s2], $0x80, v3, vm0, $0xb8;
	[tilespmem:$0x4100] =	vst v63  }
0x1d: {  	v3 =	vld [tilespmem:$0x10];
	_ =	sdelay $0x4  }
0x1e: {  	v53 =	vshll.u32 v3, $0x1  }
0x1f: {  	v3 =	vand.u32 $0x7, v3;
	v4 =	vand.u32 $0xFFFFFFF0, v53  }
0x20: {  	v3 =	vor.u32 v3, v4  }
0x21: {  	v4 =	vperm.xlane v3, v0;
	_ =	sdelay $0x1  }
0x22: {  	v3 =	vperm.xlane v3, v2;
	v4 =	vadd.s32 v1, v4;
	_ =	sdelay $0x1  }
0x23: {  	v3 =	vadd.s32 v1, v3;
	_ =	sdelay $0x2  }
0x24: {  	[tilespmem:s12], [sflag:$0x1] =	stream.indirect_vreg.gather [hbm4b:s3+s2], $0x80, v4, vm0, $0xb8;
	[tilespmem:$0x4100] =	vst v63  }
0x25: {  	_ = 	snop  }
0x26: {  	[tilespmem:s13], [sflag:$0x1] =	stream.indirect_vreg.gather [hbm4b:s3+s2], $0x80, v3, vm0, $0xb8;
	[tilespmem:$0x4100] =	vst v63  }
0x27: {  	v3 =	vld [tilespmem:$0x20];
	_ =	sdelay $0x4  }
0x28: {  	v54 =	vshll.u32 v3, $0x1  }
0x29: {  	v3 =	vand.u32 $0x7, v3;
	v4 =	vand.u32 $0xFFFFFFF0, v54  }
0x2a: {  	v3 =	vor.u32 v3, v4  }
0x2b: {  	v4 =	vperm.xlane v3, v0;
	_ =	sdelay $0x1  }
0x2c: {  	v3 =	vperm.xlane v3, v2;
	v4 =	vadd.s32 v1, v4;
	_ =	sdelay $0x1  }
0x2d: {  	v3 =	vadd.s32 v1, v3;
	_ =	sdelay $0x2  }
0x2e: {  	[tilespmem:s14], [sflag:$0x1] =	stream.indirect_vreg.gather [hbm4b:s3+s2], $0x80, v4, vm0, $0xb8;
	[tilespmem:$0x4100] =	vst v63  }
0x2f: {  	_ = 	snop  }
0x30: {  	[tilespmem:s15], [sflag:$0x1] =	stream.indirect_vreg.gather [hbm4b:s3+s2], $0x80, v3, vm0, $0xb8;
	[tilespmem:$0x4100] =	vst v63  }
0x31: {  	v3 =	vld [tilespmem:$0x30];
	_ =	sdelay $0x4  }
0x32: {  	v55 =	vshll.u32 v3, $0x1  }
0x33: {  	v3 =	vand.u32 $0x7, v3;
	v4 =	vand.u32 $0xFFFFFFF0, v55  }
0x34: {  	v3 =	vor.u32 v3, v4  }
0x35: {  	v4 =	vperm.xlane v3, v0;
	_ =	sdelay $0x1  }
0x36: {  	v3 =	vperm.xlane v3, v2;
	v4 =	vadd.s32 v1, v4;
	_ =	sdelay $0x1  }
0x37: {  	v3 =	vadd.s32 v1, v3;
	_ =	sdelay $0x2  }
0x38: {  	[tilespmem:s16], [sflag:$0x1] =	stream.indirect_vreg.gather [hbm4b:s3+s2], $0x80, v4, vm0, $0xb8;
	[tilespmem:$0x4100] =	vst v63  }
0x39: {  	_ = 	snop  }
0x3a: {  	[tilespmem:s17], [sflag:$0x1] =	stream.indirect_vreg.gather [hbm4b:s3+s2], $0x80, v3, vm0, $0xb8;
	[tilespmem:$0x4100] =	vst v63  }
0x3b: {  	_ =	swait.ge [sflag:s18], $0x4000  }
0x3c: {  	[sflag:s18] =	ssyncset.done $0x0  }
0x3d: {  	[sflag:s18] =	ssyncadd.s32 $0xFFFFC000  }
0x3e: {  	[hbm4b:s5+s2] =	stream.linear.scatter [tilespmem:s10], [sflag:$0x2], $0x4000, $0x38;
	[tilespmem:$0x4100] =	vst v63  }
0x3f: {  	_ =	swait.ge [sflag:s9], $0x4000  }
0x40: {  	[sflag:s9] =	ssyncset.done $0x0  }
0x41: {  	[sflag:s9] =	ssyncadd.s32 $0xFFFFC000  }
0x42: {  	v3 =	vld [tilespmem:$0x40];
	_ =	sdelay $0x4  }
0x43: {  	v56 =	vshll.u32 v3, $0x1  }
0x44: {  	v3 =	vand.u32 $0x7, v3;
	v4 =	vand.u32 $0xFFFFFFF0, v56  }
0x45: {  	v3 =	vor.u32 v3, v4  }
0x46: {  	v4 =	vperm.xlane v3, v0;
	_ =	sdelay $0x1  }
0x47: {  	v3 =	vperm.xlane v3, v2;
	v4 =	vadd.s32 v1, v4;
	_ =	sdelay $0x1  }
0x48: {  	v3 =	vadd.s32 v1, v3;
	_ =	sdelay $0x2  }
0x49: {  	[tilespmem:s10], [sflag:$0x1] =	stream.indirect_vreg.gather [hbm4b:s3+s2], $0x80, v4, vm0, $0xb8;
	[tilespmem:$0x4100] =	vst v63  }
0x4a: {  	_ = 	snop  }
0x4b: {  	[tilespmem:s11], [sflag:$0x1] =	stream.indirect_vreg.gather [hbm4b:s3+s2], $0x80, v3, vm0, $0xb8;
	[tilespmem:$0x4100] =	vst v63  }
0x4c: {  	v3 =	vld [tilespmem:$0x50];
	_ =	sdelay $0x4  }
0x4d: {  	v57 =	vshll.u32 v3, $0x1  }
0x4e: {  	v3 =	vand.u32 $0x7, v3;
	v4 =	vand.u32 $0xFFFFFFF0, v57  }
0x4f: {  	v3 =	vor.u32 v3, v4  }
0x50: {  	v4 =	vperm.xlane v3, v0;
	_ =	sdelay $0x1  }
0x51: {  	v3 =	vperm.xlane v3, v2;
	v4 =	vadd.s32 v1, v4;
	_ =	sdelay $0x1  }
0x52: {  	v3 =	vadd.s32 v1, v3;
	_ =	sdelay $0x2  }
0x53: {  	[tilespmem:s12], [sflag:$0x1] =	stream.indirect_vreg.gather [hbm4b:s3+s2], $0x80, v4, vm0, $0xb8;
	[tilespmem:$0x4100] =	vst v63  }
0x54: {  	_ = 	snop  }
0x55: {  	[tilespmem:s13], [sflag:$0x1] =	stream.indirect_vreg.gather [hbm4b:s3+s2], $0x80, v3, vm0, $0xb8;
	[tilespmem:$0x4100] =	vst v63  }
0x56: {  	v3 =	vld [tilespmem:$0x60];
	_ =	sdelay $0x4  }
0x57: {  	v58 =	vshll.u32 v3, $0x1  }
0x58: {  	v3 =	vand.u32 $0x7, v3;
	v4 =	vand.u32 $0xFFFFFFF0, v58  }
0x59: {  	v3 =	vor.u32 v3, v4  }
0x5a: {  	v4 =	vperm.xlane v3, v0;
	_ =	sdelay $0x1  }
0x5b: {  	v3 =	vperm.xlane v3, v2;
	v4 =	vadd.s32 v1, v4;
	_ =	sdelay $0x1  }
0x5c: {  	v3 =	vadd.s32 v1, v3;
	_ =	sdelay $0x2  }
0x5d: {  	[tilespmem:s14], [sflag:$0x1] =	stream.indirect_vreg.gather [hbm4b:s3+s2], $0x80, v4, vm0, $0xb8;
	[tilespmem:$0x4100] =	vst v63  }
0x5e: {  	_ = 	snop  }
0x5f: {  	[tilespmem:s15], [sflag:$0x1] =	stream.indirect_vreg.gather [hbm4b:s3+s2], $0x80, v3, vm0, $0xb8;
	[tilespmem:$0x4100] =	vst v63  }
0x60: {  	v3 =	vld [tilespmem:$0x70];
	_ =	sdelay $0x4  }
0x61: {  	v59 =	vshll.u32 v3, $0x1  }
0x62: {  	v3 =	vand.u32 $0x7, v3;
	v4 =	vand.u32 $0xFFFFFFF0, v59  }
0x63: {  	v3 =	vor.u32 v3, v4  }
0x64: {  	v4 =	vperm.xlane v3, v0;
	_ =	sdelay $0x1  }
0x65: {  	v3 =	vperm.xlane v3, v2;
	v4 =	vadd.s32 v1, v4;
	_ =	sdelay $0x1  }
0x66: {  	v3 =	vadd.s32 v1, v3;
	_ =	sdelay $0x2  }
0x67: {  	[tilespmem:s16], [sflag:$0x1] =	stream.indirect_vreg.gather [hbm4b:s3+s2], $0x80, v4, vm0, $0xb8;
	[tilespmem:$0x4100] =	vst v63  }
0x68: {  	_ = 	snop  }
0x69: {  	[tilespmem:s17], [sflag:$0x1] =	stream.indirect_vreg.gather [hbm4b:s3+s2], $0x80, v3, vm0, $0xb8;
	[tilespmem:$0x4100] =	vst v63  }
0x6a: {  	_ =	swait.ge [sflag:s18], $0x4000  }
0x6b: {  	[sflag:s18] =	ssyncset.done $0x0  }
0x6c: {  	[sflag:s18] =	ssyncadd.s32 $0xFFFFC000  }
0x6d: {  	[hbm4b:s6+s2] =	stream.linear.scatter [tilespmem:s10], [sflag:$0x2], $0x4000, $0x38;
	[tilespmem:$0x4100] =	vst v63  }
0x6e: {  	_ =	swait.ge [sflag:s9], $0x4000  }
0x6f: {  	[sflag:s9] =	ssyncset.done $0x0  }
0x70: {  	[sflag:s9] =	ssyncadd.s32 $0xFFFFC000  }
0x71: {  	v3 =	vld [tilespmem:$0x80];
	_ =	sdelay $0x4  }
0x72: {  	v60 =	vshll.u32 v3, $0x1  }
0x73: {  	v3 =	vand.u32 $0x7, v3;
	v4 =	vand.u32 $0xFFFFFFF0, v60  }
0x74: {  	v3 =	vor.u32 v3, v4  }
0x75: {  	v4 =	vperm.xlane v3, v0;
	_ =	sdelay $0x1  }
0x76: {  	v3 =	vperm.xlane v3, v2;
	v4 =	vadd.s32 v1, v4;
	_ =	sdelay $0x1  }
0x77: {  	v3 =	vadd.s32 v1, v3;
	_ =	sdelay $0x2  }
0x78: {  	[tilespmem:s10], [sflag:$0x1] =	stream.indirect_vreg.gather [hbm4b:s3+s2], $0x80, v4, vm0, $0xb8;
	[tilespmem:$0x4100] =	vst v63  }
0x79: {  	_ = 	snop  }
0x7a: {  	[tilespmem:s11], [sflag:$0x1] =	stream.indirect_vreg.gather [hbm4b:s3+s2], $0x80, v3, vm0, $0xb8;
	[tilespmem:$0x4100] =	vst v63  }
0x7b: {  	v3 =	vld [tilespmem:$0x90];
	_ =	sdelay $0x4  }
0x7c: {  	v61 =	vshll.u32 v3, $0x1  }
0x7d: {  	v3 =	vand.u32 $0x7, v3;
	v4 =	vand.u32 $0xFFFFFFF0, v61  }
0x7e: {  	v3 =	vor.u32 v3, v4  }
0x7f: {  	v4 =	vperm.xlane v3, v0;
	_ =	sdelay $0x1  }
0x80: {  	v3 =	vperm.xlane v3, v2;
	v4 =	vadd.s32 v1, v4;
	_ =	sdelay $0x1  }
0x81: {  	v3 =	vadd.s32 v1, v3;
	_ =	sdelay $0x2  }
0x82: {  	[tilespmem:s12], [sflag:$0x1] =	stream.indirect_vreg.gather [hbm4b:s3+s2], $0x80, v4, vm0, $0xb8;
	[tilespmem:$0x4100] =	vst v63  }
0x83: {  	_ = 	snop  }
0x84: {  	[tilespmem:s13], [sflag:$0x1] =	stream.indirect_vreg.gather [hbm4b:s3+s2], $0x80, v3, vm0, $0xb8;
	[tilespmem:$0x4100] =	vst v63  }
0x85: {  	v3 =	vld [tilespmem:$0xA0];
	_ =	sdelay $0x4  }
0x86: {  	v62 =	vshll.u32 v3, $0x1  }
0x87: {  	v3 =	vand.u32 $0x7, v3;
	v4 =	vand.u32 $0xFFFFFFF0, v62  }
0x88: {  	v3 =	vor.u32 v3, v4  }
0x89: {  	v4 =	vperm.xlane v3, v0;
	_ =	sdelay $0x1  }
0x8a: {  	v3 =	vperm.xlane v3, v2;
	v4 =	vadd.s32 v1, v4;
	_ =	sdelay $0x1  }
0x8b: {  	v3 =	vadd.s32 v1, v3;
	_ =	sdelay $0x2  }
0x8c: {  	[tilespmem:s14], [sflag:$0x1] =	stream.indirect_vreg.gather [hbm4b:s3+s2], $0x80, v4, vm0, $0xb8;
	[tilespmem:$0x4100] =	vst v63  }
0x8d: {  	_ = 	snop  }
0x8e: {  	[tilespmem:s15], [sflag:$0x1] =	stream.indirect_vreg.gather [hbm4b:s3+s2], $0x80, v3, vm0, $0xb8;
	[tilespmem:$0x4100] =	vst v63  }
0x8f: {  	v3 =	vld [tilespmem:$0xB0];
	_ =	sdelay $0x4  }
0x90: {  	v63 =	vshll.u32 v3, $0x1  }
0x91: {  	v3 =	vand.u32 $0x7, v3;
	v4 =	vand.u32 $0xFFFFFFF0, v63  }
0x92: {  	v3 =	vor.u32 v3, v4  }
0x93: {  	v4 =	vperm.xlane v3, v0;
	_ =	sdelay $0x1  }
0x94: {  	v3 =	vperm.xlane v3, v2;
	v4 =	vadd.s32 v1, v4;
	_ =	sdelay $0x1  }
0x95: {  	v3 =	vadd.s32 v1, v3;
	_ =	sdelay $0x2  }
0x96: {  	[tilespmem:s16], [sflag:$0x1] =	stream.indirect_vreg.gather [hbm4b:s3+s2], $0x80, v4, vm0, $0xb8;
	[tilespmem:$0x4100] =	vst v63  }
0x97: {  	_ = 	snop  }
0x98: {  	[tilespmem:s17], [sflag:$0x1] =	stream.indirect_vreg.gather [hbm4b:s3+s2], $0x80, v3, vm0, $0xb8;
	[tilespmem:$0x4100] =	vst v63  }
0x99: {  	_ =	swait.ge [sflag:s18], $0x4000  }
0x9a: {  	p0 =	sne.s32 s8, $0x1;
	[sflag:s18] =	ssyncset.done $0x0  }
.Ltmp0:
0x9b: {  	[sflag:s18] =	ssyncadd.s32 $0xFFFFC000;
	(pc) =	sbr.rel @p0 .LBB2_1-.Ltmp0, $4  }
0x9c: {  	[hbm4b:s7+s2] =	stream.linear.scatter [tilespmem:s10], [sflag:$0x2], $0x4000, $0x38;
	[tilespmem:$0x4100] =	vst v63  }
0x9d: {  	_ =	swait.ge [sflag:s9], $0x4000  }
0x9e: {  	[sflag:s9] =	ssyncset.done $0x0  }
0x9f: {  	s8 =	sadd.s32 $0xFFFFFFFF, s8;
	[sflag:s9] =	ssyncadd.s32 $0xFFFFC000  }
0xa0: {  	_ =	sfence.sel $0x180000  }
0xa1: {  	[bflag:$0x0] =	sbarrier.arrive $0xFFFF  }
0xa2: {  	p0 =	sne.s32 s1, $0x0;
	_ =	strace $0x9000004D  }
0xa3: {  	s0 =	sadd.s32 @!p0 $0x100000, s0;
	[bflag:$0x2] =	sbarrier.arrive $0xFFFF  }
0xa4: {  	[sflag:s0] =	ssyncadd.tile.s32 @!p0 $0x1;
	_ =	shalt  }
.Lfunc_end2:
_tile_overlayer_lowered:
.L_overlay_start_2:
0xa5: {  	(tag) =	ssettag $0x2  }
0xa6: {  	s0 =	rddreg [dreg:$0x0];
	s2 =	stileid.u32  }
0xa7: {  	s1 =	rddreg [dreg:$0x1];
	p0 =	sne.s32 s2, $0x0  }
0xa8: {  	s3 =	rddreg [dreg:$0x2];
	[bflag:$0x3] =	sbarrier.arrive $0xFFFF;
	s2 =	simm.s32 @!p0 $0x1C02  }
0xa9: {  	[timem:s3], [sflag:s2] =	dma.local @!p0 [hbm:s0], s1  }
0xaa: {  	s0 =	simm.s32 @!p0 $0x2  }
0xab: {  	_ =	swait.ge @!p0 [sflag:s0], s1  }
0xac: {  	s1 =	ssub.s32 @!p0 $0x0, s1;
	[sflag:s0] =	ssyncset.done @!p0 $0x0  }
0xad: {  	[sflag:s0] =	ssyncadd.s32 @!p0 s1  }
0xae: {  	[bflag:$0x3] =	sbarrier.arrive $0xFFFF  }
0xaf: {  	_ =	shalt  }

// kernel: sparse-core-data-format-call.cloned.1.call-start
scs
called_computation_lowered:
.L_overlay_start_0:
0x0: {  	s2 =	sld [smem:$0x3FD9]  }
0x1: {  	s3 =	sld [smem:$0x3FFE];
	_ =	sdelay $0x1  }
0x2: {  	s1 =	srdreg.scid  }
0x3: {  	s0 =	sand.u32 $0x1, s1  }
0x4: {  	s18 =	sshll.u32 s0, $0xA;
	s2 =	sadd.s32 s3, s2  }
0x5: {  	s2 =	sadd.s32 s2, s18  }
0x6: {  	[smem:$0x3FBD] =	sst s2  }
0x7: {  	_ = 	snop  }
0x8: {  	s19 =	sld [smem:$0x3FC6];
	(tm) =	ssettm $0x1  }
0x9: {  	s20 =	sld [smem:$0x3FFB];
	_ =	sdelay $0x3  }
0xa: {  	_ =	strace s20  }
0xb: {  	s2 =	sld [smem:$0x3FFC];
	_ =	sdelay $0x3  }
0xc: {  	_ =	strace s2  }
0xd: {  	s2 =	sld [smem:$0x3FFD];
	_ =	sdelay $0x3  }
0xe: {  	_ =	strace s2  }
0xf: {  	_ =	strace $0x8FFFFFFF  }
0x10: {  	s21 =	sld [smem:$0x3FDB];
	_ =	sdelay $0x1  }
0x11: {  	s4 =	simm.s32 $_scs_section_size  }
0x12: {  	s5 =	simm.s32 $_size__tile_overlayer_lowered;
	s6 =	simm.s32 $_tile_overlayer_lowered  }
0x13: {  	s7 =	simm.s32 $0x1BFF;
	s22 =	sshll.u32 s6, $0x1;
	s4 =	sadd.s32 s4, s21  }
0x14: {  	s23 =	simm.s32 $0x0;
	s5 =	sshll.u32 s5, $0x1;
	s6 =	sadd.s32 s22, s4  }
0x15: {  	[timem:s23], [sflag:s7] =	dma.local [hbm:s6], s5  }
0x16: {  	_ =	swait.ge [sflag:s7], s5  }
0x17: {  	s5 =	ssub.s32 $0x0, s5;
	[sflag:s7] =	ssyncset.done $0x0  }
0x18: {  	[sflag:s7] =	ssyncadd.s32 s5;
	_ =	sdelay $0x1  }
0x19: {  	s24 =	simm.s32 $0x1B8B  }
0x1a: {  	_ =	swait.ge [sflag:s24], $0x1  }
0x1b: {  	[sflag:s24] =	ssyncset.done $0x0  }
0x1c: {  	[sflag:s24] =	ssyncadd.s32 $0xFFFFFFFF  }
0x1d: {  	s5 =	sld [smem:$0x0]  }
0x1e: {  	s6 =	sand.u32 $0xFFFFFFFE, s1  }
0x1f: {  	p0 =	sne.s32 s1, s6  }
0x20: {  	s6 =	sshll.u32 @p0 s6, $0xE  }
0x21: {  	s6 =	sadd.s32 @p0 $0x11B8D, s6;
	s7 =	sshll.u32 @p0 s5, $0x11  }
0x22: {  	s6 =	sor.u32 @p0 s7, s6  }
0x23: {  	[sflag:s6] =	ssyncadd.remote.s32 @p0 $0x1;
	_ =	sdelay $0x1  }
0x24: {  	s6 =	simm.s32 @p0 $0x1B8D  }
0x25: {  	_ =	swait.eq @p0 [sflag:s6], $0x1  }
0x26: {  	[sflag:s6] =	ssyncadd.s32 @p0 $0xFFFFFFFF  }
0x27: {  	s7 =	sshll.u32 @!p0 s1, $0xE  }
0x28: {  	s7 =	sor.u32 @!p0 $0x4000, s7;
	s6 =	simm.s32 @!p0 $0x1B8D  }
0x29: {  	s5 =	sshll.u32 @!p0 s5, $0x11;
	s7 =	sadd.s32 @!p0 $0x11B8D, s7;
	_ =	swait.eq @!p0 [sflag:s6], $0x1  }
0x2a: {  	s5 =	sor.u32 @!p0 s5, s7;
	[sflag:s6] =	ssyncadd.s32 @!p0 $0xFFFFFFFF  }
0x2b: {  	s26 =	simm.s32 $0x1B8E;
	s25 =	sld [smem:$0x3FFE];
	[sflag:s5] =	ssyncadd.remote.s32 @!p0 $0x1  }
0x2c: {  	s27 =	simm.s32 $execute0_lowered;
	[smem:$0x3FD2] =	sst s26  }
0x2d: {  	s6 =	sshll.u32 s27, $0x1;
	_ =	strace $0x80000049;
	[dreg:$0x1] =	wrdreg $0xFFFFFFFF  }
0x2e: {  	s28 =	simm.s32 $_size_execute0_lowered;
	s4 =	sadd.s32 s4, s6;
	[dreg:$0x0] =	wrdreg $0x0  }
0x2f: {  	s6 =	sshll.u32 s28, $0x1;
	[dreg:$0x2] =	wrdreg s4  }
0x30: {  	[dreg:$0x3] =	wrdreg s6  }
0x31: {  	[dreg:$0x4] =	wrdreg $0xC0  }
0x32: {  	_ =	task [dreg:s23], $0x5FFFF  }
0x33: {  	[dreg:$0x1] =	wrdreg $0xFFFFFFFF  }
0x34: {  	[dreg:$0x0] =	wrdreg $0x60  }
0x35: {  	[dreg:$0x2] =	wrdreg s19  }
0x36: {  	[dreg:$0x3] =	wrdreg s25  }
0x37: {  	[dreg:$0x4] =	wrdreg $0x9  }
0x38: {  	_ =	task.clear_ibuf [dreg:s23], $0x5FFFF;
	_ =	strace $0x90000049  }
0x39: {  	s29 =	simm.s32 $0x9;
	_ =	strace $0x8000004B  }
0x3a: {  	_ =	swait.ge [sflag:s29], $0x1  }
0x3b: {  	[sflag:s29] =	ssyncadd.s32 $0xFFFFFFFF  }
0x3c: {  	_ =	strace $0x9000004B  }
0x3d: {  	_ =	sfence  }
0x3e: {  	s30 =	sld [smem:$0x0];
	_ =	sdelay $0x2  }
0x3f: {  	s31 =	sshll.u32 s1, $0xD;
	s1 =	sshrl.u32 s1, $0x2  }
0x40: {  	s4 =	sand.u32 $0x4000, s31;
	s1 =	sadd.s32 s1, s30  }
0x41: {  	s0 =	sor.u32 s4, s0;
	s1 =	sshll.u32 s1, $0x11  }
0x42: {  	s0 =	sor.u32 s1, s0  }
0x43: {  	s0 =	sadd.s32 $0x8F2B, s0  }
0x44: {  	[sflag:s0] =	ssyncadd.remote.s32 $0x1  }
0x45: {  	_ =	sfence.sel $0xFFFF  }
0x46: {  	[dreg:$0x0] =	wrdreg $0xFFFFFFFF;
	(pc) =	sbr.abs _section_cstart, $3  }
0x47: {  	[dreg:$0x1] =	wrdreg $0xFFFFFFFF  }
0x48: {  	_ =	task.clear_ibuf [dreg:s23], $0x2FFFF;
	_ =	strace $0x9FFFFFFF  }
0x49: {  	(tm) =	ssettm $0x7FFFFFFF  }
tec
execute0_lowered:
.L_overlay_start_1:
0x0: {  	(tag) =	ssettag $0x1  }
0x1: {  	s2 =	rddreg [dreg:$0x0]  }
0x2: {  	s0 =	rddreg [dreg:$0x1]  }
0x3: {  	s1 =	stileid.u32;
	s4 =	srdreg.scid  }
0x4: {  	_ =	strace $0x8000004A;
	s8 =	simm.s32 $0x2;
	s15 =	simm.s32 $0x0  }
0x5: {  	p0 =	por $0x0, $0x0;
	s16 =	simm.s32 $0x0;
	s17 =	simm.s32 $0x0  }
0x6: {  	s11 =	simm.s32 $0x0;
	s14 =	simm.s32 $0x0;
	s3 =	sand.u32 $0x1, s1  }
0x7: {  	s23 =	simm.s32 $0x0;
	s4 =	sshll.u32 s4, $0x4;
	s5 =	ssub.s32 $0x2, s3  }
.Ltmp0:
0x8: {  	s6 =	sshrl.u32 s5, $0x1;
	s5 =	sand.u32 $0x1, s5;
	(pc) =	sbr.rel .LBB1_1-.Ltmp0, $4  }
0x9: {  	s4 =	sand.u32 $0x10, s4;
	s13 =	smov.u32 s3;
	s5 =	sadd.s32 s5, s6  }
0xa: {  	s7 =	sor.u32 s1, s4;
	s4 =	simm.s32 $0x1;
	s5 =	smul.u32 $0x24, s5  }
0xb: {  	[sflag:s4] =	ssyncpa.u1 $0x0;
	s6 =	sadd.s32 $0x1600, s0;
	s7 =	sshrl.u32 s7, $0x1  }
0xc: {  	[sflag:s8] =	ssyncpa.u1 $0x0;
	s12 =	smov.u32 s7;
	s8 =	sor.u32 $0x1, s5  }
.LBB1_7:
0xd: {  	s0 =	sadd.s32 $0x10, s11  }
0xe: {  	s1 =	sadd.s32 $0x10, s12;
	s9 =	smov.u32 s12;
	p2 =	sgt.s32 s0, $0x5F  }
0xf: {  	s9 =	smov.u32 @p2 s1  }
0x10: {  	s10 =	sadd.s32 $0x2, s13;
	s18 =	smov.u32 s13;
	p3 =	sgt.s32 s9, $0x5F  }
0x11: {  	s18 =	smov.u32 @p3 s10  }
0x12: {  	s0 =	simm.s32 @p2 $0x0;
	p2 =	sgt.s32 s18, $0x1  }
0x13: {  	p1 =	slt.u32 s14, $0x2;
	s18 =	smov.u32 @p2 s3;
	p2 =	sne.s32 s14, s8  }
.Ltmp1:
0x14: {  	s1 =	simm.s32 @!p1 $0x2;
	(pc) =	sbr.rel @!p2 .LBB1_8-.Ltmp1, $4  }
0x15: {  	s15 =	smov.u32 s11;
	s16 =	smov.u32 s12;
	_ =	swait.ge @!p1 [sflag:s1], $0x4000  }
0x16: {  	s17 =	smov.u32 s13;
	p0 =	por !p0, !p0;
	[sflag:s1] =	ssyncset.done @!p1 $0x0  }
0x17: {  	s11 =	smov.u32 s0;
	s9 =	smov.u32 @p3 s7;
	[sflag:s1] =	ssyncadd.s32 @!p1 $0xFFFFC000  }
0x18: {  	s12 =	smov.u32 s9;
	s14 =	sadd.s32 $0x1, s14;
	s13 =	smov.u32 s18  }
.LBB1_1:
0x19: {  	p1 =	sge.u32 s14, s5  }
0x1a: {  	s0 =	smul.u32 @!p1 $0x120000, s13  }
0x1b: {  	s18 =	smul.u32 @!p1 $0x3000, s12  }
0x1c: {  	s31 =	sadd.s32 $0xFFFFFFFF, s14;
	s19 =	sxor.u32 @!p1 $0xFFFFFFFF, s14;
	s0 =	sadd.s32 @!p1 s2, s0  }
0x1d: {  	s20 =	sshll.u32 @!p1 s11, $0x7;
	s19 =	sshll.u32 @!p1 s19, $0xE;
	s0 =	sadd.s32 @!p1 s18, s0  }
0x1e: {  	s18 =	sand.u32 @!p1 $0x4000, s19;
	s19 =	simm.s32 @!p1 $0x0;
	s0 =	sadd.s32 @!p1 s20, s0  }
0x1f: {  	[tilespmem:s18], [sflag:$0x1] =	stream.linear.gather @!p1 [hbm4b:s0+s19], $0x4000, $0x38;
	[tilespmem:$0x10000] =	vst v63  }
0x20: {  	p1 =	sge.u32 s31, s5  }
.Ltmp2:
0x21: {  	_ = 	snop;
	(pc) =	sbr.rel @p1 .LBB1_7-.Ltmp2, $1  }
0x22: {  	_ =	sdelay $0x3  }
0x23: {  	s0 =	simm.s32 $0x1;
	_ =	swait.ge [sflag:s4], $0x4000  }
0x24: {  	s18 =	sshll.u32 s14, $0xE;
	p1 =	por $0x0, $0x0;
	s24 =	simm.s32 $0x0  }
0x25: {  	s25 =	simm.s32 $0x0;
	s26 =	simm.s32 $0x0;
	s0 =	simm.s32 @!p0 $0x0  }
0x26: {  	[sflag:s4] =	ssyncset.done $0x0;
	s20 =	sand.u32 $0x4000, s18;
	s0 =	sshll.u32 s0, $0x10  }
0x27: {  	[sflag:s4] =	ssyncadd.s32 $0xFFFFC000;
	s18 =	sor.u32 $0x8000, s20;
	s0 =	sshrl.u32 s0, $0x2  }
0x28: {  	s19 =	sor.u32 $0x40, s0;
	s21 =	sor.u32 $0x8000, s0;
	s22 =	sadd.s32 $0x8470, s0  }
.LBB1_3:
0x29: {  	s0 =	sand.u32 $0x7, s24;
	s27 =	sshll.u32 s25, $0x2;
	v1 =	vld [tilespmem:s19+$0x200]  }
0x2a: {  	s28 =	simm.s32 $0x1;
	v2 =	vld [tilespmem:s19+$0x0];
	s27 =	sand.u32 $0xFFFFE000, s27;
	s0 =	sshll.u32 s0, $0x9  }
0x2b: {  	v4 =	vld [tilespmem:s19+$0x1D0];
	s28 =	simm.s32 @!p1 $0x0;
	s0 =	sor.u32 s0, s27  }
0x2c: {  	v6 =	vld [tilespmem:s19+$0x220];
	s28 =	sshll.u32 s28, $0x9;
	s27 =	sand.u32 $0xFFFFEC00, s0  }
0x2d: {  	v9 =	vld [tilespmem:s19+$0x230];
	s0 =	sshrl.u32 s0, $0x2;
	s27 =	sor.u32 s28, s27;
	s28 =	sshll.u32 s26, $0xA  }
0x2e: {  	v10 =	vld [tilespmem:s19+$0x210];
	v0 =	vmov s28;
	s28 =	sadd.s32 s0, s22  }
0x2f: {  	v7 =	vld [tilespmem:s19+$0x1E0];
	[tilespmem:s28+$0xFFFFFFD0] =	vst v1  }
0x30: {  	v5 =	vld [tilespmem:s19+$0x20];
	[tilespmem:s28+$0xFFFFFFA0] =	vst v4  }
0x31: {  	v3 =	vld [tilespmem:s19+$0x30];
	[tilespmem:s28+$0xFFFFFFF0] =	vst v6  }
0x32: {  	s10 =	sand.u32 $0x100, s23;
	v8 =	vld [tilespmem:s19+$0xFFFFFFC0];
	[tilespmem:s28+$0x0] =	vst v9  }
0x33: {  	s29 =	sand.u32 $0x80, s23;
	s27 =	sshrl.u32 s27, $0x2;
	s0 =	sadd.s32 s10, s20;
	v1 =	vld [tilespmem:s19+$0x1F0];
	[tilespmem:s28+$0xFFFFFFE0] =	vst v10  }
0x34: {  	s27 =	sadd.s32 s27, s21;
	s0 =	sadd.s32 s29, s0;
	v4 =	vld [tilespmem:s19+$0xFFFFFFF0];
	[tilespmem:s28+$0xFFFFFFB0] =	vst v7  }
0x35: {  	[tilespmem:s27+$0x60] =	vst v5;
	v5 =	vld.idx.msk [tilespmem:v0+s0+$0x200 ss:$0x1], $0xffff  }
0x36: {  	[tilespmem:s27+$0x40] =	vst v2;
	v2 =	vld [tilespmem:s19+$0xFFFFFFD0]  }
0x37: {  	s29 =	sadd.s32 $0x80, s19;
	[tilespmem:s27+$0x70] =	vst v3;
	v3 =	vld [tilespmem:s19+$0x10]  }
0x38: {  	v6 =	vld [tilespmem:s19+$0xFFFFFFE0];
	s30 =	sadd.s32 $0x1000, s28;
	[tilespmem:s27+$0x0] =	vst v8;
	s31 =	smov.u32 s27;
	s0 =	simm.s32 $0x80  }
.LBB1_4:
0x39: {  	s1 =	sand.u32 $0x100, s0  }
0x3a: {  	v7 =	vld [tilespmem:s29+$0x200];
	[tilespmem:s27+$0x400] =	vst v5;
	s31 =	sadd.s32 $0x1000, s31;
	s9 =	smov.u32 s0;
	s10 =	sadd.s32 $0x80, s0  }
0x3b: {  	p2 =	sne.s32 s0, $0x180;
	v5 =	vld [tilespmem:s29+$0x0];
	s9 =	sand.u32 $0x80, s9;
	s1 =	sadd.s32 s1, s20;
	[tilespmem:s27+$0x10] =	vst v2  }
0x3c: {  	v2 =	vld [tilespmem:s29+$0x30];
	s0 =	sadd.s32 s9, s1;
	[tilespmem:s27+$0x50] =	vst v3  }
0x3d: {  	v3 =	vld [tilespmem:s29+$0x1D0];
	[tilespmem:s27+$0x30] =	vst v4  }
0x3e: {  	v4 =	vld [tilespmem:s29+$0x20];
	[tilespmem:s27+$0x20] =	vst v6;
	s27 =	smov.u32 s31  }
0x3f: {  	v8 =	vld [tilespmem:s29+$0x1E0];
	[tilespmem:s28+$0xFFFFFFC0] =	vst v1;
	s28 =	smov.u32 s30  }
0x40: {  	[tilespmem:s31+$0x40] =	vst v5;
	v1 =	vld [tilespmem:s29+$0x220]  }
0x41: {  	v6 =	vld [tilespmem:s29+$0xFFFFFFC0];
	[tilespmem:s31+$0x70] =	vst v2  }
0x42: {  	[tilespmem:s30+$0xFFFFFFD0] =	vst v7;
	v7 =	vld [tilespmem:s29+$0x230]  }
0x43: {  	[tilespmem:s30+$0xFFFFFFA0] =	vst v3;
	v9 =	vld [tilespmem:s29+$0x210]  }
0x44: {  	[tilespmem:s31+$0x60] =	vst v4;
	v5 =	vld.idx.msk [tilespmem:v0+s0+$0x200 ss:$0x1], $0xffff  }
.Ltmp3:
0x45: {  	v2 =	vld [tilespmem:s29+$0xFFFFFFD0];
	[tilespmem:s30+$0xFFFFFFF0] =	vst v1;
	(pc) =	sbr.rel @p2 .LBB1_4-.Ltmp3, $4  }
0x46: {  	[tilespmem:s31+$0x0] =	vst v6;
	v1 =	vld [tilespmem:s29+$0x1F0]  }
0x47: {  	v3 =	vld [tilespmem:s29+$0x10];
	[tilespmem:s30+$0x0] =	vst v7  }
0x48: {  	v4 =	vld [tilespmem:s29+$0xFFFFFFF0];
	[tilespmem:s30+$0xFFFFFFE0] =	vst v9  }
0x49: {  	s0 =	smov.u32 s10;
	s30 =	sadd.s32 $0x1000, s30;
	v6 =	vld [tilespmem:s29+$0xFFFFFFE0];
	[tilespmem:s28+$0xFFFFFFB0] =	vst v8;
	s29 =	sadd.s32 $0x80, s29  }
0x4a: {  	s26 =	sadd.s32 $0x1, s26  }
0x4b: {  	[tilespmem:s27+$0x400] =	vst v5;
	p2 =	sne.s32 s26, $0x10  }
.Ltmp4:
0x4c: {  	[tilespmem:s27+$0x10] =	vst v2;
	(pc) =	sbr.rel @p2 .LBB1_3-.Ltmp4, $4  }
0x4d: {  	[tilespmem:s28+$0xFFFFFFC0] =	vst v1  }
0x4e: {  	[tilespmem:s27+$0x50] =	vst v3  }
0x4f: {  	s19 =	sadd.s32 $0x400, s19;
	[tilespmem:s27+$0x30] =	vst v4  }
0x50: {  	s25 =	sadd.s32 $0x100, s25;
	s24 =	sadd.s32 $0x1, s24;
	p1 =	por !p1, !p1;
	[tilespmem:s27+$0x20] =	vst v6  }
0x51: {  	s0 =	sshll.u32 s15, $0x8;
	s1 =	sshll.u32 s15, $0x7  }
0x52: {  	s0 =	sand.u32 $0xFFFFF800, s0;
	s1 =	sand.u32 $0x300, s1  }
0x53: {  	s0 =	sor.u32 s1, s0  }
0x54: {  	s9 =	smul.u32 $0x48000, s17;
	s0 =	sshrl.u32 s0, $0x8  }
0x55: {  	s27 =	smulhi.u32 $0x2AAAAAB, s0  }
0x56: {  	s10 =	smul.u32 $0xC00, s16  }
0x57: {  	s1 =	smul.u32 $0x60, s27  }
.Ltmp5:
0x58: {  	s28 =	sshll.u32 s15, $0x4;
	s9 =	sadd.s32 s6, s9;
	(pc) =	sbr.rel .LBB1_7-.Ltmp5, $4  }
0x59: {  	s29 =	sand.u32 $0x10, s28;
	s9 =	sadd.s32 s10, s9;
	s0 =	ssub.s32 s0, s1  }
0x5a: {  	s1 =	sadd.s32 s29, s9;
	s0 =	sshll.u32 s0, $0x5  }
0x5b: {  	s30 =	simm.s32 $0x1000;
	s31 =	simm.s32 $0x480000;
	s0 =	sadd.s32 s0, s1  }
0x5c: {  	[hbm4b:s0+s30] =	stream.strided.scatter [tilespmem:s18], [sflag:$0x2], $0x4000, s31, s30, $0x38;
	[tilespmem:$0x10000] =	vst v63  }
.LBB1_8:
0x5d: {  	_ =	sfence.sel $0x180000  }
0x5e: {  	s0 =	simm.s32 $0x1;
	[bflag:$0x0] =	sbarrier.arrive $0xFFFF  }
0x5f: {  	s30 =	simm.s32 $0x2;
	[sflag:s0] =	ssyncpa.u1 $0x1  }
0x60: {  	[sflag:s30] =	ssyncpa.u1 $0x1  }
0x61: {  	_ =	strace $0x9000004A  }
0x62: {  	s31 =	stileid.u32;
	[bflag:$0x2] =	sbarrier.arrive $0xFFFF  }
0x63: {  	p0 =	sne.s32 s31, $0x0;
	s0 =	rddreg [dreg:$0x2]  }
0x64: {  	s0 =	sadd.s32 @!p0 $0x100000, s0  }
0x65: {  	[sflag:s0] =	ssyncadd.tile.s32 @!p0 $0x1;
	_ =	shalt  }
.Lfunc_end1:
_tile_overlayer_lowered:
.L_overlay_start_2:
0x66: {  	(tag) =	ssettag $0x2  }
0x67: {  	s0 =	rddreg [dreg:$0x0];
	s2 =	stileid.u32  }
0x68: {  	s1 =	rddreg [dreg:$0x1];
	p0 =	sne.s32 s2, $0x0  }
0x69: {  	s3 =	rddreg [dreg:$0x2];
	[bflag:$0x3] =	sbarrier.arrive $0xFFFF;
	s2 =	simm.s32 @!p0 $0x1C01  }
0x6a: {  	[timem:s3], [sflag:s2] =	dma.local @!p0 [hbm:s0], s1  }
0x6b: {  	s0 =	simm.s32 @!p0 $0x1  }
0x6c: {  	_ =	swait.ge @!p0 [sflag:s0], s1  }
0x6d: {  	s1 =	ssub.s32 @!p0 $0x0, s1;
	[sflag:s0] =	ssyncset.done @!p0 $0x0  }
0x6e: {  	[sflag:s0] =	ssyncadd.s32 @!p0 s1  }
0x6f: {  	[bflag:$0x3] =	sbarrier.arrive $0xFFFF  }
0x70: {  	_ =	shalt  }

</sc_bundles>
